<compile_context>
chip_gen: v7x
topology: tpu7x:2x2x1
jax: 0.10.2.dev20260603
libtpu: 0.0.44.dev20260713+nightly
codegen_flags: <defaults>
</compile_context>

<pallas_src>
import functools

import jax
import jax.numpy as jnp
from jax import lax
from jax.experimental import pallas as pl
from jax.experimental.pallas import tpu as pltpu
from jax.experimental.pallas import tpu_sc as plsc

N = 10000
E = 320000
D = 128
NC = 40

NCORES = 2
NSUB = 16
W = NCORES * NSUB
PER = E // W
C = 128
K = 80
KX = 82
PAD = KX * C - PER

NP = 10112
RPT = NP // NSUB

_mesh = plsc.VectorSubcoreMesh(
    core_axis_name="c", subcore_axis_name="s", num_cores=NCORES,
    num_subcores=NSUB)



_AGG_OUT = jax.ShapeDtypeStruct((NCORES, NP, D), jnp.float32)
_AGG_SCRATCH = [
    pltpu.VMEM((2, 2, C), jnp.int32),
    pltpu.VMEM((2, C, D), jnp.float32),
    pltpu.VMEM_SHARED((NP, D), jnp.float32),
    [pltpu.SemaphoreType.DMA] * 2,
    [pltpu.SemaphoreType.DMA] * 2,
]


def _sc_agg_body(h_hbm, sdw_hbm, zeros_hbm, out_hbm,
                 idx_v, rows_v, acc_sh, semi, semg):
    c = lax.axis_index("c")
    s = lax.axis_index("s")
    w = c * NSUB + s

    def start_idx(j, b):
        pltpu.async_copy(sdw_hbm.at[w, j], idx_v.at[b], semi[b])

    def wait_idx(j, b):
        pltpu.make_async_copy(sdw_hbm.at[w, j], idx_v.at[b], semi[b]).wait()

    def start_gather(b):
        pltpu.async_copy(h_hbm.at[idx_v.at[b, 0]], rows_v.at[b], semg[b])

    def wait_gather(b):
        pltpu.make_async_copy(h_hbm.at[idx_v.at[b, 0]], rows_v.at[b],
                              semg[b]).wait()

    start_idx(0, 0)
    start_idx(1, 1)
    pltpu.sync_copy(zeros_hbm, acc_sh.at[pl.ds(s * RPT, RPT)])
    plsc.subcore_barrier()
    wait_idx(0, 0)
    start_gather(0)

    def slot(j, b, bn):
        wait_gather(b)
        wait_idx(j + 1, bn)
        start_gather(bn)
        pltpu.sync_copy(rows_v.at[b], acc_sh.at[idx_v.at[b, 1]], add=True)
        start_idx(j + 2, b)

    def body(i, carry):
        j0 = 2 * i
        slot(j0, 0, 1)
        slot(j0 + 1, 1, 0)
        return carry

    lax.fori_loop(0, K // 2, body, 0)
    wait_gather(0)
    wait_idx(K + 1, 1)
    plsc.subcore_barrier()
    pltpu.sync_copy(acc_sh.at[pl.ds(s * RPT, RPT)],
                    out_hbm.at[c, pl.ds(s * RPT, RPT)])


_sc_agg = pl.kernel(_sc_agg_body, out_type=_AGG_OUT, mesh=_mesh,
                    scratch_types=_AGG_SCRATCH)

_CNT_SCRATCH = [
    pltpu.VMEM((2, C), jnp.int32),
    pltpu.VMEM((C, D), jnp.float32),
    pltpu.VMEM_SHARED((NP, D), jnp.float32),
    [pltpu.SemaphoreType.DMA] * 2,
]


def _sc_count_body(dstw_hbm, ones_hbm, zeros_hbm, out_hbm,
                   dst_v, ones_v, cnt_sh, semi):
    c = lax.axis_index("c")
    s = lax.axis_index("s")
    w = c * NSUB + s

    def start_idx(j, b):
        pltpu.async_copy(dstw_hbm.at[w, j], dst_v.at[b], semi[b])

    def wait_idx(j, b):
        pltpu.make_async_copy(dstw_hbm.at[w, j], dst_v.at[b], semi[b]).wait()

    start_idx(0, 0)
    start_idx(1, 1)
    pltpu.sync_copy(ones_hbm, ones_v)
    pltpu.sync_copy(zeros_hbm, cnt_sh.at[pl.ds(s * RPT, RPT)])
    plsc.subcore_barrier()

    def slot(j, b):
        wait_idx(j, b)
        pltpu.sync_copy(ones_v, cnt_sh.at[dst_v.at[b]], add=True)
        start_idx(j + 2, b)

    def body(i, carry):
        j0 = 2 * i
        slot(j0, 0)
        slot(j0 + 1, 1)
        return carry

    lax.fori_loop(0, K // 2, body, 0)
    wait_idx(K, 0)
    wait_idx(K + 1, 1)
    plsc.subcore_barrier()
    pltpu.sync_copy(cnt_sh.at[pl.ds(s * RPT, RPT)],
                    out_hbm.at[c, pl.ds(s * RPT, RPT)])


_sc_count = pl.kernel(_sc_count_body, out_type=_AGG_OUT, mesh=_mesh,
                      scratch_types=_CNT_SCRATCH)


def _mean_from_parts(parts_ref, cntp_ref):
    sums = parts_ref[0, :N, :] + parts_ref[1, :N, :]
    cnt = cntp_ref[0, :N, 0:1] + cntp_ref[1, :N, 0:1]
    inv = 1.0 / jnp.maximum(cnt, 1.0)
    return sums * inv


def _tc_layer_body(parts_ref, cntp_ref, h_ref, wl_ref, wr_ref, b_ref,
                   g_ref, be_ref, out_ref):
    mean = _mean_from_parts(parts_ref, cntp_ref)
    z = (jnp.dot(mean, wl_ref[...], preferred_element_type=jnp.float32)
         + jnp.dot(h_ref[...], wr_ref[...], preferred_element_type=jnp.float32)
         + b_ref[0])
    a = jnp.maximum(z, 0.0)
    mu = jnp.mean(a, axis=0, keepdims=True)
    var = jnp.mean((a - mu) ** 2, axis=0, keepdims=True)
    out_ref[...] = (a - mu) / jnp.sqrt(var + 1e-5) * g_ref[0] + be_ref[0]


def _tc_final_body(parts_ref, cntp_ref, h_ref, wl_ref, wr_ref, b_ref, out_ref):
    mean = _mean_from_parts(parts_ref, cntp_ref)
    z = (jnp.dot(mean, wl_ref[...], preferred_element_type=jnp.float32)
         + jnp.dot(h_ref[...], wr_ref[...], preferred_element_type=jnp.float32)
         + b_ref[0])
    m = jnp.max(z, axis=1, keepdims=True)
    lse = jnp.log(jnp.sum(jnp.exp(z - m), axis=1, keepdims=True))
    out_ref[...] = z - m - lse


_tc_layer = pl.pallas_call(
    _tc_layer_body,
    out_shape=jax.ShapeDtypeStruct((N, D), jnp.float32),
)

_tc_final = pl.pallas_call(
    _tc_final_body,
    out_shape=jax.ShapeDtypeStruct((N, NC), jnp.float32),
)



def kernel(x, edge_index, params):
    src = edge_index[0]
    dst = edge_index[1]
    srcw = jnp.pad(src.reshape(W, PER), ((0, 0), (0, PAD))).reshape(W, KX, C)
    dstw = jnp.pad(dst.reshape(W, PER), ((0, 0), (0, PAD)),
                   constant_values=N).reshape(W, KX, C)
    sdw = jnp.stack([srcw, dstw], axis=2)
    zeros_d = jnp.zeros((RPT, D), jnp.float32)

    cntp = _sc_count(dstw, jnp.ones((C, D), jnp.float32), zeros_d)

    def sage_parts(h):
        return _sc_agg(h, sdw, zeros_d)

    def r2(v):
        return v.reshape(1, -1)

    p = params["proj"]
    h = _tc_layer(sage_parts(x), cntp, x, p["Wl"], p["Wr"], r2(p["b"]),
                  r2(params["norm0"]["g"]), r2(params["norm0"]["b"]))
    for p in params["layers"]:
        h = _tc_layer(sage_parts(h), cntp, h, p["Wl"], p["Wr"], r2(p["b"]),
                      r2(p["g"]), r2(p["be"]))
    p = params["final"]
    return _tc_final(sage_parts(h), cntp, h, p["Wl"], p["Wr"], r2(p["b"]))

# --- scband reference (transcript-rebuilt; emitter-appended) ---
"""Pipeline reference for scband-gsage-6073083756546 (READ-ONLY COPY).

The authoritative reference and input builder live on the scoring server;
editing this copy changes nothing except your own understanding.
"""

import jax, jax.numpy as jnp
import numpy as np

N = 10000
E = 320000
DIN = 128
DH = 128
NC = 40
L = 3


def _lin(key, fi, fo):
    return (jax.random.normal(key, (fi, fo), dtype=jnp.float32) / np.sqrt(fi)).astype(jnp.float32)


def setup_inputs(seed: int = 0) -> dict:
    key = jax.random.key(seed)
    ks = jax.random.split(key, 64)
    x = jax.random.normal(ks[0], (N, DIN), dtype=jnp.float32)
    edge_index = jax.random.randint(ks[1], (2, E), 0, N, dtype=jnp.int32)
    params = {}
    params['proj'] = {'Wl': _lin(ks[2], DIN, DH), 'Wr': _lin(ks[3], DIN, DH), 'b': jnp.zeros((DH,), jnp.float32)}
    params['norm0'] = {'g': jnp.ones((DH,), jnp.float32), 'b': jnp.zeros((DH,), jnp.float32)}
    layers = []
    for i in range(L):
        layers.append({
            'Wl': _lin(ks[4 + 2 * i], DH, DH),
            'Wr': _lin(ks[5 + 2 * i], DH, DH),
            'b': jnp.zeros((DH,), jnp.float32),
            'g': jnp.ones((DH,), jnp.float32),
            'be': jnp.zeros((DH,), jnp.float32),
        })
    params['layers'] = layers
    params['final'] = {'Wl': _lin(ks[20], DH, NC), 'Wr': _lin(ks[21], DH, NC), 'b': jnp.zeros((NC,), jnp.float32)}
    return {'x': x, 'edge_index': edge_index, 'params': params}


def reference(x, edge_index, params):
    src = edge_index[0]
    dst = edge_index[1]

    def sage(h, p):
        # SAGEConv with mean aggregation: out = lin_l(mean_{j in N(i)} x_j) + lin_r(x_i) + b
        msgs = h[src]
        sums = jax.ops.segment_sum(msgs, dst, num_segments=N)
        cnt = jax.ops.segment_sum(jnp.ones((E, 1), h.dtype), dst, num_segments=N)
        mean = sums / jnp.clip(cnt, 1.0, None)
        return mean @ p['Wl'] + h @ p['Wr'] + p['b']

    def bn(h, g, b):
        mu = jnp.mean(h, axis=0)
        var = jnp.var(h, axis=0)
        return (h - mu) / jnp.sqrt(var + 1e-5) * g + b

    h = jax.nn.relu(sage(x, params['proj']))
    h = bn(h, params['norm0']['g'], params['norm0']['b'])
    for p in params['layers']:
        h = sage(h, p)
        h = jax.nn.relu(h)
        h = bn(h, p['g'], p['be'])
    h = sage(h, params['final'])
    return jax.nn.log_softmax(h, axis=1)

if __name__ == "__main__":
    import jax
    _d = setup_inputs()
    print(jax.jit(kernel)(*tuple(_d.values())))

</pallas_src>

<mosaic_0001>
#map = affine_map<(d0, d1) -> (0, 0)>
#map1 = affine_map<(d0, d1) -> (0, 0, 0, 0)>
#map2 = affine_map<(d0, d1) -> (0, 0, 0)>
module attributes {stable_mosaic.version = 14 : i64} {
  func.func @_sc_agg_body(%arg0: i32, %arg1: i32, %arg2: memref<10000x128xf32, #tpu.memory_space<hbm>>, %arg3: memref<32x82x2x128xi32, #tpu.memory_space<hbm>>, %arg4: memref<632x128xf32, #tpu.memory_space<hbm>>, %arg5: memref<2x10112x128xf32, #tpu.memory_space<hbm>>, %arg6: memref<2x2x128xi32, #tpu.memory_space<vmem>>, %arg7: memref<2x128x128xf32, #tpu.memory_space<vmem>>, %arg8: memref<10112x128xf32, #tpu.memory_space<vmem_shared>>, %arg9: memref<!tpu.dma_semaphore, #tpu.memory_space<semaphore_mem>>, %arg10: memref<!tpu.dma_semaphore, #tpu.memory_space<semaphore_mem>>, %arg11: memref<!tpu.dma_semaphore, #tpu.memory_space<semaphore_mem>>, %arg12: memref<!tpu.dma_semaphore, #tpu.memory_space<semaphore_mem>>) attributes {dimension_semantics = [#tpu.dimension_semantics<core_parallel>, #tpu.dimension_semantics<subcore_parallel>], iteration_bounds = array<i64: 2, 16>, scalar_prefetch = 0 : i64, scratch_operands = 7 : i64, tpu.core_type = #tpu.core_type<sc_vector_subcore>, window_params = [{transform_indices = #map}, {transform_indices = #map1}, {transform_indices = #map}, {transform_indices = #map2}]} {
    %mul3A = arith.constant 16 : i32
    %mul3A_0 = arith.muli %arg0, %mul3A : i32
    %add3A = arith.addi %mul3A_0, %arg1 : i32
    %dma_start3A = arith.constant 0 : i32
    %dma_start3A_1 = arith.constant 0 : i32
    %dma_start3A_2 = arith.constant 0 : i32
    %dma_start3A_3 = arith.constant 0 : i32
    %dma_start3A_4 = tpu.memref_slice %arg6[%dma_start3A_1, %dma_start3A_2, %dma_start3A_3] : memref<2x2x128xi32, #tpu.memory_space<vmem>> -> memref<1x2x128xi32, #tpu.memory_space<vmem>>
    %dma_start3A_5 = tpu.memref_squeeze %dma_start3A_4 : memref<1x2x128xi32, #tpu.memory_space<vmem>> -> memref<2x128xi32, #tpu.memory_space<vmem>>
    %dma_start3A_6 = arith.constant 0 : i32
    %dma_start3A_7 = arith.constant 0 : i32
    %dma_start3A_8 = tpu.memref_slice %arg3[%add3A, %dma_start3A, %dma_start3A_6, %dma_start3A_7] : memref<32x82x2x128xi32, #tpu.memory_space<hbm>> -> memref<1x1x2x128xi32, #tpu.memory_space<hbm>>
    %dma_start3A_9 = tpu.memref_squeeze %dma_start3A_8 : memref<1x1x2x128xi32, #tpu.memory_space<hbm>> -> memref<2x128xi32, #tpu.memory_space<hbm>>
    %dma_start3A_10 = arith.constant 0 : i32
    %dma_start3A_11 = arith.constant 0 : i32
    %dma_start3A_12 = tpu.memref_slice %arg6[%dma_start3A_1, %dma_start3A_10, %dma_start3A_11] : memref<2x2x128xi32, #tpu.memory_space<vmem>> -> memref<1x2x128xi32, #tpu.memory_space<vmem>>
    %dma_start3A_13 = tpu.memref_squeeze %dma_start3A_12 : memref<1x2x128xi32, #tpu.memory_space<vmem>> -> memref<2x128xi32, #tpu.memory_space<vmem>>
    %dma_start3A_14 = arith.constant 0 : i32
    %dma_start3A_15 = arith.constant 0 : i32
    %dma_start3A_16 = tpu.memref_slice %arg3[%add3A, %dma_start3A, %dma_start3A_14, %dma_start3A_15] : memref<32x82x2x128xi32, #tpu.memory_space<hbm>> -> memref<1x1x2x128xi32, #tpu.memory_space<hbm>>
    %dma_start3A_17 = tpu.memref_squeeze %dma_start3A_16 : memref<1x1x2x128xi32, #tpu.memory_space<hbm>> -> memref<2x128xi32, #tpu.memory_space<hbm>>
    tpu.enqueue_dma source(%dma_start3A_17 : memref<2x128xi32, #tpu.memory_space<hbm>>) target(%dma_start3A_13 : memref<2x128xi32, #tpu.memory_space<vmem>>) target_semaphore(%arg9 : memref<!tpu.dma_semaphore, #tpu.memory_space<semaphore_mem>>)
    %dma_start3A_18 = arith.constant 1 : i32
    %dma_start3A_19 = arith.constant 1 : i32
    %dma_start3A_20 = arith.constant 0 : i32
    %dma_start3A_21 = arith.constant 0 : i32
    %dma_start3A_22 = tpu.memref_slice %arg6[%dma_start3A_19, %dma_start3A_20, %dma_start3A_21] : memref<2x2x128xi32, #tpu.memory_space<vmem>> -> memref<1x2x128xi32, #tpu.memory_space<vmem>>
    %dma_start3A_23 = tpu.memref_squeeze %dma_start3A_22 : memref<1x2x128xi32, #tpu.memory_space<vmem>> -> memref<2x128xi32, #tpu.memory_space<vmem>>
    %dma_start3A_24 = arith.constant 0 : i32
    %dma_start3A_25 = arith.constant 0 : i32
    %dma_start3A_26 = tpu.memref_slice %arg3[%add3A, %dma_start3A_18, %dma_start3A_24, %dma_start3A_25] : memref<32x82x2x128xi32, #tpu.memory_space<hbm>> -> memref<1x1x2x128xi32, #tpu.memory_space<hbm>>
    %dma_start3A_27 = tpu.memref_squeeze %dma_start3A_26 : memref<1x1x2x128xi32, #tpu.memory_space<hbm>> -> memref<2x128xi32, #tpu.memory_space<hbm>>
    %dma_start3A_28 = arith.constant 0 : i32
    %dma_start3A_29 = arith.constant 0 : i32
    %dma_start3A_30 = tpu.memref_slice %arg6[%dma_start3A_19, %dma_start3A_28, %dma_start3A_29] : memref<2x2x128xi32, #tpu.memory_space<vmem>> -> memref<1x2x128xi32, #tpu.memory_space<vmem>>
    %dma_start3A_31 = tpu.memref_squeeze %dma_start3A_30 : memref<1x2x128xi32, #tpu.memory_space<vmem>> -> memref<2x128xi32, #tpu.memory_space<vmem>>
    %dma_start3A_32 = arith.constant 0 : i32
    %dma_start3A_33 = arith.constant 0 : i32
    %dma_start3A_34 = tpu.memref_slice %arg3[%add3A, %dma_start3A_18, %dma_start3A_32, %dma_start3A_33] : memref<32x82x2x128xi32, #tpu.memory_space<hbm>> -> memref<1x1x2x128xi32, #tpu.memory_space<hbm>>
    %dma_start3A_35 = tpu.memref_squeeze %dma_start3A_34 : memref<1x1x2x128xi32, #tpu.memory_space<hbm>> -> memref<2x128xi32, #tpu.memory_space<hbm>>
    tpu.enqueue_dma source(%dma_start3A_35 : memref<2x128xi32, #tpu.memory_space<hbm>>) target(%dma_start3A_31 : memref<2x128xi32, #tpu.memory_space<vmem>>) target_semaphore(%arg10 : memref<!tpu.dma_semaphore, #tpu.memory_space<semaphore_mem>>)
    %mul3A_36 = arith.constant 632 : i32
    %mul3A_37 = arith.muli %arg1, %mul3A_36 : i32
    "tpu.region"() ({
      %run_scoped3A = tpu.sem_alloc : memref<!tpu.dma_semaphore, #tpu.memory_space<semaphore_mem>>
      %dma_start3A_109 = arith.constant 0 : i32
      %dma_start3A_110 = tpu.memref_slice %arg8[%mul3A_37, %dma_start3A_109] : memref<10112x128xf32, #tpu.memory_space<vmem_shared>> -> memref<632x128xf32, #tpu.memory_space<vmem_shared>>
      tpu.enqueue_dma source(%arg4 : memref<632x128xf32, #tpu.memory_space<hbm>>) target(%dma_start3A_110 : memref<632x128xf32, #tpu.memory_space<vmem_shared>>) target_semaphore(%run_scoped3A : memref<!tpu.dma_semaphore, #tpu.memory_space<semaphore_mem>>)
      %dma_wait3A_111 = arith.constant 0 : i32
      %dma_wait3A_112 = tpu.memref_slice %arg8[%mul3A_37, %dma_wait3A_111] : memref<10112x128xf32, #tpu.memory_space<vmem_shared>> -> memref<632x128xf32, #tpu.memory_space<vmem_shared>>
      tpu.wait_dma2 semaphore(%run_scoped3A : memref<!tpu.dma_semaphore, #tpu.memory_space<semaphore_mem>>) src(%arg4 : memref<632x128xf32, #tpu.memory_space<hbm>>) dst(%dma_wait3A_112 : memref<632x128xf32, #tpu.memory_space<vmem_shared>>)
      tpu.yield
    }) : () -> ()
    %barrier3A = arith.constant 0 : index
    tpu.barrier barrier_id(%barrier3A)
    %dma_wait3A = arith.constant 0 : i32
    %dma_wait3A_38 = arith.constant 0 : i32
    %dma_wait3A_39 = arith.constant 0 : i32
    %dma_wait3A_40 = arith.constant 0 : i32
    %dma_wait3A_41 = tpu.memref_slice %arg6[%dma_wait3A_38, %dma_wait3A_39, %dma_wait3A_40] : memref<2x2x128xi32, #tpu.memory_space<vmem>> -> memref<1x2x128xi32, #tpu.memory_space<vmem>>
    %dma_wait3A_42 = tpu.memref_squeeze %dma_wait3A_41 : memref<1x2x128xi32, #tpu.memory_space<vmem>> -> memref<2x128xi32, #tpu.memory_space<vmem>>
    %dma_wait3A_43 = arith.constant 0 : i32
    %dma_wait3A_44 = arith.constant 0 : i32
    %dma_wait3A_45 = tpu.memref_slice %arg3[%add3A, %dma_wait3A, %dma_wait3A_43, %dma_wait3A_44] : memref<32x82x2x128xi32, #tpu.memory_space<hbm>> -> memref<1x1x2x128xi32, #tpu.memory_space<hbm>>
    %dma_wait3A_46 = tpu.memref_squeeze %dma_wait3A_45 : memref<1x1x2x128xi32, #tpu.memory_space<hbm>> -> memref<2x128xi32, #tpu.memory_space<hbm>>
    %dma_wait3A_47 = arith.constant 0 : i32
    %dma_wait3A_48 = arith.constant 0 : i32
    %dma_wait3A_49 = tpu.memref_slice %arg6[%dma_wait3A_38, %dma_wait3A_47, %dma_wait3A_48] : memref<2x2x128xi32, #tpu.memory_space<vmem>> -> memref<1x2x128xi32, #tpu.memory_space<vmem>>
    %dma_wait3A_50 = tpu.memref_squeeze %dma_wait3A_49 : memref<1x2x128xi32, #tpu.memory_space<vmem>> -> memref<2x128xi32, #tpu.memory_space<vmem>>
    %dma_wait3A_51 = arith.constant 0 : i32
    %dma_wait3A_52 = arith.constant 0 : i32
    %dma_wait3A_53 = tpu.memref_slice %arg3[%add3A, %dma_wait3A, %dma_wait3A_51, %dma_wait3A_52] : memref<32x82x2x128xi32, #tpu.memory_space<hbm>> -> memref<1x1x2x128xi32, #tpu.memory_space<hbm>>
    %dma_wait3A_54 = tpu.memref_squeeze %dma_wait3A_53 : memref<1x1x2x128xi32, #tpu.memory_space<hbm>> -> memref<2x128xi32, #tpu.memory_space<hbm>>
    tpu.wait_dma2 semaphore(%arg9 : memref<!tpu.dma_semaphore, #tpu.memory_space<semaphore_mem>>) src(%dma_wait3A_54 : memref<2x128xi32, #tpu.memory_space<hbm>>) dst(%dma_wait3A_50 : memref<2x128xi32, #tpu.memory_space<vmem>>)
    %dma_start3A_55 = arith.constant 0 : i32
    %dma_start3A_56 = arith.constant 0 : i32
    %dma_start3A_57 = arith.constant 0 : i32
    %dma_start3A_58 = arith.constant 0 : i32
    %dma_start3A_59 = arith.constant 0 : i32
    %dma_start3A_60 = tpu.memref_slice %arg7[%dma_start3A_57, %dma_start3A_58, %dma_start3A_59] : memref<2x128x128xf32, #tpu.memory_space<vmem>> -> memref<1x128x128xf32, #tpu.memory_space<vmem>>
    %dma_start3A_61 = tpu.memref_squeeze %dma_start3A_60 : memref<1x128x128xf32, #tpu.memory_space<vmem>> -> memref<128x128xf32, #tpu.memory_space<vmem>>
    %dma_start3A_62 = arith.constant 0 : i32
    %dma_start3A_63 = tpu.memref_slice %arg6[%dma_start3A_55, %dma_start3A_56, %dma_start3A_62] : memref<2x2x128xi32, #tpu.memory_space<vmem>> -> memref<1x1x128xi32, #tpu.memory_space<vmem>>
    %dma_start3A_64 = tpu.memref_squeeze %dma_start3A_63 : memref<1x1x128xi32, #tpu.memory_space<vmem>> -> memref<128xi32, #tpu.memory_space<vmem>>
    %dma_start3A_65 = arith.constant 0 : i32
    %dma_start3A_66 = arith.constant 0 : i32
    %dma_start3A_67 = tpu.memref_slice %arg2[%dma_start3A_65, %dma_start3A_66] : memref<10000x128xf32, #tpu.memory_space<hbm>> -> memref<10000x128xf32, #tpu.memory_space<hbm>>
    tpu.enqueue_indirect_dma source(%dma_start3A_67 : memref<10000x128xf32, #tpu.memory_space<hbm>>) target(%dma_start3A_61 : memref<128x128xf32, #tpu.memory_space<vmem>>) offsets(%dma_start3A_64 : memref<128xi32, #tpu.memory_space<vmem>>) semaphore(%arg11 : memref<!tpu.dma_semaphore, #tpu.memory_space<semaphore_mem>>)
    %scan3A = arith.constant 0 : i32
    %scan3A_68 = arith.constant 0 : i32
    %scan3A_69 = arith.constant 40 : i32
    %scan3A_70 = arith.addi %scan3A_68, %scan3A_69 : i32
    %scan3A_71 = arith.constant 1 : i32
    scf.for %scan3A_109 = %scan3A_68 to %scan3A_70 step %scan3A_71  : i32 {
      %mul3A_110 = arith.constant 2 : i32
      %mul3A_111 = arith.muli %mul3A_110, %scan3A_109 : i32
      %dma_wait3A_112 = arith.constant 0 : i32
      %dma_wait3A_113 = arith.constant 0 : i32
      %dma_wait3A_114 = arith.constant 0 : i32
      %dma_wait3A_115 = arith.constant 0 : i32
      %dma_wait3A_116 = arith.constant 0 : i32
      %dma_wait3A_117 = tpu.memref_slice %arg7[%dma_wait3A_114, %dma_wait3A_115, %dma_wait3A_116] : memref<2x128x128xf32, #tpu.memory_space<vmem>> -> memref<1x128x128xf32, #tpu.memory_space<vmem>>
      %dma_wait3A_118 = tpu.memref_squeeze %dma_wait3A_117 : memref<1x128x128xf32, #tpu.memory_space<vmem>> -> memref<128x128xf32, #tpu.memory_space<vmem>>
      %dma_wait3A_119 = arith.constant 0 : i32
      %dma_wait3A_120 = tpu.memref_slice %arg6[%dma_wait3A_112, %dma_wait3A_113, %dma_wait3A_119] : memref<2x2x128xi32, #tpu.memory_space<vmem>> -> memref<1x1x128xi32, #tpu.memory_space<vmem>>
      %dma_wait3A_121 = tpu.memref_squeeze %dma_wait3A_120 : memref<1x1x128xi32, #tpu.memory_space<vmem>> -> memref<128xi32, #tpu.memory_space<vmem>>
      %dma_wait3A_122 = arith.constant 0 : i32
      %dma_wait3A_123 = arith.constant 0 : i32
      %dma_wait3A_124 = tpu.memref_slice %arg2[%dma_wait3A_122, %dma_wait3A_123] : memref<10000x128xf32, #tpu.memory_space<hbm>> -> memref<10000x128xf32, #tpu.memory_space<hbm>>
      tpu.wait_indirect_dma semaphore(%arg11 : memref<!tpu.dma_semaphore, #tpu.memory_space<semaphore_mem>>) src(%dma_wait3A_124 : memref<10000x128xf32, #tpu.memory_space<hbm>>) dst(%dma_wait3A_118 : memref<128x128xf32, #tpu.memory_space<vmem>>)
      %add3A_125 = arith.constant 1 : i32
      %add3A_126 = arith.addi %mul3A_111, %add3A_125 : i32
      %dma_wait3A_127 = arith.constant 1 : i32
      %dma_wait3A_128 = arith.constant 0 : i32
      %dma_wait3A_129 = arith.constant 0 : i32
      %dma_wait3A_130 = tpu.memref_slice %arg6[%dma_wait3A_127, %dma_wait3A_128, %dma_wait3A_129] : memref<2x2x128xi32, #tpu.memory_space<vmem>> -> memref<1x2x128xi32, #tpu.memory_space<vmem>>
      %dma_wait3A_131 = tpu.memref_squeeze %dma_wait3A_130 : memref<1x2x128xi32, #tpu.memory_space<vmem>> -> memref<2x128xi32, #tpu.memory_space<vmem>>
      %dma_wait3A_132 = arith.constant 0 : i32
      %dma_wait3A_133 = arith.constant 0 : i32
      %dma_wait3A_134 = tpu.memref_slice %arg3[%add3A, %add3A_126, %dma_wait3A_132, %dma_wait3A_133] : memref<32x82x2x128xi32, #tpu.memory_space<hbm>> -> memref<1x1x2x128xi32, #tpu.memory_space<hbm>>
      %dma_wait3A_135 = tpu.memref_squeeze %dma_wait3A_134 : memref<1x1x2x128xi32, #tpu.memory_space<hbm>> -> memref<2x128xi32, #tpu.memory_space<hbm>>
      %dma_wait3A_136 = arith.constant 0 : i32
      %dma_wait3A_137 = arith.constant 0 : i32
      %dma_wait3A_138 = tpu.memref_slice %arg6[%dma_wait3A_127, %dma_wait3A_136, %dma_wait3A_137] : memref<2x2x128xi32, #tpu.memory_space<vmem>> -> memref<1x2x128xi32, #tpu.memory_space<vmem>>
      %dma_wait3A_139 = tpu.memref_squeeze %dma_wait3A_138 : memref<1x2x128xi32, #tpu.memory_space<vmem>> -> memref<2x128xi32, #tpu.memory_space<vmem>>
      %dma_wait3A_140 = arith.constant 0 : i32
      %dma_wait3A_141 = arith.constant 0 : i32
      %dma_wait3A_142 = tpu.memref_slice %arg3[%add3A, %add3A_126, %dma_wait3A_140, %dma_wait3A_141] : memref<32x82x2x128xi32, #tpu.memory_space<hbm>> -> memref<1x1x2x128xi32, #tpu.memory_space<hbm>>
      %dma_wait3A_143 = tpu.memref_squeeze %dma_wait3A_142 : memref<1x1x2x128xi32, #tpu.memory_space<hbm>> -> memref<2x128xi32, #tpu.memory_space<hbm>>
      tpu.wait_dma2 semaphore(%arg10 : memref<!tpu.dma_semaphore, #tpu.memory_space<semaphore_mem>>) src(%dma_wait3A_143 : memref<2x128xi32, #tpu.memory_space<hbm>>) dst(%dma_wait3A_139 : memref<2x128xi32, #tpu.memory_space<vmem>>)
      %dma_start3A_144 = arith.constant 1 : i32
      %dma_start3A_145 = arith.constant 0 : i32
      %dma_start3A_146 = arith.constant 1 : i32
      %dma_start3A_147 = arith.constant 0 : i32
      %dma_start3A_148 = arith.constant 0 : i32
      %dma_start3A_149 = tpu.memref_slice %arg7[%dma_start3A_146, %dma_start3A_147, %dma_start3A_148] : memref<2x128x128xf32, #tpu.memory_space<vmem>> -> memref<1x128x128xf32, #tpu.memory_space<vmem>>
      %dma_start3A_150 = tpu.memref_squeeze %dma_start3A_149 : memref<1x128x128xf32, #tpu.memory_space<vmem>> -> memref<128x128xf32, #tpu.memory_space<vmem>>
      %dma_start3A_151 = arith.constant 0 : i32
      %dma_start3A_152 = tpu.memref_slice %arg6[%dma_start3A_144, %dma_start3A_145, %dma_start3A_151] : memref<2x2x128xi32, #tpu.memory_space<vmem>> -> memref<1x1x128xi32, #tpu.memory_space<vmem>>
      %dma_start3A_153 = tpu.memref_squeeze %dma_start3A_152 : memref<1x1x128xi32, #tpu.memory_space<vmem>> -> memref<128xi32, #tpu.memory_space<vmem>>
      %dma_start3A_154 = arith.constant 0 : i32
      %dma_start3A_155 = arith.constant 0 : i32
      %dma_start3A_156 = tpu.memref_slice %arg2[%dma_start3A_154, %dma_start3A_155] : memref<10000x128xf32, #tpu.memory_space<hbm>> -> memref<10000x128xf32, #tpu.memory_space<hbm>>
      tpu.enqueue_indirect_dma source(%dma_start3A_156 : memref<10000x128xf32, #tpu.memory_space<hbm>>) target(%dma_start3A_150 : memref<128x128xf32, #tpu.memory_space<vmem>>) offsets(%dma_start3A_153 : memref<128xi32, #tpu.memory_space<vmem>>) semaphore(%arg12 : memref<!tpu.dma_semaphore, #tpu.memory_space<semaphore_mem>>)
      %run_scoped3A = arith.constant 0 : i32
      %run_scoped3A_157 = arith.constant 0 : i32
      %run_scoped3A_158 = arith.constant 1 : i32
      "tpu.region"() ({
        %run_scoped3A_247 = tpu.sem_alloc : memref<!tpu.dma_semaphore, #tpu.memory_space<semaphore_mem>>
        %dma_start3A_248 = arith.constant 0 : i32
        %dma_start3A_249 = arith.constant 0 : i32
        %dma_start3A_250 = tpu.memref_slice %arg7[%run_scoped3A, %dma_start3A_248, %dma_start3A_249] : memref<2x128x128xf32, #tpu.memory_space<vmem>> -> memref<1x128x128xf32, #tpu.memory_space<vmem>>
        %dma_start3A_251 = tpu.memref_squeeze %dma_start3A_250 : memref<1x128x128xf32, #tpu.memory_space<vmem>> -> memref<128x128xf32, #tpu.memory_space<vmem>>
        %dma_start3A_252 = arith.constant 0 : i32
        %dma_start3A_253 = tpu.memref_slice %arg6[%run_scoped3A_157, %run_scoped3A_158, %dma_start3A_252] : memref<2x2x128xi32, #tpu.memory_space<vmem>> -> memref<1x1x128xi32, #tpu.memory_space<vmem>>
        %dma_start3A_254 = tpu.memref_squeeze %dma_start3A_253 : memref<1x1x128xi32, #tpu.memory_space<vmem>> -> memref<128xi32, #tpu.memory_space<vmem>>
        %dma_start3A_255 = arith.constant 0 : i32
        %dma_start3A_256 = arith.constant 0 : i32
        %dma_start3A_257 = tpu.memref_slice %arg8[%dma_start3A_255, %dma_start3A_256] : memref<10112x128xf32, #tpu.memory_space<vmem_shared>> -> memref<10112x128xf32, #tpu.memory_space<vmem_shared>>
        tpu.enqueue_indirect_dma source(%dma_start3A_251 : memref<128x128xf32, #tpu.memory_space<vmem>>) target(%dma_start3A_257 : memref<10112x128xf32, #tpu.memory_space<vmem_shared>>) offsets(%dma_start3A_254 : memref<128xi32, #tpu.memory_space<vmem>>) semaphore(%run_scoped3A_247 : memref<!tpu.dma_semaphore, #tpu.memory_space<semaphore_mem>>) {add = true}
        %dma_wait3A_258 = arith.constant 0 : i32
        %dma_wait3A_259 = arith.constant 0 : i32
        %dma_wait3A_260 = tpu.memref_slice %arg7[%run_scoped3A, %dma_wait3A_258, %dma_wait3A_259] : memref<2x128x128xf32, #tpu.memory_space<vmem>> -> memref<1x128x128xf32, #tpu.memory_space<vmem>>
        %dma_wait3A_261 = tpu.memref_squeeze %dma_wait3A_260 : memref<1x128x128xf32, #tpu.memory_space<vmem>> -> memref<128x128xf32, #tpu.memory_space<vmem>>
        %dma_wait3A_262 = arith.constant 0 : i32
        %dma_wait3A_263 = tpu.memref_slice %arg6[%run_scoped3A_157, %run_scoped3A_158, %dma_wait3A_262] : memref<2x2x128xi32, #tpu.memory_space<vmem>> -> memref<1x1x128xi32, #tpu.memory_space<vmem>>
        %dma_wait3A_264 = tpu.memref_squeeze %dma_wait3A_263 : memref<1x1x128xi32, #tpu.memory_space<vmem>> -> memref<128xi32, #tpu.memory_space<vmem>>
        %dma_wait3A_265 = arith.constant 0 : i32
        %dma_wait3A_266 = arith.constant 0 : i32
        %dma_wait3A_267 = tpu.memref_slice %arg8[%dma_wait3A_265, %dma_wait3A_266] : memref<10112x128xf32, #tpu.memory_space<vmem_shared>> -> memref<10112x128xf32, #tpu.memory_space<vmem_shared>>
        tpu.wait_indirect_dma semaphore(%run_scoped3A_247 : memref<!tpu.dma_semaphore, #tpu.memory_space<semaphore_mem>>) src(%dma_wait3A_261 : memref<128x128xf32, #tpu.memory_space<vmem>>) dst(%dma_wait3A_267 : memref<10112x128xf32, #tpu.memory_space<vmem_shared>>)
        tpu.yield
      }) : () -> ()
      %add3A_159 = arith.constant 2 : i32
      %add3A_160 = arith.addi %mul3A_111, %add3A_159 : i32
      %dma_start3A_161 = arith.constant 0 : i32
      %dma_start3A_162 = arith.constant 0 : i32
      %dma_start3A_163 = arith.constant 0 : i32
      %dma_start3A_164 = tpu.memref_slice %arg6[%dma_start3A_161, %dma_start3A_162, %dma_start3A_163] : memref<2x2x128xi32, #tpu.memory_space<vmem>> -> memref<1x2x128xi32, #tpu.memory_space<vmem>>
      %dma_start3A_165 = tpu.memref_squeeze %dma_start3A_164 : memref<1x2x128xi32, #tpu.memory_space<vmem>> -> memref<2x128xi32, #tpu.memory_space<vmem>>
      %dma_start3A_166 = arith.constant 0 : i32
      %dma_start3A_167 = arith.constant 0 : i32
      %dma_start3A_168 = tpu.memref_slice %arg3[%add3A, %add3A_160, %dma_start3A_166, %dma_start3A_167] : memref<32x82x2x128xi32, #tpu.memory_space<hbm>> -> memref<1x1x2x128xi32, #tpu.memory_space<hbm>>
      %dma_start3A_169 = tpu.memref_squeeze %dma_start3A_168 : memref<1x1x2x128xi32, #tpu.memory_space<hbm>> -> memref<2x128xi32, #tpu.memory_space<hbm>>
      %dma_start3A_170 = arith.constant 0 : i32
      %dma_start3A_171 = arith.constant 0 : i32
      %dma_start3A_172 = tpu.memref_slice %arg6[%dma_start3A_161, %dma_start3A_170, %dma_start3A_171] : memref<2x2x128xi32, #tpu.memory_space<vmem>> -> memref<1x2x128xi32, #tpu.memory_space<vmem>>
      %dma_start3A_173 = tpu.memref_squeeze %dma_start3A_172 : memref<1x2x128xi32, #tpu.memory_space<vmem>> -> memref<2x128xi32, #tpu.memory_space<vmem>>
      %dma_start3A_174 = arith.constant 0 : i32
      %dma_start3A_175 = arith.constant 0 : i32
      %dma_start3A_176 = tpu.memref_slice %arg3[%add3A, %add3A_160, %dma_start3A_174, %dma_start3A_175] : memref<32x82x2x128xi32, #tpu.memory_space<hbm>> -> memref<1x1x2x128xi32, #tpu.memory_space<hbm>>
      %dma_start3A_177 = tpu.memref_squeeze %dma_start3A_176 : memref<1x1x2x128xi32, #tpu.memory_space<hbm>> -> memref<2x128xi32, #tpu.memory_space<hbm>>
      tpu.enqueue_dma source(%dma_start3A_177 : memref<2x128xi32, #tpu.memory_space<hbm>>) target(%dma_start3A_173 : memref<2x128xi32, #tpu.memory_space<vmem>>) target_semaphore(%arg9 : memref<!tpu.dma_semaphore, #tpu.memory_space<semaphore_mem>>)
      %add3A_178 = arith.constant 1 : i32
      %add3A_179 = arith.addi %mul3A_111, %add3A_178 : i32
      %dma_wait3A_180 = arith.constant 1 : i32
      %dma_wait3A_181 = arith.constant 0 : i32
      %dma_wait3A_182 = arith.constant 1 : i32
      %dma_wait3A_183 = arith.constant 0 : i32
      %dma_wait3A_184 = arith.constant 0 : i32
      %dma_wait3A_185 = tpu.memref_slice %arg7[%dma_wait3A_182, %dma_wait3A_183, %dma_wait3A_184] : memref<2x128x128xf32, #tpu.memory_space<vmem>> -> memref<1x128x128xf32, #tpu.memory_space<vmem>>
      %dma_wait3A_186 = tpu.memref_squeeze %dma_wait3A_185 : memref<1x128x128xf32, #tpu.memory_space<vmem>> -> memref<128x128xf32, #tpu.memory_space<vmem>>
      %dma_wait3A_187 = arith.constant 0 : i32
      %dma_wait3A_188 = tpu.memref_slice %arg6[%dma_wait3A_180, %dma_wait3A_181, %dma_wait3A_187] : memref<2x2x128xi32, #tpu.memory_space<vmem>> -> memref<1x1x128xi32, #tpu.memory_space<vmem>>
      %dma_wait3A_189 = tpu.memref_squeeze %dma_wait3A_188 : memref<1x1x128xi32, #tpu.memory_space<vmem>> -> memref<128xi32, #tpu.memory_space<vmem>>
      %dma_wait3A_190 = arith.constant 0 : i32
      %dma_wait3A_191 = arith.constant 0 : i32
      %dma_wait3A_192 = tpu.memref_slice %arg2[%dma_wait3A_190, %dma_wait3A_191] : memref<10000x128xf32, #tpu.memory_space<hbm>> -> memref<10000x128xf32, #tpu.memory_space<hbm>>
      tpu.wait_indirect_dma semaphore(%arg12 : memref<!tpu.dma_semaphore, #tpu.memory_space<semaphore_mem>>) src(%dma_wait3A_192 : memref<10000x128xf32, #tpu.memory_space<hbm>>) dst(%dma_wait3A_186 : memref<128x128xf32, #tpu.memory_space<vmem>>)
      %add3A_193 = arith.constant 1 : i32
      %add3A_194 = arith.addi %add3A_179, %add3A_193 : i32
      %dma_wait3A_195 = arith.constant 0 : i32
      %dma_wait3A_196 = arith.constant 0 : i32
      %dma_wait3A_197 = arith.constant 0 : i32
      %dma_wait3A_198 = tpu.memref_slice %arg6[%dma_wait3A_195, %dma_wait3A_196, %dma_wait3A_197] : memref<2x2x128xi32, #tpu.memory_space<vmem>> -> memref<1x2x128xi32, #tpu.memory_space<vmem>>
      %dma_wait3A_199 = tpu.memref_squeeze %dma_wait3A_198 : memref<1x2x128xi32, #tpu.memory_space<vmem>> -> memref<2x128xi32, #tpu.memory_space<vmem>>
      %dma_wait3A_200 = arith.constant 0 : i32
      %dma_wait3A_201 = arith.constant 0 : i32
      %dma_wait3A_202 = tpu.memref_slice %arg3[%add3A, %add3A_194, %dma_wait3A_200, %dma_wait3A_201] : memref<32x82x2x128xi32, #tpu.memory_space<hbm>> -> memref<1x1x2x128xi32, #tpu.memory_space<hbm>>
      %dma_wait3A_203 = tpu.memref_squeeze %dma_wait3A_202 : memref<1x1x2x128xi32, #tpu.memory_space<hbm>> -> memref<2x128xi32, #tpu.memory_space<hbm>>
      %dma_wait3A_204 = arith.constant 0 : i32
      %dma_wait3A_205 = arith.constant 0 : i32
      %dma_wait3A_206 = tpu.memref_slice %arg6[%dma_wait3A_195, %dma_wait3A_204, %dma_wait3A_205] : memref<2x2x128xi32, #tpu.memory_space<vmem>> -> memref<1x2x128xi32, #tpu.memory_space<vmem>>
      %dma_wait3A_207 = tpu.memref_squeeze %dma_wait3A_206 : memref<1x2x128xi32, #tpu.memory_space<vmem>> -> memref<2x128xi32, #tpu.memory_space<vmem>>
      %dma_wait3A_208 = arith.constant 0 : i32
      %dma_wait3A_209 = arith.constant 0 : i32
      %dma_wait3A_210 = tpu.memref_slice %arg3[%add3A, %add3A_194, %dma_wait3A_208, %dma_wait3A_209] : memref<32x82x2x128xi32, #tpu.memory_space<hbm>> -> memref<1x1x2x128xi32, #tpu.memory_space<hbm>>
      %dma_wait3A_211 = tpu.memref_squeeze %dma_wait3A_210 : memref<1x1x2x128xi32, #tpu.memory_space<hbm>> -> memref<2x128xi32, #tpu.memory_space<hbm>>
      tpu.wait_dma2 semaphore(%arg9 : memref<!tpu.dma_semaphore, #tpu.memory_space<semaphore_mem>>) src(%dma_wait3A_211 : memref<2x128xi32, #tpu.memory_space<hbm>>) dst(%dma_wait3A_207 : memref<2x128xi32, #tpu.memory_space<vmem>>)
      %dma_start3A_212 = arith.constant 0 : i32
      %dma_start3A_213 = arith.constant 0 : i32
      %dma_start3A_214 = arith.constant 0 : i32
      %dma_start3A_215 = arith.constant 0 : i32
      %dma_start3A_216 = arith.constant 0 : i32
      %dma_start3A_217 = tpu.memref_slice %arg7[%dma_start3A_214, %dma_start3A_215, %dma_start3A_216] : memref<2x128x128xf32, #tpu.memory_space<vmem>> -> memref<1x128x128xf32, #tpu.memory_space<vmem>>
      %dma_start3A_218 = tpu.memref_squeeze %dma_start3A_217 : memref<1x128x128xf32, #tpu.memory_space<vmem>> -> memref<128x128xf32, #tpu.memory_space<vmem>>
      %dma_start3A_219 = arith.constant 0 : i32
      %dma_start3A_220 = tpu.memref_slice %arg6[%dma_start3A_212, %dma_start3A_213, %dma_start3A_219] : memref<2x2x128xi32, #tpu.memory_space<vmem>> -> memref<1x1x128xi32, #tpu.memory_space<vmem>>
      %dma_start3A_221 = tpu.memref_squeeze %dma_start3A_220 : memref<1x1x128xi32, #tpu.memory_space<vmem>> -> memref<128xi32, #tpu.memory_space<vmem>>
      %dma_start3A_222 = arith.constant 0 : i32
      %dma_start3A_223 = arith.constant 0 : i32
      %dma_start3A_224 = tpu.memref_slice %arg2[%dma_start3A_222, %dma_start3A_223] : memref<10000x128xf32, #tpu.memory_space<hbm>> -> memref<10000x128xf32, #tpu.memory_space<hbm>>
      tpu.enqueue_indirect_dma source(%dma_start3A_224 : memref<10000x128xf32, #tpu.memory_space<hbm>>) target(%dma_start3A_218 : memref<128x128xf32, #tpu.memory_space<vmem>>) offsets(%dma_start3A_221 : memref<128xi32, #tpu.memory_space<vmem>>) semaphore(%arg11 : memref<!tpu.dma_semaphore, #tpu.memory_space<semaphore_mem>>)
      %run_scoped3A_225 = arith.constant 1 : i32
      %run_scoped3A_226 = arith.constant 1 : i32
      %run_scoped3A_227 = arith.constant 1 : i32
      "tpu.region"() ({
        %run_scoped3A_247 = tpu.sem_alloc : memref<!tpu.dma_semaphore, #tpu.memory_space<semaphore_mem>>
        %dma_start3A_248 = arith.constant 0 : i32
        %dma_start3A_249 = arith.constant 0 : i32
        %dma_start3A_250 = tpu.memref_slice %arg7[%run_scoped3A_225, %dma_start3A_248, %dma_start3A_249] : memref<2x128x128xf32, #tpu.memory_space<vmem>> -> memref<1x128x128xf32, #tpu.memory_space<vmem>>
        %dma_start3A_251 = tpu.memref_squeeze %dma_start3A_250 : memref<1x128x128xf32, #tpu.memory_space<vmem>> -> memref<128x128xf32, #tpu.memory_space<vmem>>
        %dma_start3A_252 = arith.constant 0 : i32
        %dma_start3A_253 = tpu.memref_slice %arg6[%run_scoped3A_226, %run_scoped3A_227, %dma_start3A_252] : memref<2x2x128xi32, #tpu.memory_space<vmem>> -> memref<1x1x128xi32, #tpu.memory_space<vmem>>
        %dma_start3A_254 = tpu.memref_squeeze %dma_start3A_253 : memref<1x1x128xi32, #tpu.memory_space<vmem>> -> memref<128xi32, #tpu.memory_space<vmem>>
        %dma_start3A_255 = arith.constant 0 : i32
        %dma_start3A_256 = arith.constant 0 : i32
        %dma_start3A_257 = tpu.memref_slice %arg8[%dma_start3A_255, %dma_start3A_256] : memref<10112x128xf32, #tpu.memory_space<vmem_shared>> -> memref<10112x128xf32, #tpu.memory_space<vmem_shared>>
        tpu.enqueue_indirect_dma source(%dma_start3A_251 : memref<128x128xf32, #tpu.memory_space<vmem>>) target(%dma_start3A_257 : memref<10112x128xf32, #tpu.memory_space<vmem_shared>>) offsets(%dma_start3A_254 : memref<128xi32, #tpu.memory_space<vmem>>) semaphore(%run_scoped3A_247 : memref<!tpu.dma_semaphore, #tpu.memory_space<semaphore_mem>>) {add = true}
        %dma_wait3A_258 = arith.constant 0 : i32
        %dma_wait3A_259 = arith.constant 0 : i32
        %dma_wait3A_260 = tpu.memref_slice %arg7[%run_scoped3A_225, %dma_wait3A_258, %dma_wait3A_259] : memref<2x128x128xf32, #tpu.memory_space<vmem>> -> memref<1x128x128xf32, #tpu.memory_space<vmem>>
        %dma_wait3A_261 = tpu.memref_squeeze %dma_wait3A_260 : memref<1x128x128xf32, #tpu.memory_space<vmem>> -> memref<128x128xf32, #tpu.memory_space<vmem>>
        %dma_wait3A_262 = arith.constant 0 : i32
        %dma_wait3A_263 = tpu.memref_slice %arg6[%run_scoped3A_226, %run_scoped3A_227, %dma_wait3A_262] : memref<2x2x128xi32, #tpu.memory_space<vmem>> -> memref<1x1x128xi32, #tpu.memory_space<vmem>>
        %dma_wait3A_264 = tpu.memref_squeeze %dma_wait3A_263 : memref<1x1x128xi32, #tpu.memory_space<vmem>> -> memref<128xi32, #tpu.memory_space<vmem>>
        %dma_wait3A_265 = arith.constant 0 : i32
        %dma_wait3A_266 = arith.constant 0 : i32
        %dma_wait3A_267 = tpu.memref_slice %arg8[%dma_wait3A_265, %dma_wait3A_266] : memref<10112x128xf32, #tpu.memory_space<vmem_shared>> -> memref<10112x128xf32, #tpu.memory_space<vmem_shared>>
        tpu.wait_indirect_dma semaphore(%run_scoped3A_247 : memref<!tpu.dma_semaphore, #tpu.memory_space<semaphore_mem>>) src(%dma_wait3A_261 : memref<128x128xf32, #tpu.memory_space<vmem>>) dst(%dma_wait3A_267 : memref<10112x128xf32, #tpu.memory_space<vmem_shared>>)
        tpu.yield
      }) : () -> ()
      %add3A_228 = arith.constant 2 : i32
      %add3A_229 = arith.addi %add3A_179, %add3A_228 : i32
      %dma_start3A_230 = arith.constant 1 : i32
      %dma_start3A_231 = arith.constant 0 : i32
      %dma_start3A_232 = arith.constant 0 : i32
      %dma_start3A_233 = tpu.memref_slice %arg6[%dma_start3A_230, %dma_start3A_231, %dma_start3A_232] : memref<2x2x128xi32, #tpu.memory_space<vmem>> -> memref<1x2x128xi32, #tpu.memory_space<vmem>>
      %dma_start3A_234 = tpu.memref_squeeze %dma_start3A_233 : memref<1x2x128xi32, #tpu.memory_space<vmem>> -> memref<2x128xi32, #tpu.memory_space<vmem>>
      %dma_start3A_235 = arith.constant 0 : i32
      %dma_start3A_236 = arith.constant 0 : i32
      %dma_start3A_237 = tpu.memref_slice %arg3[%add3A, %add3A_229, %dma_start3A_235, %dma_start3A_236] : memref<32x82x2x128xi32, #tpu.memory_space<hbm>> -> memref<1x1x2x128xi32, #tpu.memory_space<hbm>>
      %dma_start3A_238 = tpu.memref_squeeze %dma_start3A_237 : memref<1x1x2x128xi32, #tpu.memory_space<hbm>> -> memref<2x128xi32, #tpu.memory_space<hbm>>
      %dma_start3A_239 = arith.constant 0 : i32
      %dma_start3A_240 = arith.constant 0 : i32
      %dma_start3A_241 = tpu.memref_slice %arg6[%dma_start3A_230, %dma_start3A_239, %dma_start3A_240] : memref<2x2x128xi32, #tpu.memory_space<vmem>> -> memref<1x2x128xi32, #tpu.memory_space<vmem>>
      %dma_start3A_242 = tpu.memref_squeeze %dma_start3A_241 : memref<1x2x128xi32, #tpu.memory_space<vmem>> -> memref<2x128xi32, #tpu.memory_space<vmem>>
      %dma_start3A_243 = arith.constant 0 : i32
      %dma_start3A_244 = arith.constant 0 : i32
      %dma_start3A_245 = tpu.memref_slice %arg3[%add3A, %add3A_229, %dma_start3A_243, %dma_start3A_244] : memref<32x82x2x128xi32, #tpu.memory_space<hbm>> -> memref<1x1x2x128xi32, #tpu.memory_space<hbm>>
      %dma_start3A_246 = tpu.memref_squeeze %dma_start3A_245 : memref<1x1x2x128xi32, #tpu.memory_space<hbm>> -> memref<2x128xi32, #tpu.memory_space<hbm>>
      tpu.enqueue_dma source(%dma_start3A_246 : memref<2x128xi32, #tpu.memory_space<hbm>>) target(%dma_start3A_242 : memref<2x128xi32, #tpu.memory_space<vmem>>) target_semaphore(%arg10 : memref<!tpu.dma_semaphore, #tpu.memory_space<semaphore_mem>>)
    }
    %scan3A_72 = arith.constant 40 : i32
    %dma_wait3A_73 = arith.constant 0 : i32
    %dma_wait3A_74 = arith.constant 0 : i32
    %dma_wait3A_75 = arith.constant 0 : i32
    %dma_wait3A_76 = arith.constant 0 : i32
    %dma_wait3A_77 = arith.constant 0 : i32
    %dma_wait3A_78 = tpu.memref_slice %arg7[%dma_wait3A_75, %dma_wait3A_76, %dma_wait3A_77] : memref<2x128x128xf32, #tpu.memory_space<vmem>> -> memref<1x128x128xf32, #tpu.memory_space<vmem>>
    %dma_wait3A_79 = tpu.memref_squeeze %dma_wait3A_78 : memref<1x128x128xf32, #tpu.memory_space<vmem>> -> memref<128x128xf32, #tpu.memory_space<vmem>>
    %dma_wait3A_80 = arith.constant 0 : i32
    %dma_wait3A_81 = tpu.memref_slice %arg6[%dma_wait3A_73, %dma_wait3A_74, %dma_wait3A_80] : memref<2x2x128xi32, #tpu.memory_space<vmem>> -> memref<1x1x128xi32, #tpu.memory_space<vmem>>
    %dma_wait3A_82 = tpu.memref_squeeze %dma_wait3A_81 : memref<1x1x128xi32, #tpu.memory_space<vmem>> -> memref<128xi32, #tpu.memory_space<vmem>>
    %dma_wait3A_83 = arith.constant 0 : i32
    %dma_wait3A_84 = arith.constant 0 : i32
    %dma_wait3A_85 = tpu.memref_slice %arg2[%dma_wait3A_83, %dma_wait3A_84] : memref<10000x128xf32, #tpu.memory_space<hbm>> -> memref<10000x128xf32, #tpu.memory_space<hbm>>
    tpu.wait_indirect_dma semaphore(%arg11 : memref<!tpu.dma_semaphore, #tpu.memory_space<semaphore_mem>>) src(%dma_wait3A_85 : memref<10000x128xf32, #tpu.memory_space<hbm>>) dst(%dma_wait3A_79 : memref<128x128xf32, #tpu.memory_space<vmem>>)
    %dma_wait3A_86 = arith.constant 81 : i32
    %dma_wait3A_87 = arith.constant 1 : i32
    %dma_wait3A_88 = arith.constant 0 : i32
    %dma_wait3A_89 = arith.constant 0 : i32
    %dma_wait3A_90 = tpu.memref_slice %arg6[%dma_wait3A_87, %dma_wait3A_88, %dma_wait3A_89] : memref<2x2x128xi32, #tpu.memory_space<vmem>> -> memref<1x2x128xi32, #tpu.memory_space<vmem>>
    %dma_wait3A_91 = tpu.memref_squeeze %dma_wait3A_90 : memref<1x2x128xi32, #tpu.memory_space<vmem>> -> memref<2x128xi32, #tpu.memory_space<vmem>>
    %dma_wait3A_92 = arith.constant 0 : i32
    %dma_wait3A_93 = arith.constant 0 : i32
    %dma_wait3A_94 = tpu.memref_slice %arg3[%add3A, %dma_wait3A_86, %dma_wait3A_92, %dma_wait3A_93] : memref<32x82x2x128xi32, #tpu.memory_space<hbm>> -> memref<1x1x2x128xi32, #tpu.memory_space<hbm>>
    %dma_wait3A_95 = tpu.memref_squeeze %dma_wait3A_94 : memref<1x1x2x128xi32, #tpu.memory_space<hbm>> -> memref<2x128xi32, #tpu.memory_space<hbm>>
    %dma_wait3A_96 = arith.constant 0 : i32
    %dma_wait3A_97 = arith.constant 0 : i32
    %dma_wait3A_98 = tpu.memref_slice %arg6[%dma_wait3A_87, %dma_wait3A_96, %dma_wait3A_97] : memref<2x2x128xi32, #tpu.memory_space<vmem>> -> memref<1x2x128xi32, #tpu.memory_space<vmem>>
    %dma_wait3A_99 = tpu.memref_squeeze %dma_wait3A_98 : memref<1x2x128xi32, #tpu.memory_space<vmem>> -> memref<2x128xi32, #tpu.memory_space<vmem>>
    %dma_wait3A_100 = arith.constant 0 : i32
    %dma_wait3A_101 = arith.constant 0 : i32
    %dma_wait3A_102 = tpu.memref_slice %arg3[%add3A, %dma_wait3A_86, %dma_wait3A_100, %dma_wait3A_101] : memref<32x82x2x128xi32, #tpu.memory_space<hbm>> -> memref<1x1x2x128xi32, #tpu.memory_space<hbm>>
    %dma_wait3A_103 = tpu.memref_squeeze %dma_wait3A_102 : memref<1x1x2x128xi32, #tpu.memory_space<hbm>> -> memref<2x128xi32, #tpu.memory_space<hbm>>
    tpu.wait_dma2 semaphore(%arg10 : memref<!tpu.dma_semaphore, #tpu.memory_space<semaphore_mem>>) src(%dma_wait3A_103 : memref<2x128xi32, #tpu.memory_space<hbm>>) dst(%dma_wait3A_99 : memref<2x128xi32, #tpu.memory_space<vmem>>)
    %barrier3A_104 = arith.constant 0 : index
    tpu.barrier barrier_id(%barrier3A_104)
    %mul3A_105 = arith.constant 632 : i32
    %mul3A_106 = arith.muli %arg1, %mul3A_105 : i32
    %mul3A_107 = arith.constant 632 : i32
    %mul3A_108 = arith.muli %arg1, %mul3A_107 : i32
    "tpu.region"() ({
      %run_scoped3A = tpu.sem_alloc : memref<!tpu.dma_semaphore, #tpu.memory_space<semaphore_mem>>
      %dma_start3A_109 = arith.constant 0 : i32
      %dma_start3A_110 = tpu.memref_slice %arg5[%arg0, %mul3A_108, %dma_start3A_109] : memref<2x10112x128xf32, #tpu.memory_space<hbm>> -> memref<1x632x128xf32, #tpu.memory_space<hbm>>
      %dma_start3A_111 = tpu.memref_squeeze %dma_start3A_110 : memref<1x632x128xf32, #tpu.memory_space<hbm>> -> memref<632x128xf32, #tpu.memory_space<hbm>>
      %dma_start3A_112 = arith.constant 0 : i32
      %dma_start3A_113 = tpu.memref_slice %arg8[%mul3A_106, %dma_start3A_112] : memref<10112x128xf32, #tpu.memory_space<vmem_shared>> -> memref<632x128xf32, #tpu.memory_space<vmem_shared>>
      tpu.enqueue_dma source(%dma_start3A_113 : memref<632x128xf32, #tpu.memory_space<vmem_shared>>) target(%dma_start3A_111 : memref<632x128xf32, #tpu.memory_space<hbm>>) target_semaphore(%run_scoped3A : memref<!tpu.dma_semaphore, #tpu.memory_space<semaphore_mem>>)
      %dma_wait3A_114 = arith.constant 0 : i32
      %dma_wait3A_115 = tpu.memref_slice %arg5[%arg0, %mul3A_108, %dma_wait3A_114] : memref<2x10112x128xf32, #tpu.memory_space<hbm>> -> memref<1x632x128xf32, #tpu.memory_space<hbm>>
      %dma_wait3A_116 = tpu.memref_squeeze %dma_wait3A_115 : memref<1x632x128xf32, #tpu.memory_space<hbm>> -> memref<632x128xf32, #tpu.memory_space<hbm>>
      %dma_wait3A_117 = arith.constant 0 : i32
      %dma_wait3A_118 = tpu.memref_slice %arg8[%mul3A_106, %dma_wait3A_117] : memref<10112x128xf32, #tpu.memory_space<vmem_shared>> -> memref<632x128xf32, #tpu.memory_space<vmem_shared>>
      tpu.wait_dma2 semaphore(%run_scoped3A : memref<!tpu.dma_semaphore, #tpu.memory_space<semaphore_mem>>) src(%dma_wait3A_118 : memref<632x128xf32, #tpu.memory_space<vmem_shared>>) dst(%dma_wait3A_116 : memref<632x128xf32, #tpu.memory_space<hbm>>)
      tpu.yield
    }) : () -> ()
    return
  }
}

#map = affine_map<(d0, d1) -> (0, 0)>
#map1 = affine_map<(d0, d1) -> (0, 0, 0, 0)>
#map2 = affine_map<(d0, d1) -> (0, 0, 0)>
module attributes {stable_mosaic.version = 14 : i64} {
  func.func @_sc_agg_body(%arg0: i32, %arg1: i32, %arg2: memref<10000x128xf32, #tpu.memory_space<hbm>>, %arg3: memref<32x82x2x128xi32, #tpu.memory_space<hbm>>, %arg4: memref<632x128xf32, #tpu.memory_space<hbm>>, %arg5: memref<2x10112x128xf32, #tpu.memory_space<hbm>>, %arg6: memref<2x2x128xi32, #tpu.memory_space<vmem>>, %arg7: memref<2x128x128xf32, #tpu.memory_space<vmem>>, %arg8: memref<10112x128xf32, #tpu.memory_space<vmem_shared>>, %arg9: memref<!tpu.dma_semaphore, #tpu.memory_space<semaphore_mem>>, %arg10: memref<!tpu.dma_semaphore, #tpu.memory_space<semaphore_mem>>, %arg11: memref<!tpu.dma_semaphore, #tpu.memory_space<semaphore_mem>>, %arg12: memref<!tpu.dma_semaphore, #tpu.memory_space<semaphore_mem>>) attributes {dimension_semantics = [#tpu.dimension_semantics<core_parallel>, #tpu.dimension_semantics<subcore_parallel>], iteration_bounds = array<i64: 2, 16>, scalar_prefetch = 0 : i64, scratch_operands = 7 : i64, tpu.core_type = #tpu.core_type<sc_vector_subcore>, window_params = [{transform_indices = #map}, {transform_indices = #map1}, {transform_indices = #map}, {transform_indices = #map2}]} {
    %mul3A = arith.constant 16 : i32
    %mul3A_0 = arith.muli %arg0, %mul3A : i32
    %add3A = arith.addi %mul3A_0, %arg1 : i32
    %dma_start3A = arith.constant 0 : i32
    %dma_start3A_1 = arith.constant 0 : i32
    %dma_start3A_2 = arith.constant 0 : i32
    %dma_start3A_3 = arith.constant 0 : i32
    %dma_start3A_4 = tpu.memref_slice %arg6[%dma_start3A_1, %dma_start3A_2, %dma_start3A_3] : memref<2x2x128xi32, #tpu.memory_space<vmem>> -> memref<1x2x128xi32, #tpu.memory_space<vmem>>
    %dma_start3A_5 = tpu.memref_squeeze %dma_start3A_4 : memref<1x2x128xi32, #tpu.memory_space<vmem>> -> memref<2x128xi32, #tpu.memory_space<vmem>>
    %dma_start3A_6 = arith.constant 0 : i32
    %dma_start3A_7 = arith.constant 0 : i32
    %dma_start3A_8 = tpu.memref_slice %arg3[%add3A, %dma_start3A, %dma_start3A_6, %dma_start3A_7] : memref<32x82x2x128xi32, #tpu.memory_space<hbm>> -> memref<1x1x2x128xi32, #tpu.memory_space<hbm>>
    %dma_start3A_9 = tpu.memref_squeeze %dma_start3A_8 : memref<1x1x2x128xi32, #tpu.memory_space<hbm>> -> memref<2x128xi32, #tpu.memory_space<hbm>>
    %dma_start3A_10 = arith.constant 0 : i32
    %dma_start3A_11 = arith.constant 0 : i32
    %dma_start3A_12 = tpu.memref_slice %arg6[%dma_start3A_1, %dma_start3A_10, %dma_start3A_11] : memref<2x2x128xi32, #tpu.memory_space<vmem>> -> memref<1x2x128xi32, #tpu.memory_space<vmem>>
    %dma_start3A_13 = tpu.memref_squeeze %dma_start3A_12 : memref<1x2x128xi32, #tpu.memory_space<vmem>> -> memref<2x128xi32, #tpu.memory_space<vmem>>
    %dma_start3A_14 = arith.constant 0 : i32
    %dma_start3A_15 = arith.constant 0 : i32
    %dma_start3A_16 = tpu.memref_slice %arg3[%add3A, %dma_start3A, %dma_start3A_14, %dma_start3A_15] : memref<32x82x2x128xi32, #tpu.memory_space<hbm>> -> memref<1x1x2x128xi32, #tpu.memory_space<hbm>>
    %dma_start3A_17 = tpu.memref_squeeze %dma_start3A_16 : memref<1x1x2x128xi32, #tpu.memory_space<hbm>> -> memref<2x128xi32, #tpu.memory_space<hbm>>
    tpu.enqueue_dma source(%dma_start3A_17 : memref<2x128xi32, #tpu.memory_space<hbm>>) target(%dma_start3A_13 : memref<2x128xi32, #tpu.memory_space<vmem>>) target_semaphore(%arg9 : memref<!tpu.dma_semaphore, #tpu.memory_space<semaphore_mem>>)
    %dma_start3A_18 = arith.constant 1 : i32
    %dma_start3A_19 = arith.constant 1 : i32
    %dma_start3A_20 = arith.constant 0 : i32
    %dma_start3A_21 = arith.constant 0 : i32
    %dma_start3A_22 = tpu.memref_slice %arg6[%dma_start3A_19, %dma_start3A_20, %dma_start3A_21] : memref<2x2x128xi32, #tpu.memory_space<vmem>> -> memref<1x2x128xi32, #tpu.memory_space<vmem>>
    %dma_start3A_23 = tpu.memref_squeeze %dma_start3A_22 : memref<1x2x128xi32, #tpu.memory_space<vmem>> -> memref<2x128xi32, #tpu.memory_space<vmem>>
    %dma_start3A_24 = arith.constant 0 : i32
    %dma_start3A_25 = arith.constant 0 : i32
    %dma_start3A_26 = tpu.memref_slice %arg3[%add3A, %dma_start3A_18, %dma_start3A_24, %dma_start3A_25] : memref<32x82x2x128xi32, #tpu.memory_space<hbm>> -> memref<1x1x2x128xi32, #tpu.memory_space<hbm>>
    %dma_start3A_27 = tpu.memref_squeeze %dma_start3A_26 : memref<1x1x2x128xi32, #tpu.memory_space<hbm>> -> memref<2x128xi32, #tpu.memory_space<hbm>>
    %dma_start3A_28 = arith.constant 0 : i32
    %dma_start3A_29 = arith.constant 0 : i32
    %dma_start3A_30 = tpu.memref_slice %arg6[%dma_start3A_19, %dma_start3A_28, %dma_start3A_29] : memref<2x2x128xi32, #tpu.memory_space<vmem>> -> memref<1x2x128xi32, #tpu.memory_space<vmem>>
    %dma_start3A_31 = tpu.memref_squeeze %dma_start3A_30 : memref<1x2x128xi32, #tpu.memory_space<vmem>> -> memref<2x128xi32, #tpu.memory_space<vmem>>
    %dma_start3A_32 = arith.constant 0 : i32
    %dma_start3A_33 = arith.constant 0 : i32
    %dma_start3A_34 = tpu.memref_slice %arg3[%add3A, %dma_start3A_18, %dma_start3A_32, %dma_start3A_33] : memref<32x82x2x128xi32, #tpu.memory_space<hbm>> -> memref<1x1x2x128xi32, #tpu.memory_space<hbm>>
    %dma_start3A_35 = tpu.memref_squeeze %dma_start3A_34 : memref<1x1x2x128xi32, #tpu.memory_space<hbm>> -> memref<2x128xi32, #tpu.memory_space<hbm>>
    tpu.enqueue_dma source(%dma_start3A_35 : memref<2x128xi32, #tpu.memory_space<hbm>>) target(%dma_start3A_31 : memref<2x128xi32, #tpu.memory_space<vmem>>) target_semaphore(%arg10 : memref<!tpu.dma_semaphore, #tpu.memory_space<semaphore_mem>>)
    %mul3A_36 = arith.constant 632 : i32
    %mul3A_37 = arith.muli %arg1, %mul3A_36 : i32
    "tpu.region"() ({
      %run_scoped3A = tpu.sem_alloc : memref<!tpu.dma_semaphore, #tpu.memory_space<semaphore_mem>>
      %dma_start3A_109 = arith.constant 0 : i32
      %dma_start3A_110 = tpu.memref_slice %arg8[%mul3A_37, %dma_start3A_109] : memref<10112x128xf32, #tpu.memory_space<vmem_shared>> -> memref<632x128xf32, #tpu.memory_space<vmem_shared>>
      tpu.enqueue_dma source(%arg4 : memref<632x128xf32, #tpu.memory_space<hbm>>) target(%dma_start3A_110 : memref<632x128xf32, #tpu.memory_space<vmem_shared>>) target_semaphore(%run_scoped3A : memref<!tpu.dma_semaphore, #tpu.memory_space<semaphore_mem>>)
      %dma_wait3A_111 = arith.constant 0 : i32
      %dma_wait3A_112 = tpu.memref_slice %arg8[%mul3A_37, %dma_wait3A_111] : memref<10112x128xf32, #tpu.memory_space<vmem_shared>> -> memref<632x128xf32, #tpu.memory_space<vmem_shared>>
      tpu.wait_dma2 semaphore(%run_scoped3A : memref<!tpu.dma_semaphore, #tpu.memory_space<semaphore_mem>>) src(%arg4 : memref<632x128xf32, #tpu.memory_space<hbm>>) dst(%dma_wait3A_112 : memref<632x128xf32, #tpu.memory_space<vmem_shared>>)
      tpu.yield
    }) : () -> ()
    %barrier3A = arith.constant 0 : index
    tpu.barrier barrier_id(%barrier3A)
    %dma_wait3A = arith.constant 0 : i32
    %dma_wait3A_38 = arith.constant 0 : i32
    %dma_wait3A_39 = arith.constant 0 : i32
    %dma_wait3A_40 = arith.constant 0 : i32
    %dma_wait3A_41 = tpu.memref_slice %arg6[%dma_wait3A_38, %dma_wait3A_39, %dma_wait3A_40] : memref<2x2x128xi32, #tpu.memory_space<vmem>> -> memref<1x2x128xi32, #tpu.memory_space<vmem>>
    %dma_wait3A_42 = tpu.memref_squeeze %dma_wait3A_41 : memref<1x2x128xi32, #tpu.memory_space<vmem>> -> memref<2x128xi32, #tpu.memory_space<vmem>>
    %dma_wait3A_43 = arith.constant 0 : i32
    %dma_wait3A_44 = arith.constant 0 : i32
    %dma_wait3A_45 = tpu.memref_slice %arg3[%add3A, %dma_wait3A, %dma_wait3A_43, %dma_wait3A_44] : memref<32x82x2x128xi32, #tpu.memory_space<hbm>> -> memref<1x1x2x128xi32, #tpu.memory_space<hbm>>
    %dma_wait3A_46 = tpu.memref_squeeze %dma_wait3A_45 : memref<1x1x2x128xi32, #tpu.memory_space<hbm>> -> memref<2x128xi32, #tpu.memory_space<hbm>>
    %dma_wait3A_47 = arith.constant 0 : i32
    %dma_wait3A_48 = arith.constant 0 : i32
    %dma_wait3A_49 = tpu.memref_slice %arg6[%dma_wait3A_38, %dma_wait3A_47, %dma_wait3A_48] : memref<2x2x128xi32, #tpu.memory_space<vmem>> -> memref<1x2x128xi32, #tpu.memory_space<vmem>>
    %dma_wait3A_50 = tpu.memref_squeeze %dma_wait3A_49 : memref<1x2x128xi32, #tpu.memory_space<vmem>> -> memref<2x128xi32, #tpu.memory_space<vmem>>
    %dma_wait3A_51 = arith.constant 0 : i32
    %dma_wait3A_52 = arith.constant 0 : i32
    %dma_wait3A_53 = tpu.memref_slice %arg3[%add3A, %dma_wait3A, %dma_wait3A_51, %dma_wait3A_52] : memref<32x82x2x128xi32, #tpu.memory_space<hbm>> -> memref<1x1x2x128xi32, #tpu.memory_space<hbm>>
    %dma_wait3A_54 = tpu.memref_squeeze %dma_wait3A_53 : memref<1x1x2x128xi32, #tpu.memory_space<hbm>> -> memref<2x128xi32, #tpu.memory_space<hbm>>
    tpu.wait_dma2 semaphore(%arg9 : memref<!tpu.dma_semaphore, #tpu.memory_space<semaphore_mem>>) src(%dma_wait3A_54 : memref<2x128xi32, #tpu.memory_space<hbm>>) dst(%dma_wait3A_50 : memref<2x128xi32, #tpu.memory_space<vmem>>)
    %dma_start3A_55 = arith.constant 0 : i32
    %dma_start3A_56 = arith.constant 0 : i32
    %dma_start3A_57 = arith.constant 0 : i32
    %dma_start3A_58 = arith.constant 0 : i32
    %dma_start3A_59 = arith.constant 0 : i32
    %dma_start3A_60 = tpu.memref_slice %arg7[%dma_start3A_57, %dma_start3A_58, %dma_start3A_59] : memref<2x128x128xf32, #tpu.memory_space<vmem>> -> memref<1x128x128xf32, #tpu.memory_space<vmem>>
    %dma_start3A_61 = tpu.memref_squeeze %dma_start3A_60 : memref<1x128x128xf32, #tpu.memory_space<vmem>> -> memref<128x128xf32, #tpu.memory_space<vmem>>
    %dma_start3A_62 = arith.constant 0 : i32
    %dma_start3A_63 = tpu.memref_slice %arg6[%dma_start3A_55, %dma_start3A_56, %dma_start3A_62] : memref<2x2x128xi32, #tpu.memory_space<vmem>> -> memref<1x1x128xi32, #tpu.memory_space<vmem>>
    %dma_start3A_64 = tpu.memref_squeeze %dma_start3A_63 : memref<1x1x128xi32, #tpu.memory_space<vmem>> -> memref<128xi32, #tpu.memory_space<vmem>>
    %dma_start3A_65 = arith.constant 0 : i32
    %dma_start3A_66 = arith.constant 0 : i32
    %dma_start3A_67 = tpu.memref_slice %arg2[%dma_start3A_65, %dma_start3A_66] : memref<10000x128xf32, #tpu.memory_space<hbm>> -> memref<10000x128xf32, #tpu.memory_space<hbm>>
    tpu.enqueue_indirect_dma source(%dma_start3A_67 : memref<10000x128xf32, #tpu.memory_space<hbm>>) target(%dma_start3A_61 : memref<128x128xf32, #tpu.memory_space<vmem>>) offsets(%dma_start3A_64 : memref<128xi32, #tpu.memory_space<vmem>>) semaphore(%arg11 : memref<!tpu.dma_semaphore, #tpu.memory_space<semaphore_mem>>)
    %scan3A = arith.constant 0 : i32
    %scan3A_68 = arith.constant 0 : i32
    %scan3A_69 = arith.constant 40 : i32
    %scan3A_70 = arith.addi %scan3A_68, %scan3A_69 : i32
    %scan3A_71 = arith.constant 1 : i32
    scf.for %scan3A_109 = %scan3A_68 to %scan3A_70 step %scan3A_71  : i32 {
      %mul3A_110 = arith.constant 2 : i32
      %mul3A_111 = arith.muli %mul3A_110, %scan3A_109 : i32
      %dma_wait3A_112 = arith.constant 0 : i32
      %dma_wait3A_113 = arith.constant 0 : i32
      %dma_wait3A_114 = arith.constant 0 : i32
      %dma_wait3A_115 = arith.constant 0 : i32
      %dma_wait3A_116 = arith.constant 0 : i32
      %dma_wait3A_117 = tpu.memref_slice %arg7[%dma_wait3A_114, %dma_wait3A_115, %dma_wait3A_116] : memref<2x128x128xf32, #tpu.memory_space<vmem>> -> memref<1x128x128xf32, #tpu.memory_space<vmem>>
      %dma_wait3A_118 = tpu.memref_squeeze %dma_wait3A_117 : memref<1x128x128xf32, #tpu.memory_space<vmem>> -> memref<128x128xf32, #tpu.memory_space<vmem>>
      %dma_wait3A_119 = arith.constant 0 : i32
      %dma_wait3A_120 = tpu.memref_slice %arg6[%dma_wait3A_112, %dma_wait3A_113, %dma_wait3A_119] : memref<2x2x128xi32, #tpu.memory_space<vmem>> -> memref<1x1x128xi32, #tpu.memory_space<vmem>>
      %dma_wait3A_121 = tpu.memref_squeeze %dma_wait3A_120 : memref<1x1x128xi32, #tpu.memory_space<vmem>> -> memref<128xi32, #tpu.memory_space<vmem>>
      %dma_wait3A_122 = arith.constant 0 : i32
      %dma_wait3A_123 = arith.constant 0 : i32
      %dma_wait3A_124 = tpu.memref_slice %arg2[%dma_wait3A_122, %dma_wait3A_123] : memref<10000x128xf32, #tpu.memory_space<hbm>> -> memref<10000x128xf32, #tpu.memory_space<hbm>>
      tpu.wait_indirect_dma semaphore(%arg11 : memref<!tpu.dma_semaphore, #tpu.memory_space<semaphore_mem>>) src(%dma_wait3A_124 : memref<10000x128xf32, #tpu.memory_space<hbm>>) dst(%dma_wait3A_118 : memref<128x128xf32, #tpu.memory_space<vmem>>)
      %add3A_125 = arith.constant 1 : i32
      %add3A_126 = arith.addi %mul3A_111, %add3A_125 : i32
      %dma_wait3A_127 = arith.constant 1 : i32
      %dma_wait3A_128 = arith.constant 0 : i32
      %dma_wait3A_129 = arith.constant 0 : i32
      %dma_wait3A_130 = tpu.memref_slice %arg6[%dma_wait3A_127, %dma_wait3A_128, %dma_wait3A_129] : memref<2x2x128xi32, #tpu.memory_space<vmem>> -> memref<1x2x128xi32, #tpu.memory_space<vmem>>
      %dma_wait3A_131 = tpu.memref_squeeze %dma_wait3A_130 : memref<1x2x128xi32, #tpu.memory_space<vmem>> -> memref<2x128xi32, #tpu.memory_space<vmem>>
      %dma_wait3A_132 = arith.constant 0 : i32
      %dma_wait3A_133 = arith.constant 0 : i32
      %dma_wait3A_134 = tpu.memref_slice %arg3[%add3A, %add3A_126, %dma_wait3A_132, %dma_wait3A_133] : memref<32x82x2x128xi32, #tpu.memory_space<hbm>> -> memref<1x1x2x128xi32, #tpu.memory_space<hbm>>
      %dma_wait3A_135 = tpu.memref_squeeze %dma_wait3A_134 : memref<1x1x2x128xi32, #tpu.memory_space<hbm>> -> memref<2x128xi32, #tpu.memory_space<hbm>>
      %dma_wait3A_136 = arith.constant 0 : i32
      %dma_wait3A_137 = arith.constant 0 : i32
      %dma_wait3A_138 = tpu.memref_slice %arg6[%dma_wait3A_127, %dma_wait3A_136, %dma_wait3A_137] : memref<2x2x128xi32, #tpu.memory_space<vmem>> -> memref<1x2x128xi32, #tpu.memory_space<vmem>>
      %dma_wait3A_139 = tpu.memref_squeeze %dma_wait3A_138 : memref<1x2x128xi32, #tpu.memory_space<vmem>> -> memref<2x128xi32, #tpu.memory_space<vmem>>
      %dma_wait3A_140 = arith.constant 0 : i32
      %dma_wait3A_141 = arith.constant 0 : i32
      %dma_wait3A_142 = tpu.memref_slice %arg3[%add3A, %add3A_126, %dma_wait3A_140, %dma_wait3A_141] : memref<32x82x2x128xi32, #tpu.memory_space<hbm>> -> memref<1x1x2x128xi32, #tpu.memory_space<hbm>>
      %dma_wait3A_143 = tpu.memref_squeeze %dma_wait3A_142 : memref<1x1x2x128xi32, #tpu.memory_space<hbm>> -> memref<2x128xi32, #tpu.memory_space<hbm>>
      tpu.wait_dma2 semaphore(%arg10 : memref<!tpu.dma_semaphore, #tpu.memory_space<semaphore_mem>>) src(%dma_wait3A_143 : memref<2x128xi32, #tpu.memory_space<hbm>>) dst(%dma_wait3A_139 : memref<2x128xi32, #tpu.memory_space<vmem>>)
      %dma_start3A_144 = arith.constant 1 : i32
      %dma_start3A_145 = arith.constant 0 : i32
      %dma_start3A_146 = arith.constant 1 : i32
      %dma_start3A_147 = arith.constant 0 : i32
      %dma_start3A_148 = arith.constant 0 : i32
      %dma_start3A_149 = tpu.memref_slice %arg7[%dma_start3A_146, %dma_start3A_147, %dma_start3A_148] : memref<2x128x128xf32, #tpu.memory_space<vmem>> -> memref<1x128x128xf32, #tpu.memory_space<vmem>>
      %dma_start3A_150 = tpu.memref_squeeze %dma_start3A_149 : memref<1x128x128xf32, #tpu.memory_space<vmem>> -> memref<128x128xf32, #tpu.memory_space<vmem>>
      %dma_start3A_151 = arith.constant 0 : i32
      %dma_start3A_152 = tpu.memref_slice %arg6[%dma_start3A_144, %dma_start3A_145, %dma_start3A_151] : memref<2x2x128xi32, #tpu.memory_space<vmem>> -> memref<1x1x128xi32, #tpu.memory_space<vmem>>
      %dma_start3A_153 = tpu.memref_squeeze %dma_start3A_152 : memref<1x1x128xi32, #tpu.memory_space<vmem>> -> memref<128xi32, #tpu.memory_space<vmem>>
      %dma_start3A_154 = arith.constant 0 : i32
      %dma_start3A_155 = arith.constant 0 : i32
      %dma_start3A_156 = tpu.memref_slice %arg2[%dma_start3A_154, %dma_start3A_155] : memref<10000x128xf32, #tpu.memory_space<hbm>> -> memref<10000x128xf32, #tpu.memory_space<hbm>>
      tpu.enqueue_indirect_dma source(%dma_start3A_156 : memref<10000x128xf32, #tpu.memory_space<hbm>>) target(%dma_start3A_150 : memref<128x128xf32, #tpu.memory_space<vmem>>) offsets(%dma_start3A_153 : memref<128xi32, #tpu.memory_space<vmem>>) semaphore(%arg12 : memref<!tpu.dma_semaphore, #tpu.memory_space<semaphore_mem>>)
      %run_scoped3A = arith.constant 0 : i32
      %run_scoped3A_157 = arith.constant 0 : i32
      %run_scoped3A_158 = arith.constant 1 : i32
      "tpu.region"() ({
        %run_scoped3A_247 = tpu.sem_alloc : memref<!tpu.dma_semaphore, #tpu.memory_space<semaphore_mem>>
        %dma_start3A_248 = arith.constant 0 : i32
        %dma_start3A_249 = arith.constant 0 : i32
        %dma_start3A_250 = tpu.memref_slice %arg7[%run_scoped3A, %dma_start3A_248, %dma_start3A_249] : memref<2x128x128xf32, #tpu.memory_space<vmem>> -> memref<1x128x128xf32, #tpu.memory_space<vmem>>
        %dma_start3A_251 = tpu.memref_squeeze %dma_start3A_250 : memref<1x128x128xf32, #tpu.memory_space<vmem>> -> memref<128x128xf32, #tpu.memory_space<vmem>>
        %dma_start3A_252 = arith.constant 0 : i32
        %dma_start3A_253 = tpu.memref_slice %arg6[%run_scoped3A_157, %run_scoped3A_158, %dma_start3A_252] : memref<2x2x128xi32, #tpu.memory_space<vmem>> -> memref<1x1x128xi32, #tpu.memory_space<vmem>>
        %dma_start3A_254 = tpu.memref_squeeze %dma_start3A_253 : memref<1x1x128xi32, #tpu.memory_space<vmem>> -> memref<128xi32, #tpu.memory_space<vmem>>
        %dma_start3A_255 = arith.constant 0 : i32
        %dma_start3A_256 = arith.constant 0 : i32
        %dma_start3A_257 = tpu.memref_slice %arg8[%dma_start3A_255, %dma_start3A_256] : memref<10112x128xf32, #tpu.memory_space<vmem_shared>> -> memref<10112x128xf32, #tpu.memory_space<vmem_shared>>
        tpu.enqueue_indirect_dma source(%dma_start3A_251 : memref<128x128xf32, #tpu.memory_space<vmem>>) target(%dma_start3A_257 : memref<10112x128xf32, #tpu.memory_space<vmem_shared>>) offsets(%dma_start3A_254 : memref<128xi32, #tpu.memory_space<vmem>>) semaphore(%run_scoped3A_247 : memref<!tpu.dma_semaphore, #tpu.memory_space<semaphore_mem>>) {add = true}
        %dma_wait3A_258 = arith.constant 0 : i32
        %dma_wait3A_259 = arith.constant 0 : i32
        %dma_wait3A_260 = tpu.memref_slice %arg7[%run_scoped3A, %dma_wait3A_258, %dma_wait3A_259] : memref<2x128x128xf32, #tpu.memory_space<vmem>> -> memref<1x128x128xf32, #tpu.memory_space<vmem>>
        %dma_wait3A_261 = tpu.memref_squeeze %dma_wait3A_260 : memref<1x128x128xf32, #tpu.memory_space<vmem>> -> memref<128x128xf32, #tpu.memory_space<vmem>>
        %dma_wait3A_262 = arith.constant 0 : i32
        %dma_wait3A_263 = tpu.memref_slice %arg6[%run_scoped3A_157, %run_scoped3A_158, %dma_wait3A_262] : memref<2x2x128xi32, #tpu.memory_space<vmem>> -> memref<1x1x128xi32, #tpu.memory_space<vmem>>
        %dma_wait3A_264 = tpu.memref_squeeze %dma_wait3A_263 : memref<1x1x128xi32, #tpu.memory_space<vmem>> -> memref<128xi32, #tpu.memory_space<vmem>>
        %dma_wait3A_265 = arith.constant 0 : i32
        %dma_wait3A_266 = arith.constant 0 : i32
        %dma_wait3A_267 = tpu.memref_slice %arg8[%dma_wait3A_265, %dma_wait3A_266] : memref<10112x128xf32, #tpu.memory_space<vmem_shared>> -> memref<10112x128xf32, #tpu.memory_space<vmem_shared>>
        tpu.wait_indirect_dma semaphore(%run_scoped3A_247 : memref<!tpu.dma_semaphore, #tpu.memory_space<semaphore_mem>>) src(%dma_wait3A_261 : memref<128x128xf32, #tpu.memory_space<vmem>>) dst(%dma_wait3A_267 : memref<10112x128xf32, #tpu.memory_space<vmem_shared>>)
        tpu.yield
      }) : () -> ()
      %add3A_159 = arith.constant 2 : i32
      %add3A_160 = arith.addi %mul3A_111, %add3A_159 : i32
      %dma_start3A_161 = arith.constant 0 : i32
      %dma_start3A_162 = arith.constant 0 : i32
      %dma_start3A_163 = arith.constant 0 : i32
      %dma_start3A_164 = tpu.memref_slice %arg6[%dma_start3A_161, %dma_start3A_162, %dma_start3A_163] : memref<2x2x128xi32, #tpu.memory_space<vmem>> -> memref<1x2x128xi32, #tpu.memory_space<vmem>>
      %dma_start3A_165 = tpu.memref_squeeze %dma_start3A_164 : memref<1x2x128xi32, #tpu.memory_space<vmem>> -> memref<2x128xi32, #tpu.memory_space<vmem>>
      %dma_start3A_166 = arith.constant 0 : i32
      %dma_start3A_167 = arith.constant 0 : i32
      %dma_start3A_168 = tpu.memref_slice %arg3[%add3A, %add3A_160, %dma_start3A_166, %dma_start3A_167] : memref<32x82x2x128xi32, #tpu.memory_space<hbm>> -> memref<1x1x2x128xi32, #tpu.memory_space<hbm>>
      %dma_start3A_169 = tpu.memref_squeeze %dma_start3A_168 : memref<1x1x2x128xi32, #tpu.memory_space<hbm>> -> memref<2x128xi32, #tpu.memory_space<hbm>>
      %dma_start3A_170 = arith.constant 0 : i32
      %dma_start3A_171 = arith.constant 0 : i32
      %dma_start3A_172 = tpu.memref_slice %arg6[%dma_start3A_161, %dma_start3A_170, %dma_start3A_171] : memref<2x2x128xi32, #tpu.memory_space<vmem>> -> memref<1x2x128xi32, #tpu.memory_space<vmem>>
      %dma_start3A_173 = tpu.memref_squeeze %dma_start3A_172 : memref<1x2x128xi32, #tpu.memory_space<vmem>> -> memref<2x128xi32, #tpu.memory_space<vmem>>
      %dma_start3A_174 = arith.constant 0 : i32
      %dma_start3A_175 = arith.constant 0 : i32
      %dma_start3A_176 = tpu.memref_slice %arg3[%add3A, %add3A_160, %dma_start3A_174, %dma_start3A_175] : memref<32x82x2x128xi32, #tpu.memory_space<hbm>> -> memref<1x1x2x128xi32, #tpu.memory_space<hbm>>
      %dma_start3A_177 = tpu.memref_squeeze %dma_start3A_176 : memref<1x1x2x128xi32, #tpu.memory_space<hbm>> -> memref<2x128xi32, #tpu.memory_space<hbm>>
      tpu.enqueue_dma source(%dma_start3A_177 : memref<2x128xi32, #tpu.memory_space<hbm>>) target(%dma_start3A_173 : memref<2x128xi32, #tpu.memory_space<vmem>>) target_semaphore(%arg9 : memref<!tpu.dma_semaphore, #tpu.memory_space<semaphore_mem>>)
      %add3A_178 = arith.constant 1 : i32
      %add3A_179 = arith.addi %mul3A_111, %add3A_178 : i32
      %dma_wait3A_180 = arith.constant 1 : i32
      %dma_wait3A_181 = arith.constant 0 : i32
      %dma_wait3A_182 = arith.constant 1 : i32
      %dma_wait3A_183 = arith.constant 0 : i32
      %dma_wait3A_184 = arith.constant 0 : i32
      %dma_wait3A_185 = tpu.memref_slice %arg7[%dma_wait3A_182, %dma_wait3A_183, %dma_wait3A_184] : memref<2x128x128xf32, #tpu.memory_space<vmem>> -> memref<1x128x128xf32, #tpu.memory_space<vmem>>
      %dma_wait3A_186 = tpu.memref_squeeze %dma_wait3A_185 : memref<1x128x128xf32, #tpu.memory_space<vmem>> -> memref<128x128xf32, #tpu.memory_space<vmem>>
      %dma_wait3A_187 = arith.constant 0 : i32
      %dma_wait3A_188 = tpu.memref_slice %arg6[%dma_wait3A_180, %dma_wait3A_181, %dma_wait3A_187] : memref<2x2x128xi32, #tpu.memory_space<vmem>> -> memref<1x1x128xi32, #tpu.memory_space<vmem>>
      %dma_wait3A_189 = tpu.memref_squeeze %dma_wait3A_188 : memref<1x1x128xi32, #tpu.memory_space<vmem>> -> memref<128xi32, #tpu.memory_space<vmem>>
      %dma_wait3A_190 = arith.constant 0 : i32
      %dma_wait3A_191 = arith.constant 0 : i32
      %dma_wait3A_192 = tpu.memref_slice %arg2[%dma_wait3A_190, %dma_wait3A_191] : memref<10000x128xf32, #tpu.memory_space<hbm>> -> memref<10000x128xf32, #tpu.memory_space<hbm>>
      tpu.wait_indirect_dma semaphore(%arg12 : memref<!tpu.dma_semaphore, #tpu.memory_space<semaphore_mem>>) src(%dma_wait3A_192 : memref<10000x128xf32, #tpu.memory_space<hbm>>) dst(%dma_wait3A_186 : memref<128x128xf32, #tpu.memory_space<vmem>>)
      %add3A_193 = arith.constant 1 : i32
      %add3A_194 = arith.addi %add3A_179, %add3A_193 : i32
      %dma_wait3A_195 = arith.constant 0 : i32
      %dma_wait3A_196 = arith.constant 0 : i32
      %dma_wait3A_197 = arith.constant 0 : i32
      %dma_wait3A_198 = tpu.memref_slice %arg6[%dma_wait3A_195, %dma_wait3A_196, %dma_wait3A_197] : memref<2x2x128xi32, #tpu.memory_space<vmem>> -> memref<1x2x128xi32, #tpu.memory_space<vmem>>
      %dma_wait3A_199 = tpu.memref_squeeze %dma_wait3A_198 : memref<1x2x128xi32, #tpu.memory_space<vmem>> -> memref<2x128xi32, #tpu.memory_space<vmem>>
      %dma_wait3A_200 = arith.constant 0 : i32
      %dma_wait3A_201 = arith.constant 0 : i32
      %dma_wait3A_202 = tpu.memref_slice %arg3[%add3A, %add3A_194, %dma_wait3A_200, %dma_wait3A_201] : memref<32x82x2x128xi32, #tpu.memory_space<hbm>> -> memref<1x1x2x128xi32, #tpu.memory_space<hbm>>
      %dma_wait3A_203 = tpu.memref_squeeze %dma_wait3A_202 : memref<1x1x2x128xi32, #tpu.memory_space<hbm>> -> memref<2x128xi32, #tpu.memory_space<hbm>>
      %dma_wait3A_204 = arith.constant 0 : i32
      %dma_wait3A_205 = arith.constant 0 : i32
      %dma_wait3A_206 = tpu.memref_slice %arg6[%dma_wait3A_195, %dma_wait3A_204, %dma_wait3A_205] : memref<2x2x128xi32, #tpu.memory_space<vmem>> -> memref<1x2x128xi32, #tpu.memory_space<vmem>>
      %dma_wait3A_207 = tpu.memref_squeeze %dma_wait3A_206 : memref<1x2x128xi32, #tpu.memory_space<vmem>> -> memref<2x128xi32, #tpu.memory_space<vmem>>
      %dma_wait3A_208 = arith.constant 0 : i32
      %dma_wait3A_209 = arith.constant 0 : i32
      %dma_wait3A_210 = tpu.memref_slice %arg3[%add3A, %add3A_194, %dma_wait3A_208, %dma_wait3A_209] : memref<32x82x2x128xi32, #tpu.memory_space<hbm>> -> memref<1x1x2x128xi32, #tpu.memory_space<hbm>>
      %dma_wait3A_211 = tpu.memref_squeeze %dma_wait3A_210 : memref<1x1x2x128xi32, #tpu.memory_space<hbm>> -> memref<2x128xi32, #tpu.memory_space<hbm>>
      tpu.wait_dma2 semaphore(%arg9 : memref<!tpu.dma_semaphore, #tpu.memory_space<semaphore_mem>>) src(%dma_wait3A_211 : memref<2x128xi32, #tpu.memory_space<hbm>>) dst(%dma_wait3A_207 : memref<2x128xi32, #tpu.memory_space<vmem>>)
      %dma_start3A_212 = arith.constant 0 : i32
      %dma_start3A_213 = arith.constant 0 : i32
      %dma_start3A_214 = arith.constant 0 : i32
      %dma_start3A_215 = arith.constant 0 : i32
      %dma_start3A_216 = arith.constant 0 : i32
      %dma_start3A_217 = tpu.memref_slice %arg7[%dma_start3A_214, %dma_start3A_215, %dma_start3A_216] : memref<2x128x128xf32, #tpu.memory_space<vmem>> -> memref<1x128x128xf32, #tpu.memory_space<vmem>>
      %dma_start3A_218 = tpu.memref_squeeze %dma_start3A_217 : memref<1x128x128xf32, #tpu.memory_space<vmem>> -> memref<128x128xf32, #tpu.memory_space<vmem>>
      %dma_start3A_219 = arith.constant 0 : i32
      %dma_start3A_220 = tpu.memref_slice %arg6[%dma_start3A_212, %dma_start3A_213, %dma_start3A_219] : memref<2x2x128xi32, #tpu.memory_space<vmem>> -> memref<1x1x128xi32, #tpu.memory_space<vmem>>
      %dma_start3A_221 = tpu.memref_squeeze %dma_start3A_220 : memref<1x1x128xi32, #tpu.memory_space<vmem>> -> memref<128xi32, #tpu.memory_space<vmem>>
      %dma_start3A_222 = arith.constant 0 : i32
      %dma_start3A_223 = arith.constant 0 : i32
      %dma_start3A_224 = tpu.memref_slice %arg2[%dma_start3A_222, %dma_start3A_223] : memref<10000x128xf32, #tpu.memory_space<hbm>> -> memref<10000x128xf32, #tpu.memory_space<hbm>>
      tpu.enqueue_indirect_dma source(%dma_start3A_224 : memref<10000x128xf32, #tpu.memory_space<hbm>>) target(%dma_start3A_218 : memref<128x128xf32, #tpu.memory_space<vmem>>) offsets(%dma_start3A_221 : memref<128xi32, #tpu.memory_space<vmem>>) semaphore(%arg11 : memref<!tpu.dma_semaphore, #tpu.memory_space<semaphore_mem>>)
      %run_scoped3A_225 = arith.constant 1 : i32
      %run_scoped3A_226 = arith.constant 1 : i32
      %run_scoped3A_227 = arith.constant 1 : i32
      "tpu.region"() ({
        %run_scoped3A_247 = tpu.sem_alloc : memref<!tpu.dma_semaphore, #tpu.memory_space<semaphore_mem>>
        %dma_start3A_248 = arith.constant 0 : i32
        %dma_start3A_249 = arith.constant 0 : i32
        %dma_start3A_250 = tpu.memref_slice %arg7[%run_scoped3A_225, %dma_start3A_248, %dma_start3A_249] : memref<2x128x128xf32, #tpu.memory_space<vmem>> -> memref<1x128x128xf32, #tpu.memory_space<vmem>>
        %dma_start3A_251 = tpu.memref_squeeze %dma_start3A_250 : memref<1x128x128xf32, #tpu.memory_space<vmem>> -> memref<128x128xf32, #tpu.memory_space<vmem>>
        %dma_start3A_252 = arith.constant 0 : i32
        %dma_start3A_253 = tpu.memref_slice %arg6[%run_scoped3A_226, %run_scoped3A_227, %dma_start3A_252] : memref<2x2x128xi32, #tpu.memory_space<vmem>> -> memref<1x1x128xi32, #tpu.memory_space<vmem>>
        %dma_start3A_254 = tpu.memref_squeeze %dma_start3A_253 : memref<1x1x128xi32, #tpu.memory_space<vmem>> -> memref<128xi32, #tpu.memory_space<vmem>>
        %dma_start3A_255 = arith.constant 0 : i32
        %dma_start3A_256 = arith.constant 0 : i32
        %dma_start3A_257 = tpu.memref_slice %arg8[%dma_start3A_255, %dma_start3A_256] : memref<10112x128xf32, #tpu.memory_space<vmem_shared>> -> memref<10112x128xf32, #tpu.memory_space<vmem_shared>>
        tpu.enqueue_indirect_dma source(%dma_start3A_251 : memref<128x128xf32, #tpu.memory_space<vmem>>) target(%dma_start3A_257 : memref<10112x128xf32, #tpu.memory_space<vmem_shared>>) offsets(%dma_start3A_254 : memref<128xi32, #tpu.memory_space<vmem>>) semaphore(%run_scoped3A_247 : memref<!tpu.dma_semaphore, #tpu.memory_space<semaphore_mem>>) {add = true}
        %dma_wait3A_258 = arith.constant 0 : i32
        %dma_wait3A_259 = arith.constant 0 : i32
        %dma_wait3A_260 = tpu.memref_slice %arg7[%run_scoped3A_225, %dma_wait3A_258, %dma_wait3A_259] : memref<2x128x128xf32, #tpu.memory_space<vmem>> -> memref<1x128x128xf32, #tpu.memory_space<vmem>>
        %dma_wait3A_261 = tpu.memref_squeeze %dma_wait3A_260 : memref<1x128x128xf32, #tpu.memory_space<vmem>> -> memref<128x128xf32, #tpu.memory_space<vmem>>
        %dma_wait3A_262 = arith.constant 0 : i32
        %dma_wait3A_263 = tpu.memref_slice %arg6[%run_scoped3A_226, %run_scoped3A_227, %dma_wait3A_262] : memref<2x2x128xi32, #tpu.memory_space<vmem>> -> memref<1x1x128xi32, #tpu.memory_space<vmem>>
        %dma_wait3A_264 = tpu.memref_squeeze %dma_wait3A_263 : memref<1x1x128xi32, #tpu.memory_space<vmem>> -> memref<128xi32, #tpu.memory_space<vmem>>
        %dma_wait3A_265 = arith.constant 0 : i32
        %dma_wait3A_266 = arith.constant 0 : i32
        %dma_wait3A_267 = tpu.memref_slice %arg8[%dma_wait3A_265, %dma_wait3A_266] : memref<10112x128xf32, #tpu.memory_space<vmem_shared>> -> memref<10112x128xf32, #tpu.memory_space<vmem_shared>>
        tpu.wait_indirect_dma semaphore(%run_scoped3A_247 : memref<!tpu.dma_semaphore, #tpu.memory_space<semaphore_mem>>) src(%dma_wait3A_261 : memref<128x128xf32, #tpu.memory_space<vmem>>) dst(%dma_wait3A_267 : memref<10112x128xf32, #tpu.memory_space<vmem_shared>>)
        tpu.yield
      }) : () -> ()
      %add3A_228 = arith.constant 2 : i32
      %add3A_229 = arith.addi %add3A_179, %add3A_228 : i32
      %dma_start3A_230 = arith.constant 1 : i32
      %dma_start3A_231 = arith.constant 0 : i32
      %dma_start3A_232 = arith.constant 0 : i32
      %dma_start3A_233 = tpu.memref_slice %arg6[%dma_start3A_230, %dma_start3A_231, %dma_start3A_232] : memref<2x2x128xi32, #tpu.memory_space<vmem>> -> memref<1x2x128xi32, #tpu.memory_space<vmem>>
      %dma_start3A_234 = tpu.memref_squeeze %dma_start3A_233 : memref<1x2x128xi32, #tpu.memory_space<vmem>> -> memref<2x128xi32, #tpu.memory_space<vmem>>
      %dma_start3A_235 = arith.constant 0 : i32
      %dma_start3A_236 = arith.constant 0 : i32
      %dma_start3A_237 = tpu.memref_slice %arg3[%add3A, %add3A_229, %dma_start3A_235, %dma_start3A_236] : memref<32x82x2x128xi32, #tpu.memory_space<hbm>> -> memref<1x1x2x128xi32, #tpu.memory_space<hbm>>
      %dma_start3A_238 = tpu.memref_squeeze %dma_start3A_237 : memref<1x1x2x128xi32, #tpu.memory_space<hbm>> -> memref<2x128xi32, #tpu.memory_space<hbm>>
      %dma_start3A_239 = arith.constant 0 : i32
      %dma_start3A_240 = arith.constant 0 : i32
      %dma_start3A_241 = tpu.memref_slice %arg6[%dma_start3A_230, %dma_start3A_239, %dma_start3A_240] : memref<2x2x128xi32, #tpu.memory_space<vmem>> -> memref<1x2x128xi32, #tpu.memory_space<vmem>>
      %dma_start3A_242 = tpu.memref_squeeze %dma_start3A_241 : memref<1x2x128xi32, #tpu.memory_space<vmem>> -> memref<2x128xi32, #tpu.memory_space<vmem>>
      %dma_start3A_243 = arith.constant 0 : i32
      %dma_start3A_244 = arith.constant 0 : i32
      %dma_start3A_245 = tpu.memref_slice %arg3[%add3A, %add3A_229, %dma_start3A_243, %dma_start3A_244] : memref<32x82x2x128xi32, #tpu.memory_space<hbm>> -> memref<1x1x2x128xi32, #tpu.memory_space<hbm>>
      %dma_start3A_246 = tpu.memref_squeeze %dma_start3A_245 : memref<1x1x2x128xi32, #tpu.memory_space<hbm>> -> memref<2x128xi32, #tpu.memory_space<hbm>>
      tpu.enqueue_dma source(%dma_start3A_246 : memref<2x128xi32, #tpu.memory_space<hbm>>) target(%dma_start3A_242 : memref<2x128xi32, #tpu.memory_space<vmem>>) target_semaphore(%arg10 : memref<!tpu.dma_semaphore, #tpu.memory_space<semaphore_mem>>)
    }
    %scan3A_72 = arith.constant 40 : i32
    %dma_wait3A_73 = arith.constant 0 : i32
    %dma_wait3A_74 = arith.constant 0 : i32
    %dma_wait3A_75 = arith.constant 0 : i32
    %dma_wait3A_76 = arith.constant 0 : i32
    %dma_wait3A_77 = arith.constant 0 : i32
    %dma_wait3A_78 = tpu.memref_slice %arg7[%dma_wait3A_75, %dma_wait3A_76, %dma_wait3A_77] : memref<2x128x128xf32, #tpu.memory_space<vmem>> -> memref<1x128x128xf32, #tpu.memory_space<vmem>>
    %dma_wait3A_79 = tpu.memref_squeeze %dma_wait3A_78 : memref<1x128x128xf32, #tpu.memory_space<vmem>> -> memref<128x128xf32, #tpu.memory_space<vmem>>
    %dma_wait3A_80 = arith.constant 0 : i32
    %dma_wait3A_81 = tpu.memref_slice %arg6[%dma_wait3A_73, %dma_wait3A_74, %dma_wait3A_80] : memref<2x2x128xi32, #tpu.memory_space<vmem>> -> memref<1x1x128xi32, #tpu.memory_space<vmem>>
    %dma_wait3A_82 = tpu.memref_squeeze %dma_wait3A_81 : memref<1x1x128xi32, #tpu.memory_space<vmem>> -> memref<128xi32, #tpu.memory_space<vmem>>
    %dma_wait3A_83 = arith.constant 0 : i32
    %dma_wait3A_84 = arith.constant 0 : i32
    %dma_wait3A_85 = tpu.memref_slice %arg2[%dma_wait3A_83, %dma_wait3A_84] : memref<10000x128xf32, #tpu.memory_space<hbm>> -> memref<10000x128xf32, #tpu.memory_space<hbm>>
    tpu.wait_indirect_dma semaphore(%arg11 : memref<!tpu.dma_semaphore, #tpu.memory_space<semaphore_mem>>) src(%dma_wait3A_85 : memref<10000x128xf32, #tpu.memory_space<hbm>>) dst(%dma_wait3A_79 : memref<128x128xf32, #tpu.memory_space<vmem>>)
    %dma_wait3A_86 = arith.constant 81 : i32
    %dma_wait3A_87 = arith.constant 1 : i32
    %dma_wait3A_88 = arith.constant 0 : i32
    %dma_wait3A_89 = arith.constant 0 : i32
    %dma_wait3A_90 = tpu.memref_slice %arg6[%dma_wait3A_87, %dma_wait3A_88, %dma_wait3A_89] : memref<2x2x128xi32, #tpu.memory_space<vmem>> -> memref<1x2x128xi32, #tpu.memory_space<vmem>>
    %dma_wait3A_91 = tpu.memref_squeeze %dma_wait3A_90 : memref<1x2x128xi32, #tpu.memory_space<vmem>> -> memref<2x128xi32, #tpu.memory_space<vmem>>
    %dma_wait3A_92 = arith.constant 0 : i32
    %dma_wait3A_93 = arith.constant 0 : i32
    %dma_wait3A_94 = tpu.memref_slice %arg3[%add3A, %dma_wait3A_86, %dma_wait3A_92, %dma_wait3A_93] : memref<32x82x2x128xi32, #tpu.memory_space<hbm>> -> memref<1x1x2x128xi32, #tpu.memory_space<hbm>>
    %dma_wait3A_95 = tpu.memref_squeeze %dma_wait3A_94 : memref<1x1x2x128xi32, #tpu.memory_space<hbm>> -> memref<2x128xi32, #tpu.memory_space<hbm>>
    %dma_wait3A_96 = arith.constant 0 : i32
    %dma_wait3A_97 = arith.constant 0 : i32
    %dma_wait3A_98 = tpu.memref_slice %arg6[%dma_wait3A_87, %dma_wait3A_96, %dma_wait3A_97] : memref<2x2x128xi32, #tpu.memory_space<vmem>> -> memref<1x2x128xi32, #tpu.memory_space<vmem>>
    %dma_wait3A_99 = tpu.memref_squeeze %dma_wait3A_98 : memref<1x2x128xi32, #tpu.memory_space<vmem>> -> memref<2x128xi32, #tpu.memory_space<vmem>>
    %dma_wait3A_100 = arith.constant 0 : i32
    %dma_wait3A_101 = arith.constant 0 : i32
    %dma_wait3A_102 = tpu.memref_slice %arg3[%add3A, %dma_wait3A_86, %dma_wait3A_100, %dma_wait3A_101] : memref<32x82x2x128xi32, #tpu.memory_space<hbm>> -> memref<1x1x2x128xi32, #tpu.memory_space<hbm>>
    %dma_wait3A_103 = tpu.memref_squeeze %dma_wait3A_102 : memref<1x1x2x128xi32, #tpu.memory_space<hbm>> -> memref<2x128xi32, #tpu.memory_space<hbm>>
    tpu.wait_dma2 semaphore(%arg10 : memref<!tpu.dma_semaphore, #tpu.memory_space<semaphore_mem>>) src(%dma_wait3A_103 : memref<2x128xi32, #tpu.memory_space<hbm>>) dst(%dma_wait3A_99 : memref<2x128xi32, #tpu.memory_space<vmem>>)
    %barrier3A_104 = arith.constant 0 : index
    tpu.barrier barrier_id(%barrier3A_104)
    %mul3A_105 = arith.constant 632 : i32
    %mul3A_106 = arith.muli %arg1, %mul3A_105 : i32
    %mul3A_107 = arith.constant 632 : i32
    %mul3A_108 = arith.muli %arg1, %mul3A_107 : i32
    "tpu.region"() ({
      %run_scoped3A = tpu.sem_alloc : memref<!tpu.dma_semaphore, #tpu.memory_space<semaphore_mem>>
      %dma_start3A_109 = arith.constant 0 : i32
      %dma_start3A_110 = tpu.memref_slice %arg5[%arg0, %mul3A_108, %dma_start3A_109] : memref<2x10112x128xf32, #tpu.memory_space<hbm>> -> memref<1x632x128xf32, #tpu.memory_space<hbm>>
      %dma_start3A_111 = tpu.memref_squeeze %dma_start3A_110 : memref<1x632x128xf32, #tpu.memory_space<hbm>> -> memref<632x128xf32, #tpu.memory_space<hbm>>
      %dma_start3A_112 = arith.constant 0 : i32
      %dma_start3A_113 = tpu.memref_slice %arg8[%mul3A_106, %dma_start3A_112] : memref<10112x128xf32, #tpu.memory_space<vmem_shared>> -> memref<632x128xf32, #tpu.memory_space<vmem_shared>>
      tpu.enqueue_dma source(%dma_start3A_113 : memref<632x128xf32, #tpu.memory_space<vmem_shared>>) target(%dma_start3A_111 : memref<632x128xf32, #tpu.memory_space<hbm>>) target_semaphore(%run_scoped3A : memref<!tpu.dma_semaphore, #tpu.memory_space<semaphore_mem>>)
      %dma_wait3A_114 = arith.constant 0 : i32
      %dma_wait3A_115 = tpu.memref_slice %arg5[%arg0, %mul3A_108, %dma_wait3A_114] : memref<2x10112x128xf32, #tpu.memory_space<hbm>> -> memref<1x632x128xf32, #tpu.memory_space<hbm>>
      %dma_wait3A_116 = tpu.memref_squeeze %dma_wait3A_115 : memref<1x632x128xf32, #tpu.memory_space<hbm>> -> memref<632x128xf32, #tpu.memory_space<hbm>>
      %dma_wait3A_117 = arith.constant 0 : i32
      %dma_wait3A_118 = tpu.memref_slice %arg8[%mul3A_106, %dma_wait3A_117] : memref<10112x128xf32, #tpu.memory_space<vmem_shared>> -> memref<632x128xf32, #tpu.memory_space<vmem_shared>>
      tpu.wait_dma2 semaphore(%run_scoped3A : memref<!tpu.dma_semaphore, #tpu.memory_space<semaphore_mem>>) src(%dma_wait3A_118 : memref<632x128xf32, #tpu.memory_space<vmem_shared>>) dst(%dma_wait3A_116 : memref<632x128xf32, #tpu.memory_space<hbm>>)
      tpu.yield
    }) : () -> ()
    return
  }
}

#map = affine_map<(d0, d1) -> (0, 0, 0)>
#map1 = affine_map<(d0, d1) -> (0, 0)>
module attributes {stable_mosaic.version = 14 : i64} {
  func.func @_sc_count_body(%arg0: i32, %arg1: i32, %arg2: memref<32x82x128xi32, #tpu.memory_space<hbm>>, %arg3: memref<128x128xf32, #tpu.memory_space<hbm>>, %arg4: memref<632x128xf32, #tpu.memory_space<hbm>>, %arg5: memref<2x10112x128xf32, #tpu.memory_space<hbm>>, %arg6: memref<2x128xi32, #tpu.memory_space<vmem>>, %arg7: memref<128x128xf32, #tpu.memory_space<vmem>>, %arg8: memref<10112x128xf32, #tpu.memory_space<vmem_shared>>, %arg9: memref<!tpu.dma_semaphore, #tpu.memory_space<semaphore_mem>>, %arg10: memref<!tpu.dma_semaphore, #tpu.memory_space<semaphore_mem>>) attributes {dimension_semantics = [#tpu.dimension_semantics<core_parallel>, #tpu.dimension_semantics<subcore_parallel>], iteration_bounds = array<i64: 2, 16>, scalar_prefetch = 0 : i64, scratch_operands = 5 : i64, tpu.core_type = #tpu.core_type<sc_vector_subcore>, window_params = [{transform_indices = #map}, {transform_indices = #map1}, {transform_indices = #map1}, {transform_indices = #map}]} {
    %mul3A = arith.constant 16 : i32
    %mul3A_0 = arith.muli %arg0, %mul3A : i32
    %add3A = arith.addi %mul3A_0, %arg1 : i32
    %dma_start3A = arith.constant 0 : i32
    %dma_start3A_1 = arith.constant 0 : i32
    %dma_start3A_2 = arith.constant 0 : i32
    %dma_start3A_3 = tpu.memref_slice %arg6[%dma_start3A_1, %dma_start3A_2] : memref<2x128xi32, #tpu.memory_space<vmem>> -> memref<1x128xi32, #tpu.memory_space<vmem>>
    %dma_start3A_4 = tpu.memref_squeeze %dma_start3A_3 : memref<1x128xi32, #tpu.memory_space<vmem>> -> memref<128xi32, #tpu.memory_space<vmem>>
    %dma_start3A_5 = arith.constant 0 : i32
    %dma_start3A_6 = tpu.memref_slice %arg2[%add3A, %dma_start3A, %dma_start3A_5] : memref<32x82x128xi32, #tpu.memory_space<hbm>> -> memref<1x1x128xi32, #tpu.memory_space<hbm>>
    %dma_start3A_7 = tpu.memref_squeeze %dma_start3A_6 : memref<1x1x128xi32, #tpu.memory_space<hbm>> -> memref<128xi32, #tpu.memory_space<hbm>>
    %dma_start3A_8 = arith.constant 0 : i32
    %dma_start3A_9 = tpu.memref_slice %arg6[%dma_start3A_1, %dma_start3A_8] : memref<2x128xi32, #tpu.memory_space<vmem>> -> memref<1x128xi32, #tpu.memory_space<vmem>>
    %dma_start3A_10 = tpu.memref_squeeze %dma_start3A_9 : memref<1x128xi32, #tpu.memory_space<vmem>> -> memref<128xi32, #tpu.memory_space<vmem>>
    %dma_start3A_11 = arith.constant 0 : i32
    %dma_start3A_12 = tpu.memref_slice %arg2[%add3A, %dma_start3A, %dma_start3A_11] : memref<32x82x128xi32, #tpu.memory_space<hbm>> -> memref<1x1x128xi32, #tpu.memory_space<hbm>>
    %dma_start3A_13 = tpu.memref_squeeze %dma_start3A_12 : memref<1x1x128xi32, #tpu.memory_space<hbm>> -> memref<128xi32, #tpu.memory_space<hbm>>
    tpu.enqueue_dma source(%dma_start3A_13 : memref<128xi32, #tpu.memory_space<hbm>>) target(%dma_start3A_10 : memref<128xi32, #tpu.memory_space<vmem>>) target_semaphore(%arg9 : memref<!tpu.dma_semaphore, #tpu.memory_space<semaphore_mem>>)
    %dma_start3A_14 = arith.constant 1 : i32
    %dma_start3A_15 = arith.constant 1 : i32
    %dma_start3A_16 = arith.constant 0 : i32
    %dma_start3A_17 = tpu.memref_slice %arg6[%dma_start3A_15, %dma_start3A_16] : memref<2x128xi32, #tpu.memory_space<vmem>> -> memref<1x128xi32, #tpu.memory_space<vmem>>
    %dma_start3A_18 = tpu.memref_squeeze %dma_start3A_17 : memref<1x128xi32, #tpu.memory_space<vmem>> -> memref<128xi32, #tpu.memory_space<vmem>>
    %dma_start3A_19 = arith.constant 0 : i32
    %dma_start3A_20 = tpu.memref_slice %arg2[%add3A, %dma_start3A_14, %dma_start3A_19] : memref<32x82x128xi32, #tpu.memory_space<hbm>> -> memref<1x1x128xi32, #tpu.memory_space<hbm>>
    %dma_start3A_21 = tpu.memref_squeeze %dma_start3A_20 : memref<1x1x128xi32, #tpu.memory_space<hbm>> -> memref<128xi32, #tpu.memory_space<hbm>>
    %dma_start3A_22 = arith.constant 0 : i32
    %dma_start3A_23 = tpu.memref_slice %arg6[%dma_start3A_15, %dma_start3A_22] : memref<2x128xi32, #tpu.memory_space<vmem>> -> memref<1x128xi32, #tpu.memory_space<vmem>>
    %dma_start3A_24 = tpu.memref_squeeze %dma_start3A_23 : memref<1x128xi32, #tpu.memory_space<vmem>> -> memref<128xi32, #tpu.memory_space<vmem>>
    %dma_start3A_25 = arith.constant 0 : i32
    %dma_start3A_26 = tpu.memref_slice %arg2[%add3A, %dma_start3A_14, %dma_start3A_25] : memref<32x82x128xi32, #tpu.memory_space<hbm>> -> memref<1x1x128xi32, #tpu.memory_space<hbm>>
    %dma_start3A_27 = tpu.memref_squeeze %dma_start3A_26 : memref<1x1x128xi32, #tpu.memory_space<hbm>> -> memref<128xi32, #tpu.memory_space<hbm>>
    tpu.enqueue_dma source(%dma_start3A_27 : memref<128xi32, #tpu.memory_space<hbm>>) target(%dma_start3A_24 : memref<128xi32, #tpu.memory_space<vmem>>) target_semaphore(%arg10 : memref<!tpu.dma_semaphore, #tpu.memory_space<semaphore_mem>>)
    "tpu.region"() ({
      %run_scoped3A = tpu.sem_alloc : memref<!tpu.dma_semaphore, #tpu.memory_space<semaphore_mem>>
      tpu.enqueue_dma source(%arg3 : memref<128x128xf32, #tpu.memory_space<hbm>>) target(%arg7 : memref<128x128xf32, #tpu.memory_space<vmem>>) target_semaphore(%run_scoped3A : memref<!tpu.dma_semaphore, #tpu.memory_space<semaphore_mem>>)
      tpu.wait_dma2 semaphore(%run_scoped3A : memref<!tpu.dma_semaphore, #tpu.memory_space<semaphore_mem>>) src(%arg3 : memref<128x128xf32, #tpu.memory_space<hbm>>) dst(%arg7 : memref<128x128xf32, #tpu.memory_space<vmem>>)
      tpu.yield
    }) : () -> ()
    %mul3A_28 = arith.constant 632 : i32
    %mul3A_29 = arith.muli %arg1, %mul3A_28 : i32
    "tpu.region"() ({
      %run_scoped3A = tpu.sem_alloc : memref<!tpu.dma_semaphore, #tpu.memory_space<semaphore_mem>>
      %dma_start3A_67 = arith.constant 0 : i32
      %dma_start3A_68 = tpu.memref_slice %arg8[%mul3A_29, %dma_start3A_67] : memref<10112x128xf32, #tpu.memory_space<vmem_shared>> -> memref<632x128xf32, #tpu.memory_space<vmem_shared>>
      tpu.enqueue_dma source(%arg4 : memref<632x128xf32, #tpu.memory_space<hbm>>) target(%dma_start3A_68 : memref<632x128xf32, #tpu.memory_space<vmem_shared>>) target_semaphore(%run_scoped3A : memref<!tpu.dma_semaphore, #tpu.memory_space<semaphore_mem>>)
      %dma_wait3A_69 = arith.constant 0 : i32
      %dma_wait3A_70 = tpu.memref_slice %arg8[%mul3A_29, %dma_wait3A_69] : memref<10112x128xf32, #tpu.memory_space<vmem_shared>> -> memref<632x128xf32, #tpu.memory_space<vmem_shared>>
      tpu.wait_dma2 semaphore(%run_scoped3A : memref<!tpu.dma_semaphore, #tpu.memory_space<semaphore_mem>>) src(%arg4 : memref<632x128xf32, #tpu.memory_space<hbm>>) dst(%dma_wait3A_70 : memref<632x128xf32, #tpu.memory_space<vmem_shared>>)
      tpu.yield
    }) : () -> ()
    %barrier3A = arith.constant 0 : index
    tpu.barrier barrier_id(%barrier3A)
    %scan3A = arith.constant 0 : i32
    %scan3A_30 = arith.constant 0 : i32
    %scan3A_31 = arith.constant 40 : i32
    %scan3A_32 = arith.addi %scan3A_30, %scan3A_31 : i32
    %scan3A_33 = arith.constant 1 : i32
    scf.for %scan3A_67 = %scan3A_30 to %scan3A_32 step %scan3A_33  : i32 {
      %mul3A_68 = arith.constant 2 : i32
      %mul3A_69 = arith.muli %mul3A_68, %scan3A_67 : i32
      %dma_wait3A_70 = arith.constant 0 : i32
      %dma_wait3A_71 = arith.constant 0 : i32
      %dma_wait3A_72 = tpu.memref_slice %arg6[%dma_wait3A_70, %dma_wait3A_71] : memref<2x128xi32, #tpu.memory_space<vmem>> -> memref<1x128xi32, #tpu.memory_space<vmem>>
      %dma_wait3A_73 = tpu.memref_squeeze %dma_wait3A_72 : memref<1x128xi32, #tpu.memory_space<vmem>> -> memref<128xi32, #tpu.memory_space<vmem>>
      %dma_wait3A_74 = arith.constant 0 : i32
      %dma_wait3A_75 = tpu.memref_slice %arg2[%add3A, %mul3A_69, %dma_wait3A_74] : memref<32x82x128xi32, #tpu.memory_space<hbm>> -> memref<1x1x128xi32, #tpu.memory_space<hbm>>
      %dma_wait3A_76 = tpu.memref_squeeze %dma_wait3A_75 : memref<1x1x128xi32, #tpu.memory_space<hbm>> -> memref<128xi32, #tpu.memory_space<hbm>>
      %dma_wait3A_77 = arith.constant 0 : i32
      %dma_wait3A_78 = tpu.memref_slice %arg6[%dma_wait3A_70, %dma_wait3A_77] : memref<2x128xi32, #tpu.memory_space<vmem>> -> memref<1x128xi32, #tpu.memory_space<vmem>>
      %dma_wait3A_79 = tpu.memref_squeeze %dma_wait3A_78 : memref<1x128xi32, #tpu.memory_space<vmem>> -> memref<128xi32, #tpu.memory_space<vmem>>
      %dma_wait3A_80 = arith.constant 0 : i32
      %dma_wait3A_81 = tpu.memref_slice %arg2[%add3A, %mul3A_69, %dma_wait3A_80] : memref<32x82x128xi32, #tpu.memory_space<hbm>> -> memref<1x1x128xi32, #tpu.memory_space<hbm>>
      %dma_wait3A_82 = tpu.memref_squeeze %dma_wait3A_81 : memref<1x1x128xi32, #tpu.memory_space<hbm>> -> memref<128xi32, #tpu.memory_space<hbm>>
      tpu.wait_dma2 semaphore(%arg9 : memref<!tpu.dma_semaphore, #tpu.memory_space<semaphore_mem>>) src(%dma_wait3A_82 : memref<128xi32, #tpu.memory_space<hbm>>) dst(%dma_wait3A_79 : memref<128xi32, #tpu.memory_space<vmem>>)
      %run_scoped3A = arith.constant 0 : i32
      "tpu.region"() ({
        %run_scoped3A_129 = tpu.sem_alloc : memref<!tpu.dma_semaphore, #tpu.memory_space<semaphore_mem>>
        %dma_start3A_130 = arith.constant 0 : i32
        %dma_start3A_131 = tpu.memref_slice %arg6[%run_scoped3A, %dma_start3A_130] : memref<2x128xi32, #tpu.memory_space<vmem>> -> memref<1x128xi32, #tpu.memory_space<vmem>>
        %dma_start3A_132 = tpu.memref_squeeze %dma_start3A_131 : memref<1x128xi32, #tpu.memory_space<vmem>> -> memref<128xi32, #tpu.memory_space<vmem>>
        %dma_start3A_133 = arith.constant 0 : i32
        %dma_start3A_134 = arith.constant 0 : i32
        %dma_start3A_135 = tpu.memref_slice %arg8[%dma_start3A_133, %dma_start3A_134] : memref<10112x128xf32, #tpu.memory_space<vmem_shared>> -> memref<10112x128xf32, #tpu.memory_space<vmem_shared>>
        tpu.enqueue_indirect_dma source(%arg7 : memref<128x128xf32, #tpu.memory_space<vmem>>) target(%dma_start3A_135 : memref<10112x128xf32, #tpu.memory_space<vmem_shared>>) offsets(%dma_start3A_132 : memref<128xi32, #tpu.memory_space<vmem>>) semaphore(%run_scoped3A_129 : memref<!tpu.dma_semaphore, #tpu.memory_space<semaphore_mem>>) {add = true}
        %dma_wait3A_136 = arith.constant 0 : i32
        %dma_wait3A_137 = tpu.memref_slice %arg6[%run_scoped3A, %dma_wait3A_136] : memref<2x128xi32, #tpu.memory_space<vmem>> -> memref<1x128xi32, #tpu.memory_space<vmem>>
        %dma_wait3A_138 = tpu.memref_squeeze %dma_wait3A_137 : memref<1x128xi32, #tpu.memory_space<vmem>> -> memref<128xi32, #tpu.memory_space<vmem>>
        %dma_wait3A_139 = arith.constant 0 : i32
        %dma_wait3A_140 = arith.constant 0 : i32
        %dma_wait3A_141 = tpu.memref_slice %arg8[%dma_wait3A_139, %dma_wait3A_140] : memref<10112x128xf32, #tpu.memory_space<vmem_shared>> -> memref<10112x128xf32, #tpu.memory_space<vmem_shared>>
        tpu.wait_indirect_dma semaphore(%run_scoped3A_129 : memref<!tpu.dma_semaphore, #tpu.memory_space<semaphore_mem>>) src(%arg7 : memref<128x128xf32, #tpu.memory_space<vmem>>) dst(%dma_wait3A_141 : memref<10112x128xf32, #tpu.memory_space<vmem_shared>>)
        tpu.yield
      }) : () -> ()
      %add3A_83 = arith.constant 2 : i32
      %add3A_84 = arith.addi %mul3A_69, %add3A_83 : i32
      %dma_start3A_85 = arith.constant 0 : i32
      %dma_start3A_86 = arith.constant 0 : i32
      %dma_start3A_87 = tpu.memref_slice %arg6[%dma_start3A_85, %dma_start3A_86] : memref<2x128xi32, #tpu.memory_space<vmem>> -> memref<1x128xi32, #tpu.memory_space<vmem>>
      %dma_start3A_88 = tpu.memref_squeeze %dma_start3A_87 : memref<1x128xi32, #tpu.memory_space<vmem>> -> memref<128xi32, #tpu.memory_space<vmem>>
      %dma_start3A_89 = arith.constant 0 : i32
      %dma_start3A_90 = tpu.memref_slice %arg2[%add3A, %add3A_84, %dma_start3A_89] : memref<32x82x128xi32, #tpu.memory_space<hbm>> -> memref<1x1x128xi32, #tpu.memory_space<hbm>>
      %dma_start3A_91 = tpu.memref_squeeze %dma_start3A_90 : memref<1x1x128xi32, #tpu.memory_space<hbm>> -> memref<128xi32, #tpu.memory_space<hbm>>
      %dma_start3A_92 = arith.constant 0 : i32
      %dma_start3A_93 = tpu.memref_slice %arg6[%dma_start3A_85, %dma_start3A_92] : memref<2x128xi32, #tpu.memory_space<vmem>> -> memref<1x128xi32, #tpu.memory_space<vmem>>
      %dma_start3A_94 = tpu.memref_squeeze %dma_start3A_93 : memref<1x128xi32, #tpu.memory_space<vmem>> -> memref<128xi32, #tpu.memory_space<vmem>>
      %dma_start3A_95 = arith.constant 0 : i32
      %dma_start3A_96 = tpu.memref_slice %arg2[%add3A, %add3A_84, %dma_start3A_95] : memref<32x82x128xi32, #tpu.memory_space<hbm>> -> memref<1x1x128xi32, #tpu.memory_space<hbm>>
      %dma_start3A_97 = tpu.memref_squeeze %dma_start3A_96 : memref<1x1x128xi32, #tpu.memory_space<hbm>> -> memref<128xi32, #tpu.memory_space<hbm>>
      tpu.enqueue_dma source(%dma_start3A_97 : memref<128xi32, #tpu.memory_space<hbm>>) target(%dma_start3A_94 : memref<128xi32, #tpu.memory_space<vmem>>) target_semaphore(%arg9 : memref<!tpu.dma_semaphore, #tpu.memory_space<semaphore_mem>>)
      %add3A_98 = arith.constant 1 : i32
      %add3A_99 = arith.addi %mul3A_69, %add3A_98 : i32
      %dma_wait3A_100 = arith.constant 1 : i32
      %dma_wait3A_101 = arith.constant 0 : i32
      %dma_wait3A_102 = tpu.memref_slice %arg6[%dma_wait3A_100, %dma_wait3A_101] : memref<2x128xi32, #tpu.memory_space<vmem>> -> memref<1x128xi32, #tpu.memory_space<vmem>>
      %dma_wait3A_103 = tpu.memref_squeeze %dma_wait3A_102 : memref<1x128xi32, #tpu.memory_space<vmem>> -> memref<128xi32, #tpu.memory_space<vmem>>
      %dma_wait3A_104 = arith.constant 0 : i32
      %dma_wait3A_105 = tpu.memref_slice %arg2[%add3A, %add3A_99, %dma_wait3A_104] : memref<32x82x128xi32, #tpu.memory_space<hbm>> -> memref<1x1x128xi32, #tpu.memory_space<hbm>>
      %dma_wait3A_106 = tpu.memref_squeeze %dma_wait3A_105 : memref<1x1x128xi32, #tpu.memory_space<hbm>> -> memref<128xi32, #tpu.memory_space<hbm>>
      %dma_wait3A_107 = arith.constant 0 : i32
      %dma_wait3A_108 = tpu.memref_slice %arg6[%dma_wait3A_100, %dma_wait3A_107] : memref<2x128xi32, #tpu.memory_space<vmem>> -> memref<1x128xi32, #tpu.memory_space<vmem>>
      %dma_wait3A_109 = tpu.memref_squeeze %dma_wait3A_108 : memref<1x128xi32, #tpu.memory_space<vmem>> -> memref<128xi32, #tpu.memory_space<vmem>>
      %dma_wait3A_110 = arith.constant 0 : i32
      %dma_wait3A_111 = tpu.memref_slice %arg2[%add3A, %add3A_99, %dma_wait3A_110] : memref<32x82x128xi32, #tpu.memory_space<hbm>> -> memref<1x1x128xi32, #tpu.memory_space<hbm>>
      %dma_wait3A_112 = tpu.memref_squeeze %dma_wait3A_111 : memref<1x1x128xi32, #tpu.memory_space<hbm>> -> memref<128xi32, #tpu.memory_space<hbm>>
      tpu.wait_dma2 semaphore(%arg10 : memref<!tpu.dma_semaphore, #tpu.memory_space<semaphore_mem>>) src(%dma_wait3A_112 : memref<128xi32, #tpu.memory_space<hbm>>) dst(%dma_wait3A_109 : memref<128xi32, #tpu.memory_space<vmem>>)
      %run_scoped3A_113 = arith.constant 1 : i32
      "tpu.region"() ({
        %run_scoped3A_129 = tpu.sem_alloc : memref<!tpu.dma_semaphore, #tpu.memory_space<semaphore_mem>>
        %dma_start3A_130 = arith.constant 0 : i32
        %dma_start3A_131 = tpu.memref_slice %arg6[%run_scoped3A_113, %dma_start3A_130] : memref<2x128xi32, #tpu.memory_space<vmem>> -> memref<1x128xi32, #tpu.memory_space<vmem>>
        %dma_start3A_132 = tpu.memref_squeeze %dma_start3A_131 : memref<1x128xi32, #tpu.memory_space<vmem>> -> memref<128xi32, #tpu.memory_space<vmem>>
        %dma_start3A_133 = arith.constant 0 : i32
        %dma_start3A_134 = arith.constant 0 : i32
        %dma_start3A_135 = tpu.memref_slice %arg8[%dma_start3A_133, %dma_start3A_134] : memref<10112x128xf32, #tpu.memory_space<vmem_shared>> -> memref<10112x128xf32, #tpu.memory_space<vmem_shared>>
        tpu.enqueue_indirect_dma source(%arg7 : memref<128x128xf32, #tpu.memory_space<vmem>>) target(%dma_start3A_135 : memref<10112x128xf32, #tpu.memory_space<vmem_shared>>) offsets(%dma_start3A_132 : memref<128xi32, #tpu.memory_space<vmem>>) semaphore(%run_scoped3A_129 : memref<!tpu.dma_semaphore, #tpu.memory_space<semaphore_mem>>) {add = true}
        %dma_wait3A_136 = arith.constant 0 : i32
        %dma_wait3A_137 = tpu.memref_slice %arg6[%run_scoped3A_113, %dma_wait3A_136] : memref<2x128xi32, #tpu.memory_space<vmem>> -> memref<1x128xi32, #tpu.memory_space<vmem>>
        %dma_wait3A_138 = tpu.memref_squeeze %dma_wait3A_137 : memref<1x128xi32, #tpu.memory_space<vmem>> -> memref<128xi32, #tpu.memory_space<vmem>>
        %dma_wait3A_139 = arith.constant 0 : i32
        %dma_wait3A_140 = arith.constant 0 : i32
        %dma_wait3A_141 = tpu.memref_slice %arg8[%dma_wait3A_139, %dma_wait3A_140] : memref<10112x128xf32, #tpu.memory_space<vmem_shared>> -> memref<10112x128xf32, #tpu.memory_space<vmem_shared>>
        tpu.wait_indirect_dma semaphore(%run_scoped3A_129 : memref<!tpu.dma_semaphore, #tpu.memory_space<semaphore_mem>>) src(%arg7 : memref<128x128xf32, #tpu.memory_space<vmem>>) dst(%dma_wait3A_141 : memref<10112x128xf32, #tpu.memory_space<vmem_shared>>)
        tpu.yield
      }) : () -> ()
      %add3A_114 = arith.constant 2 : i32
      %add3A_115 = arith.addi %add3A_99, %add3A_114 : i32
      %dma_start3A_116 = arith.constant 1 : i32
      %dma_start3A_117 = arith.constant 0 : i32
      %dma_start3A_118 = tpu.memref_slice %arg6[%dma_start3A_116, %dma_start3A_117] : memref<2x128xi32, #tpu.memory_space<vmem>> -> memref<1x128xi32, #tpu.memory_space<vmem>>
      %dma_start3A_119 = tpu.memref_squeeze %dma_start3A_118 : memref<1x128xi32, #tpu.memory_space<vmem>> -> memref<128xi32, #tpu.memory_space<vmem>>
      %dma_start3A_120 = arith.constant 0 : i32
      %dma_start3A_121 = tpu.memref_slice %arg2[%add3A, %add3A_115, %dma_start3A_120] : memref<32x82x128xi32, #tpu.memory_space<hbm>> -> memref<1x1x128xi32, #tpu.memory_space<hbm>>
      %dma_start3A_122 = tpu.memref_squeeze %dma_start3A_121 : memref<1x1x128xi32, #tpu.memory_space<hbm>> -> memref<128xi32, #tpu.memory_space<hbm>>
      %dma_start3A_123 = arith.constant 0 : i32
      %dma_start3A_124 = tpu.memref_slice %arg6[%dma_start3A_116, %dma_start3A_123] : memref<2x128xi32, #tpu.memory_space<vmem>> -> memref<1x128xi32, #tpu.memory_space<vmem>>
      %dma_start3A_125 = tpu.memref_squeeze %dma_start3A_124 : memref<1x128xi32, #tpu.memory_space<vmem>> -> memref<128xi32, #tpu.memory_space<vmem>>
      %dma_start3A_126 = arith.constant 0 : i32
      %dma_start3A_127 = tpu.memref_slice %arg2[%add3A, %add3A_115, %dma_start3A_126] : memref<32x82x128xi32, #tpu.memory_space<hbm>> -> memref<1x1x128xi32, #tpu.memory_space<hbm>>
      %dma_start3A_128 = tpu.memref_squeeze %dma_start3A_127 : memref<1x1x128xi32, #tpu.memory_space<hbm>> -> memref<128xi32, #tpu.memory_space<hbm>>
      tpu.enqueue_dma source(%dma_start3A_128 : memref<128xi32, #tpu.memory_space<hbm>>) target(%dma_start3A_125 : memref<128xi32, #tpu.memory_space<vmem>>) target_semaphore(%arg10 : memref<!tpu.dma_semaphore, #tpu.memory_space<semaphore_mem>>)
    }
    %scan3A_34 = arith.constant 40 : i32
    %dma_wait3A = arith.constant 80 : i32
    %dma_wait3A_35 = arith.constant 0 : i32
    %dma_wait3A_36 = arith.constant 0 : i32
    %dma_wait3A_37 = tpu.memref_slice %arg6[%dma_wait3A_35, %dma_wait3A_36] : memref<2x128xi32, #tpu.memory_space<vmem>> -> memref<1x128xi32, #tpu.memory_space<vmem>>
    %dma_wait3A_38 = tpu.memref_squeeze %dma_wait3A_37 : memref<1x128xi32, #tpu.memory_space<vmem>> -> memref<128xi32, #tpu.memory_space<vmem>>
    %dma_wait3A_39 = arith.constant 0 : i32
    %dma_wait3A_40 = tpu.memref_slice %arg2[%add3A, %dma_wait3A, %dma_wait3A_39] : memref<32x82x128xi32, #tpu.memory_space<hbm>> -> memref<1x1x128xi32, #tpu.memory_space<hbm>>
    %dma_wait3A_41 = tpu.memref_squeeze %dma_wait3A_40 : memref<1x1x128xi32, #tpu.memory_space<hbm>> -> memref<128xi32, #tpu.memory_space<hbm>>
    %dma_wait3A_42 = arith.constant 0 : i32
    %dma_wait3A_43 = tpu.memref_slice %arg6[%dma_wait3A_35, %dma_wait3A_42] : memref<2x128xi32, #tpu.memory_space<vmem>> -> memref<1x128xi32, #tpu.memory_space<vmem>>
    %dma_wait3A_44 = tpu.memref_squeeze %dma_wait3A_43 : memref<1x128xi32, #tpu.memory_space<vmem>> -> memref<128xi32, #tpu.memory_space<vmem>>
    %dma_wait3A_45 = arith.constant 0 : i32
    %dma_wait3A_46 = tpu.memref_slice %arg2[%add3A, %dma_wait3A, %dma_wait3A_45] : memref<32x82x128xi32, #tpu.memory_space<hbm>> -> memref<1x1x128xi32, #tpu.memory_space<hbm>>
    %dma_wait3A_47 = tpu.memref_squeeze %dma_wait3A_46 : memref<1x1x128xi32, #tpu.memory_space<hbm>> -> memref<128xi32, #tpu.memory_space<hbm>>
    tpu.wait_dma2 semaphore(%arg9 : memref<!tpu.dma_semaphore, #tpu.memory_space<semaphore_mem>>) src(%dma_wait3A_47 : memref<128xi32, #tpu.memory_space<hbm>>) dst(%dma_wait3A_44 : memref<128xi32, #tpu.memory_space<vmem>>)
    %dma_wait3A_48 = arith.constant 81 : i32
    %dma_wait3A_49 = arith.constant 1 : i32
    %dma_wait3A_50 = arith.constant 0 : i32
    %dma_wait3A_51 = tpu.memref_slice %arg6[%dma_wait3A_49, %dma_wait3A_50] : memref<2x128xi32, #tpu.memory_space<vmem>> -> memref<1x128xi32, #tpu.memory_space<vmem>>
    %dma_wait3A_52 = tpu.memref_squeeze %dma_wait3A_51 : memref<1x128xi32, #tpu.memory_space<vmem>> -> memref<128xi32, #tpu.memory_space<vmem>>
    %dma_wait3A_53 = arith.constant 0 : i32
    %dma_wait3A_54 = tpu.memref_slice %arg2[%add3A, %dma_wait3A_48, %dma_wait3A_53] : memref<32x82x128xi32, #tpu.memory_space<hbm>> -> memref<1x1x128xi32, #tpu.memory_space<hbm>>
    %dma_wait3A_55 = tpu.memref_squeeze %dma_wait3A_54 : memref<1x1x128xi32, #tpu.memory_space<hbm>> -> memref<128xi32, #tpu.memory_space<hbm>>
    %dma_wait3A_56 = arith.constant 0 : i32
    %dma_wait3A_57 = tpu.memref_slice %arg6[%dma_wait3A_49, %dma_wait3A_56] : memref<2x128xi32, #tpu.memory_space<vmem>> -> memref<1x128xi32, #tpu.memory_space<vmem>>
    %dma_wait3A_58 = tpu.memref_squeeze %dma_wait3A_57 : memref<1x128xi32, #tpu.memory_space<vmem>> -> memref<128xi32, #tpu.memory_space<vmem>>
    %dma_wait3A_59 = arith.constant 0 : i32
    %dma_wait3A_60 = tpu.memref_slice %arg2[%add3A, %dma_wait3A_48, %dma_wait3A_59] : memref<32x82x128xi32, #tpu.memory_space<hbm>> -> memref<1x1x128xi32, #tpu.memory_space<hbm>>
    %dma_wait3A_61 = tpu.memref_squeeze %dma_wait3A_60 : memref<1x1x128xi32, #tpu.memory_space<hbm>> -> memref<128xi32, #tpu.memory_space<hbm>>
    tpu.wait_dma2 semaphore(%arg10 : memref<!tpu.dma_semaphore, #tpu.memory_space<semaphore_mem>>) src(%dma_wait3A_61 : memref<128xi32, #tpu.memory_space<hbm>>) dst(%dma_wait3A_58 : memref<128xi32, #tpu.memory_space<vmem>>)
    %barrier3A_62 = arith.constant 0 : index
    tpu.barrier barrier_id(%barrier3A_62)
    %mul3A_63 = arith.constant 632 : i32
    %mul3A_64 = arith.muli %arg1, %mul3A_63 : i32
    %mul3A_65 = arith.constant 632 : i32
    %mul3A_66 = arith.muli %arg1, %mul3A_65 : i32
    "tpu.region"() ({
      %run_scoped3A = tpu.sem_alloc : memref<!tpu.dma_semaphore, #tpu.memory_space<semaphore_mem>>
      %dma_start3A_67 = arith.constant 0 : i32
      %dma_start3A_68 = tpu.memref_slice %arg5[%arg0, %mul3A_66, %dma_start3A_67] : memref<2x10112x128xf32, #tpu.memory_space<hbm>> -> memref<1x632x128xf32, #tpu.memory_space<hbm>>
      %dma_start3A_69 = tpu.memref_squeeze %dma_start3A_68 : memref<1x632x128xf32, #tpu.memory_space<hbm>> -> memref<632x128xf32, #tpu.memory_space<hbm>>
      %dma_start3A_70 = arith.constant 0 : i32
      %dma_start3A_71 = tpu.memref_slice %arg8[%mul3A_64, %dma_start3A_70] : memref<10112x128xf32, #tpu.memory_space<vmem_shared>> -> memref<632x128xf32, #tpu.memory_space<vmem_shared>>
      tpu.enqueue_dma source(%dma_start3A_71 : memref<632x128xf32, #tpu.memory_space<vmem_shared>>) target(%dma_start3A_69 : memref<632x128xf32, #tpu.memory_space<hbm>>) target_semaphore(%run_scoped3A : memref<!tpu.dma_semaphore, #tpu.memory_space<semaphore_mem>>)
      %dma_wait3A_72 = arith.constant 0 : i32
      %dma_wait3A_73 = tpu.memref_slice %arg5[%arg0, %mul3A_66, %dma_wait3A_72] : memref<2x10112x128xf32, #tpu.memory_space<hbm>> -> memref<1x632x128xf32, #tpu.memory_space<hbm>>
      %dma_wait3A_74 = tpu.memref_squeeze %dma_wait3A_73 : memref<1x632x128xf32, #tpu.memory_space<hbm>> -> memref<632x128xf32, #tpu.memory_space<hbm>>
      %dma_wait3A_75 = arith.constant 0 : i32
      %dma_wait3A_76 = tpu.memref_slice %arg8[%mul3A_64, %dma_wait3A_75] : memref<10112x128xf32, #tpu.memory_space<vmem_shared>> -> memref<632x128xf32, #tpu.memory_space<vmem_shared>>
      tpu.wait_dma2 semaphore(%run_scoped3A : memref<!tpu.dma_semaphore, #tpu.memory_space<semaphore_mem>>) src(%dma_wait3A_76 : memref<632x128xf32, #tpu.memory_space<vmem_shared>>) dst(%dma_wait3A_74 : memref<632x128xf32, #tpu.memory_space<hbm>>)
      tpu.yield
    }) : () -> ()
    return
  }
}

#map = affine_map<(d0, d1) -> (0, 0)>
#map1 = affine_map<(d0, d1) -> (0, 0, 0, 0)>
#map2 = affine_map<(d0, d1) -> (0, 0, 0)>
module attributes {stable_mosaic.version = 14 : i64} {
  func.func @_sc_agg_body(%arg0: i32, %arg1: i32, %arg2: memref<10000x128xf32, #tpu.memory_space<hbm>>, %arg3: memref<32x82x2x128xi32, #tpu.memory_space<hbm>>, %arg4: memref<632x128xf32, #tpu.memory_space<hbm>>, %arg5: memref<2x10112x128xf32, #tpu.memory_space<hbm>>, %arg6: memref<2x2x128xi32, #tpu.memory_space<vmem>>, %arg7: memref<2x128x128xf32, #tpu.memory_space<vmem>>, %arg8: memref<10112x128xf32, #tpu.memory_space<vmem_shared>>, %arg9: memref<!tpu.dma_semaphore, #tpu.memory_space<semaphore_mem>>, %arg10: memref<!tpu.dma_semaphore, #tpu.memory_space<semaphore_mem>>, %arg11: memref<!tpu.dma_semaphore, #tpu.memory_space<semaphore_mem>>, %arg12: memref<!tpu.dma_semaphore, #tpu.memory_space<semaphore_mem>>) attributes {dimension_semantics = [#tpu.dimension_semantics<core_parallel>, #tpu.dimension_semantics<subcore_parallel>], iteration_bounds = array<i64: 2, 16>, scalar_prefetch = 0 : i64, scratch_operands = 7 : i64, tpu.core_type = #tpu.core_type<sc_vector_subcore>, window_params = [{transform_indices = #map}, {transform_indices = #map1}, {transform_indices = #map}, {transform_indices = #map2}]} {
    %mul3A = arith.constant 16 : i32
    %mul3A_0 = arith.muli %arg0, %mul3A : i32
    %add3A = arith.addi %mul3A_0, %arg1 : i32
    %dma_start3A = arith.constant 0 : i32
    %dma_start3A_1 = arith.constant 0 : i32
    %dma_start3A_2 = arith.constant 0 : i32
    %dma_start3A_3 = arith.constant 0 : i32
    %dma_start3A_4 = tpu.memref_slice %arg6[%dma_start3A_1, %dma_start3A_2, %dma_start3A_3] : memref<2x2x128xi32, #tpu.memory_space<vmem>> -> memref<1x2x128xi32, #tpu.memory_space<vmem>>
    %dma_start3A_5 = tpu.memref_squeeze %dma_start3A_4 : memref<1x2x128xi32, #tpu.memory_space<vmem>> -> memref<2x128xi32, #tpu.memory_space<vmem>>
    %dma_start3A_6 = arith.constant 0 : i32
    %dma_start3A_7 = arith.constant 0 : i32
    %dma_start3A_8 = tpu.memref_slice %arg3[%add3A, %dma_start3A, %dma_start3A_6, %dma_start3A_7] : memref<32x82x2x128xi32, #tpu.memory_space<hbm>> -> memref<1x1x2x128xi32, #tpu.memory_space<hbm>>
    %dma_start3A_9 = tpu.memref_squeeze %dma_start3A_8 : memref<1x1x2x128xi32, #tpu.memory_space<hbm>> -> memref<2x128xi32, #tpu.memory_space<hbm>>
    %dma_start3A_10 = arith.constant 0 : i32
    %dma_start3A_11 = arith.constant 0 : i32
    %dma_start3A_12 = tpu.memref_slice %arg6[%dma_start3A_1, %dma_start3A_10, %dma_start3A_11] : memref<2x2x128xi32, #tpu.memory_space<vmem>> -> memref<1x2x128xi32, #tpu.memory_space<vmem>>
    %dma_start3A_13 = tpu.memref_squeeze %dma_start3A_12 : memref<1x2x128xi32, #tpu.memory_space<vmem>> -> memref<2x128xi32, #tpu.memory_space<vmem>>
    %dma_start3A_14 = arith.constant 0 : i32
    %dma_start3A_15 = arith.constant 0 : i32
    %dma_start3A_16 = tpu.memref_slice %arg3[%add3A, %dma_start3A, %dma_start3A_14, %dma_start3A_15] : memref<32x82x2x128xi32, #tpu.memory_space<hbm>> -> memref<1x1x2x128xi32, #tpu.memory_space<hbm>>
    %dma_start3A_17 = tpu.memref_squeeze %dma_start3A_16 : memref<1x1x2x128xi32, #tpu.memory_space<hbm>> -> memref<2x128xi32, #tpu.memory_space<hbm>>
    tpu.enqueue_dma source(%dma_start3A_17 : memref<2x128xi32, #tpu.memory_space<hbm>>) target(%dma_start3A_13 : memref<2x128xi32, #tpu.memory_space<vmem>>) target_semaphore(%arg9 : memref<!tpu.dma_semaphore, #tpu.memory_space<semaphore_mem>>)
    %dma_start3A_18 = arith.constant 1 : i32
    %dma_start3A_19 = arith.constant 1 : i32
    %dma_start3A_20 = arith.constant 0 : i32
    %dma_start3A_21 = arith.constant 0 : i32
    %dma_start3A_22 = tpu.memref_slice %arg6[%dma_start3A_19, %dma_start3A_20, %dma_start3A_21] : memref<2x2x128xi32, #tpu.memory_space<vmem>> -> memref<1x2x128xi32, #tpu.memory_space<vmem>>
    %dma_start3A_23 = tpu.memref_squeeze %dma_start3A_22 : memref<1x2x128xi32, #tpu.memory_space<vmem>> -> memref<2x128xi32, #tpu.memory_space<vmem>>
    %dma_start3A_24 = arith.constant 0 : i32
    %dma_start3A_25 = arith.constant 0 : i32
    %dma_start3A_26 = tpu.memref_slice %arg3[%add3A, %dma_start3A_18, %dma_start3A_24, %dma_start3A_25] : memref<32x82x2x128xi32, #tpu.memory_space<hbm>> -> memref<1x1x2x128xi32, #tpu.memory_space<hbm>>
    %dma_start3A_27 = tpu.memref_squeeze %dma_start3A_26 : memref<1x1x2x128xi32, #tpu.memory_space<hbm>> -> memref<2x128xi32, #tpu.memory_space<hbm>>
    %dma_start3A_28 = arith.constant 0 : i32
    %dma_start3A_29 = arith.constant 0 : i32
    %dma_start3A_30 = tpu.memref_slice %arg6[%dma_start3A_19, %dma_start3A_28, %dma_start3A_29] : memref<2x2x128xi32, #tpu.memory_space<vmem>> -> memref<1x2x128xi32, #tpu.memory_space<vmem>>
    %dma_start3A_31 = tpu.memref_squeeze %dma_start3A_30 : memref<1x2x128xi32, #tpu.memory_space<vmem>> -> memref<2x128xi32, #tpu.memory_space<vmem>>
    %dma_start3A_32 = arith.constant 0 : i32
    %dma_start3A_33 = arith.constant 0 : i32
    %dma_start3A_34 = tpu.memref_slice %arg3[%add3A, %dma_start3A_18, %dma_start3A_32, %dma_start3A_33] : memref<32x82x2x128xi32, #tpu.memory_space<hbm>> -> memref<1x1x2x128xi32, #tpu.memory_space<hbm>>
    %dma_start3A_35 = tpu.memref_squeeze %dma_start3A_34 : memref<1x1x2x128xi32, #tpu.memory_space<hbm>> -> memref<2x128xi32, #tpu.memory_space<hbm>>
    tpu.enqueue_dma source(%dma_start3A_35 : memref<2x128xi32, #tpu.memory_space<hbm>>) target(%dma_start3A_31 : memref<2x128xi32, #tpu.memory_space<vmem>>) target_semaphore(%arg10 : memref<!tpu.dma_semaphore, #tpu.memory_space<semaphore_mem>>)
    %mul3A_36 = arith.constant 632 : i32
    %mul3A_37 = arith.muli %arg1, %mul3A_36 : i32
    "tpu.region"() ({
      %run_scoped3A = tpu.sem_alloc : memref<!tpu.dma_semaphore, #tpu.memory_space<semaphore_mem>>
      %dma_start3A_109 = arith.constant 0 : i32
      %dma_start3A_110 = tpu.memref_slice %arg8[%mul3A_37, %dma_start3A_109] : memref<10112x128xf32, #tpu.memory_space<vmem_shared>> -> memref<632x128xf32, #tpu.memory_space<vmem_shared>>
      tpu.enqueue_dma source(%arg4 : memref<632x128xf32, #tpu.memory_space<hbm>>) target(%dma_start3A_110 : memref<632x128xf32, #tpu.memory_space<vmem_shared>>) target_semaphore(%run_scoped3A : memref<!tpu.dma_semaphore, #tpu.memory_space<semaphore_mem>>)
      %dma_wait3A_111 = arith.constant 0 : i32
      %dma_wait3A_112 = tpu.memref_slice %arg8[%mul3A_37, %dma_wait3A_111] : memref<10112x128xf32, #tpu.memory_space<vmem_shared>> -> memref<632x128xf32, #tpu.memory_space<vmem_shared>>
      tpu.wait_dma2 semaphore(%run_scoped3A : memref<!tpu.dma_semaphore, #tpu.memory_space<semaphore_mem>>) src(%arg4 : memref<632x128xf32, #tpu.memory_space<hbm>>) dst(%dma_wait3A_112 : memref<632x128xf32, #tpu.memory_space<vmem_shared>>)
      tpu.yield
    }) : () -> ()
    %barrier3A = arith.constant 0 : index
    tpu.barrier barrier_id(%barrier3A)
    %dma_wait3A = arith.constant 0 : i32
    %dma_wait3A_38 = arith.constant 0 : i32
    %dma_wait3A_39 = arith.constant 0 : i32
    %dma_wait3A_40 = arith.constant 0 : i32
    %dma_wait3A_41 = tpu.memref_slice %arg6[%dma_wait3A_38, %dma_wait3A_39, %dma_wait3A_40] : memref<2x2x128xi32, #tpu.memory_space<vmem>> -> memref<1x2x128xi32, #tpu.memory_space<vmem>>
    %dma_wait3A_42 = tpu.memref_squeeze %dma_wait3A_41 : memref<1x2x128xi32, #tpu.memory_space<vmem>> -> memref<2x128xi32, #tpu.memory_space<vmem>>
    %dma_wait3A_43 = arith.constant 0 : i32
    %dma_wait3A_44 = arith.constant 0 : i32
    %dma_wait3A_45 = tpu.memref_slice %arg3[%add3A, %dma_wait3A, %dma_wait3A_43, %dma_wait3A_44] : memref<32x82x2x128xi32, #tpu.memory_space<hbm>> -> memref<1x1x2x128xi32, #tpu.memory_space<hbm>>
    %dma_wait3A_46 = tpu.memref_squeeze %dma_wait3A_45 : memref<1x1x2x128xi32, #tpu.memory_space<hbm>> -> memref<2x128xi32, #tpu.memory_space<hbm>>
    %dma_wait3A_47 = arith.constant 0 : i32
    %dma_wait3A_48 = arith.constant 0 : i32
    %dma_wait3A_49 = tpu.memref_slice %arg6[%dma_wait3A_38, %dma_wait3A_47, %dma_wait3A_48] : memref<2x2x128xi32, #tpu.memory_space<vmem>> -> memref<1x2x128xi32, #tpu.memory_space<vmem>>
    %dma_wait3A_50 = tpu.memref_squeeze %dma_wait3A_49 : memref<1x2x128xi32, #tpu.memory_space<vmem>> -> memref<2x128xi32, #tpu.memory_space<vmem>>
    %dma_wait3A_51 = arith.constant 0 : i32
    %dma_wait3A_52 = arith.constant 0 : i32
    %dma_wait3A_53 = tpu.memref_slice %arg3[%add3A, %dma_wait3A, %dma_wait3A_51, %dma_wait3A_52] : memref<32x82x2x128xi32, #tpu.memory_space<hbm>> -> memref<1x1x2x128xi32, #tpu.memory_space<hbm>>
    %dma_wait3A_54 = tpu.memref_squeeze %dma_wait3A_53 : memref<1x1x2x128xi32, #tpu.memory_space<hbm>> -> memref<2x128xi32, #tpu.memory_space<hbm>>
    tpu.wait_dma2 semaphore(%arg9 : memref<!tpu.dma_semaphore, #tpu.memory_space<semaphore_mem>>) src(%dma_wait3A_54 : memref<2x128xi32, #tpu.memory_space<hbm>>) dst(%dma_wait3A_50 : memref<2x128xi32, #tpu.memory_space<vmem>>)
    %dma_start3A_55 = arith.constant 0 : i32
    %dma_start3A_56 = arith.constant 0 : i32
    %dma_start3A_57 = arith.constant 0 : i32
    %dma_start3A_58 = arith.constant 0 : i32
    %dma_start3A_59 = arith.constant 0 : i32
    %dma_start3A_60 = tpu.memref_slice %arg7[%dma_start3A_57, %dma_start3A_58, %dma_start3A_59] : memref<2x128x128xf32, #tpu.memory_space<vmem>> -> memref<1x128x128xf32, #tpu.memory_space<vmem>>
    %dma_start3A_61 = tpu.memref_squeeze %dma_start3A_60 : memref<1x128x128xf32, #tpu.memory_space<vmem>> -> memref<128x128xf32, #tpu.memory_space<vmem>>
    %dma_start3A_62 = arith.constant 0 : i32
    %dma_start3A_63 = tpu.memref_slice %arg6[%dma_start3A_55, %dma_start3A_56, %dma_start3A_62] : memref<2x2x128xi32, #tpu.memory_space<vmem>> -> memref<1x1x128xi32, #tpu.memory_space<vmem>>
    %dma_start3A_64 = tpu.memref_squeeze %dma_start3A_63 : memref<1x1x128xi32, #tpu.memory_space<vmem>> -> memref<128xi32, #tpu.memory_space<vmem>>
    %dma_start3A_65 = arith.constant 0 : i32
    %dma_start3A_66 = arith.constant 0 : i32
    %dma_start3A_67 = tpu.memref_slice %arg2[%dma_start3A_65, %dma_start3A_66] : memref<10000x128xf32, #tpu.memory_space<hbm>> -> memref<10000x128xf32, #tpu.memory_space<hbm>>
    tpu.enqueue_indirect_dma source(%dma_start3A_67 : memref<10000x128xf32, #tpu.memory_space<hbm>>) target(%dma_start3A_61 : memref<128x128xf32, #tpu.memory_space<vmem>>) offsets(%dma_start3A_64 : memref<128xi32, #tpu.memory_space<vmem>>) semaphore(%arg11 : memref<!tpu.dma_semaphore, #tpu.memory_space<semaphore_mem>>)
    %scan3A = arith.constant 0 : i32
    %scan3A_68 = arith.constant 0 : i32
    %scan3A_69 = arith.constant 40 : i32
    %scan3A_70 = arith.addi %scan3A_68, %scan3A_69 : i32
    %scan3A_71 = arith.constant 1 : i32
    scf.for %scan3A_109 = %scan3A_68 to %scan3A_70 step %scan3A_71  : i32 {
      %mul3A_110 = arith.constant 2 : i32
      %mul3A_111 = arith.muli %mul3A_110, %scan3A_109 : i32
      %dma_wait3A_112 = arith.constant 0 : i32
      %dma_wait3A_113 = arith.constant 0 : i32
      %dma_wait3A_114 = arith.constant 0 : i32
      %dma_wait3A_115 = arith.constant 0 : i32
      %dma_wait3A_116 = arith.constant 0 : i32
      %dma_wait3A_117 = tpu.memref_slice %arg7[%dma_wait3A_114, %dma_wait3A_115, %dma_wait3A_116] : memref<2x128x128xf32, #tpu.memory_space<vmem>> -> memref<1x128x128xf32, #tpu.memory_space<vmem>>
      %dma_wait3A_118 = tpu.memref_squeeze %dma_wait3A_117 : memref<1x128x128xf32, #tpu.memory_space<vmem>> -> memref<128x128xf32, #tpu.memory_space<vmem>>
      %dma_wait3A_119 = arith.constant 0 : i32
      %dma_wait3A_120 = tpu.memref_slice %arg6[%dma_wait3A_112, %dma_wait3A_113, %dma_wait3A_119] : memref<2x2x128xi32, #tpu.memory_space<vmem>> -> memref<1x1x128xi32, #tpu.memory_space<vmem>>
      %dma_wait3A_121 = tpu.memref_squeeze %dma_wait3A_120 : memref<1x1x128xi32, #tpu.memory_space<vmem>> -> memref<128xi32, #tpu.memory_space<vmem>>
      %dma_wait3A_122 = arith.constant 0 : i32
      %dma_wait3A_123 = arith.constant 0 : i32
      %dma_wait3A_124 = tpu.memref_slice %arg2[%dma_wait3A_122, %dma_wait3A_123] : memref<10000x128xf32, #tpu.memory_space<hbm>> -> memref<10000x128xf32, #tpu.memory_space<hbm>>
      tpu.wait_indirect_dma semaphore(%arg11 : memref<!tpu.dma_semaphore, #tpu.memory_space<semaphore_mem>>) src(%dma_wait3A_124 : memref<10000x128xf32, #tpu.memory_space<hbm>>) dst(%dma_wait3A_118 : memref<128x128xf32, #tpu.memory_space<vmem>>)
      %add3A_125 = arith.constant 1 : i32
      %add3A_126 = arith.addi %mul3A_111, %add3A_125 : i32
      %dma_wait3A_127 = arith.constant 1 : i32
      %dma_wait3A_128 = arith.constant 0 : i32
      %dma_wait3A_129 = arith.constant 0 : i32
      %dma_wait3A_130 = tpu.memref_slice %arg6[%dma_wait3A_127, %dma_wait3A_128, %dma_wait3A_129] : memref<2x2x128xi32, #tpu.memory_space<vmem>> -> memref<1x2x128xi32, #tpu.memory_space<vmem>>
      %dma_wait3A_131 = tpu.memref_squeeze %dma_wait3A_130 : memref<1x2x128xi32, #tpu.memory_space<vmem>> -> memref<2x128xi32, #tpu.memory_space<vmem>>
      %dma_wait3A_132 = arith.constant 0 : i32
      %dma_wait3A_133 = arith.constant 0 : i32
      %dma_wait3A_134 = tpu.memref_slice %arg3[%add3A, %add3A_126, %dma_wait3A_132, %dma_wait3A_133] : memref<32x82x2x128xi32, #tpu.memory_space<hbm>> -> memref<1x1x2x128xi32, #tpu.memory_space<hbm>>
      %dma_wait3A_135 = tpu.memref_squeeze %dma_wait3A_134 : memref<1x1x2x128xi32, #tpu.memory_space<hbm>> -> memref<2x128xi32, #tpu.memory_space<hbm>>
      %dma_wait3A_136 = arith.constant 0 : i32
      %dma_wait3A_137 = arith.constant 0 : i32
      %dma_wait3A_138 = tpu.memref_slice %arg6[%dma_wait3A_127, %dma_wait3A_136, %dma_wait3A_137] : memref<2x2x128xi32, #tpu.memory_space<vmem>> -> memref<1x2x128xi32, #tpu.memory_space<vmem>>
      %dma_wait3A_139 = tpu.memref_squeeze %dma_wait3A_138 : memref<1x2x128xi32, #tpu.memory_space<vmem>> -> memref<2x128xi32, #tpu.memory_space<vmem>>
      %dma_wait3A_140 = arith.constant 0 : i32
      %dma_wait3A_141 = arith.constant 0 : i32
      %dma_wait3A_142 = tpu.memref_slice %arg3[%add3A, %add3A_126, %dma_wait3A_140, %dma_wait3A_141] : memref<32x82x2x128xi32, #tpu.memory_space<hbm>> -> memref<1x1x2x128xi32, #tpu.memory_space<hbm>>
      %dma_wait3A_143 = tpu.memref_squeeze %dma_wait3A_142 : memref<1x1x2x128xi32, #tpu.memory_space<hbm>> -> memref<2x128xi32, #tpu.memory_space<hbm>>
      tpu.wait_dma2 semaphore(%arg10 : memref<!tpu.dma_semaphore, #tpu.memory_space<semaphore_mem>>) src(%dma_wait3A_143 : memref<2x128xi32, #tpu.memory_space<hbm>>) dst(%dma_wait3A_139 : memref<2x128xi32, #tpu.memory_space<vmem>>)
      %dma_start3A_144 = arith.constant 1 : i32
      %dma_start3A_145 = arith.constant 0 : i32
      %dma_start3A_146 = arith.constant 1 : i32
      %dma_start3A_147 = arith.constant 0 : i32
      %dma_start3A_148 = arith.constant 0 : i32
      %dma_start3A_149 = tpu.memref_slice %arg7[%dma_start3A_146, %dma_start3A_147, %dma_start3A_148] : memref<2x128x128xf32, #tpu.memory_space<vmem>> -> memref<1x128x128xf32, #tpu.memory_space<vmem>>
      %dma_start3A_150 = tpu.memref_squeeze %dma_start3A_149 : memref<1x128x128xf32, #tpu.memory_space<vmem>> -> memref<128x128xf32, #tpu.memory_space<vmem>>
      %dma_start3A_151 = arith.constant 0 : i32
      %dma_start3A_152 = tpu.memref_slice %arg6[%dma_start3A_144, %dma_start3A_145, %dma_start3A_151] : memref<2x2x128xi32, #tpu.memory_space<vmem>> -> memref<1x1x128xi32, #tpu.memory_space<vmem>>
      %dma_start3A_153 = tpu.memref_squeeze %dma_start3A_152 : memref<1x1x128xi32, #tpu.memory_space<vmem>> -> memref<128xi32, #tpu.memory_space<vmem>>
      %dma_start3A_154 = arith.constant 0 : i32
      %dma_start3A_155 = arith.constant 0 : i32
      %dma_start3A_156 = tpu.memref_slice %arg2[%dma_start3A_154, %dma_start3A_155] : memref<10000x128xf32, #tpu.memory_space<hbm>> -> memref<10000x128xf32, #tpu.memory_space<hbm>>
      tpu.enqueue_indirect_dma source(%dma_start3A_156 : memref<10000x128xf32, #tpu.memory_space<hbm>>) target(%dma_start3A_150 : memref<128x128xf32, #tpu.memory_space<vmem>>) offsets(%dma_start3A_153 : memref<128xi32, #tpu.memory_space<vmem>>) semaphore(%arg12 : memref<!tpu.dma_semaphore, #tpu.memory_space<semaphore_mem>>)
      %run_scoped3A = arith.constant 0 : i32
      %run_scoped3A_157 = arith.constant 0 : i32
      %run_scoped3A_158 = arith.constant 1 : i32
      "tpu.region"() ({
        %run_scoped3A_247 = tpu.sem_alloc : memref<!tpu.dma_semaphore, #tpu.memory_space<semaphore_mem>>
        %dma_start3A_248 = arith.constant 0 : i32
        %dma_start3A_249 = arith.constant 0 : i32
        %dma_start3A_250 = tpu.memref_slice %arg7[%run_scoped3A, %dma_start3A_248, %dma_start3A_249] : memref<2x128x128xf32, #tpu.memory_space<vmem>> -> memref<1x128x128xf32, #tpu.memory_space<vmem>>
        %dma_start3A_251 = tpu.memref_squeeze %dma_start3A_250 : memref<1x128x128xf32, #tpu.memory_space<vmem>> -> memref<128x128xf32, #tpu.memory_space<vmem>>
        %dma_start3A_252 = arith.constant 0 : i32
        %dma_start3A_253 = tpu.memref_slice %arg6[%run_scoped3A_157, %run_scoped3A_158, %dma_start3A_252] : memref<2x2x128xi32, #tpu.memory_space<vmem>> -> memref<1x1x128xi32, #tpu.memory_space<vmem>>
        %dma_start3A_254 = tpu.memref_squeeze %dma_start3A_253 : memref<1x1x128xi32, #tpu.memory_space<vmem>> -> memref<128xi32, #tpu.memory_space<vmem>>
        %dma_start3A_255 = arith.constant 0 : i32
        %dma_start3A_256 = arith.constant 0 : i32
        %dma_start3A_257 = tpu.memref_slice %arg8[%dma_start3A_255, %dma_start3A_256] : memref<10112x128xf32, #tpu.memory_space<vmem_shared>> -> memref<10112x128xf32, #tpu.memory_space<vmem_shared>>
        tpu.enqueue_indirect_dma source(%dma_start3A_251 : memref<128x128xf32, #tpu.memory_space<vmem>>) target(%dma_start3A_257 : memref<10112x128xf32, #tpu.memory_space<vmem_shared>>) offsets(%dma_start3A_254 : memref<128xi32, #tpu.memory_space<vmem>>) semaphore(%run_scoped3A_247 : memref<!tpu.dma_semaphore, #tpu.memory_space<semaphore_mem>>) {add = true}
        %dma_wait3A_258 = arith.constant 0 : i32
        %dma_wait3A_259 = arith.constant 0 : i32
        %dma_wait3A_260 = tpu.memref_slice %arg7[%run_scoped3A, %dma_wait3A_258, %dma_wait3A_259] : memref<2x128x128xf32, #tpu.memory_space<vmem>> -> memref<1x128x128xf32, #tpu.memory_space<vmem>>
        %dma_wait3A_261 = tpu.memref_squeeze %dma_wait3A_260 : memref<1x128x128xf32, #tpu.memory_space<vmem>> -> memref<128x128xf32, #tpu.memory_space<vmem>>
        %dma_wait3A_262 = arith.constant 0 : i32
        %dma_wait3A_263 = tpu.memref_slice %arg6[%run_scoped3A_157, %run_scoped3A_158, %dma_wait3A_262] : memref<2x2x128xi32, #tpu.memory_space<vmem>> -> memref<1x1x128xi32, #tpu.memory_space<vmem>>
        %dma_wait3A_264 = tpu.memref_squeeze %dma_wait3A_263 : memref<1x1x128xi32, #tpu.memory_space<vmem>> -> memref<128xi32, #tpu.memory_space<vmem>>
        %dma_wait3A_265 = arith.constant 0 : i32
        %dma_wait3A_266 = arith.constant 0 : i32
        %dma_wait3A_267 = tpu.memref_slice %arg8[%dma_wait3A_265, %dma_wait3A_266] : memref<10112x128xf32, #tpu.memory_space<vmem_shared>> -> memref<10112x128xf32, #tpu.memory_space<vmem_shared>>
        tpu.wait_indirect_dma semaphore(%run_scoped3A_247 : memref<!tpu.dma_semaphore, #tpu.memory_space<semaphore_mem>>) src(%dma_wait3A_261 : memref<128x128xf32, #tpu.memory_space<vmem>>) dst(%dma_wait3A_267 : memref<10112x128xf32, #tpu.memory_space<vmem_shared>>)
        tpu.yield
      }) : () -> ()
      %add3A_159 = arith.constant 2 : i32
      %add3A_160 = arith.addi %mul3A_111, %add3A_159 : i32
      %dma_start3A_161 = arith.constant 0 : i32
      %dma_start3A_162 = arith.constant 0 : i32
      %dma_start3A_163 = arith.constant 0 : i32
      %dma_start3A_164 = tpu.memref_slice %arg6[%dma_start3A_161, %dma_start3A_162, %dma_start3A_163] : memref<2x2x128xi32, #tpu.memory_space<vmem>> -> memref<1x2x128xi32, #tpu.memory_space<vmem>>
      %dma_start3A_165 = tpu.memref_squeeze %dma_start3A_164 : memref<1x2x128xi32, #tpu.memory_space<vmem>> -> memref<2x128xi32, #tpu.memory_space<vmem>>
      %dma_start3A_166 = arith.constant 0 : i32
      %dma_start3A_167 = arith.constant 0 : i32
      %dma_start3A_168 = tpu.memref_slice %arg3[%add3A, %add3A_160, %dma_start3A_166, %dma_start3A_167] : memref<32x82x2x128xi32, #tpu.memory_space<hbm>> -> memref<1x1x2x128xi32, #tpu.memory_space<hbm>>
      %dma_start3A_169 = tpu.memref_squeeze %dma_start3A_168 : memref<1x1x2x128xi32, #tpu.memory_space<hbm>> -> memref<2x128xi32, #tpu.memory_space<hbm>>
      %dma_start3A_170 = arith.constant 0 : i32
      %dma_start3A_171 = arith.constant 0 : i32
      %dma_start3A_172 = tpu.memref_slice %arg6[%dma_start3A_161, %dma_start3A_170, %dma_start3A_171] : memref<2x2x128xi32, #tpu.memory_space<vmem>> -> memref<1x2x128xi32, #tpu.memory_space<vmem>>
      %dma_start3A_173 = tpu.memref_squeeze %dma_start3A_172 : memref<1x2x128xi32, #tpu.memory_space<vmem>> -> memref<2x128xi32, #tpu.memory_space<vmem>>
      %dma_start3A_174 = arith.constant 0 : i32
      %dma_start3A_175 = arith.constant 0 : i32
      %dma_start3A_176 = tpu.memref_slice %arg3[%add3A, %add3A_160, %dma_start3A_174, %dma_start3A_175] : memref<32x82x2x128xi32, #tpu.memory_space<hbm>> -> memref<1x1x2x128xi32, #tpu.memory_space<hbm>>
      %dma_start3A_177 = tpu.memref_squeeze %dma_start3A_176 : memref<1x1x2x128xi32, #tpu.memory_space<hbm>> -> memref<2x128xi32, #tpu.memory_space<hbm>>
      tpu.enqueue_dma source(%dma_start3A_177 : memref<2x128xi32, #tpu.memory_space<hbm>>) target(%dma_start3A_173 : memref<2x128xi32, #tpu.memory_space<vmem>>) target_semaphore(%arg9 : memref<!tpu.dma_semaphore, #tpu.memory_space<semaphore_mem>>)
      %add3A_178 = arith.constant 1 : i32
      %add3A_179 = arith.addi %mul3A_111, %add3A_178 : i32
      %dma_wait3A_180 = arith.constant 1 : i32
      %dma_wait3A_181 = arith.constant 0 : i32
      %dma_wait3A_182 = arith.constant 1 : i32
      %dma_wait3A_183 = arith.constant 0 : i32
      %dma_wait3A_184 = arith.constant 0 : i32
      %dma_wait3A_185 = tpu.memref_slice %arg7[%dma_wait3A_182, %dma_wait3A_183, %dma_wait3A_184] : memref<2x128x128xf32, #tpu.memory_space<vmem>> -> memref<1x128x128xf32, #tpu.memory_space<vmem>>
      %dma_wait3A_186 = tpu.memref_squeeze %dma_wait3A_185 : memref<1x128x128xf32, #tpu.memory_space<vmem>> -> memref<128x128xf32, #tpu.memory_space<vmem>>
      %dma_wait3A_187 = arith.constant 0 : i32
      %dma_wait3A_188 = tpu.memref_slice %arg6[%dma_wait3A_180, %dma_wait3A_181, %dma_wait3A_187] : memref<2x2x128xi32, #tpu.memory_space<vmem>> -> memref<1x1x128xi32, #tpu.memory_space<vmem>>
      %dma_wait3A_189 = tpu.memref_squeeze %dma_wait3A_188 : memref<1x1x128xi32, #tpu.memory_space<vmem>> -> memref<128xi32, #tpu.memory_space<vmem>>
      %dma_wait3A_190 = arith.constant 0 : i32
      %dma_wait3A_191 = arith.constant 0 : i32
      %dma_wait3A_192 = tpu.memref_slice %arg2[%dma_wait3A_190, %dma_wait3A_191] : memref<10000x128xf32, #tpu.memory_space<hbm>> -> memref<10000x128xf32, #tpu.memory_space<hbm>>
      tpu.wait_indirect_dma semaphore(%arg12 : memref<!tpu.dma_semaphore, #tpu.memory_space<semaphore_mem>>) src(%dma_wait3A_192 : memref<10000x128xf32, #tpu.memory_space<hbm>>) dst(%dma_wait3A_186 : memref<128x128xf32, #tpu.memory_space<vmem>>)
      %add3A_193 = arith.constant 1 : i32
      %add3A_194 = arith.addi %add3A_179, %add3A_193 : i32
      %dma_wait3A_195 = arith.constant 0 : i32
      %dma_wait3A_196 = arith.constant 0 : i32
      %dma_wait3A_197 = arith.constant 0 : i32
      %dma_wait3A_198 = tpu.memref_slice %arg6[%dma_wait3A_195, %dma_wait3A_196, %dma_wait3A_197] : memref<2x2x128xi32, #tpu.memory_space<vmem>> -> memref<1x2x128xi32, #tpu.memory_space<vmem>>
      %dma_wait3A_199 = tpu.memref_squeeze %dma_wait3A_198 : memref<1x2x128xi32, #tpu.memory_space<vmem>> -> memref<2x128xi32, #tpu.memory_space<vmem>>
      %dma_wait3A_200 = arith.constant 0 : i32
      %dma_wait3A_201 = arith.constant 0 : i32
      %dma_wait3A_202 = tpu.memref_slice %arg3[%add3A, %add3A_194, %dma_wait3A_200, %dma_wait3A_201] : memref<32x82x2x128xi32, #tpu.memory_space<hbm>> -> memref<1x1x2x128xi32, #tpu.memory_space<hbm>>
      %dma_wait3A_203 = tpu.memref_squeeze %dma_wait3A_202 : memref<1x1x2x128xi32, #tpu.memory_space<hbm>> -> memref<2x128xi32, #tpu.memory_space<hbm>>
      %dma_wait3A_204 = arith.constant 0 : i32
      %dma_wait3A_205 = arith.constant 0 : i32
      %dma_wait3A_206 = tpu.memref_slice %arg6[%dma_wait3A_195, %dma_wait3A_204, %dma_wait3A_205] : memref<2x2x128xi32, #tpu.memory_space<vmem>> -> memref<1x2x128xi32, #tpu.memory_space<vmem>>
      %dma_wait3A_207 = tpu.memref_squeeze %dma_wait3A_206 : memref<1x2x128xi32, #tpu.memory_space<vmem>> -> memref<2x128xi32, #tpu.memory_space<vmem>>
      %dma_wait3A_208 = arith.constant 0 : i32
      %dma_wait3A_209 = arith.constant 0 : i32
      %dma_wait3A_210 = tpu.memref_slice %arg3[%add3A, %add3A_194, %dma_wait3A_208, %dma_wait3A_209] : memref<32x82x2x128xi32, #tpu.memory_space<hbm>> -> memref<1x1x2x128xi32, #tpu.memory_space<hbm>>
      %dma_wait3A_211 = tpu.memref_squeeze %dma_wait3A_210 : memref<1x1x2x128xi32, #tpu.memory_space<hbm>> -> memref<2x128xi32, #tpu.memory_space<hbm>>
      tpu.wait_dma2 semaphore(%arg9 : memref<!tpu.dma_semaphore, #tpu.memory_space<semaphore_mem>>) src(%dma_wait3A_211 : memref<2x128xi32, #tpu.memory_space<hbm>>) dst(%dma_wait3A_207 : memref<2x128xi32, #tpu.memory_space<vmem>>)
      %dma_start3A_212 = arith.constant 0 : i32
      %dma_start3A_213 = arith.constant 0 : i32
      %dma_start3A_214 = arith.constant 0 : i32
      %dma_start3A_215 = arith.constant 0 : i32
      %dma_start3A_216 = arith.constant 0 : i32
      %dma_start3A_217 = tpu.memref_slice %arg7[%dma_start3A_214, %dma_start3A_215, %dma_start3A_216] : memref<2x128x128xf32, #tpu.memory_space<vmem>> -> memref<1x128x128xf32, #tpu.memory_space<vmem>>
      %dma_start3A_218 = tpu.memref_squeeze %dma_start3A_217 : memref<1x128x128xf32, #tpu.memory_space<vmem>> -> memref<128x128xf32, #tpu.memory_space<vmem>>
      %dma_start3A_219 = arith.constant 0 : i32
      %dma_start3A_220 = tpu.memref_slice %arg6[%dma_start3A_212, %dma_start3A_213, %dma_start3A_219] : memref<2x2x128xi32, #tpu.memory_space<vmem>> -> memref<1x1x128xi32, #tpu.memory_space<vmem>>
      %dma_start3A_221 = tpu.memref_squeeze %dma_start3A_220 : memref<1x1x128xi32, #tpu.memory_space<vmem>> -> memref<128xi32, #tpu.memory_space<vmem>>
      %dma_start3A_222 = arith.constant 0 : i32
      %dma_start3A_223 = arith.constant 0 : i32
      %dma_start3A_224 = tpu.memref_slice %arg2[%dma_start3A_222, %dma_start3A_223] : memref<10000x128xf32, #tpu.memory_space<hbm>> -> memref<10000x128xf32, #tpu.memory_space<hbm>>
      tpu.enqueue_indirect_dma source(%dma_start3A_224 : memref<10000x128xf32, #tpu.memory_space<hbm>>) target(%dma_start3A_218 : memref<128x128xf32, #tpu.memory_space<vmem>>) offsets(%dma_start3A_221 : memref<128xi32, #tpu.memory_space<vmem>>) semaphore(%arg11 : memref<!tpu.dma_semaphore, #tpu.memory_space<semaphore_mem>>)
      %run_scoped3A_225 = arith.constant 1 : i32
      %run_scoped3A_226 = arith.constant 1 : i32
      %run_scoped3A_227 = arith.constant 1 : i32
      "tpu.region"() ({
        %run_scoped3A_247 = tpu.sem_alloc : memref<!tpu.dma_semaphore, #tpu.memory_space<semaphore_mem>>
        %dma_start3A_248 = arith.constant 0 : i32
        %dma_start3A_249 = arith.constant 0 : i32
        %dma_start3A_250 = tpu.memref_slice %arg7[%run_scoped3A_225, %dma_start3A_248, %dma_start3A_249] : memref<2x128x128xf32, #tpu.memory_space<vmem>> -> memref<1x128x128xf32, #tpu.memory_space<vmem>>
        %dma_start3A_251 = tpu.memref_squeeze %dma_start3A_250 : memref<1x128x128xf32, #tpu.memory_space<vmem>> -> memref<128x128xf32, #tpu.memory_space<vmem>>
        %dma_start3A_252 = arith.constant 0 : i32
        %dma_start3A_253 = tpu.memref_slice %arg6[%run_scoped3A_226, %run_scoped3A_227, %dma_start3A_252] : memref<2x2x128xi32, #tpu.memory_space<vmem>> -> memref<1x1x128xi32, #tpu.memory_space<vmem>>
        %dma_start3A_254 = tpu.memref_squeeze %dma_start3A_253 : memref<1x1x128xi32, #tpu.memory_space<vmem>> -> memref<128xi32, #tpu.memory_space<vmem>>
        %dma_start3A_255 = arith.constant 0 : i32
        %dma_start3A_256 = arith.constant 0 : i32
        %dma_start3A_257 = tpu.memref_slice %arg8[%dma_start3A_255, %dma_start3A_256] : memref<10112x128xf32, #tpu.memory_space<vmem_shared>> -> memref<10112x128xf32, #tpu.memory_space<vmem_shared>>
        tpu.enqueue_indirect_dma source(%dma_start3A_251 : memref<128x128xf32, #tpu.memory_space<vmem>>) target(%dma_start3A_257 : memref<10112x128xf32, #tpu.memory_space<vmem_shared>>) offsets(%dma_start3A_254 : memref<128xi32, #tpu.memory_space<vmem>>) semaphore(%run_scoped3A_247 : memref<!tpu.dma_semaphore, #tpu.memory_space<semaphore_mem>>) {add = true}
        %dma_wait3A_258 = arith.constant 0 : i32
        %dma_wait3A_259 = arith.constant 0 : i32
        %dma_wait3A_260 = tpu.memref_slice %arg7[%run_scoped3A_225, %dma_wait3A_258, %dma_wait3A_259] : memref<2x128x128xf32, #tpu.memory_space<vmem>> -> memref<1x128x128xf32, #tpu.memory_space<vmem>>
        %dma_wait3A_261 = tpu.memref_squeeze %dma_wait3A_260 : memref<1x128x128xf32, #tpu.memory_space<vmem>> -> memref<128x128xf32, #tpu.memory_space<vmem>>
        %dma_wait3A_262 = arith.constant 0 : i32
        %dma_wait3A_263 = tpu.memref_slice %arg6[%run_scoped3A_226, %run_scoped3A_227, %dma_wait3A_262] : memref<2x2x128xi32, #tpu.memory_space<vmem>> -> memref<1x1x128xi32, #tpu.memory_space<vmem>>
        %dma_wait3A_264 = tpu.memref_squeeze %dma_wait3A_263 : memref<1x1x128xi32, #tpu.memory_space<vmem>> -> memref<128xi32, #tpu.memory_space<vmem>>
        %dma_wait3A_265 = arith.constant 0 : i32
        %dma_wait3A_266 = arith.constant 0 : i32
        %dma_wait3A_267 = tpu.memref_slice %arg8[%dma_wait3A_265, %dma_wait3A_266] : memref<10112x128xf32, #tpu.memory_space<vmem_shared>> -> memref<10112x128xf32, #tpu.memory_space<vmem_shared>>
        tpu.wait_indirect_dma semaphore(%run_scoped3A_247 : memref<!tpu.dma_semaphore, #tpu.memory_space<semaphore_mem>>) src(%dma_wait3A_261 : memref<128x128xf32, #tpu.memory_space<vmem>>) dst(%dma_wait3A_267 : memref<10112x128xf32, #tpu.memory_space<vmem_shared>>)
        tpu.yield
      }) : () -> ()
      %add3A_228 = arith.constant 2 : i32
      %add3A_229 = arith.addi %add3A_179, %add3A_228 : i32
      %dma_start3A_230 = arith.constant 1 : i32
      %dma_start3A_231 = arith.constant 0 : i32
      %dma_start3A_232 = arith.constant 0 : i32
      %dma_start3A_233 = tpu.memref_slice %arg6[%dma_start3A_230, %dma_start3A_231, %dma_start3A_232] : memref<2x2x128xi32, #tpu.memory_space<vmem>> -> memref<1x2x128xi32, #tpu.memory_space<vmem>>
      %dma_start3A_234 = tpu.memref_squeeze %dma_start3A_233 : memref<1x2x128xi32, #tpu.memory_space<vmem>> -> memref<2x128xi32, #tpu.memory_space<vmem>>
      %dma_start3A_235 = arith.constant 0 : i32
      %dma_start3A_236 = arith.constant 0 : i32
      %dma_start3A_237 = tpu.memref_slice %arg3[%add3A, %add3A_229, %dma_start3A_235, %dma_start3A_236] : memref<32x82x2x128xi32, #tpu.memory_space<hbm>> -> memref<1x1x2x128xi32, #tpu.memory_space<hbm>>
      %dma_start3A_238 = tpu.memref_squeeze %dma_start3A_237 : memref<1x1x2x128xi32, #tpu.memory_space<hbm>> -> memref<2x128xi32, #tpu.memory_space<hbm>>
      %dma_start3A_239 = arith.constant 0 : i32
      %dma_start3A_240 = arith.constant 0 : i32
      %dma_start3A_241 = tpu.memref_slice %arg6[%dma_start3A_230, %dma_start3A_239, %dma_start3A_240] : memref<2x2x128xi32, #tpu.memory_space<vmem>> -> memref<1x2x128xi32, #tpu.memory_space<vmem>>
      %dma_start3A_242 = tpu.memref_squeeze %dma_start3A_241 : memref<1x2x128xi32, #tpu.memory_space<vmem>> -> memref<2x128xi32, #tpu.memory_space<vmem>>
      %dma_start3A_243 = arith.constant 0 : i32
      %dma_start3A_244 = arith.constant 0 : i32
      %dma_start3A_245 = tpu.memref_slice %arg3[%add3A, %add3A_229, %dma_start3A_243, %dma_start3A_244] : memref<32x82x2x128xi32, #tpu.memory_space<hbm>> -> memref<1x1x2x128xi32, #tpu.memory_space<hbm>>
      %dma_start3A_246 = tpu.memref_squeeze %dma_start3A_245 : memref<1x1x2x128xi32, #tpu.memory_space<hbm>> -> memref<2x128xi32, #tpu.memory_space<hbm>>
      tpu.enqueue_dma source(%dma_start3A_246 : memref<2x128xi32, #tpu.memory_space<hbm>>) target(%dma_start3A_242 : memref<2x128xi32, #tpu.memory_space<vmem>>) target_semaphore(%arg10 : memref<!tpu.dma_semaphore, #tpu.memory_space<semaphore_mem>>)
    }
    %scan3A_72 = arith.constant 40 : i32
    %dma_wait3A_73 = arith.constant 0 : i32
    %dma_wait3A_74 = arith.constant 0 : i32
    %dma_wait3A_75 = arith.constant 0 : i32
    %dma_wait3A_76 = arith.constant 0 : i32
    %dma_wait3A_77 = arith.constant 0 : i32
    %dma_wait3A_78 = tpu.memref_slice %arg7[%dma_wait3A_75, %dma_wait3A_76, %dma_wait3A_77] : memref<2x128x128xf32, #tpu.memory_space<vmem>> -> memref<1x128x128xf32, #tpu.memory_space<vmem>>
    %dma_wait3A_79 = tpu.memref_squeeze %dma_wait3A_78 : memref<1x128x128xf32, #tpu.memory_space<vmem>> -> memref<128x128xf32, #tpu.memory_space<vmem>>
    %dma_wait3A_80 = arith.constant 0 : i32
    %dma_wait3A_81 = tpu.memref_slice %arg6[%dma_wait3A_73, %dma_wait3A_74, %dma_wait3A_80] : memref<2x2x128xi32, #tpu.memory_space<vmem>> -> memref<1x1x128xi32, #tpu.memory_space<vmem>>
    %dma_wait3A_82 = tpu.memref_squeeze %dma_wait3A_81 : memref<1x1x128xi32, #tpu.memory_space<vmem>> -> memref<128xi32, #tpu.memory_space<vmem>>
    %dma_wait3A_83 = arith.constant 0 : i32
    %dma_wait3A_84 = arith.constant 0 : i32
    %dma_wait3A_85 = tpu.memref_slice %arg2[%dma_wait3A_83, %dma_wait3A_84] : memref<10000x128xf32, #tpu.memory_space<hbm>> -> memref<10000x128xf32, #tpu.memory_space<hbm>>
    tpu.wait_indirect_dma semaphore(%arg11 : memref<!tpu.dma_semaphore, #tpu.memory_space<semaphore_mem>>) src(%dma_wait3A_85 : memref<10000x128xf32, #tpu.memory_space<hbm>>) dst(%dma_wait3A_79 : memref<128x128xf32, #tpu.memory_space<vmem>>)
    %dma_wait3A_86 = arith.constant 81 : i32
    %dma_wait3A_87 = arith.constant 1 : i32
    %dma_wait3A_88 = arith.constant 0 : i32
    %dma_wait3A_89 = arith.constant 0 : i32
    %dma_wait3A_90 = tpu.memref_slice %arg6[%dma_wait3A_87, %dma_wait3A_88, %dma_wait3A_89] : memref<2x2x128xi32, #tpu.memory_space<vmem>> -> memref<1x2x128xi32, #tpu.memory_space<vmem>>
    %dma_wait3A_91 = tpu.memref_squeeze %dma_wait3A_90 : memref<1x2x128xi32, #tpu.memory_space<vmem>> -> memref<2x128xi32, #tpu.memory_space<vmem>>
    %dma_wait3A_92 = arith.constant 0 : i32
    %dma_wait3A_93 = arith.constant 0 : i32
    %dma_wait3A_94 = tpu.memref_slice %arg3[%add3A, %dma_wait3A_86, %dma_wait3A_92, %dma_wait3A_93] : memref<32x82x2x128xi32, #tpu.memory_space<hbm>> -> memref<1x1x2x128xi32, #tpu.memory_space<hbm>>
    %dma_wait3A_95 = tpu.memref_squeeze %dma_wait3A_94 : memref<1x1x2x128xi32, #tpu.memory_space<hbm>> -> memref<2x128xi32, #tpu.memory_space<hbm>>
    %dma_wait3A_96 = arith.constant 0 : i32
    %dma_wait3A_97 = arith.constant 0 : i32
    %dma_wait3A_98 = tpu.memref_slice %arg6[%dma_wait3A_87, %dma_wait3A_96, %dma_wait3A_97] : memref<2x2x128xi32, #tpu.memory_space<vmem>> -> memref<1x2x128xi32, #tpu.memory_space<vmem>>
    %dma_wait3A_99 = tpu.memref_squeeze %dma_wait3A_98 : memref<1x2x128xi32, #tpu.memory_space<vmem>> -> memref<2x128xi32, #tpu.memory_space<vmem>>
    %dma_wait3A_100 = arith.constant 0 : i32
    %dma_wait3A_101 = arith.constant 0 : i32
    %dma_wait3A_102 = tpu.memref_slice %arg3[%add3A, %dma_wait3A_86, %dma_wait3A_100, %dma_wait3A_101] : memref<32x82x2x128xi32, #tpu.memory_space<hbm>> -> memref<1x1x2x128xi32, #tpu.memory_space<hbm>>
    %dma_wait3A_103 = tpu.memref_squeeze %dma_wait3A_102 : memref<1x1x2x128xi32, #tpu.memory_space<hbm>> -> memref<2x128xi32, #tpu.memory_space<hbm>>
    tpu.wait_dma2 semaphore(%arg10 : memref<!tpu.dma_semaphore, #tpu.memory_space<semaphore_mem>>) src(%dma_wait3A_103 : memref<2x128xi32, #tpu.memory_space<hbm>>) dst(%dma_wait3A_99 : memref<2x128xi32, #tpu.memory_space<vmem>>)
    %barrier3A_104 = arith.constant 0 : index
    tpu.barrier barrier_id(%barrier3A_104)
    %mul3A_105 = arith.constant 632 : i32
    %mul3A_106 = arith.muli %arg1, %mul3A_105 : i32
    %mul3A_107 = arith.constant 632 : i32
    %mul3A_108 = arith.muli %arg1, %mul3A_107 : i32
    "tpu.region"() ({
      %run_scoped3A = tpu.sem_alloc : memref<!tpu.dma_semaphore, #tpu.memory_space<semaphore_mem>>
      %dma_start3A_109 = arith.constant 0 : i32
      %dma_start3A_110 = tpu.memref_slice %arg5[%arg0, %mul3A_108, %dma_start3A_109] : memref<2x10112x128xf32, #tpu.memory_space<hbm>> -> memref<1x632x128xf32, #tpu.memory_space<hbm>>
      %dma_start3A_111 = tpu.memref_squeeze %dma_start3A_110 : memref<1x632x128xf32, #tpu.memory_space<hbm>> -> memref<632x128xf32, #tpu.memory_space<hbm>>
      %dma_start3A_112 = arith.constant 0 : i32
      %dma_start3A_113 = tpu.memref_slice %arg8[%mul3A_106, %dma_start3A_112] : memref<10112x128xf32, #tpu.memory_space<vmem_shared>> -> memref<632x128xf32, #tpu.memory_space<vmem_shared>>
      tpu.enqueue_dma source(%dma_start3A_113 : memref<632x128xf32, #tpu.memory_space<vmem_shared>>) target(%dma_start3A_111 : memref<632x128xf32, #tpu.memory_space<hbm>>) target_semaphore(%run_scoped3A : memref<!tpu.dma_semaphore, #tpu.memory_space<semaphore_mem>>)
      %dma_wait3A_114 = arith.constant 0 : i32
      %dma_wait3A_115 = tpu.memref_slice %arg5[%arg0, %mul3A_108, %dma_wait3A_114] : memref<2x10112x128xf32, #tpu.memory_space<hbm>> -> memref<1x632x128xf32, #tpu.memory_space<hbm>>
      %dma_wait3A_116 = tpu.memref_squeeze %dma_wait3A_115 : memref<1x632x128xf32, #tpu.memory_space<hbm>> -> memref<632x128xf32, #tpu.memory_space<hbm>>
      %dma_wait3A_117 = arith.constant 0 : i32
      %dma_wait3A_118 = tpu.memref_slice %arg8[%mul3A_106, %dma_wait3A_117] : memref<10112x128xf32, #tpu.memory_space<vmem_shared>> -> memref<632x128xf32, #tpu.memory_space<vmem_shared>>
      tpu.wait_dma2 semaphore(%run_scoped3A : memref<!tpu.dma_semaphore, #tpu.memory_space<semaphore_mem>>) src(%dma_wait3A_118 : memref<632x128xf32, #tpu.memory_space<vmem_shared>>) dst(%dma_wait3A_116 : memref<632x128xf32, #tpu.memory_space<hbm>>)
      tpu.yield
    }) : () -> ()
    return
  }
}

#map = affine_map<(d0, d1) -> (0, 0)>
#map1 = affine_map<(d0, d1) -> (0, 0, 0, 0)>
#map2 = affine_map<(d0, d1) -> (0, 0, 0)>
module attributes {stable_mosaic.version = 14 : i64} {
  func.func @_sc_agg_body(%arg0: i32, %arg1: i32, %arg2: memref<10000x128xf32, #tpu.memory_space<hbm>>, %arg3: memref<32x82x2x128xi32, #tpu.memory_space<hbm>>, %arg4: memref<632x128xf32, #tpu.memory_space<hbm>>, %arg5: memref<2x10112x128xf32, #tpu.memory_space<hbm>>, %arg6: memref<2x2x128xi32, #tpu.memory_space<vmem>>, %arg7: memref<2x128x128xf32, #tpu.memory_space<vmem>>, %arg8: memref<10112x128xf32, #tpu.memory_space<vmem_shared>>, %arg9: memref<!tpu.dma_semaphore, #tpu.memory_space<semaphore_mem>>, %arg10: memref<!tpu.dma_semaphore, #tpu.memory_space<semaphore_mem>>, %arg11: memref<!tpu.dma_semaphore, #tpu.memory_space<semaphore_mem>>, %arg12: memref<!tpu.dma_semaphore, #tpu.memory_space<semaphore_mem>>) attributes {dimension_semantics = [#tpu.dimension_semantics<core_parallel>, #tpu.dimension_semantics<subcore_parallel>], iteration_bounds = array<i64: 2, 16>, scalar_prefetch = 0 : i64, scratch_operands = 7 : i64, tpu.core_type = #tpu.core_type<sc_vector_subcore>, window_params = [{transform_indices = #map}, {transform_indices = #map1}, {transform_indices = #map}, {transform_indices = #map2}]} {
    %mul3A = arith.constant 16 : i32
    %mul3A_0 = arith.muli %arg0, %mul3A : i32
    %add3A = arith.addi %mul3A_0, %arg1 : i32
    %dma_start3A = arith.constant 0 : i32
    %dma_start3A_1 = arith.constant 0 : i32
    %dma_start3A_2 = arith.constant 0 : i32
    %dma_start3A_3 = arith.constant 0 : i32
    %dma_start3A_4 = tpu.memref_slice %arg6[%dma_start3A_1, %dma_start3A_2, %dma_start3A_3] : memref<2x2x128xi32, #tpu.memory_space<vmem>> -> memref<1x2x128xi32, #tpu.memory_space<vmem>>
    %dma_start3A_5 = tpu.memref_squeeze %dma_start3A_4 : memref<1x2x128xi32, #tpu.memory_space<vmem>> -> memref<2x128xi32, #tpu.memory_space<vmem>>
    %dma_start3A_6 = arith.constant 0 : i32
    %dma_start3A_7 = arith.constant 0 : i32
    %dma_start3A_8 = tpu.memref_slice %arg3[%add3A, %dma_start3A, %dma_start3A_6, %dma_start3A_7] : memref<32x82x2x128xi32, #tpu.memory_space<hbm>> -> memref<1x1x2x128xi32, #tpu.memory_space<hbm>>
    %dma_start3A_9 = tpu.memref_squeeze %dma_start3A_8 : memref<1x1x2x128xi32, #tpu.memory_space<hbm>> -> memref<2x128xi32, #tpu.memory_space<hbm>>
    %dma_start3A_10 = arith.constant 0 : i32
    %dma_start3A_11 = arith.constant 0 : i32
    %dma_start3A_12 = tpu.memref_slice %arg6[%dma_start3A_1, %dma_start3A_10, %dma_start3A_11] : memref<2x2x128xi32, #tpu.memory_space<vmem>> -> memref<1x2x128xi32, #tpu.memory_space<vmem>>
    %dma_start3A_13 = tpu.memref_squeeze %dma_start3A_12 : memref<1x2x128xi32, #tpu.memory_space<vmem>> -> memref<2x128xi32, #tpu.memory_space<vmem>>
    %dma_start3A_14 = arith.constant 0 : i32
    %dma_start3A_15 = arith.constant 0 : i32
    %dma_start3A_16 = tpu.memref_slice %arg3[%add3A, %dma_start3A, %dma_start3A_14, %dma_start3A_15] : memref<32x82x2x128xi32, #tpu.memory_space<hbm>> -> memref<1x1x2x128xi32, #tpu.memory_space<hbm>>
    %dma_start3A_17 = tpu.memref_squeeze %dma_start3A_16 : memref<1x1x2x128xi32, #tpu.memory_space<hbm>> -> memref<2x128xi32, #tpu.memory_space<hbm>>
    tpu.enqueue_dma source(%dma_start3A_17 : memref<2x128xi32, #tpu.memory_space<hbm>>) target(%dma_start3A_13 : memref<2x128xi32, #tpu.memory_space<vmem>>) target_semaphore(%arg9 : memref<!tpu.dma_semaphore, #tpu.memory_space<semaphore_mem>>)
    %dma_start3A_18 = arith.constant 1 : i32
    %dma_start3A_19 = arith.constant 1 : i32
    %dma_start3A_20 = arith.constant 0 : i32
    %dma_start3A_21 = arith.constant 0 : i32
    %dma_start3A_22 = tpu.memref_slice %arg6[%dma_start3A_19, %dma_start3A_20, %dma_start3A_21] : memref<2x2x128xi32, #tpu.memory_space<vmem>> -> memref<1x2x128xi32, #tpu.memory_space<vmem>>
    %dma_start3A_23 = tpu.memref_squeeze %dma_start3A_22 : memref<1x2x128xi32, #tpu.memory_space<vmem>> -> memref<2x128xi32, #tpu.memory_space<vmem>>
    %dma_start3A_24 = arith.constant 0 : i32
    %dma_start3A_25 = arith.constant 0 : i32
    %dma_start3A_26 = tpu.memref_slice %arg3[%add3A, %dma_start3A_18, %dma_start3A_24, %dma_start3A_25] : memref<32x82x2x128xi32, #tpu.memory_space<hbm>> -> memref<1x1x2x128xi32, #tpu.memory_space<hbm>>
    %dma_start3A_27 = tpu.memref_squeeze %dma_start3A_26 : memref<1x1x2x128xi32, #tpu.memory_space<hbm>> -> memref<2x128xi32, #tpu.memory_space<hbm>>
    %dma_start3A_28 = arith.constant 0 : i32
    %dma_start3A_29 = arith.constant 0 : i32
    %dma_start3A_30 = tpu.memref_slice %arg6[%dma_start3A_19, %dma_start3A_28, %dma_start3A_29] : memref<2x2x128xi32, #tpu.memory_space<vmem>> -> memref<1x2x128xi32, #tpu.memory_space<vmem>>
    %dma_start3A_31 = tpu.memref_squeeze %dma_start3A_30 : memref<1x2x128xi32, #tpu.memory_space<vmem>> -> memref<2x128xi32, #tpu.memory_space<vmem>>
    %dma_start3A_32 = arith.constant 0 : i32
    %dma_start3A_33 = arith.constant 0 : i32
    %dma_start3A_34 = tpu.memref_slice %arg3[%add3A, %dma_start3A_18, %dma_start3A_32, %dma_start3A_33] : memref<32x82x2x128xi32, #tpu.memory_space<hbm>> -> memref<1x1x2x128xi32, #tpu.memory_space<hbm>>
    %dma_start3A_35 = tpu.memref_squeeze %dma_start3A_34 : memref<1x1x2x128xi32, #tpu.memory_space<hbm>> -> memref<2x128xi32, #tpu.memory_space<hbm>>
    tpu.enqueue_dma source(%dma_start3A_35 : memref<2x128xi32, #tpu.memory_space<hbm>>) target(%dma_start3A_31 : memref<2x128xi32, #tpu.memory_space<vmem>>) target_semaphore(%arg10 : memref<!tpu.dma_semaphore, #tpu.memory_space<semaphore_mem>>)
    %mul3A_36 = arith.constant 632 : i32
    %mul3A_37 = arith.muli %arg1, %mul3A_36 : i32
    "tpu.region"() ({
      %run_scoped3A = tpu.sem_alloc : memref<!tpu.dma_semaphore, #tpu.memory_space<semaphore_mem>>
      %dma_start3A_109 = arith.constant 0 : i32
      %dma_start3A_110 = tpu.memref_slice %arg8[%mul3A_37, %dma_start3A_109] : memref<10112x128xf32, #tpu.memory_space<vmem_shared>> -> memref<632x128xf32, #tpu.memory_space<vmem_shared>>
      tpu.enqueue_dma source(%arg4 : memref<632x128xf32, #tpu.memory_space<hbm>>) target(%dma_start3A_110 : memref<632x128xf32, #tpu.memory_space<vmem_shared>>) target_semaphore(%run_scoped3A : memref<!tpu.dma_semaphore, #tpu.memory_space<semaphore_mem>>)
      %dma_wait3A_111 = arith.constant 0 : i32
      %dma_wait3A_112 = tpu.memref_slice %arg8[%mul3A_37, %dma_wait3A_111] : memref<10112x128xf32, #tpu.memory_space<vmem_shared>> -> memref<632x128xf32, #tpu.memory_space<vmem_shared>>
      tpu.wait_dma2 semaphore(%run_scoped3A : memref<!tpu.dma_semaphore, #tpu.memory_space<semaphore_mem>>) src(%arg4 : memref<632x128xf32, #tpu.memory_space<hbm>>) dst(%dma_wait3A_112 : memref<632x128xf32, #tpu.memory_space<vmem_shared>>)
      tpu.yield
    }) : () -> ()
    %barrier3A = arith.constant 0 : index
    tpu.barrier barrier_id(%barrier3A)
    %dma_wait3A = arith.constant 0 : i32
    %dma_wait3A_38 = arith.constant 0 : i32
    %dma_wait3A_39 = arith.constant 0 : i32
    %dma_wait3A_40 = arith.constant 0 : i32
    %dma_wait3A_41 = tpu.memref_slice %arg6[%dma_wait3A_38, %dma_wait3A_39, %dma_wait3A_40] : memref<2x2x128xi32, #tpu.memory_space<vmem>> -> memref<1x2x128xi32, #tpu.memory_space<vmem>>
    %dma_wait3A_42 = tpu.memref_squeeze %dma_wait3A_41 : memref<1x2x128xi32, #tpu.memory_space<vmem>> -> memref<2x128xi32, #tpu.memory_space<vmem>>
    %dma_wait3A_43 = arith.constant 0 : i32
    %dma_wait3A_44 = arith.constant 0 : i32
    %dma_wait3A_45 = tpu.memref_slice %arg3[%add3A, %dma_wait3A, %dma_wait3A_43, %dma_wait3A_44] : memref<32x82x2x128xi32, #tpu.memory_space<hbm>> -> memref<1x1x2x128xi32, #tpu.memory_space<hbm>>
    %dma_wait3A_46 = tpu.memref_squeeze %dma_wait3A_45 : memref<1x1x2x128xi32, #tpu.memory_space<hbm>> -> memref<2x128xi32, #tpu.memory_space<hbm>>
    %dma_wait3A_47 = arith.constant 0 : i32
    %dma_wait3A_48 = arith.constant 0 : i32
    %dma_wait3A_49 = tpu.memref_slice %arg6[%dma_wait3A_38, %dma_wait3A_47, %dma_wait3A_48] : memref<2x2x128xi32, #tpu.memory_space<vmem>> -> memref<1x2x128xi32, #tpu.memory_space<vmem>>
    %dma_wait3A_50 = tpu.memref_squeeze %dma_wait3A_49 : memref<1x2x128xi32, #tpu.memory_space<vmem>> -> memref<2x128xi32, #tpu.memory_space<vmem>>
    %dma_wait3A_51 = arith.constant 0 : i32
    %dma_wait3A_52 = arith.constant 0 : i32
    %dma_wait3A_53 = tpu.memref_slice %arg3[%add3A, %dma_wait3A, %dma_wait3A_51, %dma_wait3A_52] : memref<32x82x2x128xi32, #tpu.memory_space<hbm>> -> memref<1x1x2x128xi32, #tpu.memory_space<hbm>>
    %dma_wait3A_54 = tpu.memref_squeeze %dma_wait3A_53 : memref<1x1x2x128xi32, #tpu.memory_space<hbm>> -> memref<2x128xi32, #tpu.memory_space<hbm>>
    tpu.wait_dma2 semaphore(%arg9 : memref<!tpu.dma_semaphore, #tpu.memory_space<semaphore_mem>>) src(%dma_wait3A_54 : memref<2x128xi32, #tpu.memory_space<hbm>>) dst(%dma_wait3A_50 : memref<2x128xi32, #tpu.memory_space<vmem>>)
    %dma_start3A_55 = arith.constant 0 : i32
    %dma_start3A_56 = arith.constant 0 : i32
    %dma_start3A_57 = arith.constant 0 : i32
    %dma_start3A_58 = arith.constant 0 : i32
    %dma_start3A_59 = arith.constant 0 : i32
    %dma_start3A_60 = tpu.memref_slice %arg7[%dma_start3A_57, %dma_start3A_58, %dma_start3A_59] : memref<2x128x128xf32, #tpu.memory_space<vmem>> -> memref<1x128x128xf32, #tpu.memory_space<vmem>>
    %dma_start3A_61 = tpu.memref_squeeze %dma_start3A_60 : memref<1x128x128xf32, #tpu.memory_space<vmem>> -> memref<128x128xf32, #tpu.memory_space<vmem>>
    %dma_start3A_62 = arith.constant 0 : i32
    %dma_start3A_63 = tpu.memref_slice %arg6[%dma_start3A_55, %dma_start3A_56, %dma_start3A_62] : memref<2x2x128xi32, #tpu.memory_space<vmem>> -> memref<1x1x128xi32, #tpu.memory_space<vmem>>
    %dma_start3A_64 = tpu.memref_squeeze %dma_start3A_63 : memref<1x1x128xi32, #tpu.memory_space<vmem>> -> memref<128xi32, #tpu.memory_space<vmem>>
    %dma_start3A_65 = arith.constant 0 : i32
    %dma_start3A_66 = arith.constant 0 : i32
    %dma_start3A_67 = tpu.memref_slice %arg2[%dma_start3A_65, %dma_start3A_66] : memref<10000x128xf32, #tpu.memory_space<hbm>> -> memref<10000x128xf32, #tpu.memory_space<hbm>>
    tpu.enqueue_indirect_dma source(%dma_start3A_67 : memref<10000x128xf32, #tpu.memory_space<hbm>>) target(%dma_start3A_61 : memref<128x128xf32, #tpu.memory_space<vmem>>) offsets(%dma_start3A_64 : memref<128xi32, #tpu.memory_space<vmem>>) semaphore(%arg11 : memref<!tpu.dma_semaphore, #tpu.memory_space<semaphore_mem>>)
    %scan3A = arith.constant 0 : i32
    %scan3A_68 = arith.constant 0 : i32
    %scan3A_69 = arith.constant 40 : i32
    %scan3A_70 = arith.addi %scan3A_68, %scan3A_69 : i32
    %scan3A_71 = arith.constant 1 : i32
    scf.for %scan3A_109 = %scan3A_68 to %scan3A_70 step %scan3A_71  : i32 {
      %mul3A_110 = arith.constant 2 : i32
      %mul3A_111 = arith.muli %mul3A_110, %scan3A_109 : i32
      %dma_wait3A_112 = arith.constant 0 : i32
      %dma_wait3A_113 = arith.constant 0 : i32
      %dma_wait3A_114 = arith.constant 0 : i32
      %dma_wait3A_115 = arith.constant 0 : i32
      %dma_wait3A_116 = arith.constant 0 : i32
      %dma_wait3A_117 = tpu.memref_slice %arg7[%dma_wait3A_114, %dma_wait3A_115, %dma_wait3A_116] : memref<2x128x128xf32, #tpu.memory_space<vmem>> -> memref<1x128x128xf32, #tpu.memory_space<vmem>>
      %dma_wait3A_118 = tpu.memref_squeeze %dma_wait3A_117 : memref<1x128x128xf32, #tpu.memory_space<vmem>> -> memref<128x128xf32, #tpu.memory_space<vmem>>
      %dma_wait3A_119 = arith.constant 0 : i32
      %dma_wait3A_120 = tpu.memref_slice %arg6[%dma_wait3A_112, %dma_wait3A_113, %dma_wait3A_119] : memref<2x2x128xi32, #tpu.memory_space<vmem>> -> memref<1x1x128xi32, #tpu.memory_space<vmem>>
      %dma_wait3A_121 = tpu.memref_squeeze %dma_wait3A_120 : memref<1x1x128xi32, #tpu.memory_space<vmem>> -> memref<128xi32, #tpu.memory_space<vmem>>
      %dma_wait3A_122 = arith.constant 0 : i32
      %dma_wait3A_123 = arith.constant 0 : i32
      %dma_wait3A_124 = tpu.memref_slice %arg2[%dma_wait3A_122, %dma_wait3A_123] : memref<10000x128xf32, #tpu.memory_space<hbm>> -> memref<10000x128xf32, #tpu.memory_space<hbm>>
      tpu.wait_indirect_dma semaphore(%arg11 : memref<!tpu.dma_semaphore, #tpu.memory_space<semaphore_mem>>) src(%dma_wait3A_124 : memref<10000x128xf32, #tpu.memory_space<hbm>>) dst(%dma_wait3A_118 : memref<128x128xf32, #tpu.memory_space<vmem>>)
      %add3A_125 = arith.constant 1 : i32
      %add3A_126 = arith.addi %mul3A_111, %add3A_125 : i32
      %dma_wait3A_127 = arith.constant 1 : i32
      %dma_wait3A_128 = arith.constant 0 : i32
      %dma_wait3A_129 = arith.constant 0 : i32
      %dma_wait3A_130 = tpu.memref_slice %arg6[%dma_wait3A_127, %dma_wait3A_128, %dma_wait3A_129] : memref<2x2x128xi32, #tpu.memory_space<vmem>> -> memref<1x2x128xi32, #tpu.memory_space<vmem>>
      %dma_wait3A_131 = tpu.memref_squeeze %dma_wait3A_130 : memref<1x2x128xi32, #tpu.memory_space<vmem>> -> memref<2x128xi32, #tpu.memory_space<vmem>>
      %dma_wait3A_132 = arith.constant 0 : i32
      %dma_wait3A_133 = arith.constant 0 : i32
      %dma_wait3A_134 = tpu.memref_slice %arg3[%add3A, %add3A_126, %dma_wait3A_132, %dma_wait3A_133] : memref<32x82x2x128xi32, #tpu.memory_space<hbm>> -> memref<1x1x2x128xi32, #tpu.memory_space<hbm>>
      %dma_wait3A_135 = tpu.memref_squeeze %dma_wait3A_134 : memref<1x1x2x128xi32, #tpu.memory_space<hbm>> -> memref<2x128xi32, #tpu.memory_space<hbm>>
      %dma_wait3A_136 = arith.constant 0 : i32
      %dma_wait3A_137 = arith.constant 0 : i32
      %dma_wait3A_138 = tpu.memref_slice %arg6[%dma_wait3A_127, %dma_wait3A_136, %dma_wait3A_137] : memref<2x2x128xi32, #tpu.memory_space<vmem>> -> memref<1x2x128xi32, #tpu.memory_space<vmem>>
      %dma_wait3A_139 = tpu.memref_squeeze %dma_wait3A_138 : memref<1x2x128xi32, #tpu.memory_space<vmem>> -> memref<2x128xi32, #tpu.memory_space<vmem>>
      %dma_wait3A_140 = arith.constant 0 : i32
      %dma_wait3A_141 = arith.constant 0 : i32
      %dma_wait3A_142 = tpu.memref_slice %arg3[%add3A, %add3A_126, %dma_wait3A_140, %dma_wait3A_141] : memref<32x82x2x128xi32, #tpu.memory_space<hbm>> -> memref<1x1x2x128xi32, #tpu.memory_space<hbm>>
      %dma_wait3A_143 = tpu.memref_squeeze %dma_wait3A_142 : memref<1x1x2x128xi32, #tpu.memory_space<hbm>> -> memref<2x128xi32, #tpu.memory_space<hbm>>
      tpu.wait_dma2 semaphore(%arg10 : memref<!tpu.dma_semaphore, #tpu.memory_space<semaphore_mem>>) src(%dma_wait3A_143 : memref<2x128xi32, #tpu.memory_space<hbm>>) dst(%dma_wait3A_139 : memref<2x128xi32, #tpu.memory_space<vmem>>)
      %dma_start3A_144 = arith.constant 1 : i32
      %dma_start3A_145 = arith.constant 0 : i32
      %dma_start3A_146 = arith.constant 1 : i32
      %dma_start3A_147 = arith.constant 0 : i32
      %dma_start3A_148 = arith.constant 0 : i32
      %dma_start3A_149 = tpu.memref_slice %arg7[%dma_start3A_146, %dma_start3A_147, %dma_start3A_148] : memref<2x128x128xf32, #tpu.memory_space<vmem>> -> memref<1x128x128xf32, #tpu.memory_space<vmem>>
      %dma_start3A_150 = tpu.memref_squeeze %dma_start3A_149 : memref<1x128x128xf32, #tpu.memory_space<vmem>> -> memref<128x128xf32, #tpu.memory_space<vmem>>
      %dma_start3A_151 = arith.constant 0 : i32
      %dma_start3A_152 = tpu.memref_slice %arg6[%dma_start3A_144, %dma_start3A_145, %dma_start3A_151] : memref<2x2x128xi32, #tpu.memory_space<vmem>> -> memref<1x1x128xi32, #tpu.memory_space<vmem>>
      %dma_start3A_153 = tpu.memref_squeeze %dma_start3A_152 : memref<1x1x128xi32, #tpu.memory_space<vmem>> -> memref<128xi32, #tpu.memory_space<vmem>>
      %dma_start3A_154 = arith.constant 0 : i32
      %dma_start3A_155 = arith.constant 0 : i32
      %dma_start3A_156 = tpu.memref_slice %arg2[%dma_start3A_154, %dma_start3A_155] : memref<10000x128xf32, #tpu.memory_space<hbm>> -> memref<10000x128xf32, #tpu.memory_space<hbm>>
      tpu.enqueue_indirect_dma source(%dma_start3A_156 : memref<10000x128xf32, #tpu.memory_space<hbm>>) target(%dma_start3A_150 : memref<128x128xf32, #tpu.memory_space<vmem>>) offsets(%dma_start3A_153 : memref<128xi32, #tpu.memory_space<vmem>>) semaphore(%arg12 : memref<!tpu.dma_semaphore, #tpu.memory_space<semaphore_mem>>)
      %run_scoped3A = arith.constant 0 : i32
      %run_scoped3A_157 = arith.constant 0 : i32
      %run_scoped3A_158 = arith.constant 1 : i32
      "tpu.region"() ({
        %run_scoped3A_247 = tpu.sem_alloc : memref<!tpu.dma_semaphore, #tpu.memory_space<semaphore_mem>>
        %dma_start3A_248 = arith.constant 0 : i32
        %dma_start3A_249 = arith.constant 0 : i32
        %dma_start3A_250 = tpu.memref_slice %arg7[%run_scoped3A, %dma_start3A_248, %dma_start3A_249] : memref<2x128x128xf32, #tpu.memory_space<vmem>> -> memref<1x128x128xf32, #tpu.memory_space<vmem>>
        %dma_start3A_251 = tpu.memref_squeeze %dma_start3A_250 : memref<1x128x128xf32, #tpu.memory_space<vmem>> -> memref<128x128xf32, #tpu.memory_space<vmem>>
        %dma_start3A_252 = arith.constant 0 : i32
        %dma_start3A_253 = tpu.memref_slice %arg6[%run_scoped3A_157, %run_scoped3A_158, %dma_start3A_252] : memref<2x2x128xi32, #tpu.memory_space<vmem>> -> memref<1x1x128xi32, #tpu.memory_space<vmem>>
        %dma_start3A_254 = tpu.memref_squeeze %dma_start3A_253 : memref<1x1x128xi32, #tpu.memory_space<vmem>> -> memref<128xi32, #tpu.memory_space<vmem>>
        %dma_start3A_255 = arith.constant 0 : i32
        %dma_start3A_256 = arith.constant 0 : i32
        %dma_start3A_257 = tpu.memref_slice %arg8[%dma_start3A_255, %dma_start3A_256] : memref<10112x128xf32, #tpu.memory_space<vmem_shared>> -> memref<10112x128xf32, #tpu.memory_space<vmem_shared>>
        tpu.enqueue_indirect_dma source(%dma_start3A_251 : memref<128x128xf32, #tpu.memory_space<vmem>>) target(%dma_start3A_257 : memref<10112x128xf32, #tpu.memory_space<vmem_shared>>) offsets(%dma_start3A_254 : memref<128xi32, #tpu.memory_space<vmem>>) semaphore(%run_scoped3A_247 : memref<!tpu.dma_semaphore, #tpu.memory_space<semaphore_mem>>) {add = true}
        %dma_wait3A_258 = arith.constant 0 : i32
        %dma_wait3A_259 = arith.constant 0 : i32
        %dma_wait3A_260 = tpu.memref_slice %arg7[%run_scoped3A, %dma_wait3A_258, %dma_wait3A_259] : memref<2x128x128xf32, #tpu.memory_space<vmem>> -> memref<1x128x128xf32, #tpu.memory_space<vmem>>
        %dma_wait3A_261 = tpu.memref_squeeze %dma_wait3A_260 : memref<1x128x128xf32, #tpu.memory_space<vmem>> -> memref<128x128xf32, #tpu.memory_space<vmem>>
        %dma_wait3A_262 = arith.constant 0 : i32
        %dma_wait3A_263 = tpu.memref_slice %arg6[%run_scoped3A_157, %run_scoped3A_158, %dma_wait3A_262] : memref<2x2x128xi32, #tpu.memory_space<vmem>> -> memref<1x1x128xi32, #tpu.memory_space<vmem>>
        %dma_wait3A_264 = tpu.memref_squeeze %dma_wait3A_263 : memref<1x1x128xi32, #tpu.memory_space<vmem>> -> memref<128xi32, #tpu.memory_space<vmem>>
        %dma_wait3A_265 = arith.constant 0 : i32
        %dma_wait3A_266 = arith.constant 0 : i32
        %dma_wait3A_267 = tpu.memref_slice %arg8[%dma_wait3A_265, %dma_wait3A_266] : memref<10112x128xf32, #tpu.memory_space<vmem_shared>> -> memref<10112x128xf32, #tpu.memory_space<vmem_shared>>
        tpu.wait_indirect_dma semaphore(%run_scoped3A_247 : memref<!tpu.dma_semaphore, #tpu.memory_space<semaphore_mem>>) src(%dma_wait3A_261 : memref<128x128xf32, #tpu.memory_space<vmem>>) dst(%dma_wait3A_267 : memref<10112x128xf32, #tpu.memory_space<vmem_shared>>)
        tpu.yield
      }) : () -> ()
      %add3A_159 = arith.constant 2 : i32
      %add3A_160 = arith.addi %mul3A_111, %add3A_159 : i32
      %dma_start3A_161 = arith.constant 0 : i32
      %dma_start3A_162 = arith.constant 0 : i32
      %dma_start3A_163 = arith.constant 0 : i32
      %dma_start3A_164 = tpu.memref_slice %arg6[%dma_start3A_161, %dma_start3A_162, %dma_start3A_163] : memref<2x2x128xi32, #tpu.memory_space<vmem>> -> memref<1x2x128xi32, #tpu.memory_space<vmem>>
      %dma_start3A_165 = tpu.memref_squeeze %dma_start3A_164 : memref<1x2x128xi32, #tpu.memory_space<vmem>> -> memref<2x128xi32, #tpu.memory_space<vmem>>
      %dma_start3A_166 = arith.constant 0 : i32
      %dma_start3A_167 = arith.constant 0 : i32
      %dma_start3A_168 = tpu.memref_slice %arg3[%add3A, %add3A_160, %dma_start3A_166, %dma_start3A_167] : memref<32x82x2x128xi32, #tpu.memory_space<hbm>> -> memref<1x1x2x128xi32, #tpu.memory_space<hbm>>
      %dma_start3A_169 = tpu.memref_squeeze %dma_start3A_168 : memref<1x1x2x128xi32, #tpu.memory_space<hbm>> -> memref<2x128xi32, #tpu.memory_space<hbm>>
      %dma_start3A_170 = arith.constant 0 : i32
      %dma_start3A_171 = arith.constant 0 : i32
      %dma_start3A_172 = tpu.memref_slice %arg6[%dma_start3A_161, %dma_start3A_170, %dma_start3A_171] : memref<2x2x128xi32, #tpu.memory_space<vmem>> -> memref<1x2x128xi32, #tpu.memory_space<vmem>>
      %dma_start3A_173 = tpu.memref_squeeze %dma_start3A_172 : memref<1x2x128xi32, #tpu.memory_space<vmem>> -> memref<2x128xi32, #tpu.memory_space<vmem>>
      %dma_start3A_174 = arith.constant 0 : i32
      %dma_start3A_175 = arith.constant 0 : i32
      %dma_start3A_176 = tpu.memref_slice %arg3[%add3A, %add3A_160, %dma_start3A_174, %dma_start3A_175] : memref<32x82x2x128xi32, #tpu.memory_space<hbm>> -> memref<1x1x2x128xi32, #tpu.memory_space<hbm>>
      %dma_start3A_177 = tpu.memref_squeeze %dma_start3A_176 : memref<1x1x2x128xi32, #tpu.memory_space<hbm>> -> memref<2x128xi32, #tpu.memory_space<hbm>>
      tpu.enqueue_dma source(%dma_start3A_177 : memref<2x128xi32, #tpu.memory_space<hbm>>) target(%dma_start3A_173 : memref<2x128xi32, #tpu.memory_space<vmem>>) target_semaphore(%arg9 : memref<!tpu.dma_semaphore, #tpu.memory_space<semaphore_mem>>)
      %add3A_178 = arith.constant 1 : i32
      %add3A_179 = arith.addi %mul3A_111, %add3A_178 : i32
      %dma_wait3A_180 = arith.constant 1 : i32
      %dma_wait3A_181 = arith.constant 0 : i32
      %dma_wait3A_182 = arith.constant 1 : i32
      %dma_wait3A_183 = arith.constant 0 : i32
      %dma_wait3A_184 = arith.constant 0 : i32
      %dma_wait3A_185 = tpu.memref_slice %arg7[%dma_wait3A_182, %dma_wait3A_183, %dma_wait3A_184] : memref<2x128x128xf32, #tpu.memory_space<vmem>> -> memref<1x128x128xf32, #tpu.memory_space<vmem>>
      %dma_wait3A_186 = tpu.memref_squeeze %dma_wait3A_185 : memref<1x128x128xf32, #tpu.memory_space<vmem>> -> memref<128x128xf32, #tpu.memory_space<vmem>>
      %dma_wait3A_187 = arith.constant 0 : i32
      %dma_wait3A_188 = tpu.memref_slice %arg6[%dma_wait3A_180, %dma_wait3A_181, %dma_wait3A_187] : memref<2x2x128xi32, #tpu.memory_space<vmem>> -> memref<1x1x128xi32, #tpu.memory_space<vmem>>
      %dma_wait3A_189 = tpu.memref_squeeze %dma_wait3A_188 : memref<1x1x128xi32, #tpu.memory_space<vmem>> -> memref<128xi32, #tpu.memory_space<vmem>>
      %dma_wait3A_190 = arith.constant 0 : i32
      %dma_wait3A_191 = arith.constant 0 : i32
      %dma_wait3A_192 = tpu.memref_slice %arg2[%dma_wait3A_190, %dma_wait3A_191] : memref<10000x128xf32, #tpu.memory_space<hbm>> -> memref<10000x128xf32, #tpu.memory_space<hbm>>
      tpu.wait_indirect_dma semaphore(%arg12 : memref<!tpu.dma_semaphore, #tpu.memory_space<semaphore_mem>>) src(%dma_wait3A_192 : memref<10000x128xf32, #tpu.memory_space<hbm>>) dst(%dma_wait3A_186 : memref<128x128xf32, #tpu.memory_space<vmem>>)
      %add3A_193 = arith.constant 1 : i32
      %add3A_194 = arith.addi %add3A_179, %add3A_193 : i32
      %dma_wait3A_195 = arith.constant 0 : i32
      %dma_wait3A_196 = arith.constant 0 : i32
      %dma_wait3A_197 = arith.constant 0 : i32
      %dma_wait3A_198 = tpu.memref_slice %arg6[%dma_wait3A_195, %dma_wait3A_196, %dma_wait3A_197] : memref<2x2x128xi32, #tpu.memory_space<vmem>> -> memref<1x2x128xi32, #tpu.memory_space<vmem>>
      %dma_wait3A_199 = tpu.memref_squeeze %dma_wait3A_198 : memref<1x2x128xi32, #tpu.memory_space<vmem>> -> memref<2x128xi32, #tpu.memory_space<vmem>>
      %dma_wait3A_200 = arith.constant 0 : i32
      %dma_wait3A_201 = arith.constant 0 : i32
      %dma_wait3A_202 = tpu.memref_slice %arg3[%add3A, %add3A_194, %dma_wait3A_200, %dma_wait3A_201] : memref<32x82x2x128xi32, #tpu.memory_space<hbm>> -> memref<1x1x2x128xi32, #tpu.memory_space<hbm>>
      %dma_wait3A_203 = tpu.memref_squeeze %dma_wait3A_202 : memref<1x1x2x128xi32, #tpu.memory_space<hbm>> -> memref<2x128xi32, #tpu.memory_space<hbm>>
      %dma_wait3A_204 = arith.constant 0 : i32
      %dma_wait3A_205 = arith.constant 0 : i32
      %dma_wait3A_206 = tpu.memref_slice %arg6[%dma_wait3A_195, %dma_wait3A_204, %dma_wait3A_205] : memref<2x2x128xi32, #tpu.memory_space<vmem>> -> memref<1x2x128xi32, #tpu.memory_space<vmem>>
      %dma_wait3A_207 = tpu.memref_squeeze %dma_wait3A_206 : memref<1x2x128xi32, #tpu.memory_space<vmem>> -> memref<2x128xi32, #tpu.memory_space<vmem>>
      %dma_wait3A_208 = arith.constant 0 : i32
      %dma_wait3A_209 = arith.constant 0 : i32
      %dma_wait3A_210 = tpu.memref_slice %arg3[%add3A, %add3A_194, %dma_wait3A_208, %dma_wait3A_209] : memref<32x82x2x128xi32, #tpu.memory_space<hbm>> -> memref<1x1x2x128xi32, #tpu.memory_space<hbm>>
      %dma_wait3A_211 = tpu.memref_squeeze %dma_wait3A_210 : memref<1x1x2x128xi32, #tpu.memory_space<hbm>> -> memref<2x128xi32, #tpu.memory_space<hbm>>
      tpu.wait_dma2 semaphore(%arg9 : memref<!tpu.dma_semaphore, #tpu.memory_space<semaphore_mem>>) src(%dma_wait3A_211 : memref<2x128xi32, #tpu.memory_space<hbm>>) dst(%dma_wait3A_207 : memref<2x128xi32, #tpu.memory_space<vmem>>)
      %dma_start3A_212 = arith.constant 0 : i32
      %dma_start3A_213 = arith.constant 0 : i32
      %dma_start3A_214 = arith.constant 0 : i32
      %dma_start3A_215 = arith.constant 0 : i32
      %dma_start3A_216 = arith.constant 0 : i32
      %dma_start3A_217 = tpu.memref_slice %arg7[%dma_start3A_214, %dma_start3A_215, %dma_start3A_216] : memref<2x128x128xf32, #tpu.memory_space<vmem>> -> memref<1x128x128xf32, #tpu.memory_space<vmem>>
      %dma_start3A_218 = tpu.memref_squeeze %dma_start3A_217 : memref<1x128x128xf32, #tpu.memory_space<vmem>> -> memref<128x128xf32, #tpu.memory_space<vmem>>
      %dma_start3A_219 = arith.constant 0 : i32
      %dma_start3A_220 = tpu.memref_slice %arg6[%dma_start3A_212, %dma_start3A_213, %dma_start3A_219] : memref<2x2x128xi32, #tpu.memory_space<vmem>> -> memref<1x1x128xi32, #tpu.memory_space<vmem>>
      %dma_start3A_221 = tpu.memref_squeeze %dma_start3A_220 : memref<1x1x128xi32, #tpu.memory_space<vmem>> -> memref<128xi32, #tpu.memory_space<vmem>>
      %dma_start3A_222 = arith.constant 0 : i32
      %dma_start3A_223 = arith.constant 0 : i32
      %dma_start3A_224 = tpu.memref_slice %arg2[%dma_start3A_222, %dma_start3A_223] : memref<10000x128xf32, #tpu.memory_space<hbm>> -> memref<10000x128xf32, #tpu.memory_space<hbm>>
      tpu.enqueue_indirect_dma source(%dma_start3A_224 : memref<10000x128xf32, #tpu.memory_space<hbm>>) target(%dma_start3A_218 : memref<128x128xf32, #tpu.memory_space<vmem>>) offsets(%dma_start3A_221 : memref<128xi32, #tpu.memory_space<vmem>>) semaphore(%arg11 : memref<!tpu.dma_semaphore, #tpu.memory_space<semaphore_mem>>)
      %run_scoped3A_225 = arith.constant 1 : i32
      %run_scoped3A_226 = arith.constant 1 : i32
      %run_scoped3A_227 = arith.constant 1 : i32
      "tpu.region"() ({
        %run_scoped3A_247 = tpu.sem_alloc : memref<!tpu.dma_semaphore, #tpu.memory_space<semaphore_mem>>
        %dma_start3A_248 = arith.constant 0 : i32
        %dma_start3A_249 = arith.constant 0 : i32
        %dma_start3A_250 = tpu.memref_slice %arg7[%run_scoped3A_225, %dma_start3A_248, %dma_start3A_249] : memref<2x128x128xf32, #tpu.memory_space<vmem>> -> memref<1x128x128xf32, #tpu.memory_space<vmem>>
        %dma_start3A_251 = tpu.memref_squeeze %dma_start3A_250 : memref<1x128x128xf32, #tpu.memory_space<vmem>> -> memref<128x128xf32, #tpu.memory_space<vmem>>
        %dma_start3A_252 = arith.constant 0 : i32
        %dma_start3A_253 = tpu.memref_slice %arg6[%run_scoped3A_226, %run_scoped3A_227, %dma_start3A_252] : memref<2x2x128xi32, #tpu.memory_space<vmem>> -> memref<1x1x128xi32, #tpu.memory_space<vmem>>
        %dma_start3A_254 = tpu.memref_squeeze %dma_start3A_253 : memref<1x1x128xi32, #tpu.memory_space<vmem>> -> memref<128xi32, #tpu.memory_space<vmem>>
        %dma_start3A_255 = arith.constant 0 : i32
        %dma_start3A_256 = arith.constant 0 : i32
        %dma_start3A_257 = tpu.memref_slice %arg8[%dma_start3A_255, %dma_start3A_256] : memref<10112x128xf32, #tpu.memory_space<vmem_shared>> -> memref<10112x128xf32, #tpu.memory_space<vmem_shared>>
        tpu.enqueue_indirect_dma source(%dma_start3A_251 : memref<128x128xf32, #tpu.memory_space<vmem>>) target(%dma_start3A_257 : memref<10112x128xf32, #tpu.memory_space<vmem_shared>>) offsets(%dma_start3A_254 : memref<128xi32, #tpu.memory_space<vmem>>) semaphore(%run_scoped3A_247 : memref<!tpu.dma_semaphore, #tpu.memory_space<semaphore_mem>>) {add = true}
        %dma_wait3A_258 = arith.constant 0 : i32
        %dma_wait3A_259 = arith.constant 0 : i32
        %dma_wait3A_260 = tpu.memref_slice %arg7[%run_scoped3A_225, %dma_wait3A_258, %dma_wait3A_259] : memref<2x128x128xf32, #tpu.memory_space<vmem>> -> memref<1x128x128xf32, #tpu.memory_space<vmem>>
        %dma_wait3A_261 = tpu.memref_squeeze %dma_wait3A_260 : memref<1x128x128xf32, #tpu.memory_space<vmem>> -> memref<128x128xf32, #tpu.memory_space<vmem>>
        %dma_wait3A_262 = arith.constant 0 : i32
        %dma_wait3A_263 = tpu.memref_slice %arg6[%run_scoped3A_226, %run_scoped3A_227, %dma_wait3A_262] : memref<2x2x128xi32, #tpu.memory_space<vmem>> -> memref<1x1x128xi32, #tpu.memory_space<vmem>>
        %dma_wait3A_264 = tpu.memref_squeeze %dma_wait3A_263 : memref<1x1x128xi32, #tpu.memory_space<vmem>> -> memref<128xi32, #tpu.memory_space<vmem>>
        %dma_wait3A_265 = arith.constant 0 : i32
        %dma_wait3A_266 = arith.constant 0 : i32
        %dma_wait3A_267 = tpu.memref_slice %arg8[%dma_wait3A_265, %dma_wait3A_266] : memref<10112x128xf32, #tpu.memory_space<vmem_shared>> -> memref<10112x128xf32, #tpu.memory_space<vmem_shared>>
        tpu.wait_indirect_dma semaphore(%run_scoped3A_247 : memref<!tpu.dma_semaphore, #tpu.memory_space<semaphore_mem>>) src(%dma_wait3A_261 : memref<128x128xf32, #tpu.memory_space<vmem>>) dst(%dma_wait3A_267 : memref<10112x128xf32, #tpu.memory_space<vmem_shared>>)
        tpu.yield
      }) : () -> ()
      %add3A_228 = arith.constant 2 : i32
      %add3A_229 = arith.addi %add3A_179, %add3A_228 : i32
      %dma_start3A_230 = arith.constant 1 : i32
      %dma_start3A_231 = arith.constant 0 : i32
      %dma_start3A_232 = arith.constant 0 : i32
      %dma_start3A_233 = tpu.memref_slice %arg6[%dma_start3A_230, %dma_start3A_231, %dma_start3A_232] : memref<2x2x128xi32, #tpu.memory_space<vmem>> -> memref<1x2x128xi32, #tpu.memory_space<vmem>>
      %dma_start3A_234 = tpu.memref_squeeze %dma_start3A_233 : memref<1x2x128xi32, #tpu.memory_space<vmem>> -> memref<2x128xi32, #tpu.memory_space<vmem>>
      %dma_start3A_235 = arith.constant 0 : i32
      %dma_start3A_236 = arith.constant 0 : i32
      %dma_start3A_237 = tpu.memref_slice %arg3[%add3A, %add3A_229, %dma_start3A_235, %dma_start3A_236] : memref<32x82x2x128xi32, #tpu.memory_space<hbm>> -> memref<1x1x2x128xi32, #tpu.memory_space<hbm>>
      %dma_start3A_238 = tpu.memref_squeeze %dma_start3A_237 : memref<1x1x2x128xi32, #tpu.memory_space<hbm>> -> memref<2x128xi32, #tpu.memory_space<hbm>>
      %dma_start3A_239 = arith.constant 0 : i32
      %dma_start3A_240 = arith.constant 0 : i32
      %dma_start3A_241 = tpu.memref_slice %arg6[%dma_start3A_230, %dma_start3A_239, %dma_start3A_240] : memref<2x2x128xi32, #tpu.memory_space<vmem>> -> memref<1x2x128xi32, #tpu.memory_space<vmem>>
      %dma_start3A_242 = tpu.memref_squeeze %dma_start3A_241 : memref<1x2x128xi32, #tpu.memory_space<vmem>> -> memref<2x128xi32, #tpu.memory_space<vmem>>
      %dma_start3A_243 = arith.constant 0 : i32
      %dma_start3A_244 = arith.constant 0 : i32
      %dma_start3A_245 = tpu.memref_slice %arg3[%add3A, %add3A_229, %dma_start3A_243, %dma_start3A_244] : memref<32x82x2x128xi32, #tpu.memory_space<hbm>> -> memref<1x1x2x128xi32, #tpu.memory_space<hbm>>
      %dma_start3A_246 = tpu.memref_squeeze %dma_start3A_245 : memref<1x1x2x128xi32, #tpu.memory_space<hbm>> -> memref<2x128xi32, #tpu.memory_space<hbm>>
      tpu.enqueue_dma source(%dma_start3A_246 : memref<2x128xi32, #tpu.memory_space<hbm>>) target(%dma_start3A_242 : memref<2x128xi32, #tpu.memory_space<vmem>>) target_semaphore(%arg10 : memref<!tpu.dma_semaphore, #tpu.memory_space<semaphore_mem>>)
    }
    %scan3A_72 = arith.constant 40 : i32
    %dma_wait3A_73 = arith.constant 0 : i32
    %dma_wait3A_74 = arith.constant 0 : i32
    %dma_wait3A_75 = arith.constant 0 : i32
    %dma_wait3A_76 = arith.constant 0 : i32
    %dma_wait3A_77 = arith.constant 0 : i32
    %dma_wait3A_78 = tpu.memref_slice %arg7[%dma_wait3A_75, %dma_wait3A_76, %dma_wait3A_77] : memref<2x128x128xf32, #tpu.memory_space<vmem>> -> memref<1x128x128xf32, #tpu.memory_space<vmem>>
    %dma_wait3A_79 = tpu.memref_squeeze %dma_wait3A_78 : memref<1x128x128xf32, #tpu.memory_space<vmem>> -> memref<128x128xf32, #tpu.memory_space<vmem>>
    %dma_wait3A_80 = arith.constant 0 : i32
    %dma_wait3A_81 = tpu.memref_slice %arg6[%dma_wait3A_73, %dma_wait3A_74, %dma_wait3A_80] : memref<2x2x128xi32, #tpu.memory_space<vmem>> -> memref<1x1x128xi32, #tpu.memory_space<vmem>>
    %dma_wait3A_82 = tpu.memref_squeeze %dma_wait3A_81 : memref<1x1x128xi32, #tpu.memory_space<vmem>> -> memref<128xi32, #tpu.memory_space<vmem>>
    %dma_wait3A_83 = arith.constant 0 : i32
    %dma_wait3A_84 = arith.constant 0 : i32
    %dma_wait3A_85 = tpu.memref_slice %arg2[%dma_wait3A_83, %dma_wait3A_84] : memref<10000x128xf32, #tpu.memory_space<hbm>> -> memref<10000x128xf32, #tpu.memory_space<hbm>>
    tpu.wait_indirect_dma semaphore(%arg11 : memref<!tpu.dma_semaphore, #tpu.memory_space<semaphore_mem>>) src(%dma_wait3A_85 : memref<10000x128xf32, #tpu.memory_space<hbm>>) dst(%dma_wait3A_79 : memref<128x128xf32, #tpu.memory_space<vmem>>)
    %dma_wait3A_86 = arith.constant 81 : i32
    %dma_wait3A_87 = arith.constant 1 : i32
    %dma_wait3A_88 = arith.constant 0 : i32
    %dma_wait3A_89 = arith.constant 0 : i32
    %dma_wait3A_90 = tpu.memref_slice %arg6[%dma_wait3A_87, %dma_wait3A_88, %dma_wait3A_89] : memref<2x2x128xi32, #tpu.memory_space<vmem>> -> memref<1x2x128xi32, #tpu.memory_space<vmem>>
    %dma_wait3A_91 = tpu.memref_squeeze %dma_wait3A_90 : memref<1x2x128xi32, #tpu.memory_space<vmem>> -> memref<2x128xi32, #tpu.memory_space<vmem>>
    %dma_wait3A_92 = arith.constant 0 : i32
    %dma_wait3A_93 = arith.constant 0 : i32
    %dma_wait3A_94 = tpu.memref_slice %arg3[%add3A, %dma_wait3A_86, %dma_wait3A_92, %dma_wait3A_93] : memref<32x82x2x128xi32, #tpu.memory_space<hbm>> -> memref<1x1x2x128xi32, #tpu.memory_space<hbm>>
    %dma_wait3A_95 = tpu.memref_squeeze %dma_wait3A_94 : memref<1x1x2x128xi32, #tpu.memory_space<hbm>> -> memref<2x128xi32, #tpu.memory_space<hbm>>
    %dma_wait3A_96 = arith.constant 0 : i32
    %dma_wait3A_97 = arith.constant 0 : i32
    %dma_wait3A_98 = tpu.memref_slice %arg6[%dma_wait3A_87, %dma_wait3A_96, %dma_wait3A_97] : memref<2x2x128xi32, #tpu.memory_space<vmem>> -> memref<1x2x128xi32, #tpu.memory_space<vmem>>
    %dma_wait3A_99 = tpu.memref_squeeze %dma_wait3A_98 : memref<1x2x128xi32, #tpu.memory_space<vmem>> -> memref<2x128xi32, #tpu.memory_space<vmem>>
    %dma_wait3A_100 = arith.constant 0 : i32
    %dma_wait3A_101 = arith.constant 0 : i32
    %dma_wait3A_102 = tpu.memref_slice %arg3[%add3A, %dma_wait3A_86, %dma_wait3A_100, %dma_wait3A_101] : memref<32x82x2x128xi32, #tpu.memory_space<hbm>> -> memref<1x1x2x128xi32, #tpu.memory_space<hbm>>
    %dma_wait3A_103 = tpu.memref_squeeze %dma_wait3A_102 : memref<1x1x2x128xi32, #tpu.memory_space<hbm>> -> memref<2x128xi32, #tpu.memory_space<hbm>>
    tpu.wait_dma2 semaphore(%arg10 : memref<!tpu.dma_semaphore, #tpu.memory_space<semaphore_mem>>) src(%dma_wait3A_103 : memref<2x128xi32, #tpu.memory_space<hbm>>) dst(%dma_wait3A_99 : memref<2x128xi32, #tpu.memory_space<vmem>>)
    %barrier3A_104 = arith.constant 0 : index
    tpu.barrier barrier_id(%barrier3A_104)
    %mul3A_105 = arith.constant 632 : i32
    %mul3A_106 = arith.muli %arg1, %mul3A_105 : i32
    %mul3A_107 = arith.constant 632 : i32
    %mul3A_108 = arith.muli %arg1, %mul3A_107 : i32
    "tpu.region"() ({
      %run_scoped3A = tpu.sem_alloc : memref<!tpu.dma_semaphore, #tpu.memory_space<semaphore_mem>>
      %dma_start3A_109 = arith.constant 0 : i32
      %dma_start3A_110 = tpu.memref_slice %arg5[%arg0, %mul3A_108, %dma_start3A_109] : memref<2x10112x128xf32, #tpu.memory_space<hbm>> -> memref<1x632x128xf32, #tpu.memory_space<hbm>>
      %dma_start3A_111 = tpu.memref_squeeze %dma_start3A_110 : memref<1x632x128xf32, #tpu.memory_space<hbm>> -> memref<632x128xf32, #tpu.memory_space<hbm>>
      %dma_start3A_112 = arith.constant 0 : i32
      %dma_start3A_113 = tpu.memref_slice %arg8[%mul3A_106, %dma_start3A_112] : memref<10112x128xf32, #tpu.memory_space<vmem_shared>> -> memref<632x128xf32, #tpu.memory_space<vmem_shared>>
      tpu.enqueue_dma source(%dma_start3A_113 : memref<632x128xf32, #tpu.memory_space<vmem_shared>>) target(%dma_start3A_111 : memref<632x128xf32, #tpu.memory_space<hbm>>) target_semaphore(%run_scoped3A : memref<!tpu.dma_semaphore, #tpu.memory_space<semaphore_mem>>)
      %dma_wait3A_114 = arith.constant 0 : i32
      %dma_wait3A_115 = tpu.memref_slice %arg5[%arg0, %mul3A_108, %dma_wait3A_114] : memref<2x10112x128xf32, #tpu.memory_space<hbm>> -> memref<1x632x128xf32, #tpu.memory_space<hbm>>
      %dma_wait3A_116 = tpu.memref_squeeze %dma_wait3A_115 : memref<1x632x128xf32, #tpu.memory_space<hbm>> -> memref<632x128xf32, #tpu.memory_space<hbm>>
      %dma_wait3A_117 = arith.constant 0 : i32
      %dma_wait3A_118 = tpu.memref_slice %arg8[%mul3A_106, %dma_wait3A_117] : memref<10112x128xf32, #tpu.memory_space<vmem_shared>> -> memref<632x128xf32, #tpu.memory_space<vmem_shared>>
      tpu.wait_dma2 semaphore(%run_scoped3A : memref<!tpu.dma_semaphore, #tpu.memory_space<semaphore_mem>>) src(%dma_wait3A_118 : memref<632x128xf32, #tpu.memory_space<vmem_shared>>) dst(%dma_wait3A_116 : memref<632x128xf32, #tpu.memory_space<hbm>>)
      tpu.yield
    }) : () -> ()
    return
  }
}

#map = affine_map<(d0, d1) -> (0, 0)>
#map1 = affine_map<(d0, d1) -> (0, 0, 0, 0)>
#map2 = affine_map<(d0, d1) -> (0, 0, 0)>
module attributes {stable_mosaic.version = 14 : i64} {
  func.func @_sc_agg_body(%arg0: i32, %arg1: i32, %arg2: memref<10000x128xf32, #tpu.memory_space<hbm>>, %arg3: memref<32x82x2x128xi32, #tpu.memory_space<hbm>>, %arg4: memref<632x128xf32, #tpu.memory_space<hbm>>, %arg5: memref<2x10112x128xf32, #tpu.memory_space<hbm>>, %arg6: memref<2x2x128xi32, #tpu.memory_space<vmem>>, %arg7: memref<2x128x128xf32, #tpu.memory_space<vmem>>, %arg8: memref<10112x128xf32, #tpu.memory_space<vmem_shared>>, %arg9: memref<!tpu.dma_semaphore, #tpu.memory_space<semaphore_mem>>, %arg10: memref<!tpu.dma_semaphore, #tpu.memory_space<semaphore_mem>>, %arg11: memref<!tpu.dma_semaphore, #tpu.memory_space<semaphore_mem>>, %arg12: memref<!tpu.dma_semaphore, #tpu.memory_space<semaphore_mem>>) attributes {dimension_semantics = [#tpu.dimension_semantics<core_parallel>, #tpu.dimension_semantics<subcore_parallel>], iteration_bounds = array<i64: 2, 16>, scalar_prefetch = 0 : i64, scratch_operands = 7 : i64, tpu.core_type = #tpu.core_type<sc_vector_subcore>, window_params = [{transform_indices = #map}, {transform_indices = #map1}, {transform_indices = #map}, {transform_indices = #map2}]} {
    %mul3A = arith.constant 16 : i32
    %mul3A_0 = arith.muli %arg0, %mul3A : i32
    %add3A = arith.addi %mul3A_0, %arg1 : i32
    %dma_start3A = arith.constant 0 : i32
    %dma_start3A_1 = arith.constant 0 : i32
    %dma_start3A_2 = arith.constant 0 : i32
    %dma_start3A_3 = arith.constant 0 : i32
    %dma_start3A_4 = tpu.memref_slice %arg6[%dma_start3A_1, %dma_start3A_2, %dma_start3A_3] : memref<2x2x128xi32, #tpu.memory_space<vmem>> -> memref<1x2x128xi32, #tpu.memory_space<vmem>>
    %dma_start3A_5 = tpu.memref_squeeze %dma_start3A_4 : memref<1x2x128xi32, #tpu.memory_space<vmem>> -> memref<2x128xi32, #tpu.memory_space<vmem>>
    %dma_start3A_6 = arith.constant 0 : i32
    %dma_start3A_7 = arith.constant 0 : i32
    %dma_start3A_8 = tpu.memref_slice %arg3[%add3A, %dma_start3A, %dma_start3A_6, %dma_start3A_7] : memref<32x82x2x128xi32, #tpu.memory_space<hbm>> -> memref<1x1x2x128xi32, #tpu.memory_space<hbm>>
    %dma_start3A_9 = tpu.memref_squeeze %dma_start3A_8 : memref<1x1x2x128xi32, #tpu.memory_space<hbm>> -> memref<2x128xi32, #tpu.memory_space<hbm>>
    %dma_start3A_10 = arith.constant 0 : i32
    %dma_start3A_11 = arith.constant 0 : i32
    %dma_start3A_12 = tpu.memref_slice %arg6[%dma_start3A_1, %dma_start3A_10, %dma_start3A_11] : memref<2x2x128xi32, #tpu.memory_space<vmem>> -> memref<1x2x128xi32, #tpu.memory_space<vmem>>
    %dma_start3A_13 = tpu.memref_squeeze %dma_start3A_12 : memref<1x2x128xi32, #tpu.memory_space<vmem>> -> memref<2x128xi32, #tpu.memory_space<vmem>>
    %dma_start3A_14 = arith.constant 0 : i32
    %dma_start3A_15 = arith.constant 0 : i32
    %dma_start3A_16 = tpu.memref_slice %arg3[%add3A, %dma_start3A, %dma_start3A_14, %dma_start3A_15] : memref<32x82x2x128xi32, #tpu.memory_space<hbm>> -> memref<1x1x2x128xi32, #tpu.memory_space<hbm>>
    %dma_start3A_17 = tpu.memref_squeeze %dma_start3A_16 : memref<1x1x2x128xi32, #tpu.memory_space<hbm>> -> memref<2x128xi32, #tpu.memory_space<hbm>>
    tpu.enqueue_dma source(%dma_start3A_17 : memref<2x128xi32, #tpu.memory_space<hbm>>) target(%dma_start3A_13 : memref<2x128xi32, #tpu.memory_space<vmem>>) target_semaphore(%arg9 : memref<!tpu.dma_semaphore, #tpu.memory_space<semaphore_mem>>)
    %dma_start3A_18 = arith.constant 1 : i32
    %dma_start3A_19 = arith.constant 1 : i32
    %dma_start3A_20 = arith.constant 0 : i32
    %dma_start3A_21 = arith.constant 0 : i32
    %dma_start3A_22 = tpu.memref_slice %arg6[%dma_start3A_19, %dma_start3A_20, %dma_start3A_21] : memref<2x2x128xi32, #tpu.memory_space<vmem>> -> memref<1x2x128xi32, #tpu.memory_space<vmem>>
    %dma_start3A_23 = tpu.memref_squeeze %dma_start3A_22 : memref<1x2x128xi32, #tpu.memory_space<vmem>> -> memref<2x128xi32, #tpu.memory_space<vmem>>
    %dma_start3A_24 = arith.constant 0 : i32
    %dma_start3A_25 = arith.constant 0 : i32
    %dma_start3A_26 = tpu.memref_slice %arg3[%add3A, %dma_start3A_18, %dma_start3A_24, %dma_start3A_25] : memref<32x82x2x128xi32, #tpu.memory_space<hbm>> -> memref<1x1x2x128xi32, #tpu.memory_space<hbm>>
    %dma_start3A_27 = tpu.memref_squeeze %dma_start3A_26 : memref<1x1x2x128xi32, #tpu.memory_space<hbm>> -> memref<2x128xi32, #tpu.memory_space<hbm>>
    %dma_start3A_28 = arith.constant 0 : i32
    %dma_start3A_29 = arith.constant 0 : i32
    %dma_start3A_30 = tpu.memref_slice %arg6[%dma_start3A_19, %dma_start3A_28, %dma_start3A_29] : memref<2x2x128xi32, #tpu.memory_space<vmem>> -> memref<1x2x128xi32, #tpu.memory_space<vmem>>
    %dma_start3A_31 = tpu.memref_squeeze %dma_start3A_30 : memref<1x2x128xi32, #tpu.memory_space<vmem>> -> memref<2x128xi32, #tpu.memory_space<vmem>>
    %dma_start3A_32 = arith.constant 0 : i32
    %dma_start3A_33 = arith.constant 0 : i32
    %dma_start3A_34 = tpu.memref_slice %arg3[%add3A, %dma_start3A_18, %dma_start3A_32, %dma_start3A_33] : memref<32x82x2x128xi32, #tpu.memory_space<hbm>> -> memref<1x1x2x128xi32, #tpu.memory_space<hbm>>
    %dma_start3A_35 = tpu.memref_squeeze %dma_start3A_34 : memref<1x1x2x128xi32, #tpu.memory_space<hbm>> -> memref<2x128xi32, #tpu.memory_space<hbm>>
    tpu.enqueue_dma source(%dma_start3A_35 : memref<2x128xi32, #tpu.memory_space<hbm>>) target(%dma_start3A_31 : memref<2x128xi32, #tpu.memory_space<vmem>>) target_semaphore(%arg10 : memref<!tpu.dma_semaphore, #tpu.memory_space<semaphore_mem>>)
    %mul3A_36 = arith.constant 632 : i32
    %mul3A_37 = arith.muli %arg1, %mul3A_36 : i32
    "tpu.region"() ({
      %run_scoped3A = tpu.sem_alloc : memref<!tpu.dma_semaphore, #tpu.memory_space<semaphore_mem>>
      %dma_start3A_109 = arith.constant 0 : i32
      %dma_start3A_110 = tpu.memref_slice %arg8[%mul3A_37, %dma_start3A_109] : memref<10112x128xf32, #tpu.memory_space<vmem_shared>> -> memref<632x128xf32, #tpu.memory_space<vmem_shared>>
      tpu.enqueue_dma source(%arg4 : memref<632x128xf32, #tpu.memory_space<hbm>>) target(%dma_start3A_110 : memref<632x128xf32, #tpu.memory_space<vmem_shared>>) target_semaphore(%run_scoped3A : memref<!tpu.dma_semaphore, #tpu.memory_space<semaphore_mem>>)
      %dma_wait3A_111 = arith.constant 0 : i32
      %dma_wait3A_112 = tpu.memref_slice %arg8[%mul3A_37, %dma_wait3A_111] : memref<10112x128xf32, #tpu.memory_space<vmem_shared>> -> memref<632x128xf32, #tpu.memory_space<vmem_shared>>
      tpu.wait_dma2 semaphore(%run_scoped3A : memref<!tpu.dma_semaphore, #tpu.memory_space<semaphore_mem>>) src(%arg4 : memref<632x128xf32, #tpu.memory_space<hbm>>) dst(%dma_wait3A_112 : memref<632x128xf32, #tpu.memory_space<vmem_shared>>)
      tpu.yield
    }) : () -> ()
    %barrier3A = arith.constant 0 : index
    tpu.barrier barrier_id(%barrier3A)
    %dma_wait3A = arith.constant 0 : i32
    %dma_wait3A_38 = arith.constant 0 : i32
    %dma_wait3A_39 = arith.constant 0 : i32
    %dma_wait3A_40 = arith.constant 0 : i32
    %dma_wait3A_41 = tpu.memref_slice %arg6[%dma_wait3A_38, %dma_wait3A_39, %dma_wait3A_40] : memref<2x2x128xi32, #tpu.memory_space<vmem>> -> memref<1x2x128xi32, #tpu.memory_space<vmem>>
    %dma_wait3A_42 = tpu.memref_squeeze %dma_wait3A_41 : memref<1x2x128xi32, #tpu.memory_space<vmem>> -> memref<2x128xi32, #tpu.memory_space<vmem>>
    %dma_wait3A_43 = arith.constant 0 : i32
    %dma_wait3A_44 = arith.constant 0 : i32
    %dma_wait3A_45 = tpu.memref_slice %arg3[%add3A, %dma_wait3A, %dma_wait3A_43, %dma_wait3A_44] : memref<32x82x2x128xi32, #tpu.memory_space<hbm>> -> memref<1x1x2x128xi32, #tpu.memory_space<hbm>>
    %dma_wait3A_46 = tpu.memref_squeeze %dma_wait3A_45 : memref<1x1x2x128xi32, #tpu.memory_space<hbm>> -> memref<2x128xi32, #tpu.memory_space<hbm>>
    %dma_wait3A_47 = arith.constant 0 : i32
    %dma_wait3A_48 = arith.constant 0 : i32
    %dma_wait3A_49 = tpu.memref_slice %arg6[%dma_wait3A_38, %dma_wait3A_47, %dma_wait3A_48] : memref<2x2x128xi32, #tpu.memory_space<vmem>> -> memref<1x2x128xi32, #tpu.memory_space<vmem>>
    %dma_wait3A_50 = tpu.memref_squeeze %dma_wait3A_49 : memref<1x2x128xi32, #tpu.memory_space<vmem>> -> memref<2x128xi32, #tpu.memory_space<vmem>>
    %dma_wait3A_51 = arith.constant 0 : i32
    %dma_wait3A_52 = arith.constant 0 : i32
    %dma_wait3A_53 = tpu.memref_slice %arg3[%add3A, %dma_wait3A, %dma_wait3A_51, %dma_wait3A_52] : memref<32x82x2x128xi32, #tpu.memory_space<hbm>> -> memref<1x1x2x128xi32, #tpu.memory_space<hbm>>
    %dma_wait3A_54 = tpu.memref_squeeze %dma_wait3A_53 : memref<1x1x2x128xi32, #tpu.memory_space<hbm>> -> memref<2x128xi32, #tpu.memory_space<hbm>>
    tpu.wait_dma2 semaphore(%arg9 : memref<!tpu.dma_semaphore, #tpu.memory_space<semaphore_mem>>) src(%dma_wait3A_54 : memref<2x128xi32, #tpu.memory_space<hbm>>) dst(%dma_wait3A_50 : memref<2x128xi32, #tpu.memory_space<vmem>>)
    %dma_start3A_55 = arith.constant 0 : i32
    %dma_start3A_56 = arith.constant 0 : i32
    %dma_start3A_57 = arith.constant 0 : i32
    %dma_start3A_58 = arith.constant 0 : i32
    %dma_start3A_59 = arith.constant 0 : i32
    %dma_start3A_60 = tpu.memref_slice %arg7[%dma_start3A_57, %dma_start3A_58, %dma_start3A_59] : memref<2x128x128xf32, #tpu.memory_space<vmem>> -> memref<1x128x128xf32, #tpu.memory_space<vmem>>
    %dma_start3A_61 = tpu.memref_squeeze %dma_start3A_60 : memref<1x128x128xf32, #tpu.memory_space<vmem>> -> memref<128x128xf32, #tpu.memory_space<vmem>>
    %dma_start3A_62 = arith.constant 0 : i32
    %dma_start3A_63 = tpu.memref_slice %arg6[%dma_start3A_55, %dma_start3A_56, %dma_start3A_62] : memref<2x2x128xi32, #tpu.memory_space<vmem>> -> memref<1x1x128xi32, #tpu.memory_space<vmem>>
    %dma_start3A_64 = tpu.memref_squeeze %dma_start3A_63 : memref<1x1x128xi32, #tpu.memory_space<vmem>> -> memref<128xi32, #tpu.memory_space<vmem>>
    %dma_start3A_65 = arith.constant 0 : i32
    %dma_start3A_66 = arith.constant 0 : i32
    %dma_start3A_67 = tpu.memref_slice %arg2[%dma_start3A_65, %dma_start3A_66] : memref<10000x128xf32, #tpu.memory_space<hbm>> -> memref<10000x128xf32, #tpu.memory_space<hbm>>
    tpu.enqueue_indirect_dma source(%dma_start3A_67 : memref<10000x128xf32, #tpu.memory_space<hbm>>) target(%dma_start3A_61 : memref<128x128xf32, #tpu.memory_space<vmem>>) offsets(%dma_start3A_64 : memref<128xi32, #tpu.memory_space<vmem>>) semaphore(%arg11 : memref<!tpu.dma_semaphore, #tpu.memory_space<semaphore_mem>>)
    %scan3A = arith.constant 0 : i32
    %scan3A_68 = arith.constant 0 : i32
    %scan3A_69 = arith.constant 40 : i32
    %scan3A_70 = arith.addi %scan3A_68, %scan3A_69 : i32
    %scan3A_71 = arith.constant 1 : i32
    scf.for %scan3A_109 = %scan3A_68 to %scan3A_70 step %scan3A_71  : i32 {
      %mul3A_110 = arith.constant 2 : i32
      %mul3A_111 = arith.muli %mul3A_110, %scan3A_109 : i32
      %dma_wait3A_112 = arith.constant 0 : i32
      %dma_wait3A_113 = arith.constant 0 : i32
      %dma_wait3A_114 = arith.constant 0 : i32
      %dma_wait3A_115 = arith.constant 0 : i32
      %dma_wait3A_116 = arith.constant 0 : i32
      %dma_wait3A_117 = tpu.memref_slice %arg7[%dma_wait3A_114, %dma_wait3A_115, %dma_wait3A_116] : memref<2x128x128xf32, #tpu.memory_space<vmem>> -> memref<1x128x128xf32, #tpu.memory_space<vmem>>
      %dma_wait3A_118 = tpu.memref_squeeze %dma_wait3A_117 : memref<1x128x128xf32, #tpu.memory_space<vmem>> -> memref<128x128xf32, #tpu.memory_space<vmem>>
      %dma_wait3A_119 = arith.constant 0 : i32
      %dma_wait3A_120 = tpu.memref_slice %arg6[%dma_wait3A_112, %dma_wait3A_113, %dma_wait3A_119] : memref<2x2x128xi32, #tpu.memory_space<vmem>> -> memref<1x1x128xi32, #tpu.memory_space<vmem>>
      %dma_wait3A_121 = tpu.memref_squeeze %dma_wait3A_120 : memref<1x1x128xi32, #tpu.memory_space<vmem>> -> memref<128xi32, #tpu.memory_space<vmem>>
      %dma_wait3A_122 = arith.constant 0 : i32
      %dma_wait3A_123 = arith.constant 0 : i32
      %dma_wait3A_124 = tpu.memref_slice %arg2[%dma_wait3A_122, %dma_wait3A_123] : memref<10000x128xf32, #tpu.memory_space<hbm>> -> memref<10000x128xf32, #tpu.memory_space<hbm>>
      tpu.wait_indirect_dma semaphore(%arg11 : memref<!tpu.dma_semaphore, #tpu.memory_space<semaphore_mem>>) src(%dma_wait3A_124 : memref<10000x128xf32, #tpu.memory_space<hbm>>) dst(%dma_wait3A_118 : memref<128x128xf32, #tpu.memory_space<vmem>>)
      %add3A_125 = arith.constant 1 : i32
      %add3A_126 = arith.addi %mul3A_111, %add3A_125 : i32
      %dma_wait3A_127 = arith.constant 1 : i32
      %dma_wait3A_128 = arith.constant 0 : i32
      %dma_wait3A_129 = arith.constant 0 : i32
      %dma_wait3A_130 = tpu.memref_slice %arg6[%dma_wait3A_127, %dma_wait3A_128, %dma_wait3A_129] : memref<2x2x128xi32, #tpu.memory_space<vmem>> -> memref<1x2x128xi32, #tpu.memory_space<vmem>>
      %dma_wait3A_131 = tpu.memref_squeeze %dma_wait3A_130 : memref<1x2x128xi32, #tpu.memory_space<vmem>> -> memref<2x128xi32, #tpu.memory_space<vmem>>
      %dma_wait3A_132 = arith.constant 0 : i32
      %dma_wait3A_133 = arith.constant 0 : i32
      %dma_wait3A_134 = tpu.memref_slice %arg3[%add3A, %add3A_126, %dma_wait3A_132, %dma_wait3A_133] : memref<32x82x2x128xi32, #tpu.memory_space<hbm>> -> memref<1x1x2x128xi32, #tpu.memory_space<hbm>>
      %dma_wait3A_135 = tpu.memref_squeeze %dma_wait3A_134 : memref<1x1x2x128xi32, #tpu.memory_space<hbm>> -> memref<2x128xi32, #tpu.memory_space<hbm>>
      %dma_wait3A_136 = arith.constant 0 : i32
      %dma_wait3A_137 = arith.constant 0 : i32
      %dma_wait3A_138 = tpu.memref_slice %arg6[%dma_wait3A_127, %dma_wait3A_136, %dma_wait3A_137] : memref<2x2x128xi32, #tpu.memory_space<vmem>> -> memref<1x2x128xi32, #tpu.memory_space<vmem>>
      %dma_wait3A_139 = tpu.memref_squeeze %dma_wait3A_138 : memref<1x2x128xi32, #tpu.memory_space<vmem>> -> memref<2x128xi32, #tpu.memory_space<vmem>>
      %dma_wait3A_140 = arith.constant 0 : i32
      %dma_wait3A_141 = arith.constant 0 : i32
      %dma_wait3A_142 = tpu.memref_slice %arg3[%add3A, %add3A_126, %dma_wait3A_140, %dma_wait3A_141] : memref<32x82x2x128xi32, #tpu.memory_space<hbm>> -> memref<1x1x2x128xi32, #tpu.memory_space<hbm>>
      %dma_wait3A_143 = tpu.memref_squeeze %dma_wait3A_142 : memref<1x1x2x128xi32, #tpu.memory_space<hbm>> -> memref<2x128xi32, #tpu.memory_space<hbm>>
      tpu.wait_dma2 semaphore(%arg10 : memref<!tpu.dma_semaphore, #tpu.memory_space<semaphore_mem>>) src(%dma_wait3A_143 : memref<2x128xi32, #tpu.memory_space<hbm>>) dst(%dma_wait3A_139 : memref<2x128xi32, #tpu.memory_space<vmem>>)
      %dma_start3A_144 = arith.constant 1 : i32
      %dma_start3A_145 = arith.constant 0 : i32
      %dma_start3A_146 = arith.constant 1 : i32
      %dma_start3A_147 = arith.constant 0 : i32
      %dma_start3A_148 = arith.constant 0 : i32
      %dma_start3A_149 = tpu.memref_slice %arg7[%dma_start3A_146, %dma_start3A_147, %dma_start3A_148] : memref<2x128x128xf32, #tpu.memory_space<vmem>> -> memref<1x128x128xf32, #tpu.memory_space<vmem>>
      %dma_start3A_150 = tpu.memref_squeeze %dma_start3A_149 : memref<1x128x128xf32, #tpu.memory_space<vmem>> -> memref<128x128xf32, #tpu.memory_space<vmem>>
      %dma_start3A_151 = arith.constant 0 : i32
      %dma_start3A_152 = tpu.memref_slice %arg6[%dma_start3A_144, %dma_start3A_145, %dma_start3A_151] : memref<2x2x128xi32, #tpu.memory_space<vmem>> -> memref<1x1x128xi32, #tpu.memory_space<vmem>>
      %dma_start3A_153 = tpu.memref_squeeze %dma_start3A_152 : memref<1x1x128xi32, #tpu.memory_space<vmem>> -> memref<128xi32, #tpu.memory_space<vmem>>
      %dma_start3A_154 = arith.constant 0 : i32
      %dma_start3A_155 = arith.constant 0 : i32
      %dma_start3A_156 = tpu.memref_slice %arg2[%dma_start3A_154, %dma_start3A_155] : memref<10000x128xf32, #tpu.memory_space<hbm>> -> memref<10000x128xf32, #tpu.memory_space<hbm>>
      tpu.enqueue_indirect_dma source(%dma_start3A_156 : memref<10000x128xf32, #tpu.memory_space<hbm>>) target(%dma_start3A_150 : memref<128x128xf32, #tpu.memory_space<vmem>>) offsets(%dma_start3A_153 : memref<128xi32, #tpu.memory_space<vmem>>) semaphore(%arg12 : memref<!tpu.dma_semaphore, #tpu.memory_space<semaphore_mem>>)
      %run_scoped3A = arith.constant 0 : i32
      %run_scoped3A_157 = arith.constant 0 : i32
      %run_scoped3A_158 = arith.constant 1 : i32
      "tpu.region"() ({
        %run_scoped3A_247 = tpu.sem_alloc : memref<!tpu.dma_semaphore, #tpu.memory_space<semaphore_mem>>
        %dma_start3A_248 = arith.constant 0 : i32
        %dma_start3A_249 = arith.constant 0 : i32
        %dma_start3A_250 = tpu.memref_slice %arg7[%run_scoped3A, %dma_start3A_248, %dma_start3A_249] : memref<2x128x128xf32, #tpu.memory_space<vmem>> -> memref<1x128x128xf32, #tpu.memory_space<vmem>>
        %dma_start3A_251 = tpu.memref_squeeze %dma_start3A_250 : memref<1x128x128xf32, #tpu.memory_space<vmem>> -> memref<128x128xf32, #tpu.memory_space<vmem>>
        %dma_start3A_252 = arith.constant 0 : i32
        %dma_start3A_253 = tpu.memref_slice %arg6[%run_scoped3A_157, %run_scoped3A_158, %dma_start3A_252] : memref<2x2x128xi32, #tpu.memory_space<vmem>> -> memref<1x1x128xi32, #tpu.memory_space<vmem>>
        %dma_start3A_254 = tpu.memref_squeeze %dma_start3A_253 : memref<1x1x128xi32, #tpu.memory_space<vmem>> -> memref<128xi32, #tpu.memory_space<vmem>>
        %dma_start3A_255 = arith.constant 0 : i32
        %dma_start3A_256 = arith.constant 0 : i32
        %dma_start3A_257 = tpu.memref_slice %arg8[%dma_start3A_255, %dma_start3A_256] : memref<10112x128xf32, #tpu.memory_space<vmem_shared>> -> memref<10112x128xf32, #tpu.memory_space<vmem_shared>>
        tpu.enqueue_indirect_dma source(%dma_start3A_251 : memref<128x128xf32, #tpu.memory_space<vmem>>) target(%dma_start3A_257 : memref<10112x128xf32, #tpu.memory_space<vmem_shared>>) offsets(%dma_start3A_254 : memref<128xi32, #tpu.memory_space<vmem>>) semaphore(%run_scoped3A_247 : memref<!tpu.dma_semaphore, #tpu.memory_space<semaphore_mem>>) {add = true}
        %dma_wait3A_258 = arith.constant 0 : i32
        %dma_wait3A_259 = arith.constant 0 : i32
        %dma_wait3A_260 = tpu.memref_slice %arg7[%run_scoped3A, %dma_wait3A_258, %dma_wait3A_259] : memref<2x128x128xf32, #tpu.memory_space<vmem>> -> memref<1x128x128xf32, #tpu.memory_space<vmem>>
        %dma_wait3A_261 = tpu.memref_squeeze %dma_wait3A_260 : memref<1x128x128xf32, #tpu.memory_space<vmem>> -> memref<128x128xf32, #tpu.memory_space<vmem>>
        %dma_wait3A_262 = arith.constant 0 : i32
        %dma_wait3A_263 = tpu.memref_slice %arg6[%run_scoped3A_157, %run_scoped3A_158, %dma_wait3A_262] : memref<2x2x128xi32, #tpu.memory_space<vmem>> -> memref<1x1x128xi32, #tpu.memory_space<vmem>>
        %dma_wait3A_264 = tpu.memref_squeeze %dma_wait3A_263 : memref<1x1x128xi32, #tpu.memory_space<vmem>> -> memref<128xi32, #tpu.memory_space<vmem>>
        %dma_wait3A_265 = arith.constant 0 : i32
        %dma_wait3A_266 = arith.constant 0 : i32
        %dma_wait3A_267 = tpu.memref_slice %arg8[%dma_wait3A_265, %dma_wait3A_266] : memref<10112x128xf32, #tpu.memory_space<vmem_shared>> -> memref<10112x128xf32, #tpu.memory_space<vmem_shared>>
        tpu.wait_indirect_dma semaphore(%run_scoped3A_247 : memref<!tpu.dma_semaphore, #tpu.memory_space<semaphore_mem>>) src(%dma_wait3A_261 : memref<128x128xf32, #tpu.memory_space<vmem>>) dst(%dma_wait3A_267 : memref<10112x128xf32, #tpu.memory_space<vmem_shared>>)
        tpu.yield
      }) : () -> ()
      %add3A_159 = arith.constant 2 : i32
      %add3A_160 = arith.addi %mul3A_111, %add3A_159 : i32
      %dma_start3A_161 = arith.constant 0 : i32
      %dma_start3A_162 = arith.constant 0 : i32
      %dma_start3A_163 = arith.constant 0 : i32
      %dma_start3A_164 = tpu.memref_slice %arg6[%dma_start3A_161, %dma_start3A_162, %dma_start3A_163] : memref<2x2x128xi32, #tpu.memory_space<vmem>> -> memref<1x2x128xi32, #tpu.memory_space<vmem>>
      %dma_start3A_165 = tpu.memref_squeeze %dma_start3A_164 : memref<1x2x128xi32, #tpu.memory_space<vmem>> -> memref<2x128xi32, #tpu.memory_space<vmem>>
      %dma_start3A_166 = arith.constant 0 : i32
      %dma_start3A_167 = arith.constant 0 : i32
      %dma_start3A_168 = tpu.memref_slice %arg3[%add3A, %add3A_160, %dma_start3A_166, %dma_start3A_167] : memref<32x82x2x128xi32, #tpu.memory_space<hbm>> -> memref<1x1x2x128xi32, #tpu.memory_space<hbm>>
      %dma_start3A_169 = tpu.memref_squeeze %dma_start3A_168 : memref<1x1x2x128xi32, #tpu.memory_space<hbm>> -> memref<2x128xi32, #tpu.memory_space<hbm>>
      %dma_start3A_170 = arith.constant 0 : i32
      %dma_start3A_171 = arith.constant 0 : i32
      %dma_start3A_172 = tpu.memref_slice %arg6[%dma_start3A_161, %dma_start3A_170, %dma_start3A_171] : memref<2x2x128xi32, #tpu.memory_space<vmem>> -> memref<1x2x128xi32, #tpu.memory_space<vmem>>
      %dma_start3A_173 = tpu.memref_squeeze %dma_start3A_172 : memref<1x2x128xi32, #tpu.memory_space<vmem>> -> memref<2x128xi32, #tpu.memory_space<vmem>>
      %dma_start3A_174 = arith.constant 0 : i32
      %dma_start3A_175 = arith.constant 0 : i32
      %dma_start3A_176 = tpu.memref_slice %arg3[%add3A, %add3A_160, %dma_start3A_174, %dma_start3A_175] : memref<32x82x2x128xi32, #tpu.memory_space<hbm>> -> memref<1x1x2x128xi32, #tpu.memory_space<hbm>>
      %dma_start3A_177 = tpu.memref_squeeze %dma_start3A_176 : memref<1x1x2x128xi32, #tpu.memory_space<hbm>> -> memref<2x128xi32, #tpu.memory_space<hbm>>
      tpu.enqueue_dma source(%dma_start3A_177 : memref<2x128xi32, #tpu.memory_space<hbm>>) target(%dma_start3A_173 : memref<2x128xi32, #tpu.memory_space<vmem>>) target_semaphore(%arg9 : memref<!tpu.dma_semaphore, #tpu.memory_space<semaphore_mem>>)
      %add3A_178 = arith.constant 1 : i32
      %add3A_179 = arith.addi %mul3A_111, %add3A_178 : i32
      %dma_wait3A_180 = arith.constant 1 : i32
      %dma_wait3A_181 = arith.constant 0 : i32
      %dma_wait3A_182 = arith.constant 1 : i32
      %dma_wait3A_183 = arith.constant 0 : i32
      %dma_wait3A_184 = arith.constant 0 : i32
      %dma_wait3A_185 = tpu.memref_slice %arg7[%dma_wait3A_182, %dma_wait3A_183, %dma_wait3A_184] : memref<2x128x128xf32, #tpu.memory_space<vmem>> -> memref<1x128x128xf32, #tpu.memory_space<vmem>>
      %dma_wait3A_186 = tpu.memref_squeeze %dma_wait3A_185 : memref<1x128x128xf32, #tpu.memory_space<vmem>> -> memref<128x128xf32, #tpu.memory_space<vmem>>
      %dma_wait3A_187 = arith.constant 0 : i32
      %dma_wait3A_188 = tpu.memref_slice %arg6[%dma_wait3A_180, %dma_wait3A_181, %dma_wait3A_187] : memref<2x2x128xi32, #tpu.memory_space<vmem>> -> memref<1x1x128xi32, #tpu.memory_space<vmem>>
      %dma_wait3A_189 = tpu.memref_squeeze %dma_wait3A_188 : memref<1x1x128xi32, #tpu.memory_space<vmem>> -> memref<128xi32, #tpu.memory_space<vmem>>
      %dma_wait3A_190 = arith.constant 0 : i32
      %dma_wait3A_191 = arith.constant 0 : i32
      %dma_wait3A_192 = tpu.memref_slice %arg2[%dma_wait3A_190, %dma_wait3A_191] : memref<10000x128xf32, #tpu.memory_space<hbm>> -> memref<10000x128xf32, #tpu.memory_space<hbm>>
      tpu.wait_indirect_dma semaphore(%arg12 : memref<!tpu.dma_semaphore, #tpu.memory_space<semaphore_mem>>) src(%dma_wait3A_192 : memref<10000x128xf32, #tpu.memory_space<hbm>>) dst(%dma_wait3A_186 : memref<128x128xf32, #tpu.memory_space<vmem>>)
      %add3A_193 = arith.constant 1 : i32
      %add3A_194 = arith.addi %add3A_179, %add3A_193 : i32
      %dma_wait3A_195 = arith.constant 0 : i32
      %dma_wait3A_196 = arith.constant 0 : i32
      %dma_wait3A_197 = arith.constant 0 : i32
      %dma_wait3A_198 = tpu.memref_slice %arg6[%dma_wait3A_195, %dma_wait3A_196, %dma_wait3A_197] : memref<2x2x128xi32, #tpu.memory_space<vmem>> -> memref<1x2x128xi32, #tpu.memory_space<vmem>>
      %dma_wait3A_199 = tpu.memref_squeeze %dma_wait3A_198 : memref<1x2x128xi32, #tpu.memory_space<vmem>> -> memref<2x128xi32, #tpu.memory_space<vmem>>
      %dma_wait3A_200 = arith.constant 0 : i32
      %dma_wait3A_201 = arith.constant 0 : i32
      %dma_wait3A_202 = tpu.memref_slice %arg3[%add3A, %add3A_194, %dma_wait3A_200, %dma_wait3A_201] : memref<32x82x2x128xi32, #tpu.memory_space<hbm>> -> memref<1x1x2x128xi32, #tpu.memory_space<hbm>>
      %dma_wait3A_203 = tpu.memref_squeeze %dma_wait3A_202 : memref<1x1x2x128xi32, #tpu.memory_space<hbm>> -> memref<2x128xi32, #tpu.memory_space<hbm>>
      %dma_wait3A_204 = arith.constant 0 : i32
      %dma_wait3A_205 = arith.constant 0 : i32
      %dma_wait3A_206 = tpu.memref_slice %arg6[%dma_wait3A_195, %dma_wait3A_204, %dma_wait3A_205] : memref<2x2x128xi32, #tpu.memory_space<vmem>> -> memref<1x2x128xi32, #tpu.memory_space<vmem>>
      %dma_wait3A_207 = tpu.memref_squeeze %dma_wait3A_206 : memref<1x2x128xi32, #tpu.memory_space<vmem>> -> memref<2x128xi32, #tpu.memory_space<vmem>>
      %dma_wait3A_208 = arith.constant 0 : i32
      %dma_wait3A_209 = arith.constant 0 : i32
      %dma_wait3A_210 = tpu.memref_slice %arg3[%add3A, %add3A_194, %dma_wait3A_208, %dma_wait3A_209] : memref<32x82x2x128xi32, #tpu.memory_space<hbm>> -> memref<1x1x2x128xi32, #tpu.memory_space<hbm>>
      %dma_wait3A_211 = tpu.memref_squeeze %dma_wait3A_210 : memref<1x1x2x128xi32, #tpu.memory_space<hbm>> -> memref<2x128xi32, #tpu.memory_space<hbm>>
      tpu.wait_dma2 semaphore(%arg9 : memref<!tpu.dma_semaphore, #tpu.memory_space<semaphore_mem>>) src(%dma_wait3A_211 : memref<2x128xi32, #tpu.memory_space<hbm>>) dst(%dma_wait3A_207 : memref<2x128xi32, #tpu.memory_space<vmem>>)
      %dma_start3A_212 = arith.constant 0 : i32
      %dma_start3A_213 = arith.constant 0 : i32
      %dma_start3A_214 = arith.constant 0 : i32
      %dma_start3A_215 = arith.constant 0 : i32
      %dma_start3A_216 = arith.constant 0 : i32
      %dma_start3A_217 = tpu.memref_slice %arg7[%dma_start3A_214, %dma_start3A_215, %dma_start3A_216] : memref<2x128x128xf32, #tpu.memory_space<vmem>> -> memref<1x128x128xf32, #tpu.memory_space<vmem>>
      %dma_start3A_218 = tpu.memref_squeeze %dma_start3A_217 : memref<1x128x128xf32, #tpu.memory_space<vmem>> -> memref<128x128xf32, #tpu.memory_space<vmem>>
      %dma_start3A_219 = arith.constant 0 : i32
      %dma_start3A_220 = tpu.memref_slice %arg6[%dma_start3A_212, %dma_start3A_213, %dma_start3A_219] : memref<2x2x128xi32, #tpu.memory_space<vmem>> -> memref<1x1x128xi32, #tpu.memory_space<vmem>>
      %dma_start3A_221 = tpu.memref_squeeze %dma_start3A_220 : memref<1x1x128xi32, #tpu.memory_space<vmem>> -> memref<128xi32, #tpu.memory_space<vmem>>
      %dma_start3A_222 = arith.constant 0 : i32
      %dma_start3A_223 = arith.constant 0 : i32
      %dma_start3A_224 = tpu.memref_slice %arg2[%dma_start3A_222, %dma_start3A_223] : memref<10000x128xf32, #tpu.memory_space<hbm>> -> memref<10000x128xf32, #tpu.memory_space<hbm>>
      tpu.enqueue_indirect_dma source(%dma_start3A_224 : memref<10000x128xf32, #tpu.memory_space<hbm>>) target(%dma_start3A_218 : memref<128x128xf32, #tpu.memory_space<vmem>>) offsets(%dma_start3A_221 : memref<128xi32, #tpu.memory_space<vmem>>) semaphore(%arg11 : memref<!tpu.dma_semaphore, #tpu.memory_space<semaphore_mem>>)
      %run_scoped3A_225 = arith.constant 1 : i32
      %run_scoped3A_226 = arith.constant 1 : i32
      %run_scoped3A_227 = arith.constant 1 : i32
      "tpu.region"() ({
        %run_scoped3A_247 = tpu.sem_alloc : memref<!tpu.dma_semaphore, #tpu.memory_space<semaphore_mem>>
        %dma_start3A_248 = arith.constant 0 : i32
        %dma_start3A_249 = arith.constant 0 : i32
        %dma_start3A_250 = tpu.memref_slice %arg7[%run_scoped3A_225, %dma_start3A_248, %dma_start3A_249] : memref<2x128x128xf32, #tpu.memory_space<vmem>> -> memref<1x128x128xf32, #tpu.memory_space<vmem>>
        %dma_start3A_251 = tpu.memref_squeeze %dma_start3A_250 : memref<1x128x128xf32, #tpu.memory_space<vmem>> -> memref<128x128xf32, #tpu.memory_space<vmem>>
        %dma_start3A_252 = arith.constant 0 : i32
        %dma_start3A_253 = tpu.memref_slice %arg6[%run_scoped3A_226, %run_scoped3A_227, %dma_start3A_252] : memref<2x2x128xi32, #tpu.memory_space<vmem>> -> memref<1x1x128xi32, #tpu.memory_space<vmem>>
        %dma_start3A_254 = tpu.memref_squeeze %dma_start3A_253 : memref<1x1x128xi32, #tpu.memory_space<vmem>> -> memref<128xi32, #tpu.memory_space<vmem>>
        %dma_start3A_255 = arith.constant 0 : i32
        %dma_start3A_256 = arith.constant 0 : i32
        %dma_start3A_257 = tpu.memref_slice %arg8[%dma_start3A_255, %dma_start3A_256] : memref<10112x128xf32, #tpu.memory_space<vmem_shared>> -> memref<10112x128xf32, #tpu.memory_space<vmem_shared>>
        tpu.enqueue_indirect_dma source(%dma_start3A_251 : memref<128x128xf32, #tpu.memory_space<vmem>>) target(%dma_start3A_257 : memref<10112x128xf32, #tpu.memory_space<vmem_shared>>) offsets(%dma_start3A_254 : memref<128xi32, #tpu.memory_space<vmem>>) semaphore(%run_scoped3A_247 : memref<!tpu.dma_semaphore, #tpu.memory_space<semaphore_mem>>) {add = true}
        %dma_wait3A_258 = arith.constant 0 : i32
        %dma_wait3A_259 = arith.constant 0 : i32
        %dma_wait3A_260 = tpu.memref_slice %arg7[%run_scoped3A_225, %dma_wait3A_258, %dma_wait3A_259] : memref<2x128x128xf32, #tpu.memory_space<vmem>> -> memref<1x128x128xf32, #tpu.memory_space<vmem>>
        %dma_wait3A_261 = tpu.memref_squeeze %dma_wait3A_260 : memref<1x128x128xf32, #tpu.memory_space<vmem>> -> memref<128x128xf32, #tpu.memory_space<vmem>>
        %dma_wait3A_262 = arith.constant 0 : i32
        %dma_wait3A_263 = tpu.memref_slice %arg6[%run_scoped3A_226, %run_scoped3A_227, %dma_wait3A_262] : memref<2x2x128xi32, #tpu.memory_space<vmem>> -> memref<1x1x128xi32, #tpu.memory_space<vmem>>
        %dma_wait3A_264 = tpu.memref_squeeze %dma_wait3A_263 : memref<1x1x128xi32, #tpu.memory_space<vmem>> -> memref<128xi32, #tpu.memory_space<vmem>>
        %dma_wait3A_265 = arith.constant 0 : i32
        %dma_wait3A_266 = arith.constant 0 : i32
        %dma_wait3A_267 = tpu.memref_slice %arg8[%dma_wait3A_265, %dma_wait3A_266] : memref<10112x128xf32, #tpu.memory_space<vmem_shared>> -> memref<10112x128xf32, #tpu.memory_space<vmem_shared>>
        tpu.wait_indirect_dma semaphore(%run_scoped3A_247 : memref<!tpu.dma_semaphore, #tpu.memory_space<semaphore_mem>>) src(%dma_wait3A_261 : memref<128x128xf32, #tpu.memory_space<vmem>>) dst(%dma_wait3A_267 : memref<10112x128xf32, #tpu.memory_space<vmem_shared>>)
        tpu.yield
      }) : () -> ()
      %add3A_228 = arith.constant 2 : i32
      %add3A_229 = arith.addi %add3A_179, %add3A_228 : i32
      %dma_start3A_230 = arith.constant 1 : i32
      %dma_start3A_231 = arith.constant 0 : i32
      %dma_start3A_232 = arith.constant 0 : i32
      %dma_start3A_233 = tpu.memref_slice %arg6[%dma_start3A_230, %dma_start3A_231, %dma_start3A_232] : memref<2x2x128xi32, #tpu.memory_space<vmem>> -> memref<1x2x128xi32, #tpu.memory_space<vmem>>
      %dma_start3A_234 = tpu.memref_squeeze %dma_start3A_233 : memref<1x2x128xi32, #tpu.memory_space<vmem>> -> memref<2x128xi32, #tpu.memory_space<vmem>>
      %dma_start3A_235 = arith.constant 0 : i32
      %dma_start3A_236 = arith.constant 0 : i32
      %dma_start3A_237 = tpu.memref_slice %arg3[%add3A, %add3A_229, %dma_start3A_235, %dma_start3A_236] : memref<32x82x2x128xi32, #tpu.memory_space<hbm>> -> memref<1x1x2x128xi32, #tpu.memory_space<hbm>>
      %dma_start3A_238 = tpu.memref_squeeze %dma_start3A_237 : memref<1x1x2x128xi32, #tpu.memory_space<hbm>> -> memref<2x128xi32, #tpu.memory_space<hbm>>
      %dma_start3A_239 = arith.constant 0 : i32
      %dma_start3A_240 = arith.constant 0 : i32
      %dma_start3A_241 = tpu.memref_slice %arg6[%dma_start3A_230, %dma_start3A_239, %dma_start3A_240] : memref<2x2x128xi32, #tpu.memory_space<vmem>> -> memref<1x2x128xi32, #tpu.memory_space<vmem>>
      %dma_start3A_242 = tpu.memref_squeeze %dma_start3A_241 : memref<1x2x128xi32, #tpu.memory_space<vmem>> -> memref<2x128xi32, #tpu.memory_space<vmem>>
      %dma_start3A_243 = arith.constant 0 : i32
      %dma_start3A_244 = arith.constant 0 : i32
      %dma_start3A_245 = tpu.memref_slice %arg3[%add3A, %add3A_229, %dma_start3A_243, %dma_start3A_244] : memref<32x82x2x128xi32, #tpu.memory_space<hbm>> -> memref<1x1x2x128xi32, #tpu.memory_space<hbm>>
      %dma_start3A_246 = tpu.memref_squeeze %dma_start3A_245 : memref<1x1x2x128xi32, #tpu.memory_space<hbm>> -> memref<2x128xi32, #tpu.memory_space<hbm>>
      tpu.enqueue_dma source(%dma_start3A_246 : memref<2x128xi32, #tpu.memory_space<hbm>>) target(%dma_start3A_242 : memref<2x128xi32, #tpu.memory_space<vmem>>) target_semaphore(%arg10 : memref<!tpu.dma_semaphore, #tpu.memory_space<semaphore_mem>>)
    }
    %scan3A_72 = arith.constant 40 : i32
    %dma_wait3A_73 = arith.constant 0 : i32
    %dma_wait3A_74 = arith.constant 0 : i32
    %dma_wait3A_75 = arith.constant 0 : i32
    %dma_wait3A_76 = arith.constant 0 : i32
    %dma_wait3A_77 = arith.constant 0 : i32
    %dma_wait3A_78 = tpu.memref_slice %arg7[%dma_wait3A_75, %dma_wait3A_76, %dma_wait3A_77] : memref<2x128x128xf32, #tpu.memory_space<vmem>> -> memref<1x128x128xf32, #tpu.memory_space<vmem>>
    %dma_wait3A_79 = tpu.memref_squeeze %dma_wait3A_78 : memref<1x128x128xf32, #tpu.memory_space<vmem>> -> memref<128x128xf32, #tpu.memory_space<vmem>>
    %dma_wait3A_80 = arith.constant 0 : i32
    %dma_wait3A_81 = tpu.memref_slice %arg6[%dma_wait3A_73, %dma_wait3A_74, %dma_wait3A_80] : memref<2x2x128xi32, #tpu.memory_space<vmem>> -> memref<1x1x128xi32, #tpu.memory_space<vmem>>
    %dma_wait3A_82 = tpu.memref_squeeze %dma_wait3A_81 : memref<1x1x128xi32, #tpu.memory_space<vmem>> -> memref<128xi32, #tpu.memory_space<vmem>>
    %dma_wait3A_83 = arith.constant 0 : i32
    %dma_wait3A_84 = arith.constant 0 : i32
    %dma_wait3A_85 = tpu.memref_slice %arg2[%dma_wait3A_83, %dma_wait3A_84] : memref<10000x128xf32, #tpu.memory_space<hbm>> -> memref<10000x128xf32, #tpu.memory_space<hbm>>
    tpu.wait_indirect_dma semaphore(%arg11 : memref<!tpu.dma_semaphore, #tpu.memory_space<semaphore_mem>>) src(%dma_wait3A_85 : memref<10000x128xf32, #tpu.memory_space<hbm>>) dst(%dma_wait3A_79 : memref<128x128xf32, #tpu.memory_space<vmem>>)
    %dma_wait3A_86 = arith.constant 81 : i32
    %dma_wait3A_87 = arith.constant 1 : i32
    %dma_wait3A_88 = arith.constant 0 : i32
    %dma_wait3A_89 = arith.constant 0 : i32
    %dma_wait3A_90 = tpu.memref_slice %arg6[%dma_wait3A_87, %dma_wait3A_88, %dma_wait3A_89] : memref<2x2x128xi32, #tpu.memory_space<vmem>> -> memref<1x2x128xi32, #tpu.memory_space<vmem>>
    %dma_wait3A_91 = tpu.memref_squeeze %dma_wait3A_90 : memref<1x2x128xi32, #tpu.memory_space<vmem>> -> memref<2x128xi32, #tpu.memory_space<vmem>>
    %dma_wait3A_92 = arith.constant 0 : i32
    %dma_wait3A_93 = arith.constant 0 : i32
    %dma_wait3A_94 = tpu.memref_slice %arg3[%add3A, %dma_wait3A_86, %dma_wait3A_92, %dma_wait3A_93] : memref<32x82x2x128xi32, #tpu.memory_space<hbm>> -> memref<1x1x2x128xi32, #tpu.memory_space<hbm>>
    %dma_wait3A_95 = tpu.memref_squeeze %dma_wait3A_94 : memref<1x1x2x128xi32, #tpu.memory_space<hbm>> -> memref<2x128xi32, #tpu.memory_space<hbm>>
    %dma_wait3A_96 = arith.constant 0 : i32
    %dma_wait3A_97 = arith.constant 0 : i32
    %dma_wait3A_98 = tpu.memref_slice %arg6[%dma_wait3A_87, %dma_wait3A_96, %dma_wait3A_97] : memref<2x2x128xi32, #tpu.memory_space<vmem>> -> memref<1x2x128xi32, #tpu.memory_space<vmem>>
    %dma_wait3A_99 = tpu.memref_squeeze %dma_wait3A_98 : memref<1x2x128xi32, #tpu.memory_space<vmem>> -> memref<2x128xi32, #tpu.memory_space<vmem>>
    %dma_wait3A_100 = arith.constant 0 : i32
    %dma_wait3A_101 = arith.constant 0 : i32
    %dma_wait3A_102 = tpu.memref_slice %arg3[%add3A, %dma_wait3A_86, %dma_wait3A_100, %dma_wait3A_101] : memref<32x82x2x128xi32, #tpu.memory_space<hbm>> -> memref<1x1x2x128xi32, #tpu.memory_space<hbm>>
    %dma_wait3A_103 = tpu.memref_squeeze %dma_wait3A_102 : memref<1x1x2x128xi32, #tpu.memory_space<hbm>> -> memref<2x128xi32, #tpu.memory_space<hbm>>
    tpu.wait_dma2 semaphore(%arg10 : memref<!tpu.dma_semaphore, #tpu.memory_space<semaphore_mem>>) src(%dma_wait3A_103 : memref<2x128xi32, #tpu.memory_space<hbm>>) dst(%dma_wait3A_99 : memref<2x128xi32, #tpu.memory_space<vmem>>)
    %barrier3A_104 = arith.constant 0 : index
    tpu.barrier barrier_id(%barrier3A_104)
    %mul3A_105 = arith.constant 632 : i32
    %mul3A_106 = arith.muli %arg1, %mul3A_105 : i32
    %mul3A_107 = arith.constant 632 : i32
    %mul3A_108 = arith.muli %arg1, %mul3A_107 : i32
    "tpu.region"() ({
      %run_scoped3A = tpu.sem_alloc : memref<!tpu.dma_semaphore, #tpu.memory_space<semaphore_mem>>
      %dma_start3A_109 = arith.constant 0 : i32
      %dma_start3A_110 = tpu.memref_slice %arg5[%arg0, %mul3A_108, %dma_start3A_109] : memref<2x10112x128xf32, #tpu.memory_space<hbm>> -> memref<1x632x128xf32, #tpu.memory_space<hbm>>
      %dma_start3A_111 = tpu.memref_squeeze %dma_start3A_110 : memref<1x632x128xf32, #tpu.memory_space<hbm>> -> memref<632x128xf32, #tpu.memory_space<hbm>>
      %dma_start3A_112 = arith.constant 0 : i32
      %dma_start3A_113 = tpu.memref_slice %arg8[%mul3A_106, %dma_start3A_112] : memref<10112x128xf32, #tpu.memory_space<vmem_shared>> -> memref<632x128xf32, #tpu.memory_space<vmem_shared>>
      tpu.enqueue_dma source(%dma_start3A_113 : memref<632x128xf32, #tpu.memory_space<vmem_shared>>) target(%dma_start3A_111 : memref<632x128xf32, #tpu.memory_space<hbm>>) target_semaphore(%run_scoped3A : memref<!tpu.dma_semaphore, #tpu.memory_space<semaphore_mem>>)
      %dma_wait3A_114 = arith.constant 0 : i32
      %dma_wait3A_115 = tpu.memref_slice %arg5[%arg0, %mul3A_108, %dma_wait3A_114] : memref<2x10112x128xf32, #tpu.memory_space<hbm>> -> memref<1x632x128xf32, #tpu.memory_space<hbm>>
      %dma_wait3A_116 = tpu.memref_squeeze %dma_wait3A_115 : memref<1x632x128xf32, #tpu.memory_space<hbm>> -> memref<632x128xf32, #tpu.memory_space<hbm>>
      %dma_wait3A_117 = arith.constant 0 : i32
      %dma_wait3A_118 = tpu.memref_slice %arg8[%mul3A_106, %dma_wait3A_117] : memref<10112x128xf32, #tpu.memory_space<vmem_shared>> -> memref<632x128xf32, #tpu.memory_space<vmem_shared>>
      tpu.wait_dma2 semaphore(%run_scoped3A : memref<!tpu.dma_semaphore, #tpu.memory_space<semaphore_mem>>) src(%dma_wait3A_118 : memref<632x128xf32, #tpu.memory_space<vmem_shared>>) dst(%dma_wait3A_116 : memref<632x128xf32, #tpu.memory_space<hbm>>)
      tpu.yield
    }) : () -> ()
    return
  }
}

module attributes {stable_mosaic.version = 14 : i64} {
  func.func @_tc_layer_body(%arg0: memref<2x10112x128xf32, #tpu.memory_space<vmem>>, %arg1: memref<2x10112x128xf32, #tpu.memory_space<vmem>>, %arg2: memref<10000x128xf32, #tpu.memory_space<vmem>>, %arg3: memref<128x128xf32, #tpu.memory_space<vmem>>, %arg4: memref<128x128xf32, #tpu.memory_space<vmem>>, %arg5: memref<1x128xf32, #tpu.memory_space<vmem>>, %arg6: memref<1x128xf32, #tpu.memory_space<vmem>>, %arg7: memref<1x128xf32, #tpu.memory_space<vmem>>, %arg8: memref<10000x128xf32, #tpu.memory_space<vmem>>) attributes {dimension_semantics = [], scalar_prefetch = 0 : i64, scratch_operands = 0 : i64, tpu.core_type = #tpu.core_type<tc>} {
    %get3A = arith.constant 0 : index
    %get3A_0 = arith.constant 0 : index
    %get3A_1 = arith.constant 0 : index
    %get3A_2 = vector.load %arg0[%get3A, %get3A_0, %get3A_1] : memref<2x10112x128xf32, #tpu.memory_space<vmem>>, vector<1x10000x128xf32>
    %get3A_3 = vector.shape_cast %get3A_2 : vector<1x10000x128xf32> to vector<10000x128xf32>
    %get3A_4 = arith.constant 1 : index
    %get3A_5 = arith.constant 0 : index
    %get3A_6 = arith.constant 0 : index
    %get3A_7 = vector.load %arg0[%get3A_4, %get3A_5, %get3A_6] : memref<2x10112x128xf32, #tpu.memory_space<vmem>>, vector<1x10000x128xf32>
    %get3A_8 = vector.shape_cast %get3A_7 : vector<1x10000x128xf32> to vector<10000x128xf32>
    %add3A = arith.addf %get3A_3, %get3A_8 : vector<10000x128xf32>
    %get3A_9 = arith.constant 0 : index
    %get3A_10 = arith.constant 0 : index
    %get3A_11 = arith.constant 0 : index
    %get3A_12 = vector.load %arg1[%get3A_9, %get3A_10, %get3A_11] : memref<2x10112x128xf32, #tpu.memory_space<vmem>>, vector<1x10000x1xf32>
    %get3A_13 = vector.shape_cast %get3A_12 : vector<1x10000x1xf32> to vector<10000x1xf32>
    %get3A_14 = arith.constant 1 : index
    %get3A_15 = arith.constant 0 : index
    %get3A_16 = arith.constant 0 : index
    %get3A_17 = vector.load %arg1[%get3A_14, %get3A_15, %get3A_16] : memref<2x10112x128xf32, #tpu.memory_space<vmem>>, vector<1x10000x1xf32>
    %get3A_18 = vector.shape_cast %get3A_17 : vector<1x10000x1xf32> to vector<10000x1xf32>
    %add3A_19 = arith.addf %get3A_13, %get3A_18 : vector<10000x1xf32>
    %max3A = arith.constant 1.000000e+00 : f32
    %max3A_20 = vector.broadcast %max3A : f32 to vector<10000x1xf32>
    %max3A_21 = arith.maximumf %add3A_19, %max3A_20 : vector<10000x1xf32>
    %div3A = arith.constant 1.000000e+00 : f32
    %div3A_22 = vector.broadcast %div3A : f32 to vector<10000x1xf32>
    %div3A_23 = arith.divf %div3A_22, %max3A_21 : vector<10000x1xf32>
    %mul3A = vector.broadcast %div3A_23 : vector<10000x1xf32> to vector<10000x128xf32>
    %mul3A_24 = arith.mulf %add3A, %mul3A : vector<10000x128xf32>
    %get3A_25 = arith.constant 0 : index
    %get3A_26 = arith.constant 0 : index
    %get3A_27 = vector.load %arg3[%get3A_25, %get3A_26] : memref<128x128xf32, #tpu.memory_space<vmem>>, vector<128x128xf32>
    %dot_general3A = arith.constant dense<0.000000e+00> : vector<10000x128xf32>
    %dot_general3A_28 = tpu.matmul %mul3A_24, %get3A_27, %dot_general3A {dimension_numbers = #tpu.dot_dimension_numbers<[1], [0], [0], [1], [0, 0, 1, 1], [], []>, transpose_lhs_hint = false} : vector<10000x128xf32>, vector<128x128xf32>, vector<10000x128xf32> -> vector<10000x128xf32>
    %get3A_29 = arith.constant 0 : index
    %get3A_30 = arith.constant 0 : index
    %get3A_31 = vector.load %arg2[%get3A_29, %get3A_30] : memref<10000x128xf32, #tpu.memory_space<vmem>>, vector<10000x128xf32>
    %get3A_32 = arith.constant 0 : index
    %get3A_33 = arith.constant 0 : index
    %get3A_34 = vector.load %arg4[%get3A_32, %get3A_33] : memref<128x128xf32, #tpu.memory_space<vmem>>, vector<128x128xf32>
    %dot_general3A_35 = arith.constant dense<0.000000e+00> : vector<10000x128xf32>
    %dot_general3A_36 = tpu.matmul %get3A_31, %get3A_34, %dot_general3A_35 {dimension_numbers = #tpu.dot_dimension_numbers<[1], [0], [0], [1], [0, 0, 1, 1], [], []>, transpose_lhs_hint = false} : vector<10000x128xf32>, vector<128x128xf32>, vector<10000x128xf32> -> vector<10000x128xf32>
    %add3A_37 = arith.addf %dot_general3A_28, %dot_general3A_36 : vector<10000x128xf32>
    %get3A_38 = arith.constant 0 : index
    %get3A_39 = arith.constant 0 : index
    %get3A_40 = vector.load %arg5[%get3A_38, %get3A_39] : memref<1x128xf32, #tpu.memory_space<vmem>>, vector<1x128xf32>
    %get3A_41 = vector.shape_cast %get3A_40 : vector<1x128xf32> to vector<128xf32>
    %broadcast_in_dim3A = vector.shape_cast %get3A_41 : vector<128xf32> to vector<1x128xf32>
    %add3A_42 = vector.broadcast %broadcast_in_dim3A : vector<1x128xf32> to vector<10000x128xf32>
    %add3A_43 = arith.addf %add3A_37, %add3A_42 : vector<10000x128xf32>
    %max3A_44 = arith.constant 0.000000e+00 : f32
    %max3A_45 = vector.broadcast %max3A_44 : f32 to vector<10000x128xf32>
    %max3A_46 = arith.maximumf %add3A_43, %max3A_45 : vector<10000x128xf32>
    %reduce_sum3A = arith.constant dense<0.000000e+00> : vector<128xf32>
    %reduce_sum3A_47 = vector.multi_reduction <add>, %max3A_46, %reduce_sum3A [0] : vector<10000x128xf32> to vector<128xf32>
    %broadcast_in_dim3A_48 = vector.shape_cast %reduce_sum3A_47 : vector<128xf32> to vector<1x128xf32>
    %div3A_49 = arith.constant 1.000000e+04 : f32
    %div3A_50 = vector.broadcast %div3A_49 : f32 to vector<1x128xf32>
    %div3A_51 = arith.divf %broadcast_in_dim3A_48, %div3A_50 : vector<1x128xf32>
    %sub3A = vector.broadcast %div3A_51 : vector<1x128xf32> to vector<10000x128xf32>
    %sub3A_52 = arith.subf %max3A_46, %sub3A : vector<10000x128xf32>
    %integer_pow3A = arith.mulf %sub3A_52, %sub3A_52 : vector<10000x128xf32>
    %reduce_sum3A_53 = arith.constant dense<0.000000e+00> : vector<128xf32>
    %reduce_sum3A_54 = vector.multi_reduction <add>, %integer_pow3A, %reduce_sum3A_53 [0] : vector<10000x128xf32> to vector<128xf32>
    %broadcast_in_dim3A_55 = vector.shape_cast %reduce_sum3A_54 : vector<128xf32> to vector<1x128xf32>
    %div3A_56 = arith.constant 1.000000e+04 : f32
    %div3A_57 = vector.broadcast %div3A_56 : f32 to vector<1x128xf32>
    %div3A_58 = arith.divf %broadcast_in_dim3A_55, %div3A_57 : vector<1x128xf32>
    %sub3A_59 = vector.broadcast %div3A_51 : vector<1x128xf32> to vector<10000x128xf32>
    %sub3A_60 = arith.subf %max3A_46, %sub3A_59 : vector<10000x128xf32>
    %add3A_61 = arith.constant 9.99999974E-6 : f32
    %add3A_62 = vector.broadcast %add3A_61 : f32 to vector<1x128xf32>
    %add3A_63 = arith.addf %div3A_58, %add3A_62 : vector<1x128xf32>
    %sqrt3A = math.sqrt %add3A_63 : vector<1x128xf32>
    %div3A_64 = vector.broadcast %sqrt3A : vector<1x128xf32> to vector<10000x128xf32>
    %div3A_65 = arith.divf %sub3A_60, %div3A_64 : vector<10000x128xf32>
    %get3A_66 = arith.constant 0 : index
    %get3A_67 = arith.constant 0 : index
    %get3A_68 = vector.load %arg6[%get3A_66, %get3A_67] : memref<1x128xf32, #tpu.memory_space<vmem>>, vector<1x128xf32>
    %get3A_69 = vector.shape_cast %get3A_68 : vector<1x128xf32> to vector<128xf32>
    %broadcast_in_dim3A_70 = vector.shape_cast %get3A_69 : vector<128xf32> to vector<1x128xf32>
    %mul3A_71 = vector.broadcast %broadcast_in_dim3A_70 : vector<1x128xf32> to vector<10000x128xf32>
    %mul3A_72 = arith.mulf %div3A_65, %mul3A_71 : vector<10000x128xf32>
    %get3A_73 = arith.constant 0 : index
    %get3A_74 = arith.constant 0 : index
    %get3A_75 = vector.load %arg7[%get3A_73, %get3A_74] : memref<1x128xf32, #tpu.memory_space<vmem>>, vector<1x128xf32>
    %get3A_76 = vector.shape_cast %get3A_75 : vector<1x128xf32> to vector<128xf32>
    %broadcast_in_dim3A_77 = vector.shape_cast %get3A_76 : vector<128xf32> to vector<1x128xf32>
    %add3A_78 = vector.broadcast %broadcast_in_dim3A_77 : vector<1x128xf32> to vector<10000x128xf32>
    %add3A_79 = arith.addf %mul3A_72, %add3A_78 : vector<10000x128xf32>
    %swap3A = arith.constant 0 : index
    %swap3A_80 = arith.constant 0 : index
    %swap3A_81 = vector.load %arg8[%swap3A, %swap3A_80] : memref<10000x128xf32, #tpu.memory_space<vmem>>, vector<10000x128xf32>
    tpu.vector_store %arg8[%swap3A, %swap3A_80], %add3A_79 {strides = array<i32>} : memref<10000x128xf32, #tpu.memory_space<vmem>>, vector<10000x128xf32>,
    return
  }
}

module attributes {stable_mosaic.version = 14 : i64} {
  func.func @_tc_final_body(%arg0: memref<2x10112x128xf32, #tpu.memory_space<vmem>>, %arg1: memref<2x10112x128xf32, #tpu.memory_space<vmem>>, %arg2: memref<10000x128xf32, #tpu.memory_space<vmem>>, %arg3: memref<128x40xf32, #tpu.memory_space<vmem>>, %arg4: memref<128x40xf32, #tpu.memory_space<vmem>>, %arg5: memref<1x40xf32, #tpu.memory_space<vmem>>, %arg6: memref<10000x40xf32, #tpu.memory_space<vmem>>) attributes {dimension_semantics = [], scalar_prefetch = 0 : i64, scratch_operands = 0 : i64, tpu.core_type = #tpu.core_type<tc>} {
    %get3A = arith.constant 0 : index
    %get3A_0 = arith.constant 0 : index
    %get3A_1 = arith.constant 0 : index
    %get3A_2 = vector.load %arg0[%get3A, %get3A_0, %get3A_1] : memref<2x10112x128xf32, #tpu.memory_space<vmem>>, vector<1x10000x128xf32>
    %get3A_3 = vector.shape_cast %get3A_2 : vector<1x10000x128xf32> to vector<10000x128xf32>
    %get3A_4 = arith.constant 1 : index
    %get3A_5 = arith.constant 0 : index
    %get3A_6 = arith.constant 0 : index
    %get3A_7 = vector.load %arg0[%get3A_4, %get3A_5, %get3A_6] : memref<2x10112x128xf32, #tpu.memory_space<vmem>>, vector<1x10000x128xf32>
    %get3A_8 = vector.shape_cast %get3A_7 : vector<1x10000x128xf32> to vector<10000x128xf32>
    %add3A = arith.addf %get3A_3, %get3A_8 : vector<10000x128xf32>
    %get3A_9 = arith.constant 0 : index
    %get3A_10 = arith.constant 0 : index
    %get3A_11 = arith.constant 0 : index
    %get3A_12 = vector.load %arg1[%get3A_9, %get3A_10, %get3A_11] : memref<2x10112x128xf32, #tpu.memory_space<vmem>>, vector<1x10000x1xf32>
    %get3A_13 = vector.shape_cast %get3A_12 : vector<1x10000x1xf32> to vector<10000x1xf32>
    %get3A_14 = arith.constant 1 : index
    %get3A_15 = arith.constant 0 : index
    %get3A_16 = arith.constant 0 : index
    %get3A_17 = vector.load %arg1[%get3A_14, %get3A_15, %get3A_16] : memref<2x10112x128xf32, #tpu.memory_space<vmem>>, vector<1x10000x1xf32>
    %get3A_18 = vector.shape_cast %get3A_17 : vector<1x10000x1xf32> to vector<10000x1xf32>
    %add3A_19 = arith.addf %get3A_13, %get3A_18 : vector<10000x1xf32>
    %max3A = arith.constant 1.000000e+00 : f32
    %max3A_20 = vector.broadcast %max3A : f32 to vector<10000x1xf32>
    %max3A_21 = arith.maximumf %add3A_19, %max3A_20 : vector<10000x1xf32>
    %div3A = arith.constant 1.000000e+00 : f32
    %div3A_22 = vector.broadcast %div3A : f32 to vector<10000x1xf32>
    %div3A_23 = arith.divf %div3A_22, %max3A_21 : vector<10000x1xf32>
    %mul3A = vector.broadcast %div3A_23 : vector<10000x1xf32> to vector<10000x128xf32>
    %mul3A_24 = arith.mulf %add3A, %mul3A : vector<10000x128xf32>
    %get3A_25 = arith.constant 0 : index
    %get3A_26 = arith.constant 0 : index
    %get3A_27 = vector.load %arg3[%get3A_25, %get3A_26] : memref<128x40xf32, #tpu.memory_space<vmem>>, vector<128x40xf32>
    %dot_general3A = arith.constant dense<0.000000e+00> : vector<10000x40xf32>
    %dot_general3A_28 = tpu.matmul %mul3A_24, %get3A_27, %dot_general3A {dimension_numbers = #tpu.dot_dimension_numbers<[1], [0], [0], [1], [0, 0, 1, 1], [], []>, transpose_lhs_hint = false} : vector<10000x128xf32>, vector<128x40xf32>, vector<10000x40xf32> -> vector<10000x40xf32>
    %get3A_29 = arith.constant 0 : index
    %get3A_30 = arith.constant 0 : index
    %get3A_31 = vector.load %arg2[%get3A_29, %get3A_30] : memref<10000x128xf32, #tpu.memory_space<vmem>>, vector<10000x128xf32>
    %get3A_32 = arith.constant 0 : index
    %get3A_33 = arith.constant 0 : index
    %get3A_34 = vector.load %arg4[%get3A_32, %get3A_33] : memref<128x40xf32, #tpu.memory_space<vmem>>, vector<128x40xf32>
    %dot_general3A_35 = arith.constant dense<0.000000e+00> : vector<10000x40xf32>
    %dot_general3A_36 = tpu.matmul %get3A_31, %get3A_34, %dot_general3A_35 {dimension_numbers = #tpu.dot_dimension_numbers<[1], [0], [0], [1], [0, 0, 1, 1], [], []>, transpose_lhs_hint = false} : vector<10000x128xf32>, vector<128x40xf32>, vector<10000x40xf32> -> vector<10000x40xf32>
    %add3A_37 = arith.addf %dot_general3A_28, %dot_general3A_36 : vector<10000x40xf32>
    %get3A_38 = arith.constant 0 : index
    %get3A_39 = arith.constant 0 : index
    %get3A_40 = vector.load %arg5[%get3A_38, %get3A_39] : memref<1x40xf32, #tpu.memory_space<vmem>>, vector<1x40xf32>
    %get3A_41 = vector.shape_cast %get3A_40 : vector<1x40xf32> to vector<40xf32>
    %broadcast_in_dim3A = vector.shape_cast %get3A_41 : vector<40xf32> to vector<1x40xf32>
    %add3A_42 = vector.broadcast %broadcast_in_dim3A : vector<1x40xf32> to vector<10000x40xf32>
    %add3A_43 = arith.addf %add3A_37, %add3A_42 : vector<10000x40xf32>
    %reduce_max3A = arith.constant dense<0xFF800000> : vector<10000xf32>
    %reduce_max3A_44 = vector.multi_reduction <maximumf>, %add3A_43, %reduce_max3A [1] : vector<10000x40xf32> to vector<10000xf32>
    %broadcast_in_dim3A_45 = vector.shape_cast %reduce_max3A_44 : vector<10000xf32> to vector<10000x1xf32>
    %sub3A = vector.broadcast %broadcast_in_dim3A_45 : vector<10000x1xf32> to vector<10000x40xf32>
    %sub3A_46 = arith.subf %add3A_43, %sub3A : vector<10000x40xf32>
    %exp3A = math.exp %sub3A_46 : vector<10000x40xf32>
    %reduce_sum3A = arith.constant dense<0.000000e+00> : vector<10000xf32>
    %reduce_sum3A_47 = vector.multi_reduction <add>, %exp3A, %reduce_sum3A [1] : vector<10000x40xf32> to vector<10000xf32>
    %broadcast_in_dim3A_48 = vector.shape_cast %reduce_sum3A_47 : vector<10000xf32> to vector<10000x1xf32>
    %log3A = math.log %broadcast_in_dim3A_48 : vector<10000x1xf32>
    %sub3A_49 = vector.broadcast %broadcast_in_dim3A_45 : vector<10000x1xf32> to vector<10000x40xf32>
    %sub3A_50 = arith.subf %add3A_43, %sub3A_49 : vector<10000x40xf32>
    %sub3A_51 = vector.broadcast %log3A : vector<10000x1xf32> to vector<10000x40xf32>
    %sub3A_52 = arith.subf %sub3A_50, %sub3A_51 : vector<10000x40xf32>
    %swap3A = arith.constant 0 : index
    %swap3A_53 = arith.constant 0 : index
    %swap3A_54 = vector.load %arg6[%swap3A, %swap3A_53] : memref<10000x40xf32, #tpu.memory_space<vmem>>, vector<10000x40xf32>
    tpu.vector_store %arg6[%swap3A, %swap3A_53], %sub3A_52 {strides = array<i32>} : memref<10000x40xf32, #tpu.memory_space<vmem>>, vector<10000x40xf32>,
    return
  }
}

</mosaic_0001>

<sc_bundles>
// kernel: kernel.13.cloned.1.call-start
scs
__scs_entry_jumppad:
0x0: {  	(pc) =	sbr.rel $0x88, $3  }
0x1: {  	(tag) =	ssettag $0x0;
	lr =	simm.s32 $0x1  }
0x2: {  	[smem:$0x3F88] =	sst lr;
	_ =	strace $0xD0000000  }
0x3: {  	_ = 	snop  }
0x4: {  	_ = 	snop  }
0x5: {  	_ = 	snop  }
0x6: {  	_ = 	snop  }
0x7: {  	_ = 	snop  }
__scs_overlays_trampoline_lowered:
0x8: {  	[smem:$0x3F97] =	sst s0  }
0x9: {  	[smem:$0x3F98] =	sst s1  }
0xa: {  	[smem:$0x3F99] =	sst s2  }
0xb: {  	[smem:$0x3F9A] =	sst s3  }
0xc: {  	[smem:$0x3F9B] =	sst s4  }
0xd: {  	[smem:$0x3F9C] =	sst s5  }
0xe: {  	[smem:$0x3F9D] =	sst s6  }
0xf: {  	[smem:$0x3F9E] =	sst s7  }
0x10: {  	[smem:$0x3F9F] =	sst s8  }
0x11: {  	[smem:$0x3FA0] =	sst s9;
	s0 =	simm.s32 @!p0 $0x0  }
0x12: {  	s1 =	sld [smem:$0x3F86];
	s0 =	simm.s32 @p0 $0x1  }
0x13: {  	[smem:$0x3FA1] =	sst s0;
	s0 =	simm.s32 @!p1 $0x0  }
0x14: {  	s2 =	sld [smem:$0x3F85];
	s0 =	simm.s32 @p1 $0x1  }
0x15: {  	[smem:$0x3FA2] =	sst s0;
	s0 =	simm.s32 @!p2 $0x0  }
0x16: {  	s3 =	sld [smem:$0x3FDB];
	s0 =	simm.s32 @p2 $0x1  }
0x17: {  	s4 =	simm.s32 $0x1BF5;
	[smem:$0x3FA4] =	sst s0  }
0x18: {  	s0 =	sld [smem:$0x3F87];
	_ =	swait.ge [sflag:s4], $0x0  }
0x19: {  	s7 =	sld [smem:$0x3F88]  }
0x1a: {  	s8 =	sadd.s32 $0xFFFFE003, lr  }
0x1b: {  	s9 =	sadd.s32 $0xFFFFFEF7, lr;
	s5 =	simm.s32 $0xFFFFFFFF;
	p2 =	slt.u32 s8, $0xFFFFF086  }
0x1c: {  	p1 =	slt.u32 s9, $0xF7A;
	s5 =	simm.s32 @!p2 $0x0  }
0x1d: {  	s5 =	simm.s32 @p1 $0x1;
	p0 =	seq.s32 s7, s2  }
0x1e: {  	s7 =	smul.u32 @!p0 $0xF7A, s2;
	p2 =	seq.s32 @!p0 s5, $0x0  }
0x1f: {  	s9 =	smul.u32 $0xF7A, s1;
	s8 =	simm.s32 @!p0 $0x1BF5;
	p2 =	por !p2, p0  }
0x20: {  	[sflag:s8] =	ssyncset.s32 @!p0 $0xFFFFF086;
	s6 =	sadd.s32 @!p0 s3, s7;
	s7 =	simm.s32 @!p0 $0x108  }
0x21: {  	s3 =	sadd.s32 s3, s9;
	s6 =	sadd.s32 @!p0 $0x88, s6;
	s7 =	simm.s32 @p2 $0x1082  }
0x22: {  	[simem:s7], [sflag:s8] =	dma.local @!p0 [hbm:s6], $0xF7A  }
0x23: {  	s9 =	sor.u32 $0xD0000000, s2;
	s6 =	simm.s32 $0x108;
	_ =	swait.ge @!p0 [sflag:s8], $0x0  }
0x24: {  	s3 =	sadd.s32 $0x88, s3;
	s6 =	simm.s32 @!p1 $0x1082;
	[sflag:s4] =	ssyncset.s32 $0xFFFFF086  }
0x25: {  	[simem:s6], [sflag:s4] =	dma.local [hbm:s3], $0xF7A  }
0x26: {  	[smem:$0x3F88] =	sst s1;
	(tag) =	ssettag s2;
	_ =	strace s9  }
0x27: {  	s1 =	sld [smem:$0x3F98]  }
0x28: {  	s2 =	sld [smem:$0x3F99]  }
0x29: {  	s4 =	sld [smem:$0x3F9B]  }
0x2a: {  	p0 =	seq.s32 s5, $0x0;
	s5 =	sld [smem:$0x3F9C]  }
0x2b: {  	s6 =	sld [smem:$0x3F9D]  }
0x2c: {  	s7 =	sld [smem:$0x3F9E]  }
0x2d: {  	s3 =	simm.s32 $0x108;
	s8 =	sld [smem:$0x3F9F]  }
0x2e: {  	s3 =	simm.s32 @!p0 $0x1082;
	s9 =	sld [smem:$0x3FA0]  }
0x2f: {  	lr =	sadd.s32 s0, s3;
	s0 =	sld [smem:$0x3F97]  }
0x30: {  	s3 =	sld [smem:$0x3F9A]  }
0x31: {  	[smem:$0x3FA3] =	sst s10  }
0x32: {  	s10 =	sld [smem:$0x3FA1];
	_ =	sdelay $0x3  }
0x33: {  	p0 =	seq.s32 s10, $0x1;
	s10 =	sld [smem:$0x3FA3];
	_ =	sdelay $0x3  }
0x34: {  	[smem:$0x3FA3] =	sst s10  }
0x35: {  	s10 =	sld [smem:$0x3FA2];
	_ =	sdelay $0x3  }
0x36: {  	p1 =	seq.s32 s10, $0x1;
	s10 =	sld [smem:$0x3FA3];
	_ =	sdelay $0x3  }
0x37: {  	[smem:$0x3FA3] =	sst s10  }
0x38: {  	s10 =	sld [smem:$0x3FA4]  }
0x39: {  	_ = 	snop;
	(pc) =	sbr.ind lr, $3  }
0x3a: {  	_ = 	snop  }
0x3b: {  	_ = 	snop  }
0x3c: {  	p2 =	seq.s32 s10, $0x1;
	s10 =	sld [smem:$0x3FA3]  }
0x3d: {  	_ =	shalt  }
0x3e: {  	_ =	shalt  }
0x3f: {  	_ =	shalt  }
0x40: {  	_ =	shalt  }
0x41: {  	_ =	shalt  }
0x42: {  	_ =	shalt  }
0x43: {  	_ =	shalt  }
0x44: {  	_ =	shalt  }
0x45: {  	_ =	shalt  }
0x46: {  	_ =	shalt  }
0x47: {  	_ =	shalt  }
0x48: {  	_ =	shalt  }
0x49: {  	_ =	shalt  }
0x4a: {  	_ =	shalt  }
0x4b: {  	_ =	shalt  }
0x4c: {  	_ =	shalt  }
0x4d: {  	_ =	shalt  }
0x4e: {  	_ =	shalt  }
0x4f: {  	_ =	shalt  }
0x50: {  	_ =	shalt  }
0x51: {  	_ =	shalt  }
0x52: {  	_ =	shalt  }
0x53: {  	_ =	shalt  }
0x54: {  	_ =	shalt  }
0x55: {  	_ =	shalt  }
0x56: {  	_ =	shalt  }
0x57: {  	_ =	shalt  }
0x58: {  	_ =	shalt  }
0x59: {  	_ =	shalt  }
0x5a: {  	_ =	shalt  }
0x5b: {  	_ =	shalt  }
0x5c: {  	_ =	shalt  }
0x5d: {  	_ =	shalt  }
0x5e: {  	_ =	shalt  }
0x5f: {  	_ =	shalt  }
0x60: {  	_ =	shalt  }
0x61: {  	_ =	shalt  }
0x62: {  	_ =	shalt  }
0x63: {  	_ =	shalt  }
0x64: {  	_ =	shalt  }
0x65: {  	_ =	shalt  }
0x66: {  	_ =	shalt  }
0x67: {  	_ =	shalt  }
0x68: {  	_ =	shalt  }
0x69: {  	_ =	shalt  }
0x6a: {  	_ =	shalt  }
0x6b: {  	_ =	shalt  }
0x6c: {  	_ =	shalt  }
0x6d: {  	_ =	shalt  }
0x6e: {  	_ =	shalt  }
0x6f: {  	_ =	shalt  }
0x70: {  	_ =	shalt  }
0x71: {  	_ =	shalt  }
0x72: {  	_ =	shalt  }
0x73: {  	_ =	shalt  }
0x74: {  	_ =	shalt  }
0x75: {  	_ =	shalt  }
0x76: {  	_ =	shalt  }
0x77: {  	_ =	shalt  }
0x78: {  	_ =	shalt  }
0x79: {  	_ =	shalt  }
0x7a: {  	_ =	shalt  }
0x7b: {  	_ =	shalt  }
0x7c: {  	_ =	shalt  }
0x7d: {  	_ =	shalt  }
0x7e: {  	_ =	shalt  }
0x7f: {  	_ =	shalt  }
0x80: {  	_ =	shalt  }
0x81: {  	_ =	shalt  }
0x82: {  	_ =	shalt  }
0x83: {  	_ =	shalt  }
0x84: {  	_ =	shalt  }
0x85: {  	_ =	shalt  }
0x86: {  	_ =	shalt  }
0x87: {  	_ =	shalt  }
.Lfunc_end0:
.L_simem_size_0:
called_computation_lowered:
.L_overlay_start_0:
0x88: {  	s2 =	sld [smem:$0x3FD9]  }
0x89: {  	s3 =	sld [smem:$0x3FFE];
	_ =	sdelay $0x1  }
0x8a: {  	s1 =	srdreg.scid  }
0x8b: {  	s0 =	sand.u32 $0x1, s1  }
0x8c: {  	s17 =	sshll.u32 s0, $0xA;
	s2 =	sadd.s32 s3, s2  }
0x8d: {  	s2 =	sadd.s32 s2, s17  }
0x8e: {  	[smem:$0x3FAF] =	sst s2  }
0x8f: {  	_ = 	snop  }
0x90: {  	s18 =	sld [smem:$0x3FD0];
	(tm) =	ssettm $0x1  }
0x91: {  	s19 =	sld [smem:$0x3FFB];
	_ =	sdelay $0x3  }
0x92: {  	_ =	strace s19  }
0x93: {  	s2 =	sld [smem:$0x3FFC];
	_ =	sdelay $0x3  }
0x94: {  	_ =	strace s2  }
0x95: {  	s2 =	sld [smem:$0x3FFD];
	_ =	sdelay $0x3  }
0x96: {  	_ =	strace s2  }
0x97: {  	_ =	strace $0x8FFFFFFF  }
0x98: {  	s20 =	sld [smem:$0x3FDB];
	_ =	sdelay $0x1  }
0x99: {  	s4 =	simm.s32 $_scs_section_size  }
0x9a: {  	s5 =	simm.s32 $_size__tile_overlayer_lowered;
	s6 =	simm.s32 $_tile_overlayer_lowered  }
0x9b: {  	s7 =	simm.s32 $0x1BFF;
	s21 =	sshll.u32 s6, $0x1;
	s4 =	sadd.s32 s4, s20  }
0x9c: {  	s22 =	simm.s32 $0x0;
	s5 =	sshll.u32 s5, $0x1;
	s6 =	sadd.s32 s21, s4  }
0x9d: {  	[timem:s22], [sflag:s7] =	dma.local [hbm:s6], s5  }
0x9e: {  	_ =	swait.ge [sflag:s7], s5  }
0x9f: {  	s5 =	ssub.s32 $0x0, s5;
	[sflag:s7] =	ssyncset.done $0x0  }
0xa0: {  	[sflag:s7] =	ssyncadd.s32 s5;
	_ =	sdelay $0x1  }
0xa1: {  	s23 =	simm.s32 $0x1B8B  }
0xa2: {  	_ =	swait.ge [sflag:s23], $0x1  }
0xa3: {  	[sflag:s23] =	ssyncset.done $0x0  }
0xa4: {  	[sflag:s23] =	ssyncadd.s32 $0xFFFFFFFF  }
0xa5: {  	s5 =	sld [smem:$0x0]  }
0xa6: {  	s6 =	sand.u32 $0xFFFFFFFE, s1  }
0xa7: {  	p0 =	sne.s32 s1, s6  }
0xa8: {  	s6 =	sshll.u32 @p0 s6, $0xE  }
0xa9: {  	s6 =	sadd.s32 @p0 $0x11B8D, s6;
	s7 =	sshll.u32 @p0 s5, $0x11  }
0xaa: {  	s6 =	sor.u32 @p0 s7, s6  }
0xab: {  	[sflag:s6] =	ssyncadd.remote.s32 @p0 $0x1;
	_ =	sdelay $0x1  }
0xac: {  	s6 =	simm.s32 @p0 $0x1B8D  }
0xad: {  	_ =	swait.eq @p0 [sflag:s6], $0x1  }
0xae: {  	[sflag:s6] =	ssyncadd.s32 @p0 $0xFFFFFFFF  }
0xaf: {  	s7 =	sshll.u32 @!p0 s1, $0xE  }
0xb0: {  	s7 =	sor.u32 @!p0 $0x4000, s7;
	s6 =	simm.s32 @!p0 $0x1B8D  }
0xb1: {  	s5 =	sshll.u32 @!p0 s5, $0x11;
	s7 =	sadd.s32 @!p0 $0x11B8D, s7;
	_ =	swait.eq @!p0 [sflag:s6], $0x1  }
0xb2: {  	s5 =	sor.u32 @!p0 s5, s7;
	[sflag:s6] =	ssyncadd.s32 @!p0 $0xFFFFFFFF  }
0xb3: {  	s25 =	simm.s32 $0x1B8E;
	s24 =	sld [smem:$0x3FFE];
	[sflag:s5] =	ssyncadd.remote.s32 @!p0 $0x1  }
0xb4: {  	s26 =	simm.s32 $execute0_lowered;
	[smem:$0x3FD2] =	sst s25  }
0xb5: {  	s6 =	sshll.u32 s26, $0x1;
	_ =	strace $0x80000049;
	[dreg:$0x1] =	wrdreg $0xFFFFFFFF  }
0xb6: {  	s28 =	simm.s32 $_size_execute0_lowered;
	s4 =	sadd.s32 s4, s6;
	[dreg:$0x0] =	wrdreg $0x0  }
0xb7: {  	s6 =	sshll.u32 s28, $0x1;
	[dreg:$0x2] =	wrdreg s4  }
0xb8: {  	[dreg:$0x3] =	wrdreg s6  }
0xb9: {  	[dreg:$0x4] =	wrdreg $0xC0  }
0xba: {  	_ =	task [dreg:s22], $0x5FFFF  }
0xbb: {  	[dreg:$0x1] =	wrdreg $0xFFFFFFFF  }
0xbc: {  	[dreg:$0x0] =	wrdreg $0x60  }
0xbd: {  	[dreg:$0x2] =	wrdreg s18  }
0xbe: {  	[dreg:$0x3] =	wrdreg s24  }
0xbf: {  	[dreg:$0x4] =	wrdreg $0x41000  }
0xc0: {  	[dreg:$0x5] =	wrdreg $0x9  }
0xc1: {  	_ =	task.clear_ibuf [dreg:s22], $0x6FFFF;
	_ =	strace $0x90000049  }
0xc2: {  	s29 =	simm.s32 $0x9;
	_ =	strace $0x8000004B  }
0xc3: {  	_ =	swait.ge [sflag:s29], $0x1  }
0xc4: {  	[sflag:s29] =	ssyncadd.s32 $0xFFFFFFFF  }
0xc5: {  	_ =	strace $0x9000004B  }
0xc6: {  	_ =	sfence  }
0xc7: {  	s30 =	sld [smem:$0x0];
	_ =	sdelay $0x2  }
0xc8: {  	s31 =	sshll.u32 s1, $0xD;
	s1 =	sshrl.u32 s1, $0x2  }
0xc9: {  	s4 =	sand.u32 $0x4000, s31;
	s1 =	sadd.s32 s1, s30  }
0xca: {  	s0 =	sor.u32 s4, s0;
	s1 =	sshll.u32 s1, $0x11  }
0xcb: {  	s0 =	sor.u32 s1, s0  }
0xcc: {  	s0 =	sadd.s32 $0x8F2B, s0  }
0xcd: {  	[sflag:s0] =	ssyncadd.remote.s32 $0x1  }
0xce: {  	_ =	sfence.sel $0xFFFF  }
0xcf: {  	[dreg:$0x0] =	wrdreg $0xFFFFFFFF;
	(pc) =	sbr.abs _section_cstart, $3  }
0xd0: {  	[dreg:$0x1] =	wrdreg $0xFFFFFFFF  }
0xd1: {  	_ =	task.clear_ibuf [dreg:s22], $0x2FFFF;
	_ =	strace $0x9FFFFFFF  }
0xd2: {  	(tm) =	ssettm $0x7FFFFFFF  }
0xd3: {  	_ =	shalt  }
tec
execute0_lowered:
.L_overlay_start_1:
0x0: {  	(tag) =	ssettag $0x1  }
0x1: {  	s1 =	rddreg [dreg:$0x0]  }
0x2: {  	s8 =	rddreg [dreg:$0x1]  }
0x3: {  	s3 =	rddreg [dreg:$0x2];
	s2 =	srdreg.scid  }
0x4: {  	s0 =	rddreg [dreg:$0x3];
	s4 =	simm.s32 $0x0;
	s14 =	simm.s32 $0x3  }
0x5: {  	s17 =	simm.s32 $0x1;
	s18 =	simm.s32 $0x2;
	s9 =	sand.u32 $0x1, s2  }
0x6: {  	s19 =	simm.s32 $0x0;
	s2 =	stileid.u32;
	s5 =	smul.u32 $0x13C000, s9  }
0x7: {  	[smem:$0x7FF] =	sst s4;
	s6 =	smul.u32 $0x13C00, s2;
	s7 =	sshll.u32 s9, $0x4  }
0x8: {  	_ =	strace $0x8000004A;
	s9 =	ssub.s32 $0x2, s9;
	s12 =	smul.u32 $0x4F000, s2  }
0x9: {  	s15 =	sshll.u32 s2, $0x6;
	s7 =	sor.u32 s2, s7;
	s13 =	sshrl.u32 s9, $0x1  }
0xa: {  	s15 =	sor.u32 $0x1C03, s15;
	s10 =	sadd.s32 s6, s5;
	s5 =	smul.u32 $0x2C00, s7  }
0xb: {  	s6 =	sadd.s32 $0x6C000, s8;
	s7 =	sadd.s32 $0x1A800, s8;
	s31 =	ssub.s32 s9, s13  }
0xc: {  	s12 =	sshrl.u32 s12, $0x2;
	s13 =	simm.s32 $0x100;
	s10 =	sshrl.u32 s10, $0x3  }
0xd: {  	s16 =	sadd.s32 s12, s3;
	s12 =	simm.s32 $0x80;
	s11 =	sshrl.u32 s5, $0x3  }
0xe: {  	s10 =	sadd.s32 s10, s8;
	s16 =	sshrl.u32 s16, $0x3;
	s8 =	sadd.s32 s1, s11  }
0xf: {  	s10 =	sadd.s32 $0x6C800, s10;
	s11 =	smax.u32 s31, $0x1;
	s9 =	sadd.s32 $0x10, s8  }
.LBB2_1:
0x10: {  	[tilespmem:s4], [sflag:$0x1] =	stream.linear.gather [hbm4b:s8+s4], $0x80, $0x38;
	[tilespmem:$0x17D00] =	vst v63  }
0x11: {  	_ = 	snop  }
0x12: {  	[tilespmem:s12], [sflag:$0x2] =	stream.linear.gather [hbm4b:s9+s4], $0x80, $0x38;
	[tilespmem:$0x17D00] =	vst v63  }
0x13: {  	_ = 	snop  }
0x14: {  	[tilespmem:s13], [sflag:$0x3] =	stream.linear.gather [hbm4b:s6+s4], $0x4000, $0x38;
	[tilespmem:$0x17D00] =	vst v63  }
0x15: {  	_ =	swait.ge [sflag:s14], $0x4000  }
0x16: {  	[sflag:s14] =	ssyncset.done $0x0  }
0x17: {  	[sflag:s14] =	ssyncadd.s32 $0xFFFFC000  }
0x18: {  	[spmem:s16], [sflag:s15] =	dma.local [hbm:s7], $0x2780  }
0x19: {  	_ =	swait.ge [sflag:s14], $0x2780  }
0x1a: {  	[sflag:s14] =	ssyncset.done $0x0  }
0x1b: {  	[sflag:s14] =	ssyncadd.s32 $0xFFFFD880  }
0x1c: {  	[bflag:$0x0] =	sbarrier.arrive $0xFFFF  }
0x1d: {  	s20 =	simm.s32 $0x100;
	_ =	swait.ge [sflag:s17], $0x80  }
0x1e: {  	s21 =	sand.u32 $0x7C00, s20;
	[sflag:s17] =	ssyncset.done $0x0  }
0x1f: {  	s20 =	sand.u32 $0x300, s20;
	s21 =	sadd.s32 s5, s21;
	[sflag:s17] =	ssyncadd.s32 $0xFFFFFF80  }
0x20: {  	[spmem:s3] =	stream.indirect.scatter.add.f32 [tilespmem:s13], [sflag:$0x3], $0x80, s4, s12, $0xb8;
	[tilespmem:$0x17D00] =	vst v63  }
0x21: {  	s20 =	sor.u32 s20, s21;
	_ =	swait.ge [sflag:s14], $0x4000  }
0x22: {  	s20 =	sshrl.u32 s20, $0x3;
	[sflag:s14] =	ssyncset.done $0x0  }
0x23: {  	s20 =	sadd.s32 s1, s20;
	[sflag:s14] =	ssyncadd.s32 $0xFFFFC000  }
0x24: {  	[tilespmem:s4], [sflag:$0x1] =	stream.linear.gather [hbm4b:s20+s4], $0x80, $0x38;
	[tilespmem:$0x17D00] =	vst v63  }
0x25: {  	s30 =	simm.s32 $0x180;
	_ =	swait.ge [sflag:s18], $0x80  }
0x26: {  	s31 =	sand.u32 $0x7C00, s30;
	[sflag:s18] =	ssyncset.done $0x0  }
0x27: {  	s21 =	sadd.s32 s5, s31;
	s20 =	sand.u32 $0x380, s30;
	[sflag:s18] =	ssyncadd.s32 $0xFFFFFF80  }
0x28: {  	[spmem:s3] =	stream.indirect.scatter.add.f32 [tilespmem:s13], [sflag:$0x3], $0x80, s12, s12, $0xb8;
	[tilespmem:$0x17D00] =	vst v63  }
0x29: {  	s21 =	sor.u32 s20, s21;
	_ =	swait.ge [sflag:s14], $0x4000  }
0x2a: {  	s20 =	simm.s32 $0x280;
	s21 =	sshrl.u32 s21, $0x3;
	[sflag:s14] =	ssyncset.done $0x0  }
.LBB2_2:
0x2b: {  	p0 =	sne.s32 s20, $0x2880  }
0x2c: {  	[sflag:s14] =	ssyncadd.s32 $0xFFFFC000;
	s21 =	sadd.s32 s1, s21;
	s22 =	smov.u32 s20  }
0x2d: {  	[tilespmem:s12], [sflag:$0x2] =	stream.linear.gather [hbm4b:s21+s4], $0x80, $0x38;
	[tilespmem:$0x17D00] =	vst v63  }
0x2e: {  	s20 =	sadd.s32 $0x100, s20;
	s21 =	sadd.s32 $0xFFFFFF80, s22;
	_ =	swait.ge [sflag:s17], $0x80  }
0x2f: {  	s23 =	sand.u32 $0x7C00, s21;
	s21 =	sand.u32 $0x300, s21;
	[sflag:s17] =	ssyncset.done $0x0  }
0x30: {  	s23 =	sadd.s32 s5, s23;
	[sflag:s17] =	ssyncadd.s32 $0xFFFFFF80  }
0x31: {  	[spmem:s3] =	stream.indirect.scatter.add.f32 [tilespmem:s13], [sflag:$0x3], $0x80, s4, s12, $0xb8;
	[tilespmem:$0x17D00] =	vst v63  }
0x32: {  	s21 =	sor.u32 s21, s23;
	_ =	swait.ge [sflag:s14], $0x4000  }
0x33: {  	s21 =	sshrl.u32 s21, $0x3;
	[sflag:s14] =	ssyncset.done $0x0  }
0x34: {  	s21 =	sadd.s32 s1, s21;
	[sflag:s14] =	ssyncadd.s32 $0xFFFFC000  }
0x35: {  	[tilespmem:s4], [sflag:$0x1] =	stream.linear.gather [hbm4b:s21+s4], $0x80, $0x38;
	[tilespmem:$0x17D00] =	vst v63  }
0x36: {  	_ =	swait.ge [sflag:s18], $0x80  }
.Ltmp0:
0x37: {  	s21 =	sand.u32 $0x7C00, s22;
	[sflag:s18] =	ssyncset.done $0x0;
	(pc) =	sbr.rel @p0 .LBB2_2-.Ltmp0, $4  }
0x38: {  	s22 =	sand.u32 $0x380, s22;
	s21 =	sadd.s32 s5, s21;
	[sflag:s18] =	ssyncadd.s32 $0xFFFFFF80  }
0x39: {  	[spmem:s3] =	stream.indirect.scatter.add.f32 [tilespmem:s13], [sflag:$0x3], $0x80, s12, s12, $0xb8;
	[tilespmem:$0x17D00] =	vst v63  }
0x3a: {  	s21 =	sor.u32 s22, s21;
	_ =	swait.ge [sflag:s14], $0x4000  }
0x3b: {  	s21 =	sshrl.u32 s21, $0x3;
	[sflag:s14] =	ssyncset.done $0x0  }
0x3c: {  	[sflag:s14] =	ssyncadd.s32 $0xFFFFC000;
	s20 =	sadd.s32 s1, s21  }
0x3d: {  	[tilespmem:s12], [sflag:$0x2] =	stream.linear.gather [hbm4b:s20+s4], $0x80, $0x38;
	[tilespmem:$0x17D00] =	vst v63  }
0x3e: {  	_ =	swait.ge [sflag:s17], $0x80  }
0x3f: {  	[sflag:s17] =	ssyncset.done $0x0  }
0x40: {  	[sflag:s17] =	ssyncadd.s32 $0xFFFFFF80  }
0x41: {  	_ =	swait.ge [sflag:s18], $0x80  }
0x42: {  	s19 =	sadd.s32 $0x1, s19;
	[sflag:s18] =	ssyncset.done $0x0  }
0x43: {  	p0 =	sne.s32 s19, s11;
	[sflag:s18] =	ssyncadd.s32 $0xFFFFFF80  }
.Ltmp1:
0x44: {  	[bflag:$0x0] =	sbarrier.arrive $0xFFFF;
	(pc) =	sbr.rel @p0 .LBB2_1-.Ltmp1, $4  }
0x45: {  	[hbm:s10], [sflag:s15] =	dma.local [spmem:s16], $0x2780  }
0x46: {  	_ =	swait.ge [sflag:s14], $0x2780  }
0x47: {  	[sflag:s14] =	ssyncset.done $0x0  }
0x48: {  	[sflag:s14] =	ssyncadd.s32 $0xFFFFD880  }
0x49: {  	_ =	sfence.sel $0x180000  }
0x4a: {  	[bflag:$0x0] =	sbarrier.arrive $0xFFFF  }
0x4b: {  	p0 =	sne.s32 s2, $0x0;
	_ =	strace $0x9000004A  }
0x4c: {  	s0 =	sadd.s32 @!p0 $0x100000, s0;
	[bflag:$0x2] =	sbarrier.arrive $0xFFFF  }
0x4d: {  	[sflag:s0] =	ssyncadd.tile.s32 @!p0 $0x1;
	_ =	shalt  }
.Lfunc_end2:
_tile_overlayer_lowered:
.L_overlay_start_2:
0x4e: {  	(tag) =	ssettag $0x2  }
0x4f: {  	s0 =	rddreg [dreg:$0x0];
	s2 =	stileid.u32  }
0x50: {  	s1 =	rddreg [dreg:$0x1];
	p0 =	sne.s32 s2, $0x0  }
0x51: {  	s3 =	rddreg [dreg:$0x2];
	[bflag:$0x3] =	sbarrier.arrive $0xFFFF;
	s2 =	simm.s32 @!p0 $0x1C03  }
0x52: {  	[timem:s3], [sflag:s2] =	dma.local @!p0 [hbm:s0], s1  }
0x53: {  	s0 =	simm.s32 @!p0 $0x3  }
0x54: {  	_ =	swait.ge @!p0 [sflag:s0], s1  }
0x55: {  	s1 =	ssub.s32 @!p0 $0x0, s1;
	[sflag:s0] =	ssyncset.done @!p0 $0x0  }
0x56: {  	[sflag:s0] =	ssyncadd.s32 @!p0 s1  }
0x57: {  	[bflag:$0x3] =	sbarrier.arrive $0xFFFF  }
0x58: {  	_ =	shalt  }

// kernel: kernel.16.cloned.1.call-start
scs
__scs_entry_jumppad:
0x0: {  	(pc) =	sbr.rel $0x88, $3  }
0x1: {  	(tag) =	ssettag $0x0;
	lr =	simm.s32 $0x1  }
0x2: {  	[smem:$0x3F88] =	sst lr;
	_ =	strace $0xD0000000  }
0x3: {  	_ = 	snop  }
0x4: {  	_ = 	snop  }
0x5: {  	_ = 	snop  }
0x6: {  	_ = 	snop  }
0x7: {  	_ = 	snop  }
__scs_overlays_trampoline_lowered:
0x8: {  	[smem:$0x3F97] =	sst s0  }
0x9: {  	[smem:$0x3F98] =	sst s1  }
0xa: {  	[smem:$0x3F99] =	sst s2  }
0xb: {  	[smem:$0x3F9A] =	sst s3  }
0xc: {  	[smem:$0x3F9B] =	sst s4  }
0xd: {  	[smem:$0x3F9C] =	sst s5  }
0xe: {  	[smem:$0x3F9D] =	sst s6  }
0xf: {  	[smem:$0x3F9E] =	sst s7  }
0x10: {  	[smem:$0x3F9F] =	sst s8  }
0x11: {  	[smem:$0x3FA0] =	sst s9;
	s0 =	simm.s32 @!p0 $0x0  }
0x12: {  	s1 =	sld [smem:$0x3F86];
	s0 =	simm.s32 @p0 $0x1  }
0x13: {  	[smem:$0x3FA1] =	sst s0;
	s0 =	simm.s32 @!p1 $0x0  }
0x14: {  	s2 =	sld [smem:$0x3F85];
	s0 =	simm.s32 @p1 $0x1  }
0x15: {  	[smem:$0x3FA2] =	sst s0;
	s0 =	simm.s32 @!p2 $0x0  }
0x16: {  	s3 =	sld [smem:$0x3FDB];
	s0 =	simm.s32 @p2 $0x1  }
0x17: {  	s4 =	simm.s32 $0x1BF5;
	[smem:$0x3FA4] =	sst s0  }
0x18: {  	s0 =	sld [smem:$0x3F87];
	_ =	swait.ge [sflag:s4], $0x0  }
0x19: {  	s7 =	sld [smem:$0x3F88]  }
0x1a: {  	s8 =	sadd.s32 $0xFFFFE003, lr  }
0x1b: {  	s9 =	sadd.s32 $0xFFFFFEF7, lr;
	s5 =	simm.s32 $0xFFFFFFFF;
	p2 =	slt.u32 s8, $0xFFFFF086  }
0x1c: {  	p1 =	slt.u32 s9, $0xF7A;
	s5 =	simm.s32 @!p2 $0x0  }
0x1d: {  	s5 =	simm.s32 @p1 $0x1;
	p0 =	seq.s32 s7, s2  }
0x1e: {  	s7 =	smul.u32 @!p0 $0xF7A, s2;
	p2 =	seq.s32 @!p0 s5, $0x0  }
0x1f: {  	s9 =	smul.u32 $0xF7A, s1;
	s8 =	simm.s32 @!p0 $0x1BF5;
	p2 =	por !p2, p0  }
0x20: {  	[sflag:s8] =	ssyncset.s32 @!p0 $0xFFFFF086;
	s6 =	sadd.s32 @!p0 s3, s7;
	s7 =	simm.s32 @!p0 $0x108  }
0x21: {  	s3 =	sadd.s32 s3, s9;
	s6 =	sadd.s32 @!p0 $0x88, s6;
	s7 =	simm.s32 @p2 $0x1082  }
0x22: {  	[simem:s7], [sflag:s8] =	dma.local @!p0 [hbm:s6], $0xF7A  }
0x23: {  	s9 =	sor.u32 $0xD0000000, s2;
	s6 =	simm.s32 $0x108;
	_ =	swait.ge @!p0 [sflag:s8], $0x0  }
0x24: {  	s3 =	sadd.s32 $0x88, s3;
	s6 =	simm.s32 @!p1 $0x1082;
	[sflag:s4] =	ssyncset.s32 $0xFFFFF086  }
0x25: {  	[simem:s6], [sflag:s4] =	dma.local [hbm:s3], $0xF7A  }
0x26: {  	[smem:$0x3F88] =	sst s1;
	(tag) =	ssettag s2;
	_ =	strace s9  }
0x27: {  	s1 =	sld [smem:$0x3F98]  }
0x28: {  	s2 =	sld [smem:$0x3F99]  }
0x29: {  	s4 =	sld [smem:$0x3F9B]  }
0x2a: {  	p0 =	seq.s32 s5, $0x0;
	s5 =	sld [smem:$0x3F9C]  }
0x2b: {  	s6 =	sld [smem:$0x3F9D]  }
0x2c: {  	s7 =	sld [smem:$0x3F9E]  }
0x2d: {  	s3 =	simm.s32 $0x108;
	s8 =	sld [smem:$0x3F9F]  }
0x2e: {  	s3 =	simm.s32 @!p0 $0x1082;
	s9 =	sld [smem:$0x3FA0]  }
0x2f: {  	lr =	sadd.s32 s0, s3;
	s0 =	sld [smem:$0x3F97]  }
0x30: {  	s3 =	sld [smem:$0x3F9A]  }
0x31: {  	[smem:$0x3FA3] =	sst s10  }
0x32: {  	s10 =	sld [smem:$0x3FA1];
	_ =	sdelay $0x3  }
0x33: {  	p0 =	seq.s32 s10, $0x1;
	s10 =	sld [smem:$0x3FA3];
	_ =	sdelay $0x3  }
0x34: {  	[smem:$0x3FA3] =	sst s10  }
0x35: {  	s10 =	sld [smem:$0x3FA2];
	_ =	sdelay $0x3  }
0x36: {  	p1 =	seq.s32 s10, $0x1;
	s10 =	sld [smem:$0x3FA3];
	_ =	sdelay $0x3  }
0x37: {  	[smem:$0x3FA3] =	sst s10  }
0x38: {  	s10 =	sld [smem:$0x3FA4]  }
0x39: {  	_ = 	snop;
	(pc) =	sbr.ind lr, $3  }
0x3a: {  	_ = 	snop  }
0x3b: {  	_ = 	snop  }
0x3c: {  	p2 =	seq.s32 s10, $0x1;
	s10 =	sld [smem:$0x3FA3]  }
0x3d: {  	_ =	shalt  }
0x3e: {  	_ =	shalt  }
0x3f: {  	_ =	shalt  }
0x40: {  	_ =	shalt  }
0x41: {  	_ =	shalt  }
0x42: {  	_ =	shalt  }
0x43: {  	_ =	shalt  }
0x44: {  	_ =	shalt  }
0x45: {  	_ =	shalt  }
0x46: {  	_ =	shalt  }
0x47: {  	_ =	shalt  }
0x48: {  	_ =	shalt  }
0x49: {  	_ =	shalt  }
0x4a: {  	_ =	shalt  }
0x4b: {  	_ =	shalt  }
0x4c: {  	_ =	shalt  }
0x4d: {  	_ =	shalt  }
0x4e: {  	_ =	shalt  }
0x4f: {  	_ =	shalt  }
0x50: {  	_ =	shalt  }
0x51: {  	_ =	shalt  }
0x52: {  	_ =	shalt  }
0x53: {  	_ =	shalt  }
0x54: {  	_ =	shalt  }
0x55: {  	_ =	shalt  }
0x56: {  	_ =	shalt  }
0x57: {  	_ =	shalt  }
0x58: {  	_ =	shalt  }
0x59: {  	_ =	shalt  }
0x5a: {  	_ =	shalt  }
0x5b: {  	_ =	shalt  }
0x5c: {  	_ =	shalt  }
0x5d: {  	_ =	shalt  }
0x5e: {  	_ =	shalt  }
0x5f: {  	_ =	shalt  }
0x60: {  	_ =	shalt  }
0x61: {  	_ =	shalt  }
0x62: {  	_ =	shalt  }
0x63: {  	_ =	shalt  }
0x64: {  	_ =	shalt  }
0x65: {  	_ =	shalt  }
0x66: {  	_ =	shalt  }
0x67: {  	_ =	shalt  }
0x68: {  	_ =	shalt  }
0x69: {  	_ =	shalt  }
0x6a: {  	_ =	shalt  }
0x6b: {  	_ =	shalt  }
0x6c: {  	_ =	shalt  }
0x6d: {  	_ =	shalt  }
0x6e: {  	_ =	shalt  }
0x6f: {  	_ =	shalt  }
0x70: {  	_ =	shalt  }
0x71: {  	_ =	shalt  }
0x72: {  	_ =	shalt  }
0x73: {  	_ =	shalt  }
0x74: {  	_ =	shalt  }
0x75: {  	_ =	shalt  }
0x76: {  	_ =	shalt  }
0x77: {  	_ =	shalt  }
0x78: {  	_ =	shalt  }
0x79: {  	_ =	shalt  }
0x7a: {  	_ =	shalt  }
0x7b: {  	_ =	shalt  }
0x7c: {  	_ =	shalt  }
0x7d: {  	_ =	shalt  }
0x7e: {  	_ =	shalt  }
0x7f: {  	_ =	shalt  }
0x80: {  	_ =	shalt  }
0x81: {  	_ =	shalt  }
0x82: {  	_ =	shalt  }
0x83: {  	_ =	shalt  }
0x84: {  	_ =	shalt  }
0x85: {  	_ =	shalt  }
0x86: {  	_ =	shalt  }
0x87: {  	_ =	shalt  }
.Lfunc_end0:
.L_simem_size_0:
called_computation.1_lowered:
.L_overlay_start_0:
0x88: {  	s2 =	sld [smem:$0x3FD9]  }
0x89: {  	s3 =	sld [smem:$0x3FFE];
	_ =	sdelay $0x1  }
0x8a: {  	s1 =	srdreg.scid  }
0x8b: {  	s0 =	sand.u32 $0x1, s1  }
0x8c: {  	s17 =	sshll.u32 s0, $0xA;
	s2 =	sadd.s32 s3, s2  }
0x8d: {  	s2 =	sadd.s32 s2, s17  }
0x8e: {  	[smem:$0x3FAF] =	sst s2  }
0x8f: {  	_ = 	snop  }
0x90: {  	s2 =	sld [smem:$0x3FC9];
	(tm) =	ssettm $0x1  }
0x91: {  	s18 =	sld [smem:$0x3FFB];
	_ =	sdelay $0x3  }
0x92: {  	_ =	strace s18  }
0x93: {  	s3 =	sld [smem:$0x3FFC];
	_ =	sdelay $0x3  }
0x94: {  	_ =	strace s3  }
0x95: {  	s3 =	sld [smem:$0x3FFD];
	_ =	sdelay $0x3  }
0x96: {  	_ =	strace s3  }
0x97: {  	_ =	strace $0x8FFFFFFF  }
0x98: {  	s19 =	sld [smem:$0x3FDB];
	_ =	sdelay $0x1  }
0x99: {  	s4 =	simm.s32 $_scs_section_size  }
0x9a: {  	s5 =	simm.s32 $_size__tile_overlayer_lowered;
	s6 =	simm.s32 $_tile_overlayer_lowered  }
0x9b: {  	s22 =	simm.s32 $0x1BFF;
	s21 =	sshll.u32 s6, $0x1;
	s3 =	sadd.s32 s4, s19  }
0x9c: {  	s7 =	simm.s32 $0x0;
	s20 =	sshll.u32 s5, $0x1;
	s5 =	sadd.s32 s21, s3  }
0x9d: {  	[timem:s7], [sflag:s22] =	dma.local [hbm:s5], s20  }
0x9e: {  	_ =	swait.ge [sflag:s22], s20  }
0x9f: {  	s4 =	ssub.s32 $0x0, s20;
	[sflag:s22] =	ssyncset.done $0x0  }
0xa0: {  	[sflag:s22] =	ssyncadd.s32 s4;
	_ =	sdelay $0x1  }
0xa1: {  	s23 =	simm.s32 $0x1B8B  }
0xa2: {  	_ =	swait.ge [sflag:s23], $0x1  }
0xa3: {  	[sflag:s23] =	ssyncset.done $0x0  }
0xa4: {  	s25 =	simm.s32 $0x1B8E;
	s24 =	sld [smem:$0x3FFE];
	[sflag:s23] =	ssyncadd.s32 $0xFFFFFFFF  }
0xa5: {  	s26 =	simm.s32 $execute0_lowered;
	[smem:$0x3FD2] =	sst s25  }
0xa6: {  	s5 =	sshll.u32 s26, $0x1;
	_ =	strace $0x80000046;
	[dreg:$0x1] =	wrdreg $0xFFFFFFFF  }
0xa7: {  	s28 =	simm.s32 $_size_execute0_lowered;
	s3 =	sadd.s32 s3, s5;
	[dreg:$0x0] =	wrdreg $0x0  }
0xa8: {  	s5 =	sshll.u32 s28, $0x1;
	[dreg:$0x2] =	wrdreg s3  }
0xa9: {  	[dreg:$0x3] =	wrdreg s5  }
0xaa: {  	[dreg:$0x4] =	wrdreg $0xC0  }
0xab: {  	_ =	task [dreg:s7], $0x5FFFF  }
0xac: {  	[dreg:$0x1] =	wrdreg $0xFFFFFFFF  }
0xad: {  	[dreg:$0x0] =	wrdreg $0x60  }
0xae: {  	[dreg:$0x2] =	wrdreg s2  }
0xaf: {  	[dreg:$0x3] =	wrdreg s24  }
0xb0: {  	[dreg:$0x4] =	wrdreg $0x82000  }
0xb1: {  	[dreg:$0x5] =	wrdreg $0xA  }
0xb2: {  	_ =	task.clear_ibuf [dreg:s7], $0x6FFFF;
	_ =	strace $0x90000046  }
0xb3: {  	s29 =	simm.s32 $0xA;
	_ =	strace $0x80000048  }
0xb4: {  	_ =	swait.ge [sflag:s29], $0x1  }
0xb5: {  	[sflag:s29] =	ssyncadd.s32 $0xFFFFFFFF  }
0xb6: {  	_ =	strace $0x90000048  }
0xb7: {  	_ =	sfence  }
0xb8: {  	s30 =	sld [smem:$0x0];
	_ =	sdelay $0x2  }
0xb9: {  	s31 =	sshll.u32 s1, $0xD;
	s1 =	sshrl.u32 s1, $0x2  }
0xba: {  	s3 =	sand.u32 $0x4000, s31;
	s1 =	sadd.s32 s1, s30  }
0xbb: {  	s0 =	sor.u32 s3, s0;
	s1 =	sshll.u32 s1, $0x11  }
0xbc: {  	s0 =	sor.u32 s1, s0  }
0xbd: {  	s0 =	sadd.s32 $0x8F2B, s0  }
0xbe: {  	[sflag:s0] =	ssyncadd.remote.s32 $0x1  }
0xbf: {  	_ =	sfence.sel $0xFFFF  }
0xc0: {  	[dreg:$0x0] =	wrdreg $0xFFFFFFFF;
	(pc) =	sbr.abs _section_cstart, $3  }
0xc1: {  	[dreg:$0x1] =	wrdreg $0xFFFFFFFF  }
0xc2: {  	_ =	task.clear_ibuf [dreg:s7], $0x2FFFF;
	_ =	strace $0x9FFFFFFF  }
0xc3: {  	(tm) =	ssettm $0x7FFFFFFF  }
tec
execute0_lowered:
.L_overlay_start_1:
0x0: {  	(tag) =	ssettag $0x1  }
0x1: {  	s1 =	rddreg [dreg:$0x0]  }
0x2: {  	s7 =	rddreg [dreg:$0x1]  }
0x3: {  	s2 =	rddreg [dreg:$0x2];
	s3 =	srdreg.scid  }
0x4: {  	s0 =	rddreg [dreg:$0x3];
	s4 =	simm.s32 $0x0;
	s17 =	simm.s32 $0x1  }
0x5: {  	s18 =	simm.s32 $0x80;
	s19 =	simm.s32 $0x200;
	s8 =	sand.u32 $0x1, s3  }
0x6: {  	s20 =	simm.s32 $0x3;
	s3 =	stileid.u32;
	s9 =	smul.u32 $0x13C000, s8  }
0x7: {  	s21 =	simm.s32 $0x2;
	s22 =	simm.s32 $0x4200;
	s10 =	smul.u32 $0x13C00, s3  }
0x8: {  	s23 =	simm.s32 $0x4;
	s24 =	simm.s32 $0x180;
	s25 =	smul.u32 $0x4F000, s3  }
0x9: {  	[smem:$0x7FF] =	sst s4;
	s5 =	sshll.u32 s8, $0x4;
	s13 =	smul.u32 $0x52000, s8  }
0xa: {  	_ =	strace $0x80000047;
	s12 =	ssub.s32 $0x2, s8;
	s14 =	smul.u32 $0x5200, s3  }
0xb: {  	s29 =	sshll.u32 s3, $0x6;
	s6 =	sor.u32 s3, s5;
	s5 =	sadd.s32 $0x6000, s7  }
0xc: {  	s26 =	sshrl.u32 s12, $0x1;
	s11 =	smul.u32 $0x5200, s6;
	s6 =	sadd.s32 $0x1A800, s7  }
0xd: {  	s9 =	sadd.s32 s10, s9;
	s12 =	ssub.s32 s12, s26;
	s28 =	sshrl.u32 s25, $0x2  }
0xe: {  	s13 =	sadd.s32 s14, s13;
	s14 =	simm.s32 $0x100;
	s25 =	simm.s32 $0x0  }
0xf: {  	s9 =	sshrl.u32 s9, $0x3;
	s16 =	sadd.s32 s28, s2;
	s30 =	sadd.s32 $0x300, s13  }
0x10: {  	s13 =	sadd.s32 $0x200, s13;
	s11 =	sshrl.u32 s11, $0x3;
	s15 =	sadd.s32 s9, s7  }
0x11: {  	s9 =	sor.u32 $0x1C05, s29;
	s31 =	sshrl.u32 s30, $0x3;
	s7 =	sadd.s32 s5, s11  }
0x12: {  	s10 =	sadd.s32 $0x1D000, s15;
	s11 =	smax.u32 s12, $0x1;
	s12 =	sadd.s32 s31, s5  }
0x13: {  	s15 =	sshrl.u32 s16, $0x3;
	s16 =	simm.s32 $0x5;
	s8 =	sadd.s32 $0x20, s7  }
.LBB2_1:
0x14: {  	[tilespmem:s4], [sflag:$0x1] =	stream.linear.gather [hbm4b:s7+s4], $0x100, $0x38;
	[tilespmem:$0x1BE00] =	vst v63  }
0x15: {  	_ = 	snop  }
0x16: {  	[tilespmem:s14], [sflag:$0x2] =	stream.linear.gather [hbm4b:s8+s4], $0x100, $0x38;
	[tilespmem:$0x1BE00] =	vst v63  }
0x17: {  	[spmem:s15], [sflag:s9] =	dma.local [hbm:s6], $0x2780  }
0x18: {  	_ =	swait.ge [sflag:s16], $0x2780  }
0x19: {  	[sflag:s16] =	ssyncset.done $0x0  }
0x1a: {  	[sflag:s16] =	ssyncadd.s32 $0xFFFFD880  }
0x1b: {  	[bflag:$0x0] =	sbarrier.arrive $0xFFFF  }
0x1c: {  	_ =	swait.ge [sflag:s17], $0x100  }
0x1d: {  	[sflag:s17] =	ssyncset.done $0x0  }
0x1e: {  	[sflag:s17] =	ssyncadd.s32 $0xFFFFFF00  }
0x1f: {  	[tilespmem:s19], [sflag:$0x3] =	stream.indirect.gather [hbm4b:s1+s18], $0x80, s4, s18, $0xb8;
	[tilespmem:$0x1BE00] =	vst v63  }
0x20: {  	_ =	swait.ge [sflag:s20], $0x4000  }
0x21: {  	[sflag:s20] =	ssyncset.done $0x0  }
0x22: {  	[sflag:s20] =	ssyncadd.s32 $0xFFFFC000  }
0x23: {  	_ =	swait.ge [sflag:s21], $0x100  }
0x24: {  	[sflag:s21] =	ssyncset.done $0x0  }
0x25: {  	[sflag:s21] =	ssyncadd.s32 $0xFFFFFF00  }
0x26: {  	[tilespmem:s22], [sflag:$0x4] =	stream.indirect.gather [hbm4b:s1+s18], $0x80, s14, s18, $0xb8;
	[tilespmem:$0x1BE00] =	vst v63  }
0x27: {  	_ = 	snop  }
0x28: {  	[spmem:s2] =	stream.indirect.scatter.add.f32 [tilespmem:s19], [sflag:$0x5], $0x80, s18, s18, $0xb8;
	[tilespmem:$0x1BE00] =	vst v63  }
0x29: {  	_ =	swait.ge [sflag:s16], $0x4000  }
0x2a: {  	s26 =	sshrl.u32 s13, $0x3;
	[sflag:s16] =	ssyncset.done $0x0  }
0x2b: {  	s26 =	sadd.s32 s5, s26;
	[sflag:s16] =	ssyncadd.s32 $0xFFFFC000  }
0x2c: {  	[tilespmem:s4], [sflag:$0x1] =	stream.linear.gather [hbm4b:s26+s4], $0x100, $0x38;
	[tilespmem:$0x1BE00] =	vst v63  }
0x2d: {  	_ =	swait.ge [sflag:s23], $0x4000  }
0x2e: {  	[sflag:s23] =	ssyncset.done $0x0  }
0x2f: {  	[sflag:s23] =	ssyncadd.s32 $0xFFFFC000  }
0x30: {  	_ =	swait.ge [sflag:s17], $0x100  }
0x31: {  	[sflag:s17] =	ssyncset.done $0x0  }
0x32: {  	[sflag:s17] =	ssyncadd.s32 $0xFFFFFF00  }
0x33: {  	[tilespmem:s19], [sflag:$0x3] =	stream.indirect.gather [hbm4b:s1+s18], $0x80, s4, s18, $0xb8;
	[tilespmem:$0x1BE00] =	vst v63  }
0x34: {  	_ = 	snop  }
0x35: {  	[spmem:s2] =	stream.indirect.scatter.add.f32 [tilespmem:s22], [sflag:$0x5], $0x80, s24, s18, $0xb8;
	[tilespmem:$0x1BE00] =	vst v63  }
0x36: {  	_ =	swait.ge [sflag:s16], $0x4000  }
0x37: {  	s29 =	sadd.s32 $0x0, s12;
	[sflag:s16] =	ssyncset.done $0x0  }
0x38: {  	s28 =	sadd.s32 $0x200, s13;
	s26 =	simm.s32 $0x40;
	[sflag:s16] =	ssyncadd.s32 $0xFFFFC000  }
.LBB2_2:
0x39: {  	[tilespmem:s14], [sflag:$0x2] =	stream.linear.gather [hbm4b:s29+s4], $0x100, $0x38;
	[tilespmem:$0x1BE00] =	vst v63  }
0x3a: {  	s29 =	smov.u32 s26  }
0x3b: {  	p0 =	sne.s32 s26, $0x9C0;
	s26 =	sadd.s32 $0x40, s26;
	_ =	swait.ge [sflag:s20], $0x4000  }
0x3c: {  	[sflag:s20] =	ssyncset.done $0x0  }
0x3d: {  	[sflag:s20] =	ssyncadd.s32 $0xFFFFC000  }
0x3e: {  	_ =	swait.ge [sflag:s21], $0x100  }
0x3f: {  	[sflag:s21] =	ssyncset.done $0x0  }
0x40: {  	[sflag:s21] =	ssyncadd.s32 $0xFFFFFF00  }
0x41: {  	[tilespmem:s22], [sflag:$0x4] =	stream.indirect.gather [hbm4b:s1+s18], $0x80, s14, s18, $0xb8;
	[tilespmem:$0x1BE00] =	vst v63  }
0x42: {  	_ = 	snop  }
0x43: {  	[spmem:s2] =	stream.indirect.scatter.add.f32 [tilespmem:s19], [sflag:$0x5], $0x80, s18, s18, $0xb8;
	[tilespmem:$0x1BE00] =	vst v63  }
0x44: {  	_ =	swait.ge [sflag:s16], $0x4000  }
0x45: {  	s30 =	sshrl.u32 s28, $0x3;
	[sflag:s16] =	ssyncset.done $0x0  }
0x46: {  	s30 =	sadd.s32 s5, s30;
	[sflag:s16] =	ssyncadd.s32 $0xFFFFC000  }
0x47: {  	[tilespmem:s4], [sflag:$0x1] =	stream.linear.gather [hbm4b:s30+s4], $0x100, $0x38;
	[tilespmem:$0x1BE00] =	vst v63  }
0x48: {  	_ =	swait.ge [sflag:s23], $0x4000  }
0x49: {  	[sflag:s23] =	ssyncset.done $0x0  }
0x4a: {  	[sflag:s23] =	ssyncadd.s32 $0xFFFFC000  }
0x4b: {  	_ =	swait.ge [sflag:s17], $0x100  }
0x4c: {  	[sflag:s17] =	ssyncset.done $0x0  }
0x4d: {  	[sflag:s17] =	ssyncadd.s32 $0xFFFFFF00  }
0x4e: {  	[tilespmem:s19], [sflag:$0x3] =	stream.indirect.gather [hbm4b:s1+s18], $0x80, s4, s18, $0xb8;
	[tilespmem:$0x1BE00] =	vst v63  }
.Ltmp0:
0x4f: {  	(pc) =	sbr.rel @p0 .LBB2_2-.Ltmp0, $4  }
0x50: {  	[spmem:s2] =	stream.indirect.scatter.add.f32 [tilespmem:s22], [sflag:$0x5], $0x80, s24, s18, $0xb8;
	[tilespmem:$0x1BE00] =	vst v63  }
0x51: {  	_ =	swait.ge [sflag:s16], $0x4000  }
0x52: {  	[sflag:s16] =	ssyncset.done $0x0  }
0x53: {  	s28 =	sadd.s32 $0x200, s28;
	s29 =	sadd.s32 s29, s12;
	[sflag:s16] =	ssyncadd.s32 $0xFFFFC000  }
0x54: {  	[tilespmem:s14], [sflag:$0x2] =	stream.linear.gather [hbm4b:s29+s4], $0x100, $0x38;
	[tilespmem:$0x1BE00] =	vst v63  }
0x55: {  	_ =	swait.ge [sflag:s20], $0x4000  }
0x56: {  	[sflag:s20] =	ssyncset.done $0x0  }
0x57: {  	[sflag:s20] =	ssyncadd.s32 $0xFFFFC000  }
0x58: {  	_ =	swait.ge [sflag:s21], $0x100  }
0x59: {  	s25 =	sadd.s32 $0x1, s25;
	[sflag:s21] =	ssyncset.done $0x0  }
0x5a: {  	p0 =	sne.s32 s25, s11;
	[sflag:s21] =	ssyncadd.s32 $0xFFFFFF00  }
.Ltmp1:
0x5b: {  	[bflag:$0x0] =	sbarrier.arrive $0xFFFF;
	(pc) =	sbr.rel @p0 .LBB2_1-.Ltmp1, $4  }
0x5c: {  	[hbm:s10], [sflag:s9] =	dma.local [spmem:s15], $0x2780  }
0x5d: {  	_ =	swait.ge [sflag:s16], $0x2780  }
0x5e: {  	[sflag:s16] =	ssyncset.done $0x0  }
0x5f: {  	[sflag:s16] =	ssyncadd.s32 $0xFFFFD880  }
0x60: {  	_ =	sfence.sel $0x180000  }
0x61: {  	[bflag:$0x0] =	sbarrier.arrive $0xFFFF  }
0x62: {  	p0 =	sne.s32 s3, $0x0;
	_ =	strace $0x90000047  }
0x63: {  	s0 =	sadd.s32 @!p0 $0x100000, s0;
	[bflag:$0x2] =	sbarrier.arrive $0xFFFF  }
0x64: {  	[sflag:s0] =	ssyncadd.tile.s32 @!p0 $0x1;
	_ =	shalt  }
.Lfunc_end2:
_tile_overlayer_lowered:
.L_overlay_start_2:
0x65: {  	(tag) =	ssettag $0x2  }
0x66: {  	s0 =	rddreg [dreg:$0x0];
	s2 =	stileid.u32  }
0x67: {  	s1 =	rddreg [dreg:$0x1];
	p0 =	sne.s32 s2, $0x0  }
0x68: {  	s3 =	rddreg [dreg:$0x2];
	[bflag:$0x3] =	sbarrier.arrive $0xFFFF;
	s2 =	simm.s32 @!p0 $0x1C05  }
0x69: {  	[timem:s3], [sflag:s2] =	dma.local @!p0 [hbm:s0], s1  }
0x6a: {  	s0 =	simm.s32 @!p0 $0x5  }
0x6b: {  	_ =	swait.ge @!p0 [sflag:s0], s1  }
0x6c: {  	s1 =	ssub.s32 @!p0 $0x0, s1;
	[sflag:s0] =	ssyncset.done @!p0 $0x0  }
0x6d: {  	[sflag:s0] =	ssyncadd.s32 @!p0 s1  }
0x6e: {  	[bflag:$0x3] =	sbarrier.arrive $0xFFFF  }
0x6f: {  	_ =	shalt  }

// kernel: kernel.19.cloned.1.call-start
scs
__scs_entry_jumppad:
0x0: {  	(pc) =	sbr.rel $0x88, $3  }
0x1: {  	(tag) =	ssettag $0x0;
	lr =	simm.s32 $0x1  }
0x2: {  	[smem:$0x3F88] =	sst lr;
	_ =	strace $0xD0000000  }
0x3: {  	_ = 	snop  }
0x4: {  	_ = 	snop  }
0x5: {  	_ = 	snop  }
0x6: {  	_ = 	snop  }
0x7: {  	_ = 	snop  }
__scs_overlays_trampoline_lowered:
0x8: {  	[smem:$0x3F97] =	sst s0  }
0x9: {  	[smem:$0x3F98] =	sst s1  }
0xa: {  	[smem:$0x3F99] =	sst s2  }
0xb: {  	[smem:$0x3F9A] =	sst s3  }
0xc: {  	[smem:$0x3F9B] =	sst s4  }
0xd: {  	[smem:$0x3F9C] =	sst s5  }
0xe: {  	[smem:$0x3F9D] =	sst s6  }
0xf: {  	[smem:$0x3F9E] =	sst s7  }
0x10: {  	[smem:$0x3F9F] =	sst s8  }
0x11: {  	[smem:$0x3FA0] =	sst s9;
	s0 =	simm.s32 @!p0 $0x0  }
0x12: {  	s1 =	sld [smem:$0x3F86];
	s0 =	simm.s32 @p0 $0x1  }
0x13: {  	[smem:$0x3FA1] =	sst s0;
	s0 =	simm.s32 @!p1 $0x0  }
0x14: {  	s2 =	sld [smem:$0x3F85];
	s0 =	simm.s32 @p1 $0x1  }
0x15: {  	[smem:$0x3FA2] =	sst s0;
	s0 =	simm.s32 @!p2 $0x0  }
0x16: {  	s3 =	sld [smem:$0x3FDB];
	s0 =	simm.s32 @p2 $0x1  }
0x17: {  	s4 =	simm.s32 $0x1BF5;
	[smem:$0x3FA4] =	sst s0  }
0x18: {  	s0 =	sld [smem:$0x3F87];
	_ =	swait.ge [sflag:s4], $0x0  }
0x19: {  	s7 =	sld [smem:$0x3F88]  }
0x1a: {  	s8 =	sadd.s32 $0xFFFFE003, lr  }
0x1b: {  	s9 =	sadd.s32 $0xFFFFFEF7, lr;
	s5 =	simm.s32 $0xFFFFFFFF;
	p2 =	slt.u32 s8, $0xFFFFF086  }
0x1c: {  	p1 =	slt.u32 s9, $0xF7A;
	s5 =	simm.s32 @!p2 $0x0  }
0x1d: {  	s5 =	simm.s32 @p1 $0x1;
	p0 =	seq.s32 s7, s2  }
0x1e: {  	s7 =	smul.u32 @!p0 $0xF7A, s2;
	p2 =	seq.s32 @!p0 s5, $0x0  }
0x1f: {  	s9 =	smul.u32 $0xF7A, s1;
	s8 =	simm.s32 @!p0 $0x1BF5;
	p2 =	por !p2, p0  }
0x20: {  	[sflag:s8] =	ssyncset.s32 @!p0 $0xFFFFF086;
	s6 =	sadd.s32 @!p0 s3, s7;
	s7 =	simm.s32 @!p0 $0x108  }
0x21: {  	s3 =	sadd.s32 s3, s9;
	s6 =	sadd.s32 @!p0 $0x88, s6;
	s7 =	simm.s32 @p2 $0x1082  }
0x22: {  	[simem:s7], [sflag:s8] =	dma.local @!p0 [hbm:s6], $0xF7A  }
0x23: {  	s9 =	sor.u32 $0xD0000000, s2;
	s6 =	simm.s32 $0x108;
	_ =	swait.ge @!p0 [sflag:s8], $0x0  }
0x24: {  	s3 =	sadd.s32 $0x88, s3;
	s6 =	simm.s32 @!p1 $0x1082;
	[sflag:s4] =	ssyncset.s32 $0xFFFFF086  }
0x25: {  	[simem:s6], [sflag:s4] =	dma.local [hbm:s3], $0xF7A  }
0x26: {  	[smem:$0x3F88] =	sst s1;
	(tag) =	ssettag s2;
	_ =	strace s9  }
0x27: {  	s1 =	sld [smem:$0x3F98]  }
0x28: {  	s2 =	sld [smem:$0x3F99]  }
0x29: {  	s4 =	sld [smem:$0x3F9B]  }
0x2a: {  	p0 =	seq.s32 s5, $0x0;
	s5 =	sld [smem:$0x3F9C]  }
0x2b: {  	s6 =	sld [smem:$0x3F9D]  }
0x2c: {  	s7 =	sld [smem:$0x3F9E]  }
0x2d: {  	s3 =	simm.s32 $0x108;
	s8 =	sld [smem:$0x3F9F]  }
0x2e: {  	s3 =	simm.s32 @!p0 $0x1082;
	s9 =	sld [smem:$0x3FA0]  }
0x2f: {  	lr =	sadd.s32 s0, s3;
	s0 =	sld [smem:$0x3F97]  }
0x30: {  	s3 =	sld [smem:$0x3F9A]  }
0x31: {  	[smem:$0x3FA3] =	sst s10  }
0x32: {  	s10 =	sld [smem:$0x3FA1];
	_ =	sdelay $0x3  }
0x33: {  	p0 =	seq.s32 s10, $0x1;
	s10 =	sld [smem:$0x3FA3];
	_ =	sdelay $0x3  }
0x34: {  	[smem:$0x3FA3] =	sst s10  }
0x35: {  	s10 =	sld [smem:$0x3FA2];
	_ =	sdelay $0x3  }
0x36: {  	p1 =	seq.s32 s10, $0x1;
	s10 =	sld [smem:$0x3FA3];
	_ =	sdelay $0x3  }
0x37: {  	[smem:$0x3FA3] =	sst s10  }
0x38: {  	s10 =	sld [smem:$0x3FA4]  }
0x39: {  	_ = 	snop;
	(pc) =	sbr.ind lr, $3  }
0x3a: {  	_ = 	snop  }
0x3b: {  	_ = 	snop  }
0x3c: {  	p2 =	seq.s32 s10, $0x1;
	s10 =	sld [smem:$0x3FA3]  }
0x3d: {  	_ =	shalt  }
0x3e: {  	_ =	shalt  }
0x3f: {  	_ =	shalt  }
0x40: {  	_ =	shalt  }
0x41: {  	_ =	shalt  }
0x42: {  	_ =	shalt  }
0x43: {  	_ =	shalt  }
0x44: {  	_ =	shalt  }
0x45: {  	_ =	shalt  }
0x46: {  	_ =	shalt  }
0x47: {  	_ =	shalt  }
0x48: {  	_ =	shalt  }
0x49: {  	_ =	shalt  }
0x4a: {  	_ =	shalt  }
0x4b: {  	_ =	shalt  }
0x4c: {  	_ =	shalt  }
0x4d: {  	_ =	shalt  }
0x4e: {  	_ =	shalt  }
0x4f: {  	_ =	shalt  }
0x50: {  	_ =	shalt  }
0x51: {  	_ =	shalt  }
0x52: {  	_ =	shalt  }
0x53: {  	_ =	shalt  }
0x54: {  	_ =	shalt  }
0x55: {  	_ =	shalt  }
0x56: {  	_ =	shalt  }
0x57: {  	_ =	shalt  }
0x58: {  	_ =	shalt  }
0x59: {  	_ =	shalt  }
0x5a: {  	_ =	shalt  }
0x5b: {  	_ =	shalt  }
0x5c: {  	_ =	shalt  }
0x5d: {  	_ =	shalt  }
0x5e: {  	_ =	shalt  }
0x5f: {  	_ =	shalt  }
0x60: {  	_ =	shalt  }
0x61: {  	_ =	shalt  }
0x62: {  	_ =	shalt  }
0x63: {  	_ =	shalt  }
0x64: {  	_ =	shalt  }
0x65: {  	_ =	shalt  }
0x66: {  	_ =	shalt  }
0x67: {  	_ =	shalt  }
0x68: {  	_ =	shalt  }
0x69: {  	_ =	shalt  }
0x6a: {  	_ =	shalt  }
0x6b: {  	_ =	shalt  }
0x6c: {  	_ =	shalt  }
0x6d: {  	_ =	shalt  }
0x6e: {  	_ =	shalt  }
0x6f: {  	_ =	shalt  }
0x70: {  	_ =	shalt  }
0x71: {  	_ =	shalt  }
0x72: {  	_ =	shalt  }
0x73: {  	_ =	shalt  }
0x74: {  	_ =	shalt  }
0x75: {  	_ =	shalt  }
0x76: {  	_ =	shalt  }
0x77: {  	_ =	shalt  }
0x78: {  	_ =	shalt  }
0x79: {  	_ =	shalt  }
0x7a: {  	_ =	shalt  }
0x7b: {  	_ =	shalt  }
0x7c: {  	_ =	shalt  }
0x7d: {  	_ =	shalt  }
0x7e: {  	_ =	shalt  }
0x7f: {  	_ =	shalt  }
0x80: {  	_ =	shalt  }
0x81: {  	_ =	shalt  }
0x82: {  	_ =	shalt  }
0x83: {  	_ =	shalt  }
0x84: {  	_ =	shalt  }
0x85: {  	_ =	shalt  }
0x86: {  	_ =	shalt  }
0x87: {  	_ =	shalt  }
.Lfunc_end0:
.L_simem_size_0:
called_computation.2_lowered:
.L_overlay_start_0:
0x88: {  	s2 =	sld [smem:$0x3FD9]  }
0x89: {  	s3 =	sld [smem:$0x3FFE];
	_ =	sdelay $0x1  }
0x8a: {  	s1 =	srdreg.scid  }
0x8b: {  	s0 =	sand.u32 $0x1, s1  }
0x8c: {  	s16 =	sshll.u32 s0, $0xA;
	s2 =	sadd.s32 s3, s2  }
0x8d: {  	s2 =	sadd.s32 s2, s16  }
0x8e: {  	[smem:$0x3FAF] =	sst s2  }
0x8f: {  	_ = 	snop  }
0x90: {  	(tm) =	ssettm $0x1  }
0x91: {  	s17 =	sld [smem:$0x3FFB];
	_ =	sdelay $0x3  }
0x92: {  	_ =	strace s17  }
0x93: {  	s2 =	sld [smem:$0x3FFC];
	_ =	sdelay $0x3  }
0x94: {  	_ =	strace s2  }
0x95: {  	s2 =	sld [smem:$0x3FFD];
	_ =	sdelay $0x3  }
0x96: {  	_ =	strace s2  }
0x97: {  	_ =	strace $0x8FFFFFFF  }
0x98: {  	s18 =	sld [smem:$0x3FDB];
	_ =	sdelay $0x1  }
0x99: {  	s19 =	simm.s32 $_scs_section_size  }
0x9a: {  	s4 =	simm.s32 $_size__tile_overlayer_lowered;
	s5 =	simm.s32 $_tile_overlayer_lowered  }
0x9b: {  	s22 =	simm.s32 $0x1BFF;
	s21 =	sshll.u32 s5, $0x1;
	s2 =	sadd.s32 s19, s18  }
0x9c: {  	s6 =	simm.s32 $0x0;
	s20 =	sshll.u32 s4, $0x1;
	s4 =	sadd.s32 s21, s2  }
0x9d: {  	[timem:s6], [sflag:s22] =	dma.local [hbm:s4], s20  }
0x9e: {  	_ =	swait.ge [sflag:s22], s20  }
0x9f: {  	s3 =	ssub.s32 $0x0, s20;
	[sflag:s22] =	ssyncset.done $0x0  }
0xa0: {  	[sflag:s22] =	ssyncadd.s32 s3;
	_ =	sdelay $0x1  }
0xa1: {  	s23 =	simm.s32 $0x1B8B  }
0xa2: {  	_ =	swait.ge [sflag:s23], $0x1  }
0xa3: {  	[sflag:s23] =	ssyncset.done $0x0  }
0xa4: {  	s25 =	simm.s32 $0x1B8E;
	s24 =	sld [smem:$0x3FFE];
	[sflag:s23] =	ssyncadd.s32 $0xFFFFFFFF  }
0xa5: {  	s26 =	simm.s32 $execute0_lowered;
	[smem:$0x3FD2] =	sst s25  }
0xa6: {  	s4 =	sshll.u32 s26, $0x1;
	_ =	strace $0x8000004C;
	[dreg:$0x1] =	wrdreg $0xFFFFFFFF  }
0xa7: {  	s28 =	simm.s32 $_size_execute0_lowered;
	s2 =	sadd.s32 s2, s4;
	[dreg:$0x0] =	wrdreg $0x0  }
0xa8: {  	s4 =	sshll.u32 s28, $0x1;
	[dreg:$0x2] =	wrdreg s2  }
0xa9: {  	[dreg:$0x3] =	wrdreg s4  }
0xaa: {  	[dreg:$0x4] =	wrdreg $0xC0  }
0xab: {  	_ =	task [dreg:s6], $0x5FFFF  }
0xac: {  	[dreg:$0x1] =	wrdreg $0xFFFFFFFF  }
0xad: {  	[dreg:$0x0] =	wrdreg $0x60  }
0xae: {  	[dreg:$0x2] =	wrdreg s24  }
0xaf: {  	[dreg:$0x3] =	wrdreg $0x82000  }
0xb0: {  	[dreg:$0x4] =	wrdreg $0x9  }
0xb1: {  	_ =	task.clear_ibuf [dreg:s6], $0x5FFFF;
	_ =	strace $0x9000004C  }
0xb2: {  	s29 =	simm.s32 $0x9;
	_ =	strace $0x8000004E  }
0xb3: {  	_ =	swait.ge [sflag:s29], $0x1  }
0xb4: {  	[sflag:s29] =	ssyncadd.s32 $0xFFFFFFFF  }
0xb5: {  	_ =	strace $0x9000004E  }
0xb6: {  	_ =	sfence  }
0xb7: {  	s30 =	sld [smem:$0x0];
	_ =	sdelay $0x2  }
0xb8: {  	s31 =	sshll.u32 s1, $0xD;
	s1 =	sshrl.u32 s1, $0x2  }
0xb9: {  	s3 =	sand.u32 $0x4000, s31;
	s1 =	sadd.s32 s1, s30  }
0xba: {  	s0 =	sor.u32 s3, s0;
	s1 =	sshll.u32 s1, $0x11  }
0xbb: {  	s0 =	sor.u32 s1, s0  }
0xbc: {  	s0 =	sadd.s32 $0x8F2B, s0  }
0xbd: {  	[sflag:s0] =	ssyncadd.remote.s32 $0x1  }
0xbe: {  	_ =	sfence.sel $0xFFFF  }
0xbf: {  	[dreg:$0x0] =	wrdreg $0xFFFFFFFF;
	(pc) =	sbr.abs _section_cstart, $3  }
0xc0: {  	[dreg:$0x1] =	wrdreg $0xFFFFFFFF  }
0xc1: {  	_ =	task.clear_ibuf [dreg:s6], $0x2FFFF;
	_ =	strace $0x9FFFFFFF  }
0xc2: {  	(tm) =	ssettm $0x7FFFFFFF  }
0xc3: {  	_ =	shalt  }
tec
execute0_lowered:
.L_overlay_start_1:
0x0: {  	(tag) =	ssettag $0x1  }
0x1: {  	s7 =	rddreg [dreg:$0x0]  }
0x2: {  	s1 =	rddreg [dreg:$0x1]  }
0x3: {  	s0 =	rddreg [dreg:$0x2];
	s3 =	simm.s32 $0x0  }
0x4: {  	s2 =	srdreg.scid;
	s17 =	simm.s32 $0x1;
	s18 =	simm.s32 $0x80  }
0x5: {  	s19 =	simm.s32 $0x200;
	s20 =	simm.s32 $0x3;
	s8 =	sand.u32 $0x1, s2  }
0x6: {  	s21 =	simm.s32 $0x2;
	s2 =	stileid.u32;
	s9 =	smul.u32 $0x13C000, s8  }
0x7: {  	s22 =	simm.s32 $0x4200;
	s23 =	simm.s32 $0x4;
	s10 =	smul.u32 $0x13C00, s2  }
0x8: {  	s24 =	simm.s32 $0x180;
	[smem:$0x7FF] =	sst s3;
	s25 =	smul.u32 $0x4F000, s2  }
0x9: {  	s5 =	sadd.s32 $0x6000, s7;
	s4 =	sshll.u32 s8, $0x4;
	s13 =	smul.u32 $0x52000, s8  }
0xa: {  	_ =	strace $0x8000004D;
	s12 =	ssub.s32 $0x2, s8;
	s14 =	smul.u32 $0x5200, s2  }
0xb: {  	s29 =	sshll.u32 s2, $0x6;
	s6 =	sor.u32 s2, s4;
	s4 =	sadd.s32 $0x1D000, s7  }
0xc: {  	s26 =	sshrl.u32 s12, $0x1;
	s11 =	smul.u32 $0x5200, s6;
	s6 =	sadd.s32 $0x1A800, s7  }
0xd: {  	s9 =	sadd.s32 s10, s9;
	s12 =	ssub.s32 s12, s26;
	s28 =	sshrl.u32 s25, $0x2  }
0xe: {  	s13 =	sadd.s32 s14, s13;
	s14 =	simm.s32 $0x100;
	s25 =	simm.s32 $0x0  }
0xf: {  	s9 =	sshrl.u32 s9, $0x3;
	s16 =	sadd.s32 s28, s1;
	s30 =	sadd.s32 $0x300, s13  }
0x10: {  	s13 =	sadd.s32 $0x200, s13;
	s11 =	sshrl.u32 s11, $0x3;
	s15 =	sadd.s32 s9, s7  }
0x11: {  	s9 =	sor.u32 $0x1C05, s29;
	s31 =	sshrl.u32 s30, $0x3;
	s7 =	sadd.s32 s5, s11  }
0x12: {  	s10 =	sadd.s32 $0xBB800, s15;
	s11 =	smax.u32 s12, $0x1;
	s12 =	sadd.s32 s31, s5  }
0x13: {  	s15 =	sshrl.u32 s16, $0x3;
	s16 =	simm.s32 $0x5;
	s8 =	sadd.s32 $0x20, s7  }
.LBB2_1:
0x14: {  	[tilespmem:s3], [sflag:$0x1] =	stream.linear.gather [hbm4b:s7+s3], $0x100, $0x38;
	[tilespmem:$0x1BE00] =	vst v63  }
0x15: {  	_ = 	snop  }
0x16: {  	[tilespmem:s14], [sflag:$0x2] =	stream.linear.gather [hbm4b:s8+s3], $0x100, $0x38;
	[tilespmem:$0x1BE00] =	vst v63  }
0x17: {  	[spmem:s15], [sflag:s9] =	dma.local [hbm:s6], $0x2780  }
0x18: {  	_ =	swait.ge [sflag:s16], $0x2780  }
0x19: {  	[sflag:s16] =	ssyncset.done $0x0  }
0x1a: {  	[sflag:s16] =	ssyncadd.s32 $0xFFFFD880  }
0x1b: {  	[bflag:$0x0] =	sbarrier.arrive $0xFFFF  }
0x1c: {  	_ =	swait.ge [sflag:s17], $0x100  }
0x1d: {  	[sflag:s17] =	ssyncset.done $0x0  }
0x1e: {  	[sflag:s17] =	ssyncadd.s32 $0xFFFFFF00  }
0x1f: {  	[tilespmem:s19], [sflag:$0x3] =	stream.indirect.gather [hbm4b:s4+s18], $0x80, s3, s18, $0xb8;
	[tilespmem:$0x1BE00] =	vst v63  }
0x20: {  	_ =	swait.ge [sflag:s20], $0x4000  }
0x21: {  	[sflag:s20] =	ssyncset.done $0x0  }
0x22: {  	[sflag:s20] =	ssyncadd.s32 $0xFFFFC000  }
0x23: {  	_ =	swait.ge [sflag:s21], $0x100  }
0x24: {  	[sflag:s21] =	ssyncset.done $0x0  }
0x25: {  	[sflag:s21] =	ssyncadd.s32 $0xFFFFFF00  }
0x26: {  	[tilespmem:s22], [sflag:$0x4] =	stream.indirect.gather [hbm4b:s4+s18], $0x80, s14, s18, $0xb8;
	[tilespmem:$0x1BE00] =	vst v63  }
0x27: {  	_ = 	snop  }
0x28: {  	[spmem:s1] =	stream.indirect.scatter.add.f32 [tilespmem:s19], [sflag:$0x5], $0x80, s18, s18, $0xb8;
	[tilespmem:$0x1BE00] =	vst v63  }
0x29: {  	_ =	swait.ge [sflag:s16], $0x4000  }
0x2a: {  	s26 =	sshrl.u32 s13, $0x3;
	[sflag:s16] =	ssyncset.done $0x0  }
0x2b: {  	s26 =	sadd.s32 s5, s26;
	[sflag:s16] =	ssyncadd.s32 $0xFFFFC000  }
0x2c: {  	[tilespmem:s3], [sflag:$0x1] =	stream.linear.gather [hbm4b:s26+s3], $0x100, $0x38;
	[tilespmem:$0x1BE00] =	vst v63  }
0x2d: {  	_ =	swait.ge [sflag:s23], $0x4000  }
0x2e: {  	[sflag:s23] =	ssyncset.done $0x0  }
0x2f: {  	[sflag:s23] =	ssyncadd.s32 $0xFFFFC000  }
0x30: {  	_ =	swait.ge [sflag:s17], $0x100  }
0x31: {  	[sflag:s17] =	ssyncset.done $0x0  }
0x32: {  	[sflag:s17] =	ssyncadd.s32 $0xFFFFFF00  }
0x33: {  	[tilespmem:s19], [sflag:$0x3] =	stream.indirect.gather [hbm4b:s4+s18], $0x80, s3, s18, $0xb8;
	[tilespmem:$0x1BE00] =	vst v63  }
0x34: {  	_ = 	snop  }
0x35: {  	[spmem:s1] =	stream.indirect.scatter.add.f32 [tilespmem:s22], [sflag:$0x5], $0x80, s24, s18, $0xb8;
	[tilespmem:$0x1BE00] =	vst v63  }
0x36: {  	_ =	swait.ge [sflag:s16], $0x4000  }
0x37: {  	s29 =	sadd.s32 $0x0, s12;
	[sflag:s16] =	ssyncset.done $0x0  }
0x38: {  	s28 =	sadd.s32 $0x200, s13;
	s26 =	simm.s32 $0x40;
	[sflag:s16] =	ssyncadd.s32 $0xFFFFC000  }
.LBB2_2:
0x39: {  	[tilespmem:s14], [sflag:$0x2] =	stream.linear.gather [hbm4b:s29+s3], $0x100, $0x38;
	[tilespmem:$0x1BE00] =	vst v63  }
0x3a: {  	s29 =	smov.u32 s26  }
0x3b: {  	p0 =	sne.s32 s26, $0x9C0;
	s26 =	sadd.s32 $0x40, s26;
	_ =	swait.ge [sflag:s20], $0x4000  }
0x3c: {  	[sflag:s20] =	ssyncset.done $0x0  }
0x3d: {  	[sflag:s20] =	ssyncadd.s32 $0xFFFFC000  }
0x3e: {  	_ =	swait.ge [sflag:s21], $0x100  }
0x3f: {  	[sflag:s21] =	ssyncset.done $0x0  }
0x40: {  	[sflag:s21] =	ssyncadd.s32 $0xFFFFFF00  }
0x41: {  	[tilespmem:s22], [sflag:$0x4] =	stream.indirect.gather [hbm4b:s4+s18], $0x80, s14, s18, $0xb8;
	[tilespmem:$0x1BE00] =	vst v63  }
0x42: {  	_ = 	snop  }
0x43: {  	[spmem:s1] =	stream.indirect.scatter.add.f32 [tilespmem:s19], [sflag:$0x5], $0x80, s18, s18, $0xb8;
	[tilespmem:$0x1BE00] =	vst v63  }
0x44: {  	_ =	swait.ge [sflag:s16], $0x4000  }
0x45: {  	s30 =	sshrl.u32 s28, $0x3;
	[sflag:s16] =	ssyncset.done $0x0  }
0x46: {  	s30 =	sadd.s32 s5, s30;
	[sflag:s16] =	ssyncadd.s32 $0xFFFFC000  }
0x47: {  	[tilespmem:s3], [sflag:$0x1] =	stream.linear.gather [hbm4b:s30+s3], $0x100, $0x38;
	[tilespmem:$0x1BE00] =	vst v63  }
0x48: {  	_ =	swait.ge [sflag:s23], $0x4000  }
0x49: {  	[sflag:s23] =	ssyncset.done $0x0  }
0x4a: {  	[sflag:s23] =	ssyncadd.s32 $0xFFFFC000  }
0x4b: {  	_ =	swait.ge [sflag:s17], $0x100  }
0x4c: {  	[sflag:s17] =	ssyncset.done $0x0  }
0x4d: {  	[sflag:s17] =	ssyncadd.s32 $0xFFFFFF00  }
0x4e: {  	[tilespmem:s19], [sflag:$0x3] =	stream.indirect.gather [hbm4b:s4+s18], $0x80, s3, s18, $0xb8;
	[tilespmem:$0x1BE00] =	vst v63  }
.Ltmp0:
0x4f: {  	(pc) =	sbr.rel @p0 .LBB2_2-.Ltmp0, $4  }
0x50: {  	[spmem:s1] =	stream.indirect.scatter.add.f32 [tilespmem:s22], [sflag:$0x5], $0x80, s24, s18, $0xb8;
	[tilespmem:$0x1BE00] =	vst v63  }
0x51: {  	_ =	swait.ge [sflag:s16], $0x4000  }
0x52: {  	[sflag:s16] =	ssyncset.done $0x0  }
0x53: {  	s28 =	sadd.s32 $0x200, s28;
	s29 =	sadd.s32 s29, s12;
	[sflag:s16] =	ssyncadd.s32 $0xFFFFC000  }
0x54: {  	[tilespmem:s14], [sflag:$0x2] =	stream.linear.gather [hbm4b:s29+s3], $0x100, $0x38;
	[tilespmem:$0x1BE00] =	vst v63  }
0x55: {  	_ =	swait.ge [sflag:s20], $0x4000  }
0x56: {  	[sflag:s20] =	ssyncset.done $0x0  }
0x57: {  	[sflag:s20] =	ssyncadd.s32 $0xFFFFC000  }
0x58: {  	_ =	swait.ge [sflag:s21], $0x100  }
0x59: {  	s25 =	sadd.s32 $0x1, s25;
	[sflag:s21] =	ssyncset.done $0x0  }
0x5a: {  	p0 =	sne.s32 s25, s11;
	[sflag:s21] =	ssyncadd.s32 $0xFFFFFF00  }
.Ltmp1:
0x5b: {  	[bflag:$0x0] =	sbarrier.arrive $0xFFFF;
	(pc) =	sbr.rel @p0 .LBB2_1-.Ltmp1, $4  }
0x5c: {  	[hbm:s10], [sflag:s9] =	dma.local [spmem:s15], $0x2780  }
0x5d: {  	_ =	swait.ge [sflag:s16], $0x2780  }
0x5e: {  	[sflag:s16] =	ssyncset.done $0x0  }
0x5f: {  	[sflag:s16] =	ssyncadd.s32 $0xFFFFD880  }
0x60: {  	_ =	sfence.sel $0x180000  }
0x61: {  	[bflag:$0x0] =	sbarrier.arrive $0xFFFF  }
0x62: {  	p0 =	sne.s32 s2, $0x0;
	_ =	strace $0x9000004D  }
0x63: {  	s0 =	sadd.s32 @!p0 $0x100000, s0;
	[bflag:$0x2] =	sbarrier.arrive $0xFFFF  }
0x64: {  	[sflag:s0] =	ssyncadd.tile.s32 @!p0 $0x1;
	_ =	shalt  }
.Lfunc_end2:
_tile_overlayer_lowered:
.L_overlay_start_2:
0x65: {  	(tag) =	ssettag $0x2  }
0x66: {  	s0 =	rddreg [dreg:$0x0];
	s2 =	stileid.u32  }
0x67: {  	s1 =	rddreg [dreg:$0x1];
	p0 =	sne.s32 s2, $0x0  }
0x68: {  	s3 =	rddreg [dreg:$0x2];
	[bflag:$0x3] =	sbarrier.arrive $0xFFFF;
	s2 =	simm.s32 @!p0 $0x1C05  }
0x69: {  	[timem:s3], [sflag:s2] =	dma.local @!p0 [hbm:s0], s1  }
0x6a: {  	s0 =	simm.s32 @!p0 $0x5  }
0x6b: {  	_ =	swait.ge @!p0 [sflag:s0], s1  }
0x6c: {  	s1 =	ssub.s32 @!p0 $0x0, s1;
	[sflag:s0] =	ssyncset.done @!p0 $0x0  }
0x6d: {  	[sflag:s0] =	ssyncadd.s32 @!p0 s1  }
0x6e: {  	[bflag:$0x3] =	sbarrier.arrive $0xFFFF  }
0x6f: {  	_ =	shalt  }

// kernel: kernel.22.cloned.1.call-start
scs
__scs_entry_jumppad:
0x0: {  	(pc) =	sbr.rel $0x88, $3  }
0x1: {  	(tag) =	ssettag $0x0;
	lr =	simm.s32 $0x1  }
0x2: {  	[smem:$0x3F88] =	sst lr;
	_ =	strace $0xD0000000  }
0x3: {  	_ = 	snop  }
0x4: {  	_ = 	snop  }
0x5: {  	_ = 	snop  }
0x6: {  	_ = 	snop  }
0x7: {  	_ = 	snop  }
__scs_overlays_trampoline_lowered:
0x8: {  	[smem:$0x3F97] =	sst s0  }
0x9: {  	[smem:$0x3F98] =	sst s1  }
0xa: {  	[smem:$0x3F99] =	sst s2  }
0xb: {  	[smem:$0x3F9A] =	sst s3  }
0xc: {  	[smem:$0x3F9B] =	sst s4  }
0xd: {  	[smem:$0x3F9C] =	sst s5  }
0xe: {  	[smem:$0x3F9D] =	sst s6  }
0xf: {  	[smem:$0x3F9E] =	sst s7  }
0x10: {  	[smem:$0x3F9F] =	sst s8  }
0x11: {  	[smem:$0x3FA0] =	sst s9;
	s0 =	simm.s32 @!p0 $0x0  }
0x12: {  	s1 =	sld [smem:$0x3F86];
	s0 =	simm.s32 @p0 $0x1  }
0x13: {  	[smem:$0x3FA1] =	sst s0;
	s0 =	simm.s32 @!p1 $0x0  }
0x14: {  	s2 =	sld [smem:$0x3F85];
	s0 =	simm.s32 @p1 $0x1  }
0x15: {  	[smem:$0x3FA2] =	sst s0;
	s0 =	simm.s32 @!p2 $0x0  }
0x16: {  	s3 =	sld [smem:$0x3FDB];
	s0 =	simm.s32 @p2 $0x1  }
0x17: {  	s4 =	simm.s32 $0x1BF5;
	[smem:$0x3FA4] =	sst s0  }
0x18: {  	s0 =	sld [smem:$0x3F87];
	_ =	swait.ge [sflag:s4], $0x0  }
0x19: {  	s7 =	sld [smem:$0x3F88]  }
0x1a: {  	s8 =	sadd.s32 $0xFFFFE003, lr  }
0x1b: {  	s9 =	sadd.s32 $0xFFFFFEF7, lr;
	s5 =	simm.s32 $0xFFFFFFFF;
	p2 =	slt.u32 s8, $0xFFFFF086  }
0x1c: {  	p1 =	slt.u32 s9, $0xF7A;
	s5 =	simm.s32 @!p2 $0x0  }
0x1d: {  	s5 =	simm.s32 @p1 $0x1;
	p0 =	seq.s32 s7, s2  }
0x1e: {  	s7 =	smul.u32 @!p0 $0xF7A, s2;
	p2 =	seq.s32 @!p0 s5, $0x0  }
0x1f: {  	s9 =	smul.u32 $0xF7A, s1;
	s8 =	simm.s32 @!p0 $0x1BF5;
	p2 =	por !p2, p0  }
0x20: {  	[sflag:s8] =	ssyncset.s32 @!p0 $0xFFFFF086;
	s6 =	sadd.s32 @!p0 s3, s7;
	s7 =	simm.s32 @!p0 $0x108  }
0x21: {  	s3 =	sadd.s32 s3, s9;
	s6 =	sadd.s32 @!p0 $0x88, s6;
	s7 =	simm.s32 @p2 $0x1082  }
0x22: {  	[simem:s7], [sflag:s8] =	dma.local @!p0 [hbm:s6], $0xF7A  }
0x23: {  	s9 =	sor.u32 $0xD0000000, s2;
	s6 =	simm.s32 $0x108;
	_ =	swait.ge @!p0 [sflag:s8], $0x0  }
0x24: {  	s3 =	sadd.s32 $0x88, s3;
	s6 =	simm.s32 @!p1 $0x1082;
	[sflag:s4] =	ssyncset.s32 $0xFFFFF086  }
0x25: {  	[simem:s6], [sflag:s4] =	dma.local [hbm:s3], $0xF7A  }
0x26: {  	[smem:$0x3F88] =	sst s1;
	(tag) =	ssettag s2;
	_ =	strace s9  }
0x27: {  	s1 =	sld [smem:$0x3F98]  }
0x28: {  	s2 =	sld [smem:$0x3F99]  }
0x29: {  	s4 =	sld [smem:$0x3F9B]  }
0x2a: {  	p0 =	seq.s32 s5, $0x0;
	s5 =	sld [smem:$0x3F9C]  }
0x2b: {  	s6 =	sld [smem:$0x3F9D]  }
0x2c: {  	s7 =	sld [smem:$0x3F9E]  }
0x2d: {  	s3 =	simm.s32 $0x108;
	s8 =	sld [smem:$0x3F9F]  }
0x2e: {  	s3 =	simm.s32 @!p0 $0x1082;
	s9 =	sld [smem:$0x3FA0]  }
0x2f: {  	lr =	sadd.s32 s0, s3;
	s0 =	sld [smem:$0x3F97]  }
0x30: {  	s3 =	sld [smem:$0x3F9A]  }
0x31: {  	[smem:$0x3FA3] =	sst s10  }
0x32: {  	s10 =	sld [smem:$0x3FA1];
	_ =	sdelay $0x3  }
0x33: {  	p0 =	seq.s32 s10, $0x1;
	s10 =	sld [smem:$0x3FA3];
	_ =	sdelay $0x3  }
0x34: {  	[smem:$0x3FA3] =	sst s10  }
0x35: {  	s10 =	sld [smem:$0x3FA2];
	_ =	sdelay $0x3  }
0x36: {  	p1 =	seq.s32 s10, $0x1;
	s10 =	sld [smem:$0x3FA3];
	_ =	sdelay $0x3  }
0x37: {  	[smem:$0x3FA3] =	sst s10  }
0x38: {  	s10 =	sld [smem:$0x3FA4]  }
0x39: {  	_ = 	snop;
	(pc) =	sbr.ind lr, $3  }
0x3a: {  	_ = 	snop  }
0x3b: {  	_ = 	snop  }
0x3c: {  	p2 =	seq.s32 s10, $0x1;
	s10 =	sld [smem:$0x3FA3]  }
0x3d: {  	_ =	shalt  }
0x3e: {  	_ =	shalt  }
0x3f: {  	_ =	shalt  }
0x40: {  	_ =	shalt  }
0x41: {  	_ =	shalt  }
0x42: {  	_ =	shalt  }
0x43: {  	_ =	shalt  }
0x44: {  	_ =	shalt  }
0x45: {  	_ =	shalt  }
0x46: {  	_ =	shalt  }
0x47: {  	_ =	shalt  }
0x48: {  	_ =	shalt  }
0x49: {  	_ =	shalt  }
0x4a: {  	_ =	shalt  }
0x4b: {  	_ =	shalt  }
0x4c: {  	_ =	shalt  }
0x4d: {  	_ =	shalt  }
0x4e: {  	_ =	shalt  }
0x4f: {  	_ =	shalt  }
0x50: {  	_ =	shalt  }
0x51: {  	_ =	shalt  }
0x52: {  	_ =	shalt  }
0x53: {  	_ =	shalt  }
0x54: {  	_ =	shalt  }
0x55: {  	_ =	shalt  }
0x56: {  	_ =	shalt  }
0x57: {  	_ =	shalt  }
0x58: {  	_ =	shalt  }
0x59: {  	_ =	shalt  }
0x5a: {  	_ =	shalt  }
0x5b: {  	_ =	shalt  }
0x5c: {  	_ =	shalt  }
0x5d: {  	_ =	shalt  }
0x5e: {  	_ =	shalt  }
0x5f: {  	_ =	shalt  }
0x60: {  	_ =	shalt  }
0x61: {  	_ =	shalt  }
0x62: {  	_ =	shalt  }
0x63: {  	_ =	shalt  }
0x64: {  	_ =	shalt  }
0x65: {  	_ =	shalt  }
0x66: {  	_ =	shalt  }
0x67: {  	_ =	shalt  }
0x68: {  	_ =	shalt  }
0x69: {  	_ =	shalt  }
0x6a: {  	_ =	shalt  }
0x6b: {  	_ =	shalt  }
0x6c: {  	_ =	shalt  }
0x6d: {  	_ =	shalt  }
0x6e: {  	_ =	shalt  }
0x6f: {  	_ =	shalt  }
0x70: {  	_ =	shalt  }
0x71: {  	_ =	shalt  }
0x72: {  	_ =	shalt  }
0x73: {  	_ =	shalt  }
0x74: {  	_ =	shalt  }
0x75: {  	_ =	shalt  }
0x76: {  	_ =	shalt  }
0x77: {  	_ =	shalt  }
0x78: {  	_ =	shalt  }
0x79: {  	_ =	shalt  }
0x7a: {  	_ =	shalt  }
0x7b: {  	_ =	shalt  }
0x7c: {  	_ =	shalt  }
0x7d: {  	_ =	shalt  }
0x7e: {  	_ =	shalt  }
0x7f: {  	_ =	shalt  }
0x80: {  	_ =	shalt  }
0x81: {  	_ =	shalt  }
0x82: {  	_ =	shalt  }
0x83: {  	_ =	shalt  }
0x84: {  	_ =	shalt  }
0x85: {  	_ =	shalt  }
0x86: {  	_ =	shalt  }
0x87: {  	_ =	shalt  }
.Lfunc_end0:
.L_simem_size_0:
called_computation.3_lowered:
.L_overlay_start_0:
0x88: {  	s2 =	sld [smem:$0x3FD9]  }
0x89: {  	s3 =	sld [smem:$0x3FFE];
	_ =	sdelay $0x1  }
0x8a: {  	s1 =	srdreg.scid  }
0x8b: {  	s0 =	sand.u32 $0x1, s1  }
0x8c: {  	s16 =	sshll.u32 s0, $0xA;
	s2 =	sadd.s32 s3, s2  }
0x8d: {  	s2 =	sadd.s32 s2, s16  }
0x8e: {  	[smem:$0x3FAF] =	sst s2  }
0x8f: {  	_ = 	snop  }
0x90: {  	(tm) =	ssettm $0x1  }
0x91: {  	s17 =	sld [smem:$0x3FFB];
	_ =	sdelay $0x3  }
0x92: {  	_ =	strace s17  }
0x93: {  	s2 =	sld [smem:$0x3FFC];
	_ =	sdelay $0x3  }
0x94: {  	_ =	strace s2  }
0x95: {  	s2 =	sld [smem:$0x3FFD];
	_ =	sdelay $0x3  }
0x96: {  	_ =	strace s2  }
0x97: {  	_ =	strace $0x8FFFFFFF  }
0x98: {  	s18 =	sld [smem:$0x3FDB];
	_ =	sdelay $0x1  }
0x99: {  	s19 =	simm.s32 $_scs_section_size  }
0x9a: {  	s4 =	simm.s32 $_size__tile_overlayer_lowered;
	s5 =	simm.s32 $_tile_overlayer_lowered  }
0x9b: {  	s22 =	simm.s32 $0x1BFF;
	s21 =	sshll.u32 s5, $0x1;
	s2 =	sadd.s32 s19, s18  }
0x9c: {  	s6 =	simm.s32 $0x0;
	s20 =	sshll.u32 s4, $0x1;
	s4 =	sadd.s32 s21, s2  }
0x9d: {  	[timem:s6], [sflag:s22] =	dma.local [hbm:s4], s20  }
0x9e: {  	_ =	swait.ge [sflag:s22], s20  }
0x9f: {  	s3 =	ssub.s32 $0x0, s20;
	[sflag:s22] =	ssyncset.done $0x0  }
0xa0: {  	[sflag:s22] =	ssyncadd.s32 s3;
	_ =	sdelay $0x1  }
0xa1: {  	s23 =	simm.s32 $0x1B8B  }
0xa2: {  	_ =	swait.ge [sflag:s23], $0x1  }
0xa3: {  	[sflag:s23] =	ssyncset.done $0x0  }
0xa4: {  	s25 =	simm.s32 $0x1B8E;
	s24 =	sld [smem:$0x3FFE];
	[sflag:s23] =	ssyncadd.s32 $0xFFFFFFFF  }
0xa5: {  	s26 =	simm.s32 $execute0_lowered;
	[smem:$0x3FD2] =	sst s25  }
0xa6: {  	s4 =	sshll.u32 s26, $0x1;
	_ =	strace $0x8000004F;
	[dreg:$0x1] =	wrdreg $0xFFFFFFFF  }
0xa7: {  	s28 =	simm.s32 $_size_execute0_lowered;
	s2 =	sadd.s32 s2, s4;
	[dreg:$0x0] =	wrdreg $0x0  }
0xa8: {  	s4 =	sshll.u32 s28, $0x1;
	[dreg:$0x2] =	wrdreg s2  }
0xa9: {  	[dreg:$0x3] =	wrdreg s4  }
0xaa: {  	[dreg:$0x4] =	wrdreg $0xC0  }
0xab: {  	_ =	task [dreg:s6], $0x5FFFF  }
0xac: {  	[dreg:$0x1] =	wrdreg $0xFFFFFFFF  }
0xad: {  	[dreg:$0x0] =	wrdreg $0x60  }
0xae: {  	[dreg:$0x2] =	wrdreg s24  }
0xaf: {  	[dreg:$0x3] =	wrdreg $0x82000  }
0xb0: {  	[dreg:$0x4] =	wrdreg $0x9  }
0xb1: {  	_ =	task.clear_ibuf [dreg:s6], $0x5FFFF;
	_ =	strace $0x9000004F  }
0xb2: {  	s29 =	simm.s32 $0x9;
	_ =	strace $0x80000051  }
0xb3: {  	_ =	swait.ge [sflag:s29], $0x1  }
0xb4: {  	[sflag:s29] =	ssyncadd.s32 $0xFFFFFFFF  }
0xb5: {  	_ =	strace $0x90000051  }
0xb6: {  	_ =	sfence  }
0xb7: {  	s30 =	sld [smem:$0x0];
	_ =	sdelay $0x2  }
0xb8: {  	s31 =	sshll.u32 s1, $0xD;
	s1 =	sshrl.u32 s1, $0x2  }
0xb9: {  	s3 =	sand.u32 $0x4000, s31;
	s1 =	sadd.s32 s1, s30  }
0xba: {  	s0 =	sor.u32 s3, s0;
	s1 =	sshll.u32 s1, $0x11  }
0xbb: {  	s0 =	sor.u32 s1, s0  }
0xbc: {  	s0 =	sadd.s32 $0x8F2B, s0  }
0xbd: {  	[sflag:s0] =	ssyncadd.remote.s32 $0x1  }
0xbe: {  	_ =	sfence.sel $0xFFFF  }
0xbf: {  	[dreg:$0x0] =	wrdreg $0xFFFFFFFF;
	(pc) =	sbr.abs _section_cstart, $3  }
0xc0: {  	[dreg:$0x1] =	wrdreg $0xFFFFFFFF  }
0xc1: {  	_ =	task.clear_ibuf [dreg:s6], $0x2FFFF;
	_ =	strace $0x9FFFFFFF  }
0xc2: {  	(tm) =	ssettm $0x7FFFFFFF  }
0xc3: {  	_ =	shalt  }
tec
execute0_lowered:
.L_overlay_start_1:
0x0: {  	(tag) =	ssettag $0x1  }
0x1: {  	s7 =	rddreg [dreg:$0x0]  }
0x2: {  	s1 =	rddreg [dreg:$0x1]  }
0x3: {  	s0 =	rddreg [dreg:$0x2];
	s3 =	simm.s32 $0x0  }
0x4: {  	s2 =	srdreg.scid;
	s17 =	simm.s32 $0x1;
	s18 =	simm.s32 $0x80  }
0x5: {  	s19 =	simm.s32 $0x200;
	s20 =	simm.s32 $0x3;
	s8 =	sand.u32 $0x1, s2  }
0x6: {  	s21 =	simm.s32 $0x2;
	s2 =	stileid.u32;
	s9 =	smul.u32 $0x13C000, s8  }
0x7: {  	s22 =	simm.s32 $0x4200;
	s23 =	simm.s32 $0x4;
	s10 =	smul.u32 $0x13C00, s2  }
0x8: {  	s24 =	simm.s32 $0x180;
	[smem:$0x7FF] =	sst s3;
	s25 =	smul.u32 $0x4F000, s2  }
0x9: {  	s5 =	sadd.s32 $0x6000, s7;
	s4 =	sshll.u32 s8, $0x4;
	s13 =	smul.u32 $0x52000, s8  }
0xa: {  	_ =	strace $0x80000050;
	s12 =	ssub.s32 $0x2, s8;
	s14 =	smul.u32 $0x5200, s2  }
0xb: {  	s29 =	sshll.u32 s2, $0x6;
	s6 =	sor.u32 s2, s4;
	s4 =	sadd.s32 $0x1D000, s7  }
0xc: {  	s26 =	sshrl.u32 s12, $0x1;
	s11 =	smul.u32 $0x5200, s6;
	s6 =	sadd.s32 $0x1A800, s7  }
0xd: {  	s9 =	sadd.s32 s10, s9;
	s12 =	ssub.s32 s12, s26;
	s28 =	sshrl.u32 s25, $0x2  }
0xe: {  	s13 =	sadd.s32 s14, s13;
	s14 =	simm.s32 $0x100;
	s25 =	simm.s32 $0x0  }
0xf: {  	s9 =	sshrl.u32 s9, $0x3;
	s16 =	sadd.s32 s28, s1;
	s30 =	sadd.s32 $0x300, s13  }
0x10: {  	s13 =	sadd.s32 $0x200, s13;
	s11 =	sshrl.u32 s11, $0x3;
	s15 =	sadd.s32 s9, s7  }
0x11: {  	s9 =	sor.u32 $0x1C05, s29;
	s31 =	sshrl.u32 s30, $0x3;
	s7 =	sadd.s32 s5, s11  }
0x12: {  	s10 =	sadd.s32 $0xBB800, s15;
	s11 =	smax.u32 s12, $0x1;
	s12 =	sadd.s32 s31, s5  }
0x13: {  	s15 =	sshrl.u32 s16, $0x3;
	s16 =	simm.s32 $0x5;
	s8 =	sadd.s32 $0x20, s7  }
.LBB2_1:
0x14: {  	[tilespmem:s3], [sflag:$0x1] =	stream.linear.gather [hbm4b:s7+s3], $0x100, $0x38;
	[tilespmem:$0x1BE00] =	vst v63  }
0x15: {  	_ = 	snop  }
0x16: {  	[tilespmem:s14], [sflag:$0x2] =	stream.linear.gather [hbm4b:s8+s3], $0x100, $0x38;
	[tilespmem:$0x1BE00] =	vst v63  }
0x17: {  	[spmem:s15], [sflag:s9] =	dma.local [hbm:s6], $0x2780  }
0x18: {  	_ =	swait.ge [sflag:s16], $0x2780  }
0x19: {  	[sflag:s16] =	ssyncset.done $0x0  }
0x1a: {  	[sflag:s16] =	ssyncadd.s32 $0xFFFFD880  }
0x1b: {  	[bflag:$0x0] =	sbarrier.arrive $0xFFFF  }
0x1c: {  	_ =	swait.ge [sflag:s17], $0x100  }
0x1d: {  	[sflag:s17] =	ssyncset.done $0x0  }
0x1e: {  	[sflag:s17] =	ssyncadd.s32 $0xFFFFFF00  }
0x1f: {  	[tilespmem:s19], [sflag:$0x3] =	stream.indirect.gather [hbm4b:s4+s18], $0x80, s3, s18, $0xb8;
	[tilespmem:$0x1BE00] =	vst v63  }
0x20: {  	_ =	swait.ge [sflag:s20], $0x4000  }
0x21: {  	[sflag:s20] =	ssyncset.done $0x0  }
0x22: {  	[sflag:s20] =	ssyncadd.s32 $0xFFFFC000  }
0x23: {  	_ =	swait.ge [sflag:s21], $0x100  }
0x24: {  	[sflag:s21] =	ssyncset.done $0x0  }
0x25: {  	[sflag:s21] =	ssyncadd.s32 $0xFFFFFF00  }
0x26: {  	[tilespmem:s22], [sflag:$0x4] =	stream.indirect.gather [hbm4b:s4+s18], $0x80, s14, s18, $0xb8;
	[tilespmem:$0x1BE00] =	vst v63  }
0x27: {  	_ = 	snop  }
0x28: {  	[spmem:s1] =	stream.indirect.scatter.add.f32 [tilespmem:s19], [sflag:$0x5], $0x80, s18, s18, $0xb8;
	[tilespmem:$0x1BE00] =	vst v63  }
0x29: {  	_ =	swait.ge [sflag:s16], $0x4000  }
0x2a: {  	s26 =	sshrl.u32 s13, $0x3;
	[sflag:s16] =	ssyncset.done $0x0  }
0x2b: {  	s26 =	sadd.s32 s5, s26;
	[sflag:s16] =	ssyncadd.s32 $0xFFFFC000  }
0x2c: {  	[tilespmem:s3], [sflag:$0x1] =	stream.linear.gather [hbm4b:s26+s3], $0x100, $0x38;
	[tilespmem:$0x1BE00] =	vst v63  }
0x2d: {  	_ =	swait.ge [sflag:s23], $0x4000  }
0x2e: {  	[sflag:s23] =	ssyncset.done $0x0  }
0x2f: {  	[sflag:s23] =	ssyncadd.s32 $0xFFFFC000  }
0x30: {  	_ =	swait.ge [sflag:s17], $0x100  }
0x31: {  	[sflag:s17] =	ssyncset.done $0x0  }
0x32: {  	[sflag:s17] =	ssyncadd.s32 $0xFFFFFF00  }
0x33: {  	[tilespmem:s19], [sflag:$0x3] =	stream.indirect.gather [hbm4b:s4+s18], $0x80, s3, s18, $0xb8;
	[tilespmem:$0x1BE00] =	vst v63  }
0x34: {  	_ = 	snop  }
0x35: {  	[spmem:s1] =	stream.indirect.scatter.add.f32 [tilespmem:s22], [sflag:$0x5], $0x80, s24, s18, $0xb8;
	[tilespmem:$0x1BE00] =	vst v63  }
0x36: {  	_ =	swait.ge [sflag:s16], $0x4000  }
0x37: {  	s29 =	sadd.s32 $0x0, s12;
	[sflag:s16] =	ssyncset.done $0x0  }
0x38: {  	s28 =	sadd.s32 $0x200, s13;
	s26 =	simm.s32 $0x40;
	[sflag:s16] =	ssyncadd.s32 $0xFFFFC000  }
.LBB2_2:
0x39: {  	[tilespmem:s14], [sflag:$0x2] =	stream.linear.gather [hbm4b:s29+s3], $0x100, $0x38;
	[tilespmem:$0x1BE00] =	vst v63  }
0x3a: {  	s29 =	smov.u32 s26  }
0x3b: {  	p0 =	sne.s32 s26, $0x9C0;
	s26 =	sadd.s32 $0x40, s26;
	_ =	swait.ge [sflag:s20], $0x4000  }
0x3c: {  	[sflag:s20] =	ssyncset.done $0x0  }
0x3d: {  	[sflag:s20] =	ssyncadd.s32 $0xFFFFC000  }
0x3e: {  	_ =	swait.ge [sflag:s21], $0x100  }
0x3f: {  	[sflag:s21] =	ssyncset.done $0x0  }
0x40: {  	[sflag:s21] =	ssyncadd.s32 $0xFFFFFF00  }
0x41: {  	[tilespmem:s22], [sflag:$0x4] =	stream.indirect.gather [hbm4b:s4+s18], $0x80, s14, s18, $0xb8;
	[tilespmem:$0x1BE00] =	vst v63  }
0x42: {  	_ = 	snop  }
0x43: {  	[spmem:s1] =	stream.indirect.scatter.add.f32 [tilespmem:s19], [sflag:$0x5], $0x80, s18, s18, $0xb8;
	[tilespmem:$0x1BE00] =	vst v63  }
0x44: {  	_ =	swait.ge [sflag:s16], $0x4000  }
0x45: {  	s30 =	sshrl.u32 s28, $0x3;
	[sflag:s16] =	ssyncset.done $0x0  }
0x46: {  	s30 =	sadd.s32 s5, s30;
	[sflag:s16] =	ssyncadd.s32 $0xFFFFC000  }
0x47: {  	[tilespmem:s3], [sflag:$0x1] =	stream.linear.gather [hbm4b:s30+s3], $0x100, $0x38;
	[tilespmem:$0x1BE00] =	vst v63  }
0x48: {  	_ =	swait.ge [sflag:s23], $0x4000  }
0x49: {  	[sflag:s23] =	ssyncset.done $0x0  }
0x4a: {  	[sflag:s23] =	ssyncadd.s32 $0xFFFFC000  }
0x4b: {  	_ =	swait.ge [sflag:s17], $0x100  }
0x4c: {  	[sflag:s17] =	ssyncset.done $0x0  }
0x4d: {  	[sflag:s17] =	ssyncadd.s32 $0xFFFFFF00  }
0x4e: {  	[tilespmem:s19], [sflag:$0x3] =	stream.indirect.gather [hbm4b:s4+s18], $0x80, s3, s18, $0xb8;
	[tilespmem:$0x1BE00] =	vst v63  }
.Ltmp0:
0x4f: {  	(pc) =	sbr.rel @p0 .LBB2_2-.Ltmp0, $4  }
0x50: {  	[spmem:s1] =	stream.indirect.scatter.add.f32 [tilespmem:s22], [sflag:$0x5], $0x80, s24, s18, $0xb8;
	[tilespmem:$0x1BE00] =	vst v63  }
0x51: {  	_ =	swait.ge [sflag:s16], $0x4000  }
0x52: {  	[sflag:s16] =	ssyncset.done $0x0  }
0x53: {  	s28 =	sadd.s32 $0x200, s28;
	s29 =	sadd.s32 s29, s12;
	[sflag:s16] =	ssyncadd.s32 $0xFFFFC000  }
0x54: {  	[tilespmem:s14], [sflag:$0x2] =	stream.linear.gather [hbm4b:s29+s3], $0x100, $0x38;
	[tilespmem:$0x1BE00] =	vst v63  }
0x55: {  	_ =	swait.ge [sflag:s20], $0x4000  }
0x56: {  	[sflag:s20] =	ssyncset.done $0x0  }
0x57: {  	[sflag:s20] =	ssyncadd.s32 $0xFFFFC000  }
0x58: {  	_ =	swait.ge [sflag:s21], $0x100  }
0x59: {  	s25 =	sadd.s32 $0x1, s25;
	[sflag:s21] =	ssyncset.done $0x0  }
0x5a: {  	p0 =	sne.s32 s25, s11;
	[sflag:s21] =	ssyncadd.s32 $0xFFFFFF00  }
.Ltmp1:
0x5b: {  	[bflag:$0x0] =	sbarrier.arrive $0xFFFF;
	(pc) =	sbr.rel @p0 .LBB2_1-.Ltmp1, $4  }
0x5c: {  	[hbm:s10], [sflag:s9] =	dma.local [spmem:s15], $0x2780  }
0x5d: {  	_ =	swait.ge [sflag:s16], $0x2780  }
0x5e: {  	[sflag:s16] =	ssyncset.done $0x0  }
0x5f: {  	[sflag:s16] =	ssyncadd.s32 $0xFFFFD880  }
0x60: {  	_ =	sfence.sel $0x180000  }
0x61: {  	[bflag:$0x0] =	sbarrier.arrive $0xFFFF  }
0x62: {  	p0 =	sne.s32 s2, $0x0;
	_ =	strace $0x90000050  }
0x63: {  	s0 =	sadd.s32 @!p0 $0x100000, s0;
	[bflag:$0x2] =	sbarrier.arrive $0xFFFF  }
0x64: {  	[sflag:s0] =	ssyncadd.tile.s32 @!p0 $0x1;
	_ =	shalt  }
.Lfunc_end2:
_tile_overlayer_lowered:
.L_overlay_start_2:
0x65: {  	(tag) =	ssettag $0x2  }
0x66: {  	s0 =	rddreg [dreg:$0x0];
	s2 =	stileid.u32  }
0x67: {  	s1 =	rddreg [dreg:$0x1];
	p0 =	sne.s32 s2, $0x0  }
0x68: {  	s3 =	rddreg [dreg:$0x2];
	[bflag:$0x3] =	sbarrier.arrive $0xFFFF;
	s2 =	simm.s32 @!p0 $0x1C05  }
0x69: {  	[timem:s3], [sflag:s2] =	dma.local @!p0 [hbm:s0], s1  }
0x6a: {  	s0 =	simm.s32 @!p0 $0x5  }
0x6b: {  	_ =	swait.ge @!p0 [sflag:s0], s1  }
0x6c: {  	s1 =	ssub.s32 @!p0 $0x0, s1;
	[sflag:s0] =	ssyncset.done @!p0 $0x0  }
0x6d: {  	[sflag:s0] =	ssyncadd.s32 @!p0 s1  }
0x6e: {  	[bflag:$0x3] =	sbarrier.arrive $0xFFFF  }
0x6f: {  	_ =	shalt  }

// kernel: kernel.25.cloned.1.call-start
scs
__scs_entry_jumppad:
0x0: {  	(pc) =	sbr.rel $0x88, $3  }
0x1: {  	(tag) =	ssettag $0x0;
	lr =	simm.s32 $0x1  }
0x2: {  	[smem:$0x3F88] =	sst lr;
	_ =	strace $0xD0000000  }
0x3: {  	_ = 	snop  }
0x4: {  	_ = 	snop  }
0x5: {  	_ = 	snop  }
0x6: {  	_ = 	snop  }
0x7: {  	_ = 	snop  }
__scs_overlays_trampoline_lowered:
0x8: {  	[smem:$0x3F97] =	sst s0  }
0x9: {  	[smem:$0x3F98] =	sst s1  }
0xa: {  	[smem:$0x3F99] =	sst s2  }
0xb: {  	[smem:$0x3F9A] =	sst s3  }
0xc: {  	[smem:$0x3F9B] =	sst s4  }
0xd: {  	[smem:$0x3F9C] =	sst s5  }
0xe: {  	[smem:$0x3F9D] =	sst s6  }
0xf: {  	[smem:$0x3F9E] =	sst s7  }
0x10: {  	[smem:$0x3F9F] =	sst s8  }
0x11: {  	[smem:$0x3FA0] =	sst s9;
	s0 =	simm.s32 @!p0 $0x0  }
0x12: {  	s1 =	sld [smem:$0x3F86];
	s0 =	simm.s32 @p0 $0x1  }
0x13: {  	[smem:$0x3FA1] =	sst s0;
	s0 =	simm.s32 @!p1 $0x0  }
0x14: {  	s2 =	sld [smem:$0x3F85];
	s0 =	simm.s32 @p1 $0x1  }
0x15: {  	[smem:$0x3FA2] =	sst s0;
	s0 =	simm.s32 @!p2 $0x0  }
0x16: {  	s3 =	sld [smem:$0x3FDB];
	s0 =	simm.s32 @p2 $0x1  }
0x17: {  	s4 =	simm.s32 $0x1BF5;
	[smem:$0x3FA4] =	sst s0  }
0x18: {  	s0 =	sld [smem:$0x3F87];
	_ =	swait.ge [sflag:s4], $0x0  }
0x19: {  	s7 =	sld [smem:$0x3F88]  }
0x1a: {  	s8 =	sadd.s32 $0xFFFFE003, lr  }
0x1b: {  	s9 =	sadd.s32 $0xFFFFFEF7, lr;
	s5 =	simm.s32 $0xFFFFFFFF;
	p2 =	slt.u32 s8, $0xFFFFF086  }
0x1c: {  	p1 =	slt.u32 s9, $0xF7A;
	s5 =	simm.s32 @!p2 $0x0  }
0x1d: {  	s5 =	simm.s32 @p1 $0x1;
	p0 =	seq.s32 s7, s2  }
0x1e: {  	s7 =	smul.u32 @!p0 $0xF7A, s2;
	p2 =	seq.s32 @!p0 s5, $0x0  }
0x1f: {  	s9 =	smul.u32 $0xF7A, s1;
	s8 =	simm.s32 @!p0 $0x1BF5;
	p2 =	por !p2, p0  }
0x20: {  	[sflag:s8] =	ssyncset.s32 @!p0 $0xFFFFF086;
	s6 =	sadd.s32 @!p0 s3, s7;
	s7 =	simm.s32 @!p0 $0x108  }
0x21: {  	s3 =	sadd.s32 s3, s9;
	s6 =	sadd.s32 @!p0 $0x88, s6;
	s7 =	simm.s32 @p2 $0x1082  }
0x22: {  	[simem:s7], [sflag:s8] =	dma.local @!p0 [hbm:s6], $0xF7A  }
0x23: {  	s9 =	sor.u32 $0xD0000000, s2;
	s6 =	simm.s32 $0x108;
	_ =	swait.ge @!p0 [sflag:s8], $0x0  }
0x24: {  	s3 =	sadd.s32 $0x88, s3;
	s6 =	simm.s32 @!p1 $0x1082;
	[sflag:s4] =	ssyncset.s32 $0xFFFFF086  }
0x25: {  	[simem:s6], [sflag:s4] =	dma.local [hbm:s3], $0xF7A  }
0x26: {  	[smem:$0x3F88] =	sst s1;
	(tag) =	ssettag s2;
	_ =	strace s9  }
0x27: {  	s1 =	sld [smem:$0x3F98]  }
0x28: {  	s2 =	sld [smem:$0x3F99]  }
0x29: {  	s4 =	sld [smem:$0x3F9B]  }
0x2a: {  	p0 =	seq.s32 s5, $0x0;
	s5 =	sld [smem:$0x3F9C]  }
0x2b: {  	s6 =	sld [smem:$0x3F9D]  }
0x2c: {  	s7 =	sld [smem:$0x3F9E]  }
0x2d: {  	s3 =	simm.s32 $0x108;
	s8 =	sld [smem:$0x3F9F]  }
0x2e: {  	s3 =	simm.s32 @!p0 $0x1082;
	s9 =	sld [smem:$0x3FA0]  }
0x2f: {  	lr =	sadd.s32 s0, s3;
	s0 =	sld [smem:$0x3F97]  }
0x30: {  	s3 =	sld [smem:$0x3F9A]  }
0x31: {  	[smem:$0x3FA3] =	sst s10  }
0x32: {  	s10 =	sld [smem:$0x3FA1];
	_ =	sdelay $0x3  }
0x33: {  	p0 =	seq.s32 s10, $0x1;
	s10 =	sld [smem:$0x3FA3];
	_ =	sdelay $0x3  }
0x34: {  	[smem:$0x3FA3] =	sst s10  }
0x35: {  	s10 =	sld [smem:$0x3FA2];
	_ =	sdelay $0x3  }
0x36: {  	p1 =	seq.s32 s10, $0x1;
	s10 =	sld [smem:$0x3FA3];
	_ =	sdelay $0x3  }
0x37: {  	[smem:$0x3FA3] =	sst s10  }
0x38: {  	s10 =	sld [smem:$0x3FA4]  }
0x39: {  	_ = 	snop;
	(pc) =	sbr.ind lr, $3  }
0x3a: {  	_ = 	snop  }
0x3b: {  	_ = 	snop  }
0x3c: {  	p2 =	seq.s32 s10, $0x1;
	s10 =	sld [smem:$0x3FA3]  }
0x3d: {  	_ =	shalt  }
0x3e: {  	_ =	shalt  }
0x3f: {  	_ =	shalt  }
0x40: {  	_ =	shalt  }
0x41: {  	_ =	shalt  }
0x42: {  	_ =	shalt  }
0x43: {  	_ =	shalt  }
0x44: {  	_ =	shalt  }
0x45: {  	_ =	shalt  }
0x46: {  	_ =	shalt  }
0x47: {  	_ =	shalt  }
0x48: {  	_ =	shalt  }
0x49: {  	_ =	shalt  }
0x4a: {  	_ =	shalt  }
0x4b: {  	_ =	shalt  }
0x4c: {  	_ =	shalt  }
0x4d: {  	_ =	shalt  }
0x4e: {  	_ =	shalt  }
0x4f: {  	_ =	shalt  }
0x50: {  	_ =	shalt  }
0x51: {  	_ =	shalt  }
0x52: {  	_ =	shalt  }
0x53: {  	_ =	shalt  }
0x54: {  	_ =	shalt  }
0x55: {  	_ =	shalt  }
0x56: {  	_ =	shalt  }
0x57: {  	_ =	shalt  }
0x58: {  	_ =	shalt  }
0x59: {  	_ =	shalt  }
0x5a: {  	_ =	shalt  }
0x5b: {  	_ =	shalt  }
0x5c: {  	_ =	shalt  }
0x5d: {  	_ =	shalt  }
0x5e: {  	_ =	shalt  }
0x5f: {  	_ =	shalt  }
0x60: {  	_ =	shalt  }
0x61: {  	_ =	shalt  }
0x62: {  	_ =	shalt  }
0x63: {  	_ =	shalt  }
0x64: {  	_ =	shalt  }
0x65: {  	_ =	shalt  }
0x66: {  	_ =	shalt  }
0x67: {  	_ =	shalt  }
0x68: {  	_ =	shalt  }
0x69: {  	_ =	shalt  }
0x6a: {  	_ =	shalt  }
0x6b: {  	_ =	shalt  }
0x6c: {  	_ =	shalt  }
0x6d: {  	_ =	shalt  }
0x6e: {  	_ =	shalt  }
0x6f: {  	_ =	shalt  }
0x70: {  	_ =	shalt  }
0x71: {  	_ =	shalt  }
0x72: {  	_ =	shalt  }
0x73: {  	_ =	shalt  }
0x74: {  	_ =	shalt  }
0x75: {  	_ =	shalt  }
0x76: {  	_ =	shalt  }
0x77: {  	_ =	shalt  }
0x78: {  	_ =	shalt  }
0x79: {  	_ =	shalt  }
0x7a: {  	_ =	shalt  }
0x7b: {  	_ =	shalt  }
0x7c: {  	_ =	shalt  }
0x7d: {  	_ =	shalt  }
0x7e: {  	_ =	shalt  }
0x7f: {  	_ =	shalt  }
0x80: {  	_ =	shalt  }
0x81: {  	_ =	shalt  }
0x82: {  	_ =	shalt  }
0x83: {  	_ =	shalt  }
0x84: {  	_ =	shalt  }
0x85: {  	_ =	shalt  }
0x86: {  	_ =	shalt  }
0x87: {  	_ =	shalt  }
.Lfunc_end0:
.L_simem_size_0:
called_computation.4_lowered:
.L_overlay_start_0:
0x88: {  	s2 =	sld [smem:$0x3FD9]  }
0x89: {  	s3 =	sld [smem:$0x3FFE];
	_ =	sdelay $0x1  }
0x8a: {  	s1 =	srdreg.scid  }
0x8b: {  	s0 =	sand.u32 $0x1, s1  }
0x8c: {  	s16 =	sshll.u32 s0, $0xA;
	s2 =	sadd.s32 s3, s2  }
0x8d: {  	s2 =	sadd.s32 s2, s16  }
0x8e: {  	[smem:$0x3FAF] =	sst s2  }
0x8f: {  	_ = 	snop  }
0x90: {  	(tm) =	ssettm $0x1  }
0x91: {  	s17 =	sld [smem:$0x3FFB];
	_ =	sdelay $0x3  }
0x92: {  	_ =	strace s17  }
0x93: {  	s2 =	sld [smem:$0x3FFC];
	_ =	sdelay $0x3  }
0x94: {  	_ =	strace s2  }
0x95: {  	s2 =	sld [smem:$0x3FFD];
	_ =	sdelay $0x3  }
0x96: {  	_ =	strace s2  }
0x97: {  	_ =	strace $0x8FFFFFFF  }
0x98: {  	s18 =	sld [smem:$0x3FDB];
	_ =	sdelay $0x1  }
0x99: {  	s19 =	simm.s32 $_scs_section_size  }
0x9a: {  	s4 =	simm.s32 $_size__tile_overlayer_lowered;
	s5 =	simm.s32 $_tile_overlayer_lowered  }
0x9b: {  	s22 =	simm.s32 $0x1BFF;
	s21 =	sshll.u32 s5, $0x1;
	s2 =	sadd.s32 s19, s18  }
0x9c: {  	s6 =	simm.s32 $0x0;
	s20 =	sshll.u32 s4, $0x1;
	s4 =	sadd.s32 s21, s2  }
0x9d: {  	[timem:s6], [sflag:s22] =	dma.local [hbm:s4], s20  }
0x9e: {  	_ =	swait.ge [sflag:s22], s20  }
0x9f: {  	s3 =	ssub.s32 $0x0, s20;
	[sflag:s22] =	ssyncset.done $0x0  }
0xa0: {  	[sflag:s22] =	ssyncadd.s32 s3;
	_ =	sdelay $0x1  }
0xa1: {  	s23 =	simm.s32 $0x1B8B  }
0xa2: {  	_ =	swait.ge [sflag:s23], $0x1  }
0xa3: {  	[sflag:s23] =	ssyncset.done $0x0  }
0xa4: {  	s25 =	simm.s32 $0x1B8E;
	s24 =	sld [smem:$0x3FFE];
	[sflag:s23] =	ssyncadd.s32 $0xFFFFFFFF  }
0xa5: {  	s26 =	simm.s32 $execute0_lowered;
	[smem:$0x3FD2] =	sst s25  }
0xa6: {  	s4 =	sshll.u32 s26, $0x1;
	_ =	strace $0x80000052;
	[dreg:$0x1] =	wrdreg $0xFFFFFFFF  }
0xa7: {  	s28 =	simm.s32 $_size_execute0_lowered;
	s2 =	sadd.s32 s2, s4;
	[dreg:$0x0] =	wrdreg $0x0  }
0xa8: {  	s4 =	sshll.u32 s28, $0x1;
	[dreg:$0x2] =	wrdreg s2  }
0xa9: {  	[dreg:$0x3] =	wrdreg s4  }
0xaa: {  	[dreg:$0x4] =	wrdreg $0xC0  }
0xab: {  	_ =	task [dreg:s6], $0x5FFFF  }
0xac: {  	[dreg:$0x1] =	wrdreg $0xFFFFFFFF  }
0xad: {  	[dreg:$0x0] =	wrdreg $0x60  }
0xae: {  	[dreg:$0x2] =	wrdreg s24  }
0xaf: {  	[dreg:$0x3] =	wrdreg $0x82000  }
0xb0: {  	[dreg:$0x4] =	wrdreg $0x9  }
0xb1: {  	_ =	task.clear_ibuf [dreg:s6], $0x5FFFF;
	_ =	strace $0x90000052  }
0xb2: {  	s29 =	simm.s32 $0x9;
	_ =	strace $0x80000054  }
0xb3: {  	_ =	swait.ge [sflag:s29], $0x1  }
0xb4: {  	[sflag:s29] =	ssyncadd.s32 $0xFFFFFFFF  }
0xb5: {  	_ =	strace $0x90000054  }
0xb6: {  	_ =	sfence  }
0xb7: {  	s30 =	sld [smem:$0x0];
	_ =	sdelay $0x2  }
0xb8: {  	s31 =	sshll.u32 s1, $0xD;
	s1 =	sshrl.u32 s1, $0x2  }
0xb9: {  	s3 =	sand.u32 $0x4000, s31;
	s1 =	sadd.s32 s1, s30  }
0xba: {  	s0 =	sor.u32 s3, s0;
	s1 =	sshll.u32 s1, $0x11  }
0xbb: {  	s0 =	sor.u32 s1, s0  }
0xbc: {  	s0 =	sadd.s32 $0x8F2B, s0  }
0xbd: {  	[sflag:s0] =	ssyncadd.remote.s32 $0x1  }
0xbe: {  	_ =	sfence.sel $0xFFFF  }
0xbf: {  	[dreg:$0x0] =	wrdreg $0xFFFFFFFF;
	(pc) =	sbr.abs _section_cstart, $3  }
0xc0: {  	[dreg:$0x1] =	wrdreg $0xFFFFFFFF  }
0xc1: {  	_ =	task.clear_ibuf [dreg:s6], $0x2FFFF;
	_ =	strace $0x9FFFFFFF  }
0xc2: {  	(tm) =	ssettm $0x7FFFFFFF  }
0xc3: {  	_ =	shalt  }
tec
execute0_lowered:
.L_overlay_start_1:
0x0: {  	(tag) =	ssettag $0x1  }
0x1: {  	s7 =	rddreg [dreg:$0x0]  }
0x2: {  	s1 =	rddreg [dreg:$0x1]  }
0x3: {  	s0 =	rddreg [dreg:$0x2];
	s3 =	simm.s32 $0x0  }
0x4: {  	s2 =	srdreg.scid;
	s17 =	simm.s32 $0x1;
	s18 =	simm.s32 $0x80  }
0x5: {  	s19 =	simm.s32 $0x200;
	s20 =	simm.s32 $0x3;
	s8 =	sand.u32 $0x1, s2  }
0x6: {  	s21 =	simm.s32 $0x2;
	s2 =	stileid.u32;
	s9 =	smul.u32 $0x13C000, s8  }
0x7: {  	s22 =	simm.s32 $0x4200;
	s23 =	simm.s32 $0x4;
	s10 =	smul.u32 $0x13C00, s2  }
0x8: {  	s24 =	simm.s32 $0x180;
	[smem:$0x7FF] =	sst s3;
	s25 =	smul.u32 $0x4F000, s2  }
0x9: {  	s5 =	sadd.s32 $0x6000, s7;
	s4 =	sshll.u32 s8, $0x4;
	s13 =	smul.u32 $0x52000, s8  }
0xa: {  	_ =	strace $0x80000053;
	s12 =	ssub.s32 $0x2, s8;
	s14 =	smul.u32 $0x5200, s2  }
0xb: {  	s29 =	sshll.u32 s2, $0x6;
	s6 =	sor.u32 s2, s4;
	s4 =	sadd.s32 $0x1D000, s7  }
0xc: {  	s26 =	sshrl.u32 s12, $0x1;
	s11 =	smul.u32 $0x5200, s6;
	s6 =	sadd.s32 $0x1A800, s7  }
0xd: {  	s9 =	sadd.s32 s10, s9;
	s12 =	ssub.s32 s12, s26;
	s28 =	sshrl.u32 s25, $0x2  }
0xe: {  	s13 =	sadd.s32 s14, s13;
	s14 =	simm.s32 $0x100;
	s25 =	simm.s32 $0x0  }
0xf: {  	s9 =	sshrl.u32 s9, $0x3;
	s16 =	sadd.s32 s28, s1;
	s30 =	sadd.s32 $0x300, s13  }
0x10: {  	s13 =	sadd.s32 $0x200, s13;
	s11 =	sshrl.u32 s11, $0x3;
	s15 =	sadd.s32 s9, s7  }
0x11: {  	s9 =	sor.u32 $0x1C05, s29;
	s31 =	sshrl.u32 s30, $0x3;
	s7 =	sadd.s32 s5, s11  }
0x12: {  	s10 =	sadd.s32 $0xBB800, s15;
	s11 =	smax.u32 s12, $0x1;
	s12 =	sadd.s32 s31, s5  }
0x13: {  	s15 =	sshrl.u32 s16, $0x3;
	s16 =	simm.s32 $0x5;
	s8 =	sadd.s32 $0x20, s7  }
.LBB2_1:
0x14: {  	[tilespmem:s3], [sflag:$0x1] =	stream.linear.gather [hbm4b:s7+s3], $0x100, $0x38;
	[tilespmem:$0x1BE00] =	vst v63  }
0x15: {  	_ = 	snop  }
0x16: {  	[tilespmem:s14], [sflag:$0x2] =	stream.linear.gather [hbm4b:s8+s3], $0x100, $0x38;
	[tilespmem:$0x1BE00] =	vst v63  }
0x17: {  	[spmem:s15], [sflag:s9] =	dma.local [hbm:s6], $0x2780  }
0x18: {  	_ =	swait.ge [sflag:s16], $0x2780  }
0x19: {  	[sflag:s16] =	ssyncset.done $0x0  }
0x1a: {  	[sflag:s16] =	ssyncadd.s32 $0xFFFFD880  }
0x1b: {  	[bflag:$0x0] =	sbarrier.arrive $0xFFFF  }
0x1c: {  	_ =	swait.ge [sflag:s17], $0x100  }
0x1d: {  	[sflag:s17] =	ssyncset.done $0x0  }
0x1e: {  	[sflag:s17] =	ssyncadd.s32 $0xFFFFFF00  }
0x1f: {  	[tilespmem:s19], [sflag:$0x3] =	stream.indirect.gather [hbm4b:s4+s18], $0x80, s3, s18, $0xb8;
	[tilespmem:$0x1BE00] =	vst v63  }
0x20: {  	_ =	swait.ge [sflag:s20], $0x4000  }
0x21: {  	[sflag:s20] =	ssyncset.done $0x0  }
0x22: {  	[sflag:s20] =	ssyncadd.s32 $0xFFFFC000  }
0x23: {  	_ =	swait.ge [sflag:s21], $0x100  }
0x24: {  	[sflag:s21] =	ssyncset.done $0x0  }
0x25: {  	[sflag:s21] =	ssyncadd.s32 $0xFFFFFF00  }
0x26: {  	[tilespmem:s22], [sflag:$0x4] =	stream.indirect.gather [hbm4b:s4+s18], $0x80, s14, s18, $0xb8;
	[tilespmem:$0x1BE00] =	vst v63  }
0x27: {  	_ = 	snop  }
0x28: {  	[spmem:s1] =	stream.indirect.scatter.add.f32 [tilespmem:s19], [sflag:$0x5], $0x80, s18, s18, $0xb8;
	[tilespmem:$0x1BE00] =	vst v63  }
0x29: {  	_ =	swait.ge [sflag:s16], $0x4000  }
0x2a: {  	s26 =	sshrl.u32 s13, $0x3;
	[sflag:s16] =	ssyncset.done $0x0  }
0x2b: {  	s26 =	sadd.s32 s5, s26;
	[sflag:s16] =	ssyncadd.s32 $0xFFFFC000  }
0x2c: {  	[tilespmem:s3], [sflag:$0x1] =	stream.linear.gather [hbm4b:s26+s3], $0x100, $0x38;
	[tilespmem:$0x1BE00] =	vst v63  }
0x2d: {  	_ =	swait.ge [sflag:s23], $0x4000  }
0x2e: {  	[sflag:s23] =	ssyncset.done $0x0  }
0x2f: {  	[sflag:s23] =	ssyncadd.s32 $0xFFFFC000  }
0x30: {  	_ =	swait.ge [sflag:s17], $0x100  }
0x31: {  	[sflag:s17] =	ssyncset.done $0x0  }
0x32: {  	[sflag:s17] =	ssyncadd.s32 $0xFFFFFF00  }
0x33: {  	[tilespmem:s19], [sflag:$0x3] =	stream.indirect.gather [hbm4b:s4+s18], $0x80, s3, s18, $0xb8;
	[tilespmem:$0x1BE00] =	vst v63  }
0x34: {  	_ = 	snop  }
0x35: {  	[spmem:s1] =	stream.indirect.scatter.add.f32 [tilespmem:s22], [sflag:$0x5], $0x80, s24, s18, $0xb8;
	[tilespmem:$0x1BE00] =	vst v63  }
0x36: {  	_ =	swait.ge [sflag:s16], $0x4000  }
0x37: {  	s29 =	sadd.s32 $0x0, s12;
	[sflag:s16] =	ssyncset.done $0x0  }
0x38: {  	s28 =	sadd.s32 $0x200, s13;
	s26 =	simm.s32 $0x40;
	[sflag:s16] =	ssyncadd.s32 $0xFFFFC000  }
.LBB2_2:
0x39: {  	[tilespmem:s14], [sflag:$0x2] =	stream.linear.gather [hbm4b:s29+s3], $0x100, $0x38;
	[tilespmem:$0x1BE00] =	vst v63  }
0x3a: {  	s29 =	smov.u32 s26  }
0x3b: {  	p0 =	sne.s32 s26, $0x9C0;
	s26 =	sadd.s32 $0x40, s26;
	_ =	swait.ge [sflag:s20], $0x4000  }
0x3c: {  	[sflag:s20] =	ssyncset.done $0x0  }
0x3d: {  	[sflag:s20] =	ssyncadd.s32 $0xFFFFC000  }
0x3e: {  	_ =	swait.ge [sflag:s21], $0x100  }
0x3f: {  	[sflag:s21] =	ssyncset.done $0x0  }
0x40: {  	[sflag:s21] =	ssyncadd.s32 $0xFFFFFF00  }
0x41: {  	[tilespmem:s22], [sflag:$0x4] =	stream.indirect.gather [hbm4b:s4+s18], $0x80, s14, s18, $0xb8;
	[tilespmem:$0x1BE00] =	vst v63  }
0x42: {  	_ = 	snop  }
0x43: {  	[spmem:s1] =	stream.indirect.scatter.add.f32 [tilespmem:s19], [sflag:$0x5], $0x80, s18, s18, $0xb8;
	[tilespmem:$0x1BE00] =	vst v63  }
0x44: {  	_ =	swait.ge [sflag:s16], $0x4000  }
0x45: {  	s30 =	sshrl.u32 s28, $0x3;
	[sflag:s16] =	ssyncset.done $0x0  }
0x46: {  	s30 =	sadd.s32 s5, s30;
	[sflag:s16] =	ssyncadd.s32 $0xFFFFC000  }
0x47: {  	[tilespmem:s3], [sflag:$0x1] =	stream.linear.gather [hbm4b:s30+s3], $0x100, $0x38;
	[tilespmem:$0x1BE00] =	vst v63  }
0x48: {  	_ =	swait.ge [sflag:s23], $0x4000  }
0x49: {  	[sflag:s23] =	ssyncset.done $0x0  }
0x4a: {  	[sflag:s23] =	ssyncadd.s32 $0xFFFFC000  }
0x4b: {  	_ =	swait.ge [sflag:s17], $0x100  }
0x4c: {  	[sflag:s17] =	ssyncset.done $0x0  }
0x4d: {  	[sflag:s17] =	ssyncadd.s32 $0xFFFFFF00  }
0x4e: {  	[tilespmem:s19], [sflag:$0x3] =	stream.indirect.gather [hbm4b:s4+s18], $0x80, s3, s18, $0xb8;
	[tilespmem:$0x1BE00] =	vst v63  }
.Ltmp0:
0x4f: {  	(pc) =	sbr.rel @p0 .LBB2_2-.Ltmp0, $4  }
0x50: {  	[spmem:s1] =	stream.indirect.scatter.add.f32 [tilespmem:s22], [sflag:$0x5], $0x80, s24, s18, $0xb8;
	[tilespmem:$0x1BE00] =	vst v63  }
0x51: {  	_ =	swait.ge [sflag:s16], $0x4000  }
0x52: {  	[sflag:s16] =	ssyncset.done $0x0  }
0x53: {  	s28 =	sadd.s32 $0x200, s28;
	s29 =	sadd.s32 s29, s12;
	[sflag:s16] =	ssyncadd.s32 $0xFFFFC000  }
0x54: {  	[tilespmem:s14], [sflag:$0x2] =	stream.linear.gather [hbm4b:s29+s3], $0x100, $0x38;
	[tilespmem:$0x1BE00] =	vst v63  }
0x55: {  	_ =	swait.ge [sflag:s20], $0x4000  }
0x56: {  	[sflag:s20] =	ssyncset.done $0x0  }
0x57: {  	[sflag:s20] =	ssyncadd.s32 $0xFFFFC000  }
0x58: {  	_ =	swait.ge [sflag:s21], $0x100  }
0x59: {  	s25 =	sadd.s32 $0x1, s25;
	[sflag:s21] =	ssyncset.done $0x0  }
0x5a: {  	p0 =	sne.s32 s25, s11;
	[sflag:s21] =	ssyncadd.s32 $0xFFFFFF00  }
.Ltmp1:
0x5b: {  	[bflag:$0x0] =	sbarrier.arrive $0xFFFF;
	(pc) =	sbr.rel @p0 .LBB2_1-.Ltmp1, $4  }
0x5c: {  	[hbm:s10], [sflag:s9] =	dma.local [spmem:s15], $0x2780  }
0x5d: {  	_ =	swait.ge [sflag:s16], $0x2780  }
0x5e: {  	[sflag:s16] =	ssyncset.done $0x0  }
0x5f: {  	[sflag:s16] =	ssyncadd.s32 $0xFFFFD880  }
0x60: {  	_ =	sfence.sel $0x180000  }
0x61: {  	[bflag:$0x0] =	sbarrier.arrive $0xFFFF  }
0x62: {  	p0 =	sne.s32 s2, $0x0;
	_ =	strace $0x90000053  }
0x63: {  	s0 =	sadd.s32 @!p0 $0x100000, s0;
	[bflag:$0x2] =	sbarrier.arrive $0xFFFF  }
0x64: {  	[sflag:s0] =	ssyncadd.tile.s32 @!p0 $0x1;
	_ =	shalt  }
.Lfunc_end2:
_tile_overlayer_lowered:
.L_overlay_start_2:
0x65: {  	(tag) =	ssettag $0x2  }
0x66: {  	s0 =	rddreg [dreg:$0x0];
	s2 =	stileid.u32  }
0x67: {  	s1 =	rddreg [dreg:$0x1];
	p0 =	sne.s32 s2, $0x0  }
0x68: {  	s3 =	rddreg [dreg:$0x2];
	[bflag:$0x3] =	sbarrier.arrive $0xFFFF;
	s2 =	simm.s32 @!p0 $0x1C05  }
0x69: {  	[timem:s3], [sflag:s2] =	dma.local @!p0 [hbm:s0], s1  }
0x6a: {  	s0 =	simm.s32 @!p0 $0x5  }
0x6b: {  	_ =	swait.ge @!p0 [sflag:s0], s1  }
0x6c: {  	s1 =	ssub.s32 @!p0 $0x0, s1;
	[sflag:s0] =	ssyncset.done @!p0 $0x0  }
0x6d: {  	[sflag:s0] =	ssyncadd.s32 @!p0 s1  }
0x6e: {  	[bflag:$0x3] =	sbarrier.arrive $0xFFFF  }
0x6f: {  	_ =	shalt  }

// kernel: kernel.28.cloned.1.call-start
scs
__scs_entry_jumppad:
0x0: {  	(pc) =	sbr.rel $0x88, $3  }
0x1: {  	(tag) =	ssettag $0x0;
	lr =	simm.s32 $0x1  }
0x2: {  	[smem:$0x3F88] =	sst lr;
	_ =	strace $0xD0000000  }
0x3: {  	_ = 	snop  }
0x4: {  	_ = 	snop  }
0x5: {  	_ = 	snop  }
0x6: {  	_ = 	snop  }
0x7: {  	_ = 	snop  }
__scs_overlays_trampoline_lowered:
0x8: {  	[smem:$0x3F97] =	sst s0  }
0x9: {  	[smem:$0x3F98] =	sst s1  }
0xa: {  	[smem:$0x3F99] =	sst s2  }
0xb: {  	[smem:$0x3F9A] =	sst s3  }
0xc: {  	[smem:$0x3F9B] =	sst s4  }
0xd: {  	[smem:$0x3F9C] =	sst s5  }
0xe: {  	[smem:$0x3F9D] =	sst s6  }
0xf: {  	[smem:$0x3F9E] =	sst s7  }
0x10: {  	[smem:$0x3F9F] =	sst s8  }
0x11: {  	[smem:$0x3FA0] =	sst s9;
	s0 =	simm.s32 @!p0 $0x0  }
0x12: {  	s1 =	sld [smem:$0x3F86];
	s0 =	simm.s32 @p0 $0x1  }
0x13: {  	[smem:$0x3FA1] =	sst s0;
	s0 =	simm.s32 @!p1 $0x0  }
0x14: {  	s2 =	sld [smem:$0x3F85];
	s0 =	simm.s32 @p1 $0x1  }
0x15: {  	[smem:$0x3FA2] =	sst s0;
	s0 =	simm.s32 @!p2 $0x0  }
0x16: {  	s3 =	sld [smem:$0x3FDB];
	s0 =	simm.s32 @p2 $0x1  }
0x17: {  	s4 =	simm.s32 $0x1BF5;
	[smem:$0x3FA4] =	sst s0  }
0x18: {  	s0 =	sld [smem:$0x3F87];
	_ =	swait.ge [sflag:s4], $0x0  }
0x19: {  	s7 =	sld [smem:$0x3F88]  }
0x1a: {  	s8 =	sadd.s32 $0xFFFFE003, lr  }
0x1b: {  	s9 =	sadd.s32 $0xFFFFFEF7, lr;
	s5 =	simm.s32 $0xFFFFFFFF;
	p2 =	slt.u32 s8, $0xFFFFF086  }
0x1c: {  	p1 =	slt.u32 s9, $0xF7A;
	s5 =	simm.s32 @!p2 $0x0  }
0x1d: {  	s5 =	simm.s32 @p1 $0x1;
	p0 =	seq.s32 s7, s2  }
0x1e: {  	s7 =	smul.u32 @!p0 $0xF7A, s2;
	p2 =	seq.s32 @!p0 s5, $0x0  }
0x1f: {  	s9 =	smul.u32 $0xF7A, s1;
	s8 =	simm.s32 @!p0 $0x1BF5;
	p2 =	por !p2, p0  }
0x20: {  	[sflag:s8] =	ssyncset.s32 @!p0 $0xFFFFF086;
	s6 =	sadd.s32 @!p0 s3, s7;
	s7 =	simm.s32 @!p0 $0x108  }
0x21: {  	s3 =	sadd.s32 s3, s9;
	s6 =	sadd.s32 @!p0 $0x88, s6;
	s7 =	simm.s32 @p2 $0x1082  }
0x22: {  	[simem:s7], [sflag:s8] =	dma.local @!p0 [hbm:s6], $0xF7A  }
0x23: {  	s9 =	sor.u32 $0xD0000000, s2;
	s6 =	simm.s32 $0x108;
	_ =	swait.ge @!p0 [sflag:s8], $0x0  }
0x24: {  	s3 =	sadd.s32 $0x88, s3;
	s6 =	simm.s32 @!p1 $0x1082;
	[sflag:s4] =	ssyncset.s32 $0xFFFFF086  }
0x25: {  	[simem:s6], [sflag:s4] =	dma.local [hbm:s3], $0xF7A  }
0x26: {  	[smem:$0x3F88] =	sst s1;
	(tag) =	ssettag s2;
	_ =	strace s9  }
0x27: {  	s1 =	sld [smem:$0x3F98]  }
0x28: {  	s2 =	sld [smem:$0x3F99]  }
0x29: {  	s4 =	sld [smem:$0x3F9B]  }
0x2a: {  	p0 =	seq.s32 s5, $0x0;
	s5 =	sld [smem:$0x3F9C]  }
0x2b: {  	s6 =	sld [smem:$0x3F9D]  }
0x2c: {  	s7 =	sld [smem:$0x3F9E]  }
0x2d: {  	s3 =	simm.s32 $0x108;
	s8 =	sld [smem:$0x3F9F]  }
0x2e: {  	s3 =	simm.s32 @!p0 $0x1082;
	s9 =	sld [smem:$0x3FA0]  }
0x2f: {  	lr =	sadd.s32 s0, s3;
	s0 =	sld [smem:$0x3F97]  }
0x30: {  	s3 =	sld [smem:$0x3F9A]  }
0x31: {  	[smem:$0x3FA3] =	sst s10  }
0x32: {  	s10 =	sld [smem:$0x3FA1];
	_ =	sdelay $0x3  }
0x33: {  	p0 =	seq.s32 s10, $0x1;
	s10 =	sld [smem:$0x3FA3];
	_ =	sdelay $0x3  }
0x34: {  	[smem:$0x3FA3] =	sst s10  }
0x35: {  	s10 =	sld [smem:$0x3FA2];
	_ =	sdelay $0x3  }
0x36: {  	p1 =	seq.s32 s10, $0x1;
	s10 =	sld [smem:$0x3FA3];
	_ =	sdelay $0x3  }
0x37: {  	[smem:$0x3FA3] =	sst s10  }
0x38: {  	s10 =	sld [smem:$0x3FA4]  }
0x39: {  	_ = 	snop;
	(pc) =	sbr.ind lr, $3  }
0x3a: {  	_ = 	snop  }
0x3b: {  	_ = 	snop  }
0x3c: {  	p2 =	seq.s32 s10, $0x1;
	s10 =	sld [smem:$0x3FA3]  }
0x3d: {  	_ =	shalt  }
0x3e: {  	_ =	shalt  }
0x3f: {  	_ =	shalt  }
0x40: {  	_ =	shalt  }
0x41: {  	_ =	shalt  }
0x42: {  	_ =	shalt  }
0x43: {  	_ =	shalt  }
0x44: {  	_ =	shalt  }
0x45: {  	_ =	shalt  }
0x46: {  	_ =	shalt  }
0x47: {  	_ =	shalt  }
0x48: {  	_ =	shalt  }
0x49: {  	_ =	shalt  }
0x4a: {  	_ =	shalt  }
0x4b: {  	_ =	shalt  }
0x4c: {  	_ =	shalt  }
0x4d: {  	_ =	shalt  }
0x4e: {  	_ =	shalt  }
0x4f: {  	_ =	shalt  }
0x50: {  	_ =	shalt  }
0x51: {  	_ =	shalt  }
0x52: {  	_ =	shalt  }
0x53: {  	_ =	shalt  }
0x54: {  	_ =	shalt  }
0x55: {  	_ =	shalt  }
0x56: {  	_ =	shalt  }
0x57: {  	_ =	shalt  }
0x58: {  	_ =	shalt  }
0x59: {  	_ =	shalt  }
0x5a: {  	_ =	shalt  }
0x5b: {  	_ =	shalt  }
0x5c: {  	_ =	shalt  }
0x5d: {  	_ =	shalt  }
0x5e: {  	_ =	shalt  }
0x5f: {  	_ =	shalt  }
0x60: {  	_ =	shalt  }
0x61: {  	_ =	shalt  }
0x62: {  	_ =	shalt  }
0x63: {  	_ =	shalt  }
0x64: {  	_ =	shalt  }
0x65: {  	_ =	shalt  }
0x66: {  	_ =	shalt  }
0x67: {  	_ =	shalt  }
0x68: {  	_ =	shalt  }
0x69: {  	_ =	shalt  }
0x6a: {  	_ =	shalt  }
0x6b: {  	_ =	shalt  }
0x6c: {  	_ =	shalt  }
0x6d: {  	_ =	shalt  }
0x6e: {  	_ =	shalt  }
0x6f: {  	_ =	shalt  }
0x70: {  	_ =	shalt  }
0x71: {  	_ =	shalt  }
0x72: {  	_ =	shalt  }
0x73: {  	_ =	shalt  }
0x74: {  	_ =	shalt  }
0x75: {  	_ =	shalt  }
0x76: {  	_ =	shalt  }
0x77: {  	_ =	shalt  }
0x78: {  	_ =	shalt  }
0x79: {  	_ =	shalt  }
0x7a: {  	_ =	shalt  }
0x7b: {  	_ =	shalt  }
0x7c: {  	_ =	shalt  }
0x7d: {  	_ =	shalt  }
0x7e: {  	_ =	shalt  }
0x7f: {  	_ =	shalt  }
0x80: {  	_ =	shalt  }
0x81: {  	_ =	shalt  }
0x82: {  	_ =	shalt  }
0x83: {  	_ =	shalt  }
0x84: {  	_ =	shalt  }
0x85: {  	_ =	shalt  }
0x86: {  	_ =	shalt  }
0x87: {  	_ =	shalt  }
.Lfunc_end0:
.L_simem_size_0:
called_computation.5_lowered:
.L_overlay_start_0:
0x88: {  	s2 =	sld [smem:$0x3FD9]  }
0x89: {  	s3 =	sld [smem:$0x3FFE];
	_ =	sdelay $0x1  }
0x8a: {  	s1 =	srdreg.scid  }
0x8b: {  	s0 =	sand.u32 $0x1, s1  }
0x8c: {  	s16 =	sshll.u32 s0, $0xA;
	s2 =	sadd.s32 s3, s2  }
0x8d: {  	s2 =	sadd.s32 s2, s16  }
0x8e: {  	[smem:$0x3FAF] =	sst s2  }
0x8f: {  	_ = 	snop  }
0x90: {  	(tm) =	ssettm $0x1  }
0x91: {  	s17 =	sld [smem:$0x3FFB];
	_ =	sdelay $0x3  }
0x92: {  	_ =	strace s17  }
0x93: {  	s2 =	sld [smem:$0x3FFC];
	_ =	sdelay $0x3  }
0x94: {  	_ =	strace s2  }
0x95: {  	s2 =	sld [smem:$0x3FFD];
	_ =	sdelay $0x3  }
0x96: {  	_ =	strace s2  }
0x97: {  	_ =	strace $0x8FFFFFFF  }
0x98: {  	s18 =	sld [smem:$0x3FDB];
	_ =	sdelay $0x1  }
0x99: {  	s19 =	simm.s32 $_scs_section_size  }
0x9a: {  	s4 =	simm.s32 $_size__tile_overlayer_lowered;
	s5 =	simm.s32 $_tile_overlayer_lowered  }
0x9b: {  	s22 =	simm.s32 $0x1BFF;
	s21 =	sshll.u32 s5, $0x1;
	s2 =	sadd.s32 s19, s18  }
0x9c: {  	s6 =	simm.s32 $0x0;
	s20 =	sshll.u32 s4, $0x1;
	s4 =	sadd.s32 s21, s2  }
0x9d: {  	[timem:s6], [sflag:s22] =	dma.local [hbm:s4], s20  }
0x9e: {  	_ =	swait.ge [sflag:s22], s20  }
0x9f: {  	s3 =	ssub.s32 $0x0, s20;
	[sflag:s22] =	ssyncset.done $0x0  }
0xa0: {  	[sflag:s22] =	ssyncadd.s32 s3;
	_ =	sdelay $0x1  }
0xa1: {  	s23 =	simm.s32 $0x1B8B  }
0xa2: {  	_ =	swait.ge [sflag:s23], $0x1  }
0xa3: {  	[sflag:s23] =	ssyncset.done $0x0  }
0xa4: {  	s25 =	simm.s32 $0x1B8E;
	s24 =	sld [smem:$0x3FFE];
	[sflag:s23] =	ssyncadd.s32 $0xFFFFFFFF  }
0xa5: {  	s26 =	simm.s32 $execute0_lowered;
	[smem:$0x3FD2] =	sst s25  }
0xa6: {  	s4 =	sshll.u32 s26, $0x1;
	_ =	strace $0x80000055;
	[dreg:$0x1] =	wrdreg $0xFFFFFFFF  }
0xa7: {  	s28 =	simm.s32 $_size_execute0_lowered;
	s2 =	sadd.s32 s2, s4;
	[dreg:$0x0] =	wrdreg $0x0  }
0xa8: {  	s4 =	sshll.u32 s28, $0x1;
	[dreg:$0x2] =	wrdreg s2  }
0xa9: {  	[dreg:$0x3] =	wrdreg s4  }
0xaa: {  	[dreg:$0x4] =	wrdreg $0xC0  }
0xab: {  	_ =	task [dreg:s6], $0x5FFFF  }
0xac: {  	[dreg:$0x1] =	wrdreg $0xFFFFFFFF  }
0xad: {  	[dreg:$0x0] =	wrdreg $0x60  }
0xae: {  	[dreg:$0x2] =	wrdreg s24  }
0xaf: {  	[dreg:$0x3] =	wrdreg $0x82000  }
0xb0: {  	[dreg:$0x4] =	wrdreg $0x9  }
0xb1: {  	_ =	task.clear_ibuf [dreg:s6], $0x5FFFF;
	_ =	strace $0x90000055  }
0xb2: {  	s29 =	simm.s32 $0x9;
	_ =	strace $0x80000057  }
0xb3: {  	_ =	swait.ge [sflag:s29], $0x1  }
0xb4: {  	[sflag:s29] =	ssyncadd.s32 $0xFFFFFFFF  }
0xb5: {  	_ =	strace $0x90000057  }
0xb6: {  	_ =	sfence  }
0xb7: {  	s30 =	sld [smem:$0x0];
	_ =	sdelay $0x2  }
0xb8: {  	s31 =	sshll.u32 s1, $0xD;
	s1 =	sshrl.u32 s1, $0x2  }
0xb9: {  	s3 =	sand.u32 $0x4000, s31;
	s1 =	sadd.s32 s1, s30  }
0xba: {  	s0 =	sor.u32 s3, s0;
	s1 =	sshll.u32 s1, $0x11  }
0xbb: {  	s0 =	sor.u32 s1, s0  }
0xbc: {  	s0 =	sadd.s32 $0x8F2B, s0  }
0xbd: {  	[sflag:s0] =	ssyncadd.remote.s32 $0x1  }
0xbe: {  	_ =	sfence.sel $0xFFFF  }
0xbf: {  	[dreg:$0x0] =	wrdreg $0xFFFFFFFF;
	(pc) =	sbr.abs _section_cstart, $3  }
0xc0: {  	[dreg:$0x1] =	wrdreg $0xFFFFFFFF  }
0xc1: {  	_ =	task.clear_ibuf [dreg:s6], $0x2FFFF;
	_ =	strace $0x9FFFFFFF  }
0xc2: {  	(tm) =	ssettm $0x7FFFFFFF  }
0xc3: {  	_ =	shalt  }
tec
execute0_lowered:
.L_overlay_start_1:
0x0: {  	(tag) =	ssettag $0x1  }
0x1: {  	s7 =	rddreg [dreg:$0x0]  }
0x2: {  	s1 =	rddreg [dreg:$0x1]  }
0x3: {  	s0 =	rddreg [dreg:$0x2];
	s3 =	simm.s32 $0x0  }
0x4: {  	s2 =	srdreg.scid;
	s17 =	simm.s32 $0x1;
	s18 =	simm.s32 $0x80  }
0x5: {  	s19 =	simm.s32 $0x200;
	s20 =	simm.s32 $0x3;
	s8 =	sand.u32 $0x1, s2  }
0x6: {  	s21 =	simm.s32 $0x2;
	s2 =	stileid.u32;
	s9 =	smul.u32 $0x13C000, s8  }
0x7: {  	s22 =	simm.s32 $0x4200;
	s23 =	simm.s32 $0x4;
	s10 =	smul.u32 $0x13C00, s2  }
0x8: {  	s24 =	simm.s32 $0x180;
	[smem:$0x7FF] =	sst s3;
	s25 =	smul.u32 $0x4F000, s2  }
0x9: {  	s5 =	sadd.s32 $0x6000, s7;
	s4 =	sshll.u32 s8, $0x4;
	s13 =	smul.u32 $0x52000, s8  }
0xa: {  	_ =	strace $0x80000056;
	s12 =	ssub.s32 $0x2, s8;
	s14 =	smul.u32 $0x5200, s2  }
0xb: {  	s29 =	sshll.u32 s2, $0x6;
	s6 =	sor.u32 s2, s4;
	s4 =	sadd.s32 $0x1D000, s7  }
0xc: {  	s26 =	sshrl.u32 s12, $0x1;
	s11 =	smul.u32 $0x5200, s6;
	s6 =	sadd.s32 $0x1A800, s7  }
0xd: {  	s9 =	sadd.s32 s10, s9;
	s12 =	ssub.s32 s12, s26;
	s28 =	sshrl.u32 s25, $0x2  }
0xe: {  	s13 =	sadd.s32 s14, s13;
	s14 =	simm.s32 $0x100;
	s25 =	simm.s32 $0x0  }
0xf: {  	s9 =	sshrl.u32 s9, $0x3;
	s16 =	sadd.s32 s28, s1;
	s30 =	sadd.s32 $0x300, s13  }
0x10: {  	s13 =	sadd.s32 $0x200, s13;
	s11 =	sshrl.u32 s11, $0x3;
	s15 =	sadd.s32 s9, s7  }
0x11: {  	s9 =	sor.u32 $0x1C05, s29;
	s31 =	sshrl.u32 s30, $0x3;
	s7 =	sadd.s32 s5, s11  }
0x12: {  	s10 =	sadd.s32 $0xBB800, s15;
	s11 =	smax.u32 s12, $0x1;
	s12 =	sadd.s32 s31, s5  }
0x13: {  	s15 =	sshrl.u32 s16, $0x3;
	s16 =	simm.s32 $0x5;
	s8 =	sadd.s32 $0x20, s7  }
.LBB2_1:
0x14: {  	[tilespmem:s3], [sflag:$0x1] =	stream.linear.gather [hbm4b:s7+s3], $0x100, $0x38;
	[tilespmem:$0x1BE00] =	vst v63  }
0x15: {  	_ = 	snop  }
0x16: {  	[tilespmem:s14], [sflag:$0x2] =	stream.linear.gather [hbm4b:s8+s3], $0x100, $0x38;
	[tilespmem:$0x1BE00] =	vst v63  }
0x17: {  	[spmem:s15], [sflag:s9] =	dma.local [hbm:s6], $0x2780  }
0x18: {  	_ =	swait.ge [sflag:s16], $0x2780  }
0x19: {  	[sflag:s16] =	ssyncset.done $0x0  }
0x1a: {  	[sflag:s16] =	ssyncadd.s32 $0xFFFFD880  }
0x1b: {  	[bflag:$0x0] =	sbarrier.arrive $0xFFFF  }
0x1c: {  	_ =	swait.ge [sflag:s17], $0x100  }
0x1d: {  	[sflag:s17] =	ssyncset.done $0x0  }
0x1e: {  	[sflag:s17] =	ssyncadd.s32 $0xFFFFFF00  }
0x1f: {  	[tilespmem:s19], [sflag:$0x3] =	stream.indirect.gather [hbm4b:s4+s18], $0x80, s3, s18, $0xb8;
	[tilespmem:$0x1BE00] =	vst v63  }
0x20: {  	_ =	swait.ge [sflag:s20], $0x4000  }
0x21: {  	[sflag:s20] =	ssyncset.done $0x0  }
0x22: {  	[sflag:s20] =	ssyncadd.s32 $0xFFFFC000  }
0x23: {  	_ =	swait.ge [sflag:s21], $0x100  }
0x24: {  	[sflag:s21] =	ssyncset.done $0x0  }
0x25: {  	[sflag:s21] =	ssyncadd.s32 $0xFFFFFF00  }
0x26: {  	[tilespmem:s22], [sflag:$0x4] =	stream.indirect.gather [hbm4b:s4+s18], $0x80, s14, s18, $0xb8;
	[tilespmem:$0x1BE00] =	vst v63  }
0x27: {  	_ = 	snop  }
0x28: {  	[spmem:s1] =	stream.indirect.scatter.add.f32 [tilespmem:s19], [sflag:$0x5], $0x80, s18, s18, $0xb8;
	[tilespmem:$0x1BE00] =	vst v63  }
0x29: {  	_ =	swait.ge [sflag:s16], $0x4000  }
0x2a: {  	s26 =	sshrl.u32 s13, $0x3;
	[sflag:s16] =	ssyncset.done $0x0  }
0x2b: {  	s26 =	sadd.s32 s5, s26;
	[sflag:s16] =	ssyncadd.s32 $0xFFFFC000  }
0x2c: {  	[tilespmem:s3], [sflag:$0x1] =	stream.linear.gather [hbm4b:s26+s3], $0x100, $0x38;
	[tilespmem:$0x1BE00] =	vst v63  }
0x2d: {  	_ =	swait.ge [sflag:s23], $0x4000  }
0x2e: {  	[sflag:s23] =	ssyncset.done $0x0  }
0x2f: {  	[sflag:s23] =	ssyncadd.s32 $0xFFFFC000  }
0x30: {  	_ =	swait.ge [sflag:s17], $0x100  }
0x31: {  	[sflag:s17] =	ssyncset.done $0x0  }
0x32: {  	[sflag:s17] =	ssyncadd.s32 $0xFFFFFF00  }
0x33: {  	[tilespmem:s19], [sflag:$0x3] =	stream.indirect.gather [hbm4b:s4+s18], $0x80, s3, s18, $0xb8;
	[tilespmem:$0x1BE00] =	vst v63  }
0x34: {  	_ = 	snop  }
0x35: {  	[spmem:s1] =	stream.indirect.scatter.add.f32 [tilespmem:s22], [sflag:$0x5], $0x80, s24, s18, $0xb8;
	[tilespmem:$0x1BE00] =	vst v63  }
0x36: {  	_ =	swait.ge [sflag:s16], $0x4000  }
0x37: {  	s29 =	sadd.s32 $0x0, s12;
	[sflag:s16] =	ssyncset.done $0x0  }
0x38: {  	s28 =	sadd.s32 $0x200, s13;
	s26 =	simm.s32 $0x40;
	[sflag:s16] =	ssyncadd.s32 $0xFFFFC000  }
.LBB2_2:
0x39: {  	[tilespmem:s14], [sflag:$0x2] =	stream.linear.gather [hbm4b:s29+s3], $0x100, $0x38;
	[tilespmem:$0x1BE00] =	vst v63  }
0x3a: {  	s29 =	smov.u32 s26  }
0x3b: {  	p0 =	sne.s32 s26, $0x9C0;
	s26 =	sadd.s32 $0x40, s26;
	_ =	swait.ge [sflag:s20], $0x4000  }
0x3c: {  	[sflag:s20] =	ssyncset.done $0x0  }
0x3d: {  	[sflag:s20] =	ssyncadd.s32 $0xFFFFC000  }
0x3e: {  	_ =	swait.ge [sflag:s21], $0x100  }
0x3f: {  	[sflag:s21] =	ssyncset.done $0x0  }
0x40: {  	[sflag:s21] =	ssyncadd.s32 $0xFFFFFF00  }
0x41: {  	[tilespmem:s22], [sflag:$0x4] =	stream.indirect.gather [hbm4b:s4+s18], $0x80, s14, s18, $0xb8;
	[tilespmem:$0x1BE00] =	vst v63  }
0x42: {  	_ = 	snop  }
0x43: {  	[spmem:s1] =	stream.indirect.scatter.add.f32 [tilespmem:s19], [sflag:$0x5], $0x80, s18, s18, $0xb8;
	[tilespmem:$0x1BE00] =	vst v63  }
0x44: {  	_ =	swait.ge [sflag:s16], $0x4000  }
0x45: {  	s30 =	sshrl.u32 s28, $0x3;
	[sflag:s16] =	ssyncset.done $0x0  }
0x46: {  	s30 =	sadd.s32 s5, s30;
	[sflag:s16] =	ssyncadd.s32 $0xFFFFC000  }
0x47: {  	[tilespmem:s3], [sflag:$0x1] =	stream.linear.gather [hbm4b:s30+s3], $0x100, $0x38;
	[tilespmem:$0x1BE00] =	vst v63  }
0x48: {  	_ =	swait.ge [sflag:s23], $0x4000  }
0x49: {  	[sflag:s23] =	ssyncset.done $0x0  }
0x4a: {  	[sflag:s23] =	ssyncadd.s32 $0xFFFFC000  }
0x4b: {  	_ =	swait.ge [sflag:s17], $0x100  }
0x4c: {  	[sflag:s17] =	ssyncset.done $0x0  }
0x4d: {  	[sflag:s17] =	ssyncadd.s32 $0xFFFFFF00  }
0x4e: {  	[tilespmem:s19], [sflag:$0x3] =	stream.indirect.gather [hbm4b:s4+s18], $0x80, s3, s18, $0xb8;
	[tilespmem:$0x1BE00] =	vst v63  }
.Ltmp0:
0x4f: {  	(pc) =	sbr.rel @p0 .LBB2_2-.Ltmp0, $4  }
0x50: {  	[spmem:s1] =	stream.indirect.scatter.add.f32 [tilespmem:s22], [sflag:$0x5], $0x80, s24, s18, $0xb8;
	[tilespmem:$0x1BE00] =	vst v63  }
0x51: {  	_ =	swait.ge [sflag:s16], $0x4000  }
0x52: {  	[sflag:s16] =	ssyncset.done $0x0  }
0x53: {  	s28 =	sadd.s32 $0x200, s28;
	s29 =	sadd.s32 s29, s12;
	[sflag:s16] =	ssyncadd.s32 $0xFFFFC000  }
0x54: {  	[tilespmem:s14], [sflag:$0x2] =	stream.linear.gather [hbm4b:s29+s3], $0x100, $0x38;
	[tilespmem:$0x1BE00] =	vst v63  }
0x55: {  	_ =	swait.ge [sflag:s20], $0x4000  }
0x56: {  	[sflag:s20] =	ssyncset.done $0x0  }
0x57: {  	[sflag:s20] =	ssyncadd.s32 $0xFFFFC000  }
0x58: {  	_ =	swait.ge [sflag:s21], $0x100  }
0x59: {  	s25 =	sadd.s32 $0x1, s25;
	[sflag:s21] =	ssyncset.done $0x0  }
0x5a: {  	p0 =	sne.s32 s25, s11;
	[sflag:s21] =	ssyncadd.s32 $0xFFFFFF00  }
.Ltmp1:
0x5b: {  	[bflag:$0x0] =	sbarrier.arrive $0xFFFF;
	(pc) =	sbr.rel @p0 .LBB2_1-.Ltmp1, $4  }
0x5c: {  	[hbm:s10], [sflag:s9] =	dma.local [spmem:s15], $0x2780  }
0x5d: {  	_ =	swait.ge [sflag:s16], $0x2780  }
0x5e: {  	[sflag:s16] =	ssyncset.done $0x0  }
0x5f: {  	[sflag:s16] =	ssyncadd.s32 $0xFFFFD880  }
0x60: {  	_ =	sfence.sel $0x180000  }
0x61: {  	[bflag:$0x0] =	sbarrier.arrive $0xFFFF  }
0x62: {  	p0 =	sne.s32 s2, $0x0;
	_ =	strace $0x90000056  }
0x63: {  	s0 =	sadd.s32 @!p0 $0x100000, s0;
	[bflag:$0x2] =	sbarrier.arrive $0xFFFF  }
0x64: {  	[sflag:s0] =	ssyncadd.tile.s32 @!p0 $0x1;
	_ =	shalt  }
.Lfunc_end2:
_tile_overlayer_lowered:
.L_overlay_start_2:
0x65: {  	(tag) =	ssettag $0x2  }
0x66: {  	s0 =	rddreg [dreg:$0x0];
	s2 =	stileid.u32  }
0x67: {  	s1 =	rddreg [dreg:$0x1];
	p0 =	sne.s32 s2, $0x0  }
0x68: {  	s3 =	rddreg [dreg:$0x2];
	[bflag:$0x3] =	sbarrier.arrive $0xFFFF;
	s2 =	simm.s32 @!p0 $0x1C05  }
0x69: {  	[timem:s3], [sflag:s2] =	dma.local @!p0 [hbm:s0], s1  }
0x6a: {  	s0 =	simm.s32 @!p0 $0x5  }
0x6b: {  	_ =	swait.ge @!p0 [sflag:s0], s1  }
0x6c: {  	s1 =	ssub.s32 @!p0 $0x0, s1;
	[sflag:s0] =	ssyncset.done @!p0 $0x0  }
0x6d: {  	[sflag:s0] =	ssyncadd.s32 @!p0 s1  }
0x6e: {  	[bflag:$0x3] =	sbarrier.arrive $0xFFFF  }
0x6f: {  	_ =	shalt  }

</sc_bundles>
